<compile_context>
chip_gen: v7x
topology: tpu7x:2x2x1
jax: 0.10.2.dev20260603
libtpu: 0.0.44.dev20260713+nightly
codegen_flags: <defaults>
</compile_context>

<pallas_src>
import functools

import jax
import jax.numpy as jnp
from jax import lax
from jax.experimental import pallas as pl
from jax.experimental.pallas import tpu as pltpu
from jax.experimental.pallas import tpu_sc as plsc

C_LIGHT = 299792458.0
N = 131072
NX_DATA = 4096
N_SPEC = 32
D = float(1000.0 / 131072.0)
INVD = float(16384.0 / 125.0)
E = float(998.0 / 4096.0)

NC = 2
NS = 16
VL = 16

SC1_CHUNK = 32768
SC1_MARGIN = 768
SC1_W = 34432
_sc1_starts = []
for _p in range(4):
    _s = _p * SC1_CHUNK - SC1_MARGIN - 8
    _s = max(0, min(_s, N - SC1_W))
    _sc1_starts.append((_s // 8) * 8)

SC3_CHUNK = 1024
_sc3_starts = []
_sc3_w = 0
for _p in range(4):
    _i0 = SC3_CHUNK * _p
    _i1 = _i0 + SC3_CHUNK - 1
    _v0 = (16384 + 3992 * _i0) // 125 - 4
    _v1 = (16384 + 3992 * _i1) // 125 + 5
    _st = max(0, (_v0 // 8) * 8)
    _sc3_starts.append(_st)
    _sc3_w = max(_sc3_w, _v1 - _st + 1)
SC3_W = ((_sc3_w + 127) // 128) * 128
assert all(_st + SC3_W <= N for _st in _sc3_starts)


def _interp_index(t, f_vec, rf_vec):
    q = (t * rf_vec - 5000.0) * jnp.float32(INVD)
    i0 = (q + 4096.0).astype(jnp.int32) - 4096
    p0 = i0.astype(jnp.float32) * jnp.float32(D)
    m0 = 5000.0 + p0
    m1 = 5000.0 + (p0 + jnp.float32(D))
    c1 = (m0 * f_vec) < t
    c2 = (m1 * f_vec) < t
    i = jnp.where(c2, i0 + 1, jnp.where(c1, i0, i0 - 1))
    return jnp.clip(i, 0, N - 2)


def _grid_vals(i, f_vec):
    p = i.astype(jnp.float32) * jnp.float32(D)
    si = (5000.0 + p) * f_vec
    si1 = (5000.0 + (p + jnp.float32(D))) * f_vec
    return si, si1


@functools.partial(
    pl.kernel,
    mesh=plsc.VectorSubcoreMesh(core_axis_name="c", subcore_axis_name="s"),
    compiler_params=pltpu.CompilerParams(needs_layout_passes=False),
    out_type=jax.ShapeDtypeStruct((N_SPEC * N,), jnp.float32),
    scratch_types=[
        pltpu.VMEM((SC1_W,), jnp.float32),
        pltpu.VMEM((SC1_CHUNK,), jnp.float32),
        pltpu.VMEM((N_SPEC,), jnp.float32),
    ],
)
def _sc1(flux_hbm, vels_hbm, star_hbm, win_v, out_v, vels_v):
    wid = lax.axis_index("s") * NC + lax.axis_index("c")
    pltpu.sync_copy(vels_hbm, vels_v)
    chunk = vels_v[pl.ds((wid // VL) * VL, VL)]
    lane = jnp.full((VL,), wid % VL, jnp.int32)
    vel_s = jnp.sum(jnp.where(lax.iota(jnp.int32, VL) == lane, chunk, 0.0))
    vel = jnp.broadcast_to(vel_s, (VL,))
    f_vec = jnp.exp(vel / jnp.float32(C_LIGHT))
    rf_vec = jnp.float32(1.0) / f_vec
    a_vec = rf_vec * jnp.float32(INVD)
    iota_f = lax.iota(jnp.int32, VL).astype(jnp.float32)
    for p in range(4):
        w0 = _sc1_starts[p]
        pltpu.sync_copy(flux_hbm.at[pl.ds(w0, SC1_W)], win_v)
        iota_fp = iota_f + jnp.float32(p * SC1_CHUNK)

        @plsc.parallel_loop(0, SC1_CHUNK, VL, unroll=8)
        def body(off, w0=w0, iota_fp=iota_fp):
            jf = off.astype(jnp.float32) + iota_fp
            t = 5000.0 + jf * jnp.float32(D)
            q2 = t * a_vec - jnp.float32(651264.0)
            i0 = q2.astype(jnp.int32) - 4096
            p0 = i0.astype(jnp.float32) * jnp.float32(D)
            m0 = 5000.0 + p0
            m1 = 5000.0 + (p0 + jnp.float32(D))
            c1 = (m0 * f_vec) < t
            c2 = (m1 * f_vec) < t
            i = jnp.where(c2, i0 + 1, jnp.where(c1, i0, i0 - 1))
            rel = jnp.clip(i - w0, 0, SC1_W - 2)
            g0 = plsc.load_gather(win_v, [rel])
            g1 = plsc.load_gather(win_v, [rel + 1])
            si, si1 = _grid_vals(rel + w0, f_vec)
            star = g0 + (g1 - g0) / (si1 - si) * (t - si)
            out_v[pl.ds(off, VL)] = star

        pltpu.sync_copy(out_v, star_hbm.at[pl.ds(wid * N + p * SC1_CHUNK, SC1_CHUNK)])


def _tc2_body(star_ref, raw_ref, a_ref, b_ref, c_ref, model_ref):
    core = star_ref[0] * raw_ref[0]
    below = jnp.concatenate([core[1:], jnp.ones((1, 128), jnp.float32)], axis=0)
    above = jnp.concatenate([jnp.ones((1, 128), jnp.float32), core[:-1]], axis=0)
    model = jnp.dot(core, a_ref[0], preferred_element_type=jnp.float32)
    model += jnp.dot(below, b_ref[0], preferred_element_type=jnp.float32)
    model += jnp.dot(above, c_ref[0], preferred_element_type=jnp.float32)
    model_ref[0] = model


def _tc2(star, raw_t, band_a, band_b, band_c):
    mat_spec = pl.BlockSpec((1, 128, 128), lambda s: (s, 0, 0))
    return pl.pallas_call(
        _tc2_body,
        grid=(N_SPEC,),
        in_specs=[
            pl.BlockSpec((1, 1024, 128), lambda s: (s, 0, 0)),
            pl.BlockSpec((1, 1024, 128), lambda s: (s, 0, 0)),
            mat_spec, mat_spec, mat_spec,
        ],
        out_specs=pl.BlockSpec((1, 1024, 128), lambda s: (s, 0, 0)),
        out_shape=jax.ShapeDtypeStruct((N_SPEC, 1024, 128), jnp.float32),
    )(star, raw_t, band_a, band_b, band_c)


def _band_matrices(lsf):
    import numpy as np
    eye_a = np.stack([np.eye(128, k=7 - k, dtype=np.float32) for k in range(16)])
    eye_b = np.stack([np.eye(128, k=135 - k, dtype=np.float32) if k > 7
                      else np.zeros((128, 128), np.float32) for k in range(16)])
    eye_c = np.stack([np.eye(128, k=-(121 + k), dtype=np.float32) if k < 7
                      else np.zeros((128, 128), np.float32) for k in range(16)])
    band_a = jnp.einsum("ks,kml->sml", lsf, eye_a)
    band_b = jnp.einsum("ks,kml->sml", lsf, eye_b)
    band_c = jnp.einsum("ks,kml->sml", lsf, eye_c)
    return band_a, band_b, band_c


@functools.partial(
    pl.kernel,
    mesh=plsc.VectorSubcoreMesh(core_axis_name="c", subcore_axis_name="s"),
    compiler_params=pltpu.CompilerParams(needs_layout_passes=False),
    out_type=(
        jax.ShapeDtypeStruct((N_SPEC * VL,), jnp.float32),
        jax.ShapeDtypeStruct((N_SPEC * VL,), jnp.float32),
    ),
    scratch_types=[
        pltpu.VMEM((SC3_W,), jnp.float32),
        pltpu.VMEM((NX_DATA,), jnp.float32),
        pltpu.VMEM((NX_DATA,), jnp.float32),
        pltpu.VMEM((VL,), jnp.float32),
        pltpu.VMEM((VL,), jnp.float32),
    ],
)
def _sc3(model_hbm, wt_hbm, dt_hbm, a_hbm, b_hbm, win_v, w_v, d_v, av_v, bv_v):
    wid = lax.axis_index("s") * NC + lax.axis_index("c")
    pltpu.sync_copy(wt_hbm.at[pl.ds(wid * NX_DATA, NX_DATA)], w_v)
    pltpu.sync_copy(dt_hbm.at[pl.ds(wid * NX_DATA, NX_DATA)], d_v)
    one = jnp.ones((VL,), jnp.float32)
    iota = lax.iota(jnp.int32, VL)
    acc2 = jnp.zeros((VL,), jnp.float32)
    accw = jnp.zeros((VL,), jnp.float32)
    for p in range(4):
        w0 = _sc3_starts[p]
        pltpu.sync_copy(model_hbm.at[pl.ds(wid * N + w0, SC3_W)], win_v)

        def body(it, carry, p=p, w0=w0):
            a2, aw = carry
            ibase = p * SC3_CHUNK + it * VL
            il = ibase + iota
            t = 5001.0 + il.astype(jnp.float32) * jnp.float32(E)
            i = _interp_index(t, one, one)
            rel = jnp.clip(i - w0, 0, SC3_W - 2)
            g0 = plsc.load_gather(win_v, [rel])
            g1 = plsc.load_gather(win_v, [rel + 1])
            si, si1 = _grid_vals(i, one)
            mlr = g0 + (g1 - g0) / (si1 - si) * (t - si)
            w = w_v[pl.ds(ibase, VL)]
            dd = d_v[pl.ds(ibase, VL)]
            diff = mlr - dd
            return a2 + diff * diff * w, aw + w

        acc2, accw = lax.fori_loop(0, SC3_CHUNK // VL, body, (acc2, accw))
    av_v[...] = acc2
    bv_v[...] = accw
    pltpu.sync_copy(av_v, a_hbm.at[pl.ds(wid * VL, VL)])
    pltpu.sync_copy(bv_v, b_hbm.at[pl.ds(wid * VL, VL)])


def _tc4_body(a_ref, b_ref, out_ref):
    out_ref[0, 0] = jnp.sqrt(jnp.sum(a_ref[...]) / jnp.sum(b_ref[...]))


def _tc4(a, b):
    return pl.pallas_call(
        _tc4_body,
        out_specs=pl.BlockSpec(memory_space=pltpu.SMEM),
        out_shape=jax.ShapeDtypeStruct((1, 1), jnp.float32),
    )(a, b)


def kernel(star_flux, star_vels, raw_model_no_star, wave_lr, weights, data_flux,
           wave_hr_master, lsf):
    star = _sc1(star_flux, star_vels)
    raw_t = raw_model_no_star.T.reshape(N_SPEC, 1024, 128)
    band_a, band_b, band_c = _band_matrices(lsf)
    model = _tc2(star.reshape(N_SPEC, 1024, 128), raw_t, band_a, band_b, band_c)
    a, b = _sc3(model.reshape(N_SPEC * N), weights.T.reshape(-1),
                data_flux.T.reshape(-1))
    loss = _tc4(a.reshape(N_SPEC, VL), b.reshape(N_SPEC, VL))
    return loss[0, 0]

# --- scband reference (transcript-rebuilt; emitter-appended) ---
"""Pipeline reference for scband-star-solver-5531917877995 (READ-ONLY COPY).

The authoritative reference and input builder live on the scoring server;
editing this copy changes nothing except your own understanding.
"""

import jax, jax.numpy as jnp
import numpy as np

C_LIGHT = 299792458.0
NX_MODEL = 131072
NX_DATA = 4096
N_SPEC = 32
NX_LSF = 16


def setup_inputs(seed: int = 0) -> dict:
    key = jax.random.key(seed)
    k1, k2, k3, k4, k5, k6 = jax.random.split(key, 6)
    # sorted high-res wavelength grid [5000, 6000)
    wave_hr_master = (5000.0 + jnp.arange(NX_MODEL, dtype=jnp.float32) * (1000.0 / NX_MODEL)).astype(jnp.float32)
    # low-res grid strictly inside the high-res range, same for each spectrum
    wave_lr_1d = (5001.0 + jnp.arange(NX_DATA, dtype=jnp.float32) * (998.0 / NX_DATA)).astype(jnp.float32)
    wave_lr = jnp.tile(wave_lr_1d[:, None], (1, N_SPEC))
    star_flux = jax.random.uniform(k1, (NX_MODEL,), dtype=jnp.float32) + 0.5
    star_vels = jax.random.normal(k2, (N_SPEC,), dtype=jnp.float32) * 20000.0  # ~ +-20 km/s
    raw_model_no_star = jax.random.uniform(k3, (NX_MODEL, N_SPEC), dtype=jnp.float32) + 0.5
    weights = jax.random.uniform(k4, (NX_DATA, N_SPEC), dtype=jnp.float32) + 0.01
    data_flux = jax.random.uniform(k5, (NX_DATA, N_SPEC), dtype=jnp.float32) + 0.5
    lsf = jax.random.uniform(k6, (NX_LSF, N_SPEC), dtype=jnp.float32) + 0.01
    lsf = lsf / jnp.sum(lsf, axis=0, keepdims=True)
    return {
        "star_flux": star_flux,
        "star_vels": star_vels,
        "raw_model_no_star": raw_model_no_star,
        "wave_lr": wave_lr,
        "weights": weights,
        "data_flux": data_flux,
        "wave_hr_master": wave_hr_master,
        "lsf": lsf,
    }


def _interp1d(x, y, xnew):
    # linear interpolation matching the torch Interp1d (clamped index, linear extrapolation at edges)
    ind = jnp.clip(jnp.searchsorted(x, xnew) - 1, 0, x.shape[0] - 2)
    slopes = (y[1:] - y[:-1]) / (x[1:] - x[:-1])
    return jnp.take(y, ind) + jnp.take(slopes, ind) * (xnew - jnp.take(x, ind))


def reference(star_flux, star_vels, raw_model_no_star, wave_lr, weights, data_flux, wave_hr_master, lsf):
    nx_lsf = lsf.shape[0]
    nx_pad1 = nx_lsf // 2 - 1
    nx_pad2 = nx_lsf // 2
    dtype = star_flux.dtype

    def per_spec(vel, raw_col, wave_lr_col, lsf_col):
        wave_hr_shifted = wave_hr_master * jnp.exp(vel / C_LIGHT)
        star = _interp1d(wave_hr_shifted, star_flux, wave_hr_master)
        core = star * raw_col
        model_p = jnp.concatenate([
            jnp.ones((nx_pad1,), dtype=dtype),
            core,
            jnp.ones((nx_pad2,), dtype=dtype),
        ])
        # torch Conv1d is cross-correlation: out[j] = sum_k w[k] * in[j+k]
        model = jnp.convolve(model_p, lsf_col[::-1], mode="valid")
        return _interp1d(wave_hr_master, model, wave_lr_col)

    models_lr = jax.vmap(per_spec, in_axes=(0, 1, 1, 1), out_axes=1)(
        star_vels, raw_model_no_star, wave_lr, lsf
    )
    wdiffs2 = (models_lr - data_flux) ** 2 * weights
    loss = jnp.sqrt(jnp.sum(wdiffs2) / jnp.sum(weights))
    return loss

if __name__ == "__main__":
    import jax
    _d = setup_inputs()
    print(jax.jit(kernel)(*tuple(_d.values())))

</pallas_src>

<mosaic_0001>
#map = affine_map<(d0, d1) -> (0)>
module attributes {stable_mosaic.version = 14 : i64} {
  func.func @_sc3(%arg0: i32, %arg1: i32, %arg2: memref<4194304xf32, #tpu.memory_space<hbm>>, %arg3: memref<131072xf32, #tpu.memory_space<hbm>>, %arg4: memref<131072xf32, #tpu.memory_space<hbm>>, %arg5: memref<512xf32, #tpu.memory_space<hbm>>, %arg6: memref<512xf32, #tpu.memory_space<hbm>>, %arg7: memref<32768xf32, #tpu.memory_space<vmem>>, %arg8: memref<4096xf32, #tpu.memory_space<vmem>>, %arg9: memref<4096xf32, #tpu.memory_space<vmem>>, %arg10: memref<16xf32, #tpu.memory_space<vmem>>, %arg11: memref<16xf32, #tpu.memory_space<vmem>>) attributes {dimension_semantics = [#tpu.dimension_semantics<core_parallel>, #tpu.dimension_semantics<subcore_parallel>], iteration_bounds = array<i64: 2, 16>, scalar_prefetch = 0 : i64, scratch_operands = 5 : i64, tpu.core_type = #tpu.core_type<sc_vector_subcore>, window_params = [{transform_indices = #map}, {transform_indices = #map}, {transform_indices = #map}, {transform_indices = #map}, {transform_indices = #map}]} {
    %mul3A = arith.constant 2 : i32
    %mul3A_0 = arith.muli %arg1, %mul3A : i32
    %add3A = arith.addi %mul3A_0, %arg0 : i32
    %mul3A_1 = arith.constant 4096 : i32
    %mul3A_2 = arith.muli %add3A, %mul3A_1 : i32
    "tpu.region"() ({
      %run_scoped3A = tpu.sem_alloc : memref<!tpu.dma_semaphore, #tpu.memory_space<semaphore_mem>>
      %dma_start3A = tpu.memref_slice %arg3[%mul3A_2] : memref<131072xf32, #tpu.memory_space<hbm>> -> memref<4096xf32, #tpu.memory_space<hbm>>
      %dma_start3A_56 = tpu.memref_slice %arg3[%mul3A_2] : memref<131072xf32, #tpu.memory_space<hbm>> -> memref<4096xf32, #tpu.memory_space<hbm>>
      tpu.enqueue_dma source(%dma_start3A_56 : memref<4096xf32, #tpu.memory_space<hbm>>) target(%arg8 : memref<4096xf32, #tpu.memory_space<vmem>>) target_semaphore(%run_scoped3A : memref<!tpu.dma_semaphore, #tpu.memory_space<semaphore_mem>>)
      %dma_wait3A = tpu.memref_slice %arg3[%mul3A_2] : memref<131072xf32, #tpu.memory_space<hbm>> -> memref<4096xf32, #tpu.memory_space<hbm>>
      %dma_wait3A_57 = tpu.memref_slice %arg3[%mul3A_2] : memref<131072xf32, #tpu.memory_space<hbm>> -> memref<4096xf32, #tpu.memory_space<hbm>>
      tpu.wait_dma2 semaphore(%run_scoped3A : memref<!tpu.dma_semaphore, #tpu.memory_space<semaphore_mem>>) src(%dma_wait3A_57 : memref<4096xf32, #tpu.memory_space<hbm>>) dst(%arg8 : memref<4096xf32, #tpu.memory_space<vmem>>)
      tpu.yield
    }) : () -> ()
    %mul3A_3 = arith.constant 4096 : i32
    %mul3A_4 = arith.muli %add3A, %mul3A_3 : i32
    "tpu.region"() ({
      %run_scoped3A = tpu.sem_alloc : memref<!tpu.dma_semaphore, #tpu.memory_space<semaphore_mem>>
      %dma_start3A = tpu.memref_slice %arg4[%mul3A_4] : memref<131072xf32, #tpu.memory_space<hbm>> -> memref<4096xf32, #tpu.memory_space<hbm>>
      %dma_start3A_56 = tpu.memref_slice %arg4[%mul3A_4] : memref<131072xf32, #tpu.memory_space<hbm>> -> memref<4096xf32, #tpu.memory_space<hbm>>
      tpu.enqueue_dma source(%dma_start3A_56 : memref<4096xf32, #tpu.memory_space<hbm>>) target(%arg9 : memref<4096xf32, #tpu.memory_space<vmem>>) target_semaphore(%run_scoped3A : memref<!tpu.dma_semaphore, #tpu.memory_space<semaphore_mem>>)
      %dma_wait3A = tpu.memref_slice %arg4[%mul3A_4] : memref<131072xf32, #tpu.memory_space<hbm>> -> memref<4096xf32, #tpu.memory_space<hbm>>
      %dma_wait3A_57 = tpu.memref_slice %arg4[%mul3A_4] : memref<131072xf32, #tpu.memory_space<hbm>> -> memref<4096xf32, #tpu.memory_space<hbm>>
      tpu.wait_dma2 semaphore(%run_scoped3A : memref<!tpu.dma_semaphore, #tpu.memory_space<semaphore_mem>>) src(%dma_wait3A_57 : memref<4096xf32, #tpu.memory_space<hbm>>) dst(%arg9 : memref<4096xf32, #tpu.memory_space<vmem>>)
      tpu.yield
    }) : () -> ()
    %broadcast_in_dim3A = arith.constant 1.000000e+00 : f32
    %broadcast_in_dim3A_5 = vector.broadcast %broadcast_in_dim3A : f32 to vector<16xf32>
    %iota3A = tpu.iota {dimensions = array<i32: 0>} : vector<16xi32>
    %broadcast_in_dim3A_6 = arith.constant 0.000000e+00 : f32
    %broadcast_in_dim3A_7 = vector.broadcast %broadcast_in_dim3A_6 : f32 to vector<16xf32>
    %broadcast_in_dim3A_8 = arith.constant 0.000000e+00 : f32
    %broadcast_in_dim3A_9 = vector.broadcast %broadcast_in_dim3A_8 : f32 to vector<16xf32>
    %mul3A_10 = arith.constant 131072 : i32
    %mul3A_11 = arith.muli %add3A, %mul3A_10 : i32
    %add3A_12 = arith.constant 120 : i32
    %add3A_13 = arith.addi %mul3A_11, %add3A_12 : i32
    "tpu.region"() ({
      %run_scoped3A = tpu.sem_alloc : memref<!tpu.dma_semaphore, #tpu.memory_space<semaphore_mem>>
      %dma_start3A = tpu.memref_slice %arg2[%add3A_13] : memref<4194304xf32, #tpu.memory_space<hbm>> -> memref<32768xf32, #tpu.memory_space<hbm>>
      %dma_start3A_56 = tpu.memref_slice %arg2[%add3A_13] : memref<4194304xf32, #tpu.memory_space<hbm>> -> memref<32768xf32, #tpu.memory_space<hbm>>
      tpu.enqueue_dma source(%dma_start3A_56 : memref<32768xf32, #tpu.memory_space<hbm>>) target(%arg7 : memref<32768xf32, #tpu.memory_space<vmem>>) target_semaphore(%run_scoped3A : memref<!tpu.dma_semaphore, #tpu.memory_space<semaphore_mem>>)
      %dma_wait3A = tpu.memref_slice %arg2[%add3A_13] : memref<4194304xf32, #tpu.memory_space<hbm>> -> memref<32768xf32, #tpu.memory_space<hbm>>
      %dma_wait3A_57 = tpu.memref_slice %arg2[%add3A_13] : memref<4194304xf32, #tpu.memory_space<hbm>> -> memref<32768xf32, #tpu.memory_space<hbm>>
      tpu.wait_dma2 semaphore(%run_scoped3A : memref<!tpu.dma_semaphore, #tpu.memory_space<semaphore_mem>>) src(%dma_wait3A_57 : memref<32768xf32, #tpu.memory_space<hbm>>) dst(%arg7 : memref<32768xf32, #tpu.memory_space<vmem>>)
      tpu.yield
    }) : () -> ()
    %scan3A = arith.constant 0 : i32
    %scan3A_14 = arith.constant 64 : i32
    %scan3A_15 = arith.addi %scan3A, %scan3A_14 : i32
    %scan3A_16 = arith.constant 1 : i32
    %scan3A_17:2 = scf.for %scan3A_56 = %scan3A to %scan3A_15 step %scan3A_16 iter_args(%scan3A_57 = %broadcast_in_dim3A_7, %scan3A_58 = %broadcast_in_dim3A_9) -> (vector<16xf32>, vector<16xf32>)  : i32 {
      %mul3A_59 = arith.constant 16 : i32
      %mul3A_60 = arith.muli %scan3A_56, %mul3A_59 : i32
      %add3A_61 = arith.constant 0 : i32
      %add3A_62 = arith.addi %add3A_61, %mul3A_60 : i32
      %add3A_63 = vector.broadcast %add3A_62 : i32 to vector<16xi32>
      %add3A_64 = arith.addi %add3A_63, %iota3A : vector<16xi32>
      %convert_element_type3A = arith.sitofp %add3A_64 : vector<16xi32> to vector<16xf32>
      %mul3A_65 = arith.constant 0.243652344 : f32
      %mul3A_66 = vector.broadcast %mul3A_65 : f32 to vector<16xf32>
      %mul3A_67 = arith.mulf %convert_element_type3A, %mul3A_66 : vector<16xf32>
      %add3A_68 = arith.constant 5.001000e+03 : f32
      %add3A_69 = vector.broadcast %add3A_68 : f32 to vector<16xf32>
      %add3A_70 = arith.addf %add3A_69, %mul3A_67 : vector<16xf32>
      %mul3A_71 = arith.mulf %add3A_70, %broadcast_in_dim3A_5 : vector<16xf32>
      %sub3A = arith.constant 5.000000e+03 : f32
      %sub3A_72 = vector.broadcast %sub3A : f32 to vector<16xf32>
      %sub3A_73 = arith.subf %mul3A_71, %sub3A_72 : vector<16xf32>
      %mul3A_74 = arith.constant 1.310720e+02 : f32
      %mul3A_75 = vector.broadcast %mul3A_74 : f32 to vector<16xf32>
      %mul3A_76 = arith.mulf %sub3A_73, %mul3A_75 : vector<16xf32>
      %add3A_77 = arith.constant 4.096000e+03 : f32
      %add3A_78 = vector.broadcast %add3A_77 : f32 to vector<16xf32>
      %add3A_79 = arith.addf %mul3A_76, %add3A_78 : vector<16xf32>
      %convert_element_type3A_80 = arith.fptosi %add3A_79 : vector<16xf32> to vector<16xi32>
      %sub3A_81 = arith.constant 4096 : i32
      %sub3A_82 = vector.broadcast %sub3A_81 : i32 to vector<16xi32>
      %sub3A_83 = arith.subi %convert_element_type3A_80, %sub3A_82 : vector<16xi32>
      %convert_element_type3A_84 = arith.sitofp %sub3A_83 : vector<16xi32> to vector<16xf32>
      %mul3A_85 = arith.constant 0.00762939453 : f32
      %mul3A_86 = vector.broadcast %mul3A_85 : f32 to vector<16xf32>
      %mul3A_87 = arith.mulf %convert_element_type3A_84, %mul3A_86 : vector<16xf32>
      %add3A_88 = arith.constant 5.000000e+03 : f32
      %add3A_89 = vector.broadcast %add3A_88 : f32 to vector<16xf32>
      %add3A_90 = arith.addf %add3A_89, %mul3A_87 : vector<16xf32>
      %add3A_91 = arith.constant 0.00762939453 : f32
      %add3A_92 = vector.broadcast %add3A_91 : f32 to vector<16xf32>
      %add3A_93 = arith.addf %mul3A_87, %add3A_92 : vector<16xf32>
      %add3A_94 = arith.constant 5.000000e+03 : f32
      %add3A_95 = vector.broadcast %add3A_94 : f32 to vector<16xf32>
      %add3A_96 = arith.addf %add3A_95, %add3A_93 : vector<16xf32>
      %mul3A_97 = arith.mulf %add3A_90, %broadcast_in_dim3A_5 : vector<16xf32>
      %lt3A = arith.cmpf olt, %mul3A_97, %add3A_70 : vector<16xf32>
      %mul3A_98 = arith.mulf %add3A_96, %broadcast_in_dim3A_5 : vector<16xf32>
      %lt3A_99 = arith.cmpf olt, %mul3A_98, %add3A_70 : vector<16xf32>
      %add3A_100 = arith.constant 1 : i32
      %add3A_101 = vector.broadcast %add3A_100 : i32 to vector<16xi32>
      %add3A_102 = arith.addi %sub3A_83, %add3A_101 : vector<16xi32>
      %sub3A_103 = arith.constant 1 : i32
      %sub3A_104 = vector.broadcast %sub3A_103 : i32 to vector<16xi32>
      %sub3A_105 = arith.subi %sub3A_83, %sub3A_104 : vector<16xi32>
      %select_n3A = arith.select %lt3A, %sub3A_83, %sub3A_105 : vector<16xi1>, vector<16xi32>
      %select_n3A_106 = arith.select %lt3A_99, %add3A_102, %select_n3A : vector<16xi1>, vector<16xi32>
      %jit3A = arith.constant 0 : i32
      %jit3A_107 = arith.constant 131070 : i32
      %max3A = vector.broadcast %jit3A : i32 to vector<16xi32>
      %max3A_108 = arith.maxsi %max3A, %select_n3A_106 : vector<16xi32>
      %min3A = vector.broadcast %jit3A_107 : i32 to vector<16xi32>
      %min3A_109 = arith.minsi %min3A, %max3A_108 : vector<16xi32>
      %sub3A_110 = arith.constant 120 : i32
      %sub3A_111 = vector.broadcast %sub3A_110 : i32 to vector<16xi32>
      %sub3A_112 = arith.subi %min3A_109, %sub3A_111 : vector<16xi32>
      %jit3A_113 = arith.constant 0 : i32
      %jit3A_114 = arith.constant 32766 : i32
      %max3A_115 = vector.broadcast %jit3A_113 : i32 to vector<16xi32>
      %max3A_116 = arith.maxsi %max3A_115, %sub3A_112 : vector<16xi32>
      %min3A_117 = vector.broadcast %jit3A_114 : i32 to vector<16xi32>
      %min3A_118 = arith.minsi %min3A_117, %max3A_116 : vector<16xi32>
      %gather3A = tpu.vector_load_idx %arg7[%min3A_118] : memref<32768xf32, #tpu.memory_space<vmem>>[vector<16xi32>], vector<16xf32>,
      %add3A_119 = arith.constant 1 : i32
      %add3A_120 = vector.broadcast %add3A_119 : i32 to vector<16xi32>
      %add3A_121 = arith.addi %min3A_118, %add3A_120 : vector<16xi32>
      %gather3A_122 = tpu.vector_load_idx %arg7[%add3A_121] : memref<32768xf32, #tpu.memory_space<vmem>>[vector<16xi32>], vector<16xf32>,
      %convert_element_type3A_123 = arith.sitofp %min3A_109 : vector<16xi32> to vector<16xf32>
      %mul3A_124 = arith.constant 0.00762939453 : f32
      %mul3A_125 = vector.broadcast %mul3A_124 : f32 to vector<16xf32>
      %mul3A_126 = arith.mulf %convert_element_type3A_123, %mul3A_125 : vector<16xf32>
      %add3A_127 = arith.constant 5.000000e+03 : f32
      %add3A_128 = vector.broadcast %add3A_127 : f32 to vector<16xf32>
      %add3A_129 = arith.addf %add3A_128, %mul3A_126 : vector<16xf32>
      %mul3A_130 = arith.mulf %add3A_129, %broadcast_in_dim3A_5 : vector<16xf32>
      %add3A_131 = arith.constant 0.00762939453 : f32
      %add3A_132 = vector.broadcast %add3A_131 : f32 to vector<16xf32>
      %add3A_133 = arith.addf %mul3A_126, %add3A_132 : vector<16xf32>
      %add3A_134 = arith.constant 5.000000e+03 : f32
      %add3A_135 = vector.broadcast %add3A_134 : f32 to vector<16xf32>
      %add3A_136 = arith.addf %add3A_135, %add3A_133 : vector<16xf32>
      %mul3A_137 = arith.mulf %add3A_136, %broadcast_in_dim3A_5 : vector<16xf32>
      %sub3A_138 = arith.subf %gather3A_122, %gather3A : vector<16xf32>
      %sub3A_139 = arith.subf %mul3A_137, %mul3A_130 : vector<16xf32>
      %div3A = arith.divf %sub3A_138, %sub3A_139 : vector<16xf32>
      %sub3A_140 = arith.subf %add3A_70, %mul3A_130 : vector<16xf32>
      %mul3A_141 = arith.mulf %div3A, %sub3A_140 : vector<16xf32>
      %add3A_142 = arith.addf %gather3A, %mul3A_141 : vector<16xf32>
      %get3A = arith.index_cast %add3A_62 : i32 to index
      %get3A_143 = tpu.vector_load %arg8[%get3A] {strides = array<i32>} : memref<4096xf32, #tpu.memory_space<vmem>>, vector<16xf32>,
      %get3A_144 = arith.index_cast %add3A_62 : i32 to index
      %get3A_145 = tpu.vector_load %arg9[%get3A_144] {strides = array<i32>} : memref<4096xf32, #tpu.memory_space<vmem>>, vector<16xf32>,
      %sub3A_146 = arith.subf %add3A_142, %get3A_145 : vector<16xf32>
      %mul3A_147 = arith.mulf %sub3A_146, %sub3A_146 : vector<16xf32>
      %mul3A_148 = arith.mulf %mul3A_147, %get3A_143 : vector<16xf32>
      %add3A_149 = arith.addf %scan3A_57, %mul3A_148 : vector<16xf32>
      %add3A_150 = arith.addf %scan3A_58, %get3A_143 : vector<16xf32>
      scf.yield %add3A_149, %add3A_150 : vector<16xf32>, vector<16xf32>
    }
    %scan3A_18 = arith.constant 64 : i32
    %mul3A_19 = arith.constant 131072 : i32
    %mul3A_20 = arith.muli %add3A, %mul3A_19 : i32
    %add3A_21 = arith.constant 32824 : i32
    %add3A_22 = arith.addi %mul3A_20, %add3A_21 : i32
    "tpu.region"() ({
      %run_scoped3A = tpu.sem_alloc : memref<!tpu.dma_semaphore, #tpu.memory_space<semaphore_mem>>
      %dma_start3A = tpu.memref_slice %arg2[%add3A_22] : memref<4194304xf32, #tpu.memory_space<hbm>> -> memref<32768xf32, #tpu.memory_space<hbm>>
      %dma_start3A_56 = tpu.memref_slice %arg2[%add3A_22] : memref<4194304xf32, #tpu.memory_space<hbm>> -> memref<32768xf32, #tpu.memory_space<hbm>>
      tpu.enqueue_dma source(%dma_start3A_56 : memref<32768xf32, #tpu.memory_space<hbm>>) target(%arg7 : memref<32768xf32, #tpu.memory_space<vmem>>) target_semaphore(%run_scoped3A : memref<!tpu.dma_semaphore, #tpu.memory_space<semaphore_mem>>)
      %dma_wait3A = tpu.memref_slice %arg2[%add3A_22] : memref<4194304xf32, #tpu.memory_space<hbm>> -> memref<32768xf32, #tpu.memory_space<hbm>>
      %dma_wait3A_57 = tpu.memref_slice %arg2[%add3A_22] : memref<4194304xf32, #tpu.memory_space<hbm>> -> memref<32768xf32, #tpu.memory_space<hbm>>
      tpu.wait_dma2 semaphore(%run_scoped3A : memref<!tpu.dma_semaphore, #tpu.memory_space<semaphore_mem>>) src(%dma_wait3A_57 : memref<32768xf32, #tpu.memory_space<hbm>>) dst(%arg7 : memref<32768xf32, #tpu.memory_space<vmem>>)
      tpu.yield
    }) : () -> ()
    %scan3A_23 = arith.constant 0 : i32
    %scan3A_24 = arith.constant 64 : i32
    %scan3A_25 = arith.addi %scan3A_23, %scan3A_24 : i32
    %scan3A_26 = arith.constant 1 : i32
    %scan3A_27:2 = scf.for %scan3A_56 = %scan3A_23 to %scan3A_25 step %scan3A_26 iter_args(%scan3A_57 = %scan3A_17#0, %scan3A_58 = %scan3A_17#1) -> (vector<16xf32>, vector<16xf32>)  : i32 {
      %mul3A_59 = arith.constant 16 : i32
      %mul3A_60 = arith.muli %scan3A_56, %mul3A_59 : i32
      %add3A_61 = arith.constant 1024 : i32
      %add3A_62 = arith.addi %add3A_61, %mul3A_60 : i32
      %add3A_63 = vector.broadcast %add3A_62 : i32 to vector<16xi32>
      %add3A_64 = arith.addi %add3A_63, %iota3A : vector<16xi32>
      %convert_element_type3A = arith.sitofp %add3A_64 : vector<16xi32> to vector<16xf32>
      %mul3A_65 = arith.constant 0.243652344 : f32
      %mul3A_66 = vector.broadcast %mul3A_65 : f32 to vector<16xf32>
      %mul3A_67 = arith.mulf %convert_element_type3A, %mul3A_66 : vector<16xf32>
      %add3A_68 = arith.constant 5.001000e+03 : f32
      %add3A_69 = vector.broadcast %add3A_68 : f32 to vector<16xf32>
      %add3A_70 = arith.addf %add3A_69, %mul3A_67 : vector<16xf32>
      %mul3A_71 = arith.mulf %add3A_70, %broadcast_in_dim3A_5 : vector<16xf32>
      %sub3A = arith.constant 5.000000e+03 : f32
      %sub3A_72 = vector.broadcast %sub3A : f32 to vector<16xf32>
      %sub3A_73 = arith.subf %mul3A_71, %sub3A_72 : vector<16xf32>
      %mul3A_74 = arith.constant 1.310720e+02 : f32
      %mul3A_75 = vector.broadcast %mul3A_74 : f32 to vector<16xf32>
      %mul3A_76 = arith.mulf %sub3A_73, %mul3A_75 : vector<16xf32>
      %add3A_77 = arith.constant 4.096000e+03 : f32
      %add3A_78 = vector.broadcast %add3A_77 : f32 to vector<16xf32>
      %add3A_79 = arith.addf %mul3A_76, %add3A_78 : vector<16xf32>
      %convert_element_type3A_80 = arith.fptosi %add3A_79 : vector<16xf32> to vector<16xi32>
      %sub3A_81 = arith.constant 4096 : i32
      %sub3A_82 = vector.broadcast %sub3A_81 : i32 to vector<16xi32>
      %sub3A_83 = arith.subi %convert_element_type3A_80, %sub3A_82 : vector<16xi32>
      %convert_element_type3A_84 = arith.sitofp %sub3A_83 : vector<16xi32> to vector<16xf32>
      %mul3A_85 = arith.constant 0.00762939453 : f32
      %mul3A_86 = vector.broadcast %mul3A_85 : f32 to vector<16xf32>
      %mul3A_87 = arith.mulf %convert_element_type3A_84, %mul3A_86 : vector<16xf32>
      %add3A_88 = arith.constant 5.000000e+03 : f32
      %add3A_89 = vector.broadcast %add3A_88 : f32 to vector<16xf32>
      %add3A_90 = arith.addf %add3A_89, %mul3A_87 : vector<16xf32>
      %add3A_91 = arith.constant 0.00762939453 : f32
      %add3A_92 = vector.broadcast %add3A_91 : f32 to vector<16xf32>
      %add3A_93 = arith.addf %mul3A_87, %add3A_92 : vector<16xf32>
      %add3A_94 = arith.constant 5.000000e+03 : f32
      %add3A_95 = vector.broadcast %add3A_94 : f32 to vector<16xf32>
      %add3A_96 = arith.addf %add3A_95, %add3A_93 : vector<16xf32>
      %mul3A_97 = arith.mulf %add3A_90, %broadcast_in_dim3A_5 : vector<16xf32>
      %lt3A = arith.cmpf olt, %mul3A_97, %add3A_70 : vector<16xf32>
      %mul3A_98 = arith.mulf %add3A_96, %broadcast_in_dim3A_5 : vector<16xf32>
      %lt3A_99 = arith.cmpf olt, %mul3A_98, %add3A_70 : vector<16xf32>
      %add3A_100 = arith.constant 1 : i32
      %add3A_101 = vector.broadcast %add3A_100 : i32 to vector<16xi32>
      %add3A_102 = arith.addi %sub3A_83, %add3A_101 : vector<16xi32>
      %sub3A_103 = arith.constant 1 : i32
      %sub3A_104 = vector.broadcast %sub3A_103 : i32 to vector<16xi32>
      %sub3A_105 = arith.subi %sub3A_83, %sub3A_104 : vector<16xi32>
      %select_n3A = arith.select %lt3A, %sub3A_83, %sub3A_105 : vector<16xi1>, vector<16xi32>
      %select_n3A_106 = arith.select %lt3A_99, %add3A_102, %select_n3A : vector<16xi1>, vector<16xi32>
      %jit3A = arith.constant 0 : i32
      %jit3A_107 = arith.constant 131070 : i32
      %max3A = vector.broadcast %jit3A : i32 to vector<16xi32>
      %max3A_108 = arith.maxsi %max3A, %select_n3A_106 : vector<16xi32>
      %min3A = vector.broadcast %jit3A_107 : i32 to vector<16xi32>
      %min3A_109 = arith.minsi %min3A, %max3A_108 : vector<16xi32>
      %sub3A_110 = arith.constant 32824 : i32
      %sub3A_111 = vector.broadcast %sub3A_110 : i32 to vector<16xi32>
      %sub3A_112 = arith.subi %min3A_109, %sub3A_111 : vector<16xi32>
      %jit3A_113 = arith.constant 0 : i32
      %jit3A_114 = arith.constant 32766 : i32
      %max3A_115 = vector.broadcast %jit3A_113 : i32 to vector<16xi32>
      %max3A_116 = arith.maxsi %max3A_115, %sub3A_112 : vector<16xi32>
      %min3A_117 = vector.broadcast %jit3A_114 : i32 to vector<16xi32>
      %min3A_118 = arith.minsi %min3A_117, %max3A_116 : vector<16xi32>
      %gather3A = tpu.vector_load_idx %arg7[%min3A_118] : memref<32768xf32, #tpu.memory_space<vmem>>[vector<16xi32>], vector<16xf32>,
      %add3A_119 = arith.constant 1 : i32
      %add3A_120 = vector.broadcast %add3A_119 : i32 to vector<16xi32>
      %add3A_121 = arith.addi %min3A_118, %add3A_120 : vector<16xi32>
      %gather3A_122 = tpu.vector_load_idx %arg7[%add3A_121] : memref<32768xf32, #tpu.memory_space<vmem>>[vector<16xi32>], vector<16xf32>,
      %convert_element_type3A_123 = arith.sitofp %min3A_109 : vector<16xi32> to vector<16xf32>
      %mul3A_124 = arith.constant 0.00762939453 : f32
      %mul3A_125 = vector.broadcast %mul3A_124 : f32 to vector<16xf32>
      %mul3A_126 = arith.mulf %convert_element_type3A_123, %mul3A_125 : vector<16xf32>
      %add3A_127 = arith.constant 5.000000e+03 : f32
      %add3A_128 = vector.broadcast %add3A_127 : f32 to vector<16xf32>
      %add3A_129 = arith.addf %add3A_128, %mul3A_126 : vector<16xf32>
      %mul3A_130 = arith.mulf %add3A_129, %broadcast_in_dim3A_5 : vector<16xf32>
      %add3A_131 = arith.constant 0.00762939453 : f32
      %add3A_132 = vector.broadcast %add3A_131 : f32 to vector<16xf32>
      %add3A_133 = arith.addf %mul3A_126, %add3A_132 : vector<16xf32>
      %add3A_134 = arith.constant 5.000000e+03 : f32
      %add3A_135 = vector.broadcast %add3A_134 : f32 to vector<16xf32>
      %add3A_136 = arith.addf %add3A_135, %add3A_133 : vector<16xf32>
      %mul3A_137 = arith.mulf %add3A_136, %broadcast_in_dim3A_5 : vector<16xf32>
      %sub3A_138 = arith.subf %gather3A_122, %gather3A : vector<16xf32>
      %sub3A_139 = arith.subf %mul3A_137, %mul3A_130 : vector<16xf32>
      %div3A = arith.divf %sub3A_138, %sub3A_139 : vector<16xf32>
      %sub3A_140 = arith.subf %add3A_70, %mul3A_130 : vector<16xf32>
      %mul3A_141 = arith.mulf %div3A, %sub3A_140 : vector<16xf32>
      %add3A_142 = arith.addf %gather3A, %mul3A_141 : vector<16xf32>
      %get3A = arith.index_cast %add3A_62 : i32 to index
      %get3A_143 = tpu.vector_load %arg8[%get3A] {strides = array<i32>} : memref<4096xf32, #tpu.memory_space<vmem>>, vector<16xf32>,
      %get3A_144 = arith.index_cast %add3A_62 : i32 to index
      %get3A_145 = tpu.vector_load %arg9[%get3A_144] {strides = array<i32>} : memref<4096xf32, #tpu.memory_space<vmem>>, vector<16xf32>,
      %sub3A_146 = arith.subf %add3A_142, %get3A_145 : vector<16xf32>
      %mul3A_147 = arith.mulf %sub3A_146, %sub3A_146 : vector<16xf32>
      %mul3A_148 = arith.mulf %mul3A_147, %get3A_143 : vector<16xf32>
      %add3A_149 = arith.addf %scan3A_57, %mul3A_148 : vector<16xf32>
      %add3A_150 = arith.addf %scan3A_58, %get3A_143 : vector<16xf32>
      scf.yield %add3A_149, %add3A_150 : vector<16xf32>, vector<16xf32>
    }
    %scan3A_28 = arith.constant 64 : i32
    %mul3A_29 = arith.constant 131072 : i32
    %mul3A_30 = arith.muli %add3A, %mul3A_29 : i32
    %add3A_31 = arith.constant 65528 : i32
    %add3A_32 = arith.addi %mul3A_30, %add3A_31 : i32
    "tpu.region"() ({
      %run_scoped3A = tpu.sem_alloc : memref<!tpu.dma_semaphore, #tpu.memory_space<semaphore_mem>>
      %dma_start3A = tpu.memref_slice %arg2[%add3A_32] : memref<4194304xf32, #tpu.memory_space<hbm>> -> memref<32768xf32, #tpu.memory_space<hbm>>
      %dma_start3A_56 = tpu.memref_slice %arg2[%add3A_32] : memref<4194304xf32, #tpu.memory_space<hbm>> -> memref<32768xf32, #tpu.memory_space<hbm>>
      tpu.enqueue_dma source(%dma_start3A_56 : memref<32768xf32, #tpu.memory_space<hbm>>) target(%arg7 : memref<32768xf32, #tpu.memory_space<vmem>>) target_semaphore(%run_scoped3A : memref<!tpu.dma_semaphore, #tpu.memory_space<semaphore_mem>>)
      %dma_wait3A = tpu.memref_slice %arg2[%add3A_32] : memref<4194304xf32, #tpu.memory_space<hbm>> -> memref<32768xf32, #tpu.memory_space<hbm>>
      %dma_wait3A_57 = tpu.memref_slice %arg2[%add3A_32] : memref<4194304xf32, #tpu.memory_space<hbm>> -> memref<32768xf32, #tpu.memory_space<hbm>>
      tpu.wait_dma2 semaphore(%run_scoped3A : memref<!tpu.dma_semaphore, #tpu.memory_space<semaphore_mem>>) src(%dma_wait3A_57 : memref<32768xf32, #tpu.memory_space<hbm>>) dst(%arg7 : memref<32768xf32, #tpu.memory_space<vmem>>)
      tpu.yield
    }) : () -> ()
    %scan3A_33 = arith.constant 0 : i32
    %scan3A_34 = arith.constant 64 : i32
    %scan3A_35 = arith.addi %scan3A_33, %scan3A_34 : i32
    %scan3A_36 = arith.constant 1 : i32
    %scan3A_37:2 = scf.for %scan3A_56 = %scan3A_33 to %scan3A_35 step %scan3A_36 iter_args(%scan3A_57 = %scan3A_27#0, %scan3A_58 = %scan3A_27#1) -> (vector<16xf32>, vector<16xf32>)  : i32 {
      %mul3A_59 = arith.constant 16 : i32
      %mul3A_60 = arith.muli %scan3A_56, %mul3A_59 : i32
      %add3A_61 = arith.constant 2048 : i32
      %add3A_62 = arith.addi %add3A_61, %mul3A_60 : i32
      %add3A_63 = vector.broadcast %add3A_62 : i32 to vector<16xi32>
      %add3A_64 = arith.addi %add3A_63, %iota3A : vector<16xi32>
      %convert_element_type3A = arith.sitofp %add3A_64 : vector<16xi32> to vector<16xf32>
      %mul3A_65 = arith.constant 0.243652344 : f32
      %mul3A_66 = vector.broadcast %mul3A_65 : f32 to vector<16xf32>
      %mul3A_67 = arith.mulf %convert_element_type3A, %mul3A_66 : vector<16xf32>
      %add3A_68 = arith.constant 5.001000e+03 : f32
      %add3A_69 = vector.broadcast %add3A_68 : f32 to vector<16xf32>
      %add3A_70 = arith.addf %add3A_69, %mul3A_67 : vector<16xf32>
      %mul3A_71 = arith.mulf %add3A_70, %broadcast_in_dim3A_5 : vector<16xf32>
      %sub3A = arith.constant 5.000000e+03 : f32
      %sub3A_72 = vector.broadcast %sub3A : f32 to vector<16xf32>
      %sub3A_73 = arith.subf %mul3A_71, %sub3A_72 : vector<16xf32>
      %mul3A_74 = arith.constant 1.310720e+02 : f32
      %mul3A_75 = vector.broadcast %mul3A_74 : f32 to vector<16xf32>
      %mul3A_76 = arith.mulf %sub3A_73, %mul3A_75 : vector<16xf32>
      %add3A_77 = arith.constant 4.096000e+03 : f32
      %add3A_78 = vector.broadcast %add3A_77 : f32 to vector<16xf32>
      %add3A_79 = arith.addf %mul3A_76, %add3A_78 : vector<16xf32>
      %convert_element_type3A_80 = arith.fptosi %add3A_79 : vector<16xf32> to vector<16xi32>
      %sub3A_81 = arith.constant 4096 : i32
      %sub3A_82 = vector.broadcast %sub3A_81 : i32 to vector<16xi32>
      %sub3A_83 = arith.subi %convert_element_type3A_80, %sub3A_82 : vector<16xi32>
      %convert_element_type3A_84 = arith.sitofp %sub3A_83 : vector<16xi32> to vector<16xf32>
      %mul3A_85 = arith.constant 0.00762939453 : f32
      %mul3A_86 = vector.broadcast %mul3A_85 : f32 to vector<16xf32>
      %mul3A_87 = arith.mulf %convert_element_type3A_84, %mul3A_86 : vector<16xf32>
      %add3A_88 = arith.constant 5.000000e+03 : f32
      %add3A_89 = vector.broadcast %add3A_88 : f32 to vector<16xf32>
      %add3A_90 = arith.addf %add3A_89, %mul3A_87 : vector<16xf32>
      %add3A_91 = arith.constant 0.00762939453 : f32
      %add3A_92 = vector.broadcast %add3A_91 : f32 to vector<16xf32>
      %add3A_93 = arith.addf %mul3A_87, %add3A_92 : vector<16xf32>
      %add3A_94 = arith.constant 5.000000e+03 : f32
      %add3A_95 = vector.broadcast %add3A_94 : f32 to vector<16xf32>
      %add3A_96 = arith.addf %add3A_95, %add3A_93 : vector<16xf32>
      %mul3A_97 = arith.mulf %add3A_90, %broadcast_in_dim3A_5 : vector<16xf32>
      %lt3A = arith.cmpf olt, %mul3A_97, %add3A_70 : vector<16xf32>
      %mul3A_98 = arith.mulf %add3A_96, %broadcast_in_dim3A_5 : vector<16xf32>
      %lt3A_99 = arith.cmpf olt, %mul3A_98, %add3A_70 : vector<16xf32>
      %add3A_100 = arith.constant 1 : i32
      %add3A_101 = vector.broadcast %add3A_100 : i32 to vector<16xi32>
      %add3A_102 = arith.addi %sub3A_83, %add3A_101 : vector<16xi32>
      %sub3A_103 = arith.constant 1 : i32
      %sub3A_104 = vector.broadcast %sub3A_103 : i32 to vector<16xi32>
      %sub3A_105 = arith.subi %sub3A_83, %sub3A_104 : vector<16xi32>
      %select_n3A = arith.select %lt3A, %sub3A_83, %sub3A_105 : vector<16xi1>, vector<16xi32>
      %select_n3A_106 = arith.select %lt3A_99, %add3A_102, %select_n3A : vector<16xi1>, vector<16xi32>
      %jit3A = arith.constant 0 : i32
      %jit3A_107 = arith.constant 131070 : i32
      %max3A = vector.broadcast %jit3A : i32 to vector<16xi32>
      %max3A_108 = arith.maxsi %max3A, %select_n3A_106 : vector<16xi32>
      %min3A = vector.broadcast %jit3A_107 : i32 to vector<16xi32>
      %min3A_109 = arith.minsi %min3A, %max3A_108 : vector<16xi32>
      %sub3A_110 = arith.constant 65528 : i32
      %sub3A_111 = vector.broadcast %sub3A_110 : i32 to vector<16xi32>
      %sub3A_112 = arith.subi %min3A_109, %sub3A_111 : vector<16xi32>
      %jit3A_113 = arith.constant 0 : i32
      %jit3A_114 = arith.constant 32766 : i32
      %max3A_115 = vector.broadcast %jit3A_113 : i32 to vector<16xi32>
      %max3A_116 = arith.maxsi %max3A_115, %sub3A_112 : vector<16xi32>
      %min3A_117 = vector.broadcast %jit3A_114 : i32 to vector<16xi32>
      %min3A_118 = arith.minsi %min3A_117, %max3A_116 : vector<16xi32>
      %gather3A = tpu.vector_load_idx %arg7[%min3A_118] : memref<32768xf32, #tpu.memory_space<vmem>>[vector<16xi32>], vector<16xf32>,
      %add3A_119 = arith.constant 1 : i32
      %add3A_120 = vector.broadcast %add3A_119 : i32 to vector<16xi32>
      %add3A_121 = arith.addi %min3A_118, %add3A_120 : vector<16xi32>
      %gather3A_122 = tpu.vector_load_idx %arg7[%add3A_121] : memref<32768xf32, #tpu.memory_space<vmem>>[vector<16xi32>], vector<16xf32>,
      %convert_element_type3A_123 = arith.sitofp %min3A_109 : vector<16xi32> to vector<16xf32>
      %mul3A_124 = arith.constant 0.00762939453 : f32
      %mul3A_125 = vector.broadcast %mul3A_124 : f32 to vector<16xf32>
      %mul3A_126 = arith.mulf %convert_element_type3A_123, %mul3A_125 : vector<16xf32>
      %add3A_127 = arith.constant 5.000000e+03 : f32
      %add3A_128 = vector.broadcast %add3A_127 : f32 to vector<16xf32>
      %add3A_129 = arith.addf %add3A_128, %mul3A_126 : vector<16xf32>
      %mul3A_130 = arith.mulf %add3A_129, %broadcast_in_dim3A_5 : vector<16xf32>
      %add3A_131 = arith.constant 0.00762939453 : f32
      %add3A_132 = vector.broadcast %add3A_131 : f32 to vector<16xf32>
      %add3A_133 = arith.addf %mul3A_126, %add3A_132 : vector<16xf32>
      %add3A_134 = arith.constant 5.000000e+03 : f32
      %add3A_135 = vector.broadcast %add3A_134 : f32 to vector<16xf32>
      %add3A_136 = arith.addf %add3A_135, %add3A_133 : vector<16xf32>
      %mul3A_137 = arith.mulf %add3A_136, %broadcast_in_dim3A_5 : vector<16xf32>
      %sub3A_138 = arith.subf %gather3A_122, %gather3A : vector<16xf32>
      %sub3A_139 = arith.subf %mul3A_137, %mul3A_130 : vector<16xf32>
      %div3A = arith.divf %sub3A_138, %sub3A_139 : vector<16xf32>
      %sub3A_140 = arith.subf %add3A_70, %mul3A_130 : vector<16xf32>
      %mul3A_141 = arith.mulf %div3A, %sub3A_140 : vector<16xf32>
      %add3A_142 = arith.addf %gather3A, %mul3A_141 : vector<16xf32>
      %get3A = arith.index_cast %add3A_62 : i32 to index
      %get3A_143 = tpu.vector_load %arg8[%get3A] {strides = array<i32>} : memref<4096xf32, #tpu.memory_space<vmem>>, vector<16xf32>,
      %get3A_144 = arith.index_cast %add3A_62 : i32 to index
      %get3A_145 = tpu.vector_load %arg9[%get3A_144] {strides = array<i32>} : memref<4096xf32, #tpu.memory_space<vmem>>, vector<16xf32>,
      %sub3A_146 = arith.subf %add3A_142, %get3A_145 : vector<16xf32>
      %mul3A_147 = arith.mulf %sub3A_146, %sub3A_146 : vector<16xf32>
      %mul3A_148 = arith.mulf %mul3A_147, %get3A_143 : vector<16xf32>
      %add3A_149 = arith.addf %scan3A_57, %mul3A_148 : vector<16xf32>
      %add3A_150 = arith.addf %scan3A_58, %get3A_143 : vector<16xf32>
      scf.yield %add3A_149, %add3A_150 : vector<16xf32>, vector<16xf32>
    }
    %scan3A_38 = arith.constant 64 : i32
    %mul3A_39 = arith.constant 131072 : i32
    %mul3A_40 = arith.muli %add3A, %mul3A_39 : i32
    %add3A_41 = arith.constant 98232 : i32
    %add3A_42 = arith.addi %mul3A_40, %add3A_41 : i32
    "tpu.region"() ({
      %run_scoped3A = tpu.sem_alloc : memref<!tpu.dma_semaphore, #tpu.memory_space<semaphore_mem>>
      %dma_start3A = tpu.memref_slice %arg2[%add3A_42] : memref<4194304xf32, #tpu.memory_space<hbm>> -> memref<32768xf32, #tpu.memory_space<hbm>>
      %dma_start3A_56 = tpu.memref_slice %arg2[%add3A_42] : memref<4194304xf32, #tpu.memory_space<hbm>> -> memref<32768xf32, #tpu.memory_space<hbm>>
      tpu.enqueue_dma source(%dma_start3A_56 : memref<32768xf32, #tpu.memory_space<hbm>>) target(%arg7 : memref<32768xf32, #tpu.memory_space<vmem>>) target_semaphore(%run_scoped3A : memref<!tpu.dma_semaphore, #tpu.memory_space<semaphore_mem>>)
      %dma_wait3A = tpu.memref_slice %arg2[%add3A_42] : memref<4194304xf32, #tpu.memory_space<hbm>> -> memref<32768xf32, #tpu.memory_space<hbm>>
      %dma_wait3A_57 = tpu.memref_slice %arg2[%add3A_42] : memref<4194304xf32, #tpu.memory_space<hbm>> -> memref<32768xf32, #tpu.memory_space<hbm>>
      tpu.wait_dma2 semaphore(%run_scoped3A : memref<!tpu.dma_semaphore, #tpu.memory_space<semaphore_mem>>) src(%dma_wait3A_57 : memref<32768xf32, #tpu.memory_space<hbm>>) dst(%arg7 : memref<32768xf32, #tpu.memory_space<vmem>>)
      tpu.yield
    }) : () -> ()
    %scan3A_43 = arith.constant 0 : i32
    %scan3A_44 = arith.constant 64 : i32
    %scan3A_45 = arith.addi %scan3A_43, %scan3A_44 : i32
    %scan3A_46 = arith.constant 1 : i32
    %scan3A_47:2 = scf.for %scan3A_56 = %scan3A_43 to %scan3A_45 step %scan3A_46 iter_args(%scan3A_57 = %scan3A_37#0, %scan3A_58 = %scan3A_37#1) -> (vector<16xf32>, vector<16xf32>)  : i32 {
      %mul3A_59 = arith.constant 16 : i32
      %mul3A_60 = arith.muli %scan3A_56, %mul3A_59 : i32
      %add3A_61 = arith.constant 3072 : i32
      %add3A_62 = arith.addi %add3A_61, %mul3A_60 : i32
      %add3A_63 = vector.broadcast %add3A_62 : i32 to vector<16xi32>
      %add3A_64 = arith.addi %add3A_63, %iota3A : vector<16xi32>
      %convert_element_type3A = arith.sitofp %add3A_64 : vector<16xi32> to vector<16xf32>
      %mul3A_65 = arith.constant 0.243652344 : f32
      %mul3A_66 = vector.broadcast %mul3A_65 : f32 to vector<16xf32>
      %mul3A_67 = arith.mulf %convert_element_type3A, %mul3A_66 : vector<16xf32>
      %add3A_68 = arith.constant 5.001000e+03 : f32
      %add3A_69 = vector.broadcast %add3A_68 : f32 to vector<16xf32>
      %add3A_70 = arith.addf %add3A_69, %mul3A_67 : vector<16xf32>
      %mul3A_71 = arith.mulf %add3A_70, %broadcast_in_dim3A_5 : vector<16xf32>
      %sub3A = arith.constant 5.000000e+03 : f32
      %sub3A_72 = vector.broadcast %sub3A : f32 to vector<16xf32>
      %sub3A_73 = arith.subf %mul3A_71, %sub3A_72 : vector<16xf32>
      %mul3A_74 = arith.constant 1.310720e+02 : f32
      %mul3A_75 = vector.broadcast %mul3A_74 : f32 to vector<16xf32>
      %mul3A_76 = arith.mulf %sub3A_73, %mul3A_75 : vector<16xf32>
      %add3A_77 = arith.constant 4.096000e+03 : f32
      %add3A_78 = vector.broadcast %add3A_77 : f32 to vector<16xf32>
      %add3A_79 = arith.addf %mul3A_76, %add3A_78 : vector<16xf32>
      %convert_element_type3A_80 = arith.fptosi %add3A_79 : vector<16xf32> to vector<16xi32>
      %sub3A_81 = arith.constant 4096 : i32
      %sub3A_82 = vector.broadcast %sub3A_81 : i32 to vector<16xi32>
      %sub3A_83 = arith.subi %convert_element_type3A_80, %sub3A_82 : vector<16xi32>
      %convert_element_type3A_84 = arith.sitofp %sub3A_83 : vector<16xi32> to vector<16xf32>
      %mul3A_85 = arith.constant 0.00762939453 : f32
      %mul3A_86 = vector.broadcast %mul3A_85 : f32 to vector<16xf32>
      %mul3A_87 = arith.mulf %convert_element_type3A_84, %mul3A_86 : vector<16xf32>
      %add3A_88 = arith.constant 5.000000e+03 : f32
      %add3A_89 = vector.broadcast %add3A_88 : f32 to vector<16xf32>
      %add3A_90 = arith.addf %add3A_89, %mul3A_87 : vector<16xf32>
      %add3A_91 = arith.constant 0.00762939453 : f32
      %add3A_92 = vector.broadcast %add3A_91 : f32 to vector<16xf32>
      %add3A_93 = arith.addf %mul3A_87, %add3A_92 : vector<16xf32>
      %add3A_94 = arith.constant 5.000000e+03 : f32
      %add3A_95 = vector.broadcast %add3A_94 : f32 to vector<16xf32>
      %add3A_96 = arith.addf %add3A_95, %add3A_93 : vector<16xf32>
      %mul3A_97 = arith.mulf %add3A_90, %broadcast_in_dim3A_5 : vector<16xf32>
      %lt3A = arith.cmpf olt, %mul3A_97, %add3A_70 : vector<16xf32>
      %mul3A_98 = arith.mulf %add3A_96, %broadcast_in_dim3A_5 : vector<16xf32>
      %lt3A_99 = arith.cmpf olt, %mul3A_98, %add3A_70 : vector<16xf32>
      %add3A_100 = arith.constant 1 : i32
      %add3A_101 = vector.broadcast %add3A_100 : i32 to vector<16xi32>
      %add3A_102 = arith.addi %sub3A_83, %add3A_101 : vector<16xi32>
      %sub3A_103 = arith.constant 1 : i32
      %sub3A_104 = vector.broadcast %sub3A_103 : i32 to vector<16xi32>
      %sub3A_105 = arith.subi %sub3A_83, %sub3A_104 : vector<16xi32>
      %select_n3A = arith.select %lt3A, %sub3A_83, %sub3A_105 : vector<16xi1>, vector<16xi32>
      %select_n3A_106 = arith.select %lt3A_99, %add3A_102, %select_n3A : vector<16xi1>, vector<16xi32>
      %jit3A = arith.constant 0 : i32
      %jit3A_107 = arith.constant 131070 : i32
      %max3A = vector.broadcast %jit3A : i32 to vector<16xi32>
      %max3A_108 = arith.maxsi %max3A, %select_n3A_106 : vector<16xi32>
      %min3A = vector.broadcast %jit3A_107 : i32 to vector<16xi32>
      %min3A_109 = arith.minsi %min3A, %max3A_108 : vector<16xi32>
      %sub3A_110 = arith.constant 98232 : i32
      %sub3A_111 = vector.broadcast %sub3A_110 : i32 to vector<16xi32>
      %sub3A_112 = arith.subi %min3A_109, %sub3A_111 : vector<16xi32>
      %jit3A_113 = arith.constant 0 : i32
      %jit3A_114 = arith.constant 32766 : i32
      %max3A_115 = vector.broadcast %jit3A_113 : i32 to vector<16xi32>
      %max3A_116 = arith.maxsi %max3A_115, %sub3A_112 : vector<16xi32>
      %min3A_117 = vector.broadcast %jit3A_114 : i32 to vector<16xi32>
      %min3A_118 = arith.minsi %min3A_117, %max3A_116 : vector<16xi32>
      %gather3A = tpu.vector_load_idx %arg7[%min3A_118] : memref<32768xf32, #tpu.memory_space<vmem>>[vector<16xi32>], vector<16xf32>,
      %add3A_119 = arith.constant 1 : i32
      %add3A_120 = vector.broadcast %add3A_119 : i32 to vector<16xi32>
      %add3A_121 = arith.addi %min3A_118, %add3A_120 : vector<16xi32>
      %gather3A_122 = tpu.vector_load_idx %arg7[%add3A_121] : memref<32768xf32, #tpu.memory_space<vmem>>[vector<16xi32>], vector<16xf32>,
      %convert_element_type3A_123 = arith.sitofp %min3A_109 : vector<16xi32> to vector<16xf32>
      %mul3A_124 = arith.constant 0.00762939453 : f32
      %mul3A_125 = vector.broadcast %mul3A_124 : f32 to vector<16xf32>
      %mul3A_126 = arith.mulf %convert_element_type3A_123, %mul3A_125 : vector<16xf32>
      %add3A_127 = arith.constant 5.000000e+03 : f32
      %add3A_128 = vector.broadcast %add3A_127 : f32 to vector<16xf32>
      %add3A_129 = arith.addf %add3A_128, %mul3A_126 : vector<16xf32>
      %mul3A_130 = arith.mulf %add3A_129, %broadcast_in_dim3A_5 : vector<16xf32>
      %add3A_131 = arith.constant 0.00762939453 : f32
      %add3A_132 = vector.broadcast %add3A_131 : f32 to vector<16xf32>
      %add3A_133 = arith.addf %mul3A_126, %add3A_132 : vector<16xf32>
      %add3A_134 = arith.constant 5.000000e+03 : f32
      %add3A_135 = vector.broadcast %add3A_134 : f32 to vector<16xf32>
      %add3A_136 = arith.addf %add3A_135, %add3A_133 : vector<16xf32>
      %mul3A_137 = arith.mulf %add3A_136, %broadcast_in_dim3A_5 : vector<16xf32>
      %sub3A_138 = arith.subf %gather3A_122, %gather3A : vector<16xf32>
      %sub3A_139 = arith.subf %mul3A_137, %mul3A_130 : vector<16xf32>
      %div3A = arith.divf %sub3A_138, %sub3A_139 : vector<16xf32>
      %sub3A_140 = arith.subf %add3A_70, %mul3A_130 : vector<16xf32>
      %mul3A_141 = arith.mulf %div3A, %sub3A_140 : vector<16xf32>
      %add3A_142 = arith.addf %gather3A, %mul3A_141 : vector<16xf32>
      %get3A = arith.index_cast %add3A_62 : i32 to index
      %get3A_143 = tpu.vector_load %arg8[%get3A] {strides = array<i32>} : memref<4096xf32, #tpu.memory_space<vmem>>, vector<16xf32>,
      %get3A_144 = arith.index_cast %add3A_62 : i32 to index
      %get3A_145 = tpu.vector_load %arg9[%get3A_144] {strides = array<i32>} : memref<4096xf32, #tpu.memory_space<vmem>>, vector<16xf32>,
      %sub3A_146 = arith.subf %add3A_142, %get3A_145 : vector<16xf32>
      %mul3A_147 = arith.mulf %sub3A_146, %sub3A_146 : vector<16xf32>
      %mul3A_148 = arith.mulf %mul3A_147, %get3A_143 : vector<16xf32>
      %add3A_149 = arith.addf %scan3A_57, %mul3A_148 : vector<16xf32>
      %add3A_150 = arith.addf %scan3A_58, %get3A_143 : vector<16xf32>
      scf.yield %add3A_149, %add3A_150 : vector<16xf32>, vector<16xf32>
    }
    %scan3A_48 = arith.constant 64 : i32
    %swap3A = arith.constant 0 : index
    %swap3A_49 = tpu.vector_load %arg10[%swap3A] {strides = array<i32>} : memref<16xf32, #tpu.memory_space<vmem>>, vector<16xf32>,
    tpu.vector_store %arg10[%swap3A], %scan3A_47#0 {strides = array<i32>} : memref<16xf32, #tpu.memory_space<vmem>>, vector<16xf32>,
    %swap3A_50 = arith.constant 0 : index
    %swap3A_51 = tpu.vector_load %arg11[%swap3A_50] {strides = array<i32>} : memref<16xf32, #tpu.memory_space<vmem>>, vector<16xf32>,
    tpu.vector_store %arg11[%swap3A_50], %scan3A_47#1 {strides = array<i32>} : memref<16xf32, #tpu.memory_space<vmem>>, vector<16xf32>,
    %mul3A_52 = arith.constant 16 : i32
    %mul3A_53 = arith.muli %add3A, %mul3A_52 : i32
    "tpu.region"() ({
      %run_scoped3A = tpu.sem_alloc : memref<!tpu.dma_semaphore, #tpu.memory_space<semaphore_mem>>
      %dma_start3A = tpu.memref_slice %arg5[%mul3A_53] : memref<512xf32, #tpu.memory_space<hbm>> -> memref<16xf32, #tpu.memory_space<hbm>>
      %dma_start3A_56 = tpu.memref_slice %arg5[%mul3A_53] : memref<512xf32, #tpu.memory_space<hbm>> -> memref<16xf32, #tpu.memory_space<hbm>>
      tpu.enqueue_dma source(%arg10 : memref<16xf32, #tpu.memory_space<vmem>>) target(%dma_start3A_56 : memref<16xf32, #tpu.memory_space<hbm>>) target_semaphore(%run_scoped3A : memref<!tpu.dma_semaphore, #tpu.memory_space<semaphore_mem>>)
      %dma_wait3A = tpu.memref_slice %arg5[%mul3A_53] : memref<512xf32, #tpu.memory_space<hbm>> -> memref<16xf32, #tpu.memory_space<hbm>>
      %dma_wait3A_57 = tpu.memref_slice %arg5[%mul3A_53] : memref<512xf32, #tpu.memory_space<hbm>> -> memref<16xf32, #tpu.memory_space<hbm>>
      tpu.wait_dma2 semaphore(%run_scoped3A : memref<!tpu.dma_semaphore, #tpu.memory_space<semaphore_mem>>) src(%arg10 : memref<16xf32, #tpu.memory_space<vmem>>) dst(%dma_wait3A_57 : memref<16xf32, #tpu.memory_space<hbm>>)
      tpu.yield
    }) : () -> ()
    %mul3A_54 = arith.constant 16 : i32
    %mul3A_55 = arith.muli %add3A, %mul3A_54 : i32
    "tpu.region"() ({
      %run_scoped3A = tpu.sem_alloc : memref<!tpu.dma_semaphore, #tpu.memory_space<semaphore_mem>>
      %dma_start3A = tpu.memref_slice %arg6[%mul3A_55] : memref<512xf32, #tpu.memory_space<hbm>> -> memref<16xf32, #tpu.memory_space<hbm>>
      %dma_start3A_56 = tpu.memref_slice %arg6[%mul3A_55] : memref<512xf32, #tpu.memory_space<hbm>> -> memref<16xf32, #tpu.memory_space<hbm>>
      tpu.enqueue_dma source(%arg11 : memref<16xf32, #tpu.memory_space<vmem>>) target(%dma_start3A_56 : memref<16xf32, #tpu.memory_space<hbm>>) target_semaphore(%run_scoped3A : memref<!tpu.dma_semaphore, #tpu.memory_space<semaphore_mem>>)
      %dma_wait3A = tpu.memref_slice %arg6[%mul3A_55] : memref<512xf32, #tpu.memory_space<hbm>> -> memref<16xf32, #tpu.memory_space<hbm>>
      %dma_wait3A_57 = tpu.memref_slice %arg6[%mul3A_55] : memref<512xf32, #tpu.memory_space<hbm>> -> memref<16xf32, #tpu.memory_space<hbm>>
      tpu.wait_dma2 semaphore(%run_scoped3A : memref<!tpu.dma_semaphore, #tpu.memory_space<semaphore_mem>>) src(%arg11 : memref<16xf32, #tpu.memory_space<vmem>>) dst(%dma_wait3A_57 : memref<16xf32, #tpu.memory_space<hbm>>)
      tpu.yield
    }) : () -> ()
    return
  }
}

#map = affine_map<(d0, d1) -> (0)>
module attributes {stable_mosaic.version = 14 : i64} {
  func.func @_sc1(%arg0: i32, %arg1: i32, %arg2: memref<131072xf32, #tpu.memory_space<hbm>>, %arg3: memref<32xf32, #tpu.memory_space<hbm>>, %arg4: memref<4194304xf32, #tpu.memory_space<hbm>>, %arg5: memref<34432xf32, #tpu.memory_space<vmem>>, %arg6: memref<32768xf32, #tpu.memory_space<vmem>>, %arg7: memref<32xf32, #tpu.memory_space<vmem>>) attributes {dimension_semantics = [#tpu.dimension_semantics<core_parallel>, #tpu.dimension_semantics<subcore_parallel>], iteration_bounds = array<i64: 2, 16>, scalar_prefetch = 0 : i64, scratch_operands = 3 : i64, tpu.core_type = #tpu.core_type<sc_vector_subcore>, window_params = [{transform_indices = #map}, {transform_indices = #map}, {transform_indices = #map}]} {
    %mul3A = arith.constant 2 : i32
    %mul3A_0 = arith.muli %arg1, %mul3A : i32
    %add3A = arith.addi %mul3A_0, %arg0 : i32
    "tpu.region"() ({
      %run_scoped3A = tpu.sem_alloc : memref<!tpu.dma_semaphore, #tpu.memory_space<semaphore_mem>>
      tpu.enqueue_dma source(%arg3 : memref<32xf32, #tpu.memory_space<hbm>>) target(%arg7 : memref<32xf32, #tpu.memory_space<vmem>>) target_semaphore(%run_scoped3A : memref<!tpu.dma_semaphore, #tpu.memory_space<semaphore_mem>>)
      tpu.wait_dma2 semaphore(%run_scoped3A : memref<!tpu.dma_semaphore, #tpu.memory_space<semaphore_mem>>) src(%arg3 : memref<32xf32, #tpu.memory_space<hbm>>) dst(%arg7 : memref<32xf32, #tpu.memory_space<vmem>>)
      tpu.yield
    }) : () -> ()
    %jit3A = arith.constant 16 : i32
    %div3A = arith.divsi %add3A, %jit3A : i32
    %sign3A = arith.constant 0 : i32
    %sign3A_1 = arith.cmpi sgt, %add3A, %sign3A : i32
    %sign3A_2 = arith.extui %sign3A_1 : i1 to i32
    %sign3A_3 = arith.constant 0 : i32
    %sign3A_4 = arith.cmpi slt, %add3A, %sign3A_3 : i32
    %sign3A_5 = arith.extui %sign3A_4 : i1 to i32
    %sign3A_6 = arith.subi %sign3A_2, %sign3A_5 : i32
    %sign3A_7 = arith.constant 0 : i32
    %sign3A_8 = arith.cmpi sgt, %jit3A, %sign3A_7 : i32
    %sign3A_9 = arith.extui %sign3A_8 : i1 to i32
    %sign3A_10 = arith.constant 0 : i32
    %sign3A_11 = arith.cmpi slt, %jit3A, %sign3A_10 : i32
    %sign3A_12 = arith.extui %sign3A_11 : i1 to i32
    %sign3A_13 = arith.subi %sign3A_9, %sign3A_12 : i32
    %ne3A = arith.cmpi ne, %sign3A_6, %sign3A_13 : i32
    %rem3A = arith.remsi %add3A, %jit3A : i32
    %ne3A_14 = arith.constant 0 : i32
    %ne3A_15 = arith.cmpi ne, %rem3A, %ne3A_14 : i32
    %and3A = arith.andi %ne3A, %ne3A_15 : i1
    %sub3A = arith.constant 1 : i32
    %sub3A_16 = arith.subi %div3A, %sub3A : i32
    %select_n3A = arith.select %and3A, %sub3A_16, %div3A : i32
    %mul3A_17 = arith.constant 16 : i32
    %mul3A_18 = arith.muli %select_n3A, %mul3A_17 : i32
    %get3A = arith.index_cast %mul3A_18 : i32 to index
    %get3A_19 = tpu.vector_load %arg7[%get3A] {strides = array<i32>} : memref<32xf32, #tpu.memory_space<vmem>>, vector<16xf32>,
    %jit3A_20 = arith.constant 16 : i32
    %eq3A = arith.constant 0 : i32
    %eq3A_21 = arith.cmpi eq, %jit3A_20, %eq3A : i32
    %jit3A_22 = arith.constant 1 : i32
    %select_n3A_23 = arith.select %eq3A_21, %jit3A_22, %jit3A_20 : i32
    %rem3A_24 = arith.remsi %add3A, %select_n3A_23 : i32
    %ne3A_25 = arith.constant 0 : i32
    %ne3A_26 = arith.cmpi ne, %rem3A_24, %ne3A_25 : i32
    %lt3A = arith.constant 0 : i32
    %lt3A_27 = arith.cmpi slt, %rem3A_24, %lt3A : i32
    %lt3A_28 = arith.constant 0 : i32
    %lt3A_29 = arith.cmpi slt, %select_n3A_23, %lt3A_28 : i32
    %ne3A_30 = arith.xori %lt3A_27, %lt3A_29 : i1
    %and3A_31 = arith.andi %ne3A_30, %ne3A_26 : i1
    %add3A_32 = arith.addi %rem3A_24, %select_n3A_23 : i32
    %select_n3A_33 = arith.select %and3A_31, %add3A_32, %rem3A_24 : i32
    %broadcast_in_dim3A = vector.broadcast %select_n3A_33 : i32 to vector<16xi32>
    %iota3A = tpu.iota {dimensions = array<i32: 0>} : vector<16xi32>
    %eq3A_34 = arith.cmpi eq, %iota3A, %broadcast_in_dim3A : vector<16xi32>
    %jit3A_35 = arith.constant 0.000000e+00 : f32
    %broadcast_in_dim3A_36 = vector.broadcast %jit3A_35 : f32 to vector<16xf32>
    %select_n3A_37 = arith.select %eq3A_34, %get3A_19, %broadcast_in_dim3A_36 : vector<16xi1>, vector<16xf32>
    %reduce_sum3A = arith.constant true
    %reduce_sum3A_38 = vector.broadcast %reduce_sum3A : i1 to vector<16xi1>
    %reduce_sum3A_39 = tpu.scan <sum>, %select_n3A_37 masked %reduce_sum3A_38 : vector<16xf32>, vector<16xi1> -> vector<16xf32>
    %reduce_sum3A_40 = vector.extract %reduce_sum3A_39[15] : f32 from vector<16xf32>
    %broadcast_in_dim3A_41 = vector.broadcast %reduce_sum3A_40 : f32 to vector<16xf32>
    %div3A_42 = arith.constant 0x4D8EF3C2 : f32
    %div3A_43 = vector.broadcast %div3A_42 : f32 to vector<16xf32>
    %div3A_44 = arith.divf %broadcast_in_dim3A_41, %div3A_43 : vector<16xf32>
    %exp3A = math.exp %div3A_44 : vector<16xf32>
    %div3A_45 = arith.constant 1.000000e+00 : f32
    %div3A_46 = vector.broadcast %div3A_45 : f32 to vector<16xf32>
    %div3A_47 = arith.divf %div3A_46, %exp3A : vector<16xf32>
    %mul3A_48 = arith.constant 1.310720e+02 : f32
    %mul3A_49 = vector.broadcast %mul3A_48 : f32 to vector<16xf32>
    %mul3A_50 = arith.mulf %div3A_47, %mul3A_49 : vector<16xf32>
    %iota3A_51 = tpu.iota {dimensions = array<i32: 0>} : vector<16xi32>
    %convert_element_type3A = arith.sitofp %iota3A_51 : vector<16xi32> to vector<16xf32>
    "tpu.region"() ({
      %run_scoped3A = tpu.sem_alloc : memref<!tpu.dma_semaphore, #tpu.memory_space<semaphore_mem>>
      %dma_start3A = arith.constant 0 : i32
      %dma_start3A_91 = tpu.memref_slice %arg2[%dma_start3A] : memref<131072xf32, #tpu.memory_space<hbm>> -> memref<34432xf32, #tpu.memory_space<hbm>>
      %dma_start3A_92 = arith.constant 0 : i32
      %dma_start3A_93 = tpu.memref_slice %arg2[%dma_start3A_92] : memref<131072xf32, #tpu.memory_space<hbm>> -> memref<34432xf32, #tpu.memory_space<hbm>>
      tpu.enqueue_dma source(%dma_start3A_93 : memref<34432xf32, #tpu.memory_space<hbm>>) target(%arg5 : memref<34432xf32, #tpu.memory_space<vmem>>) target_semaphore(%run_scoped3A : memref<!tpu.dma_semaphore, #tpu.memory_space<semaphore_mem>>)
      %dma_wait3A = arith.constant 0 : i32
      %dma_wait3A_94 = tpu.memref_slice %arg2[%dma_wait3A] : memref<131072xf32, #tpu.memory_space<hbm>> -> memref<34432xf32, #tpu.memory_space<hbm>>
      %dma_wait3A_95 = arith.constant 0 : i32
      %dma_wait3A_96 = tpu.memref_slice %arg2[%dma_wait3A_95] : memref<131072xf32, #tpu.memory_space<hbm>> -> memref<34432xf32, #tpu.memory_space<hbm>>
      tpu.wait_dma2 semaphore(%run_scoped3A : memref<!tpu.dma_semaphore, #tpu.memory_space<semaphore_mem>>) src(%dma_wait3A_96 : memref<34432xf32, #tpu.memory_space<hbm>>) dst(%arg5 : memref<34432xf32, #tpu.memory_space<vmem>>)
      tpu.yield
    }) : () -> ()
    %add3A_52 = arith.constant 0.000000e+00 : f32
    %add3A_53 = vector.broadcast %add3A_52 : f32 to vector<16xf32>
    %add3A_54 = arith.addf %convert_element_type3A, %add3A_53 : vector<16xf32>
    %parallel_loop3A = arith.constant 0 : i32
    %parallel_loop3A_55 = arith.constant 32768 : i32
    %parallel_loop3A_56 = arith.constant 16 : i32
    scf.for %parallel_loop3A_91 = %parallel_loop3A to %parallel_loop3A_55 step %parallel_loop3A_56  : i32 {
      %parallel_loop3A_92 = arith.sitofp %parallel_loop3A_91 : i32 to f32
      %parallel_loop3A_93 = vector.broadcast %parallel_loop3A_92 : f32 to vector<16xf32>
      %parallel_loop3A_94 = arith.addf %parallel_loop3A_93, %add3A_54 : vector<16xf32>
      %parallel_loop3A_95 = arith.constant 0.00762939453 : f32
      %parallel_loop3A_96 = vector.broadcast %parallel_loop3A_95 : f32 to vector<16xf32>
      %parallel_loop3A_97 = arith.mulf %parallel_loop3A_94, %parallel_loop3A_96 : vector<16xf32>
      %parallel_loop3A_98 = arith.constant 5.000000e+03 : f32
      %parallel_loop3A_99 = vector.broadcast %parallel_loop3A_98 : f32 to vector<16xf32>
      %parallel_loop3A_100 = arith.addf %parallel_loop3A_99, %parallel_loop3A_97 : vector<16xf32>
      %parallel_loop3A_101 = arith.mulf %parallel_loop3A_100, %mul3A_50 : vector<16xf32>
      %parallel_loop3A_102 = arith.constant 6.512640e+05 : f32
      %parallel_loop3A_103 = vector.broadcast %parallel_loop3A_102 : f32 to vector<16xf32>
      %parallel_loop3A_104 = arith.subf %parallel_loop3A_101, %parallel_loop3A_103 : vector<16xf32>
      %parallel_loop3A_105 = arith.fptosi %parallel_loop3A_104 : vector<16xf32> to vector<16xi32>
      %parallel_loop3A_106 = arith.constant 4096 : i32
      %parallel_loop3A_107 = vector.broadcast %parallel_loop3A_106 : i32 to vector<16xi32>
      %parallel_loop3A_108 = arith.subi %parallel_loop3A_105, %parallel_loop3A_107 : vector<16xi32>
      %parallel_loop3A_109 = arith.sitofp %parallel_loop3A_108 : vector<16xi32> to vector<16xf32>
      %parallel_loop3A_110 = arith.constant 0.00762939453 : f32
      %parallel_loop3A_111 = vector.broadcast %parallel_loop3A_110 : f32 to vector<16xf32>
      %parallel_loop3A_112 = arith.mulf %parallel_loop3A_109, %parallel_loop3A_111 : vector<16xf32>
      %parallel_loop3A_113 = arith.constant 5.000000e+03 : f32
      %parallel_loop3A_114 = vector.broadcast %parallel_loop3A_113 : f32 to vector<16xf32>
      %parallel_loop3A_115 = arith.addf %parallel_loop3A_114, %parallel_loop3A_112 : vector<16xf32>
      %parallel_loop3A_116 = arith.constant 0.00762939453 : f32
      %parallel_loop3A_117 = vector.broadcast %parallel_loop3A_116 : f32 to vector<16xf32>
      %parallel_loop3A_118 = arith.addf %parallel_loop3A_112, %parallel_loop3A_117 : vector<16xf32>
      %parallel_loop3A_119 = arith.constant 5.000000e+03 : f32
      %parallel_loop3A_120 = vector.broadcast %parallel_loop3A_119 : f32 to vector<16xf32>
      %parallel_loop3A_121 = arith.addf %parallel_loop3A_120, %parallel_loop3A_118 : vector<16xf32>
      %parallel_loop3A_122 = arith.mulf %parallel_loop3A_115, %exp3A : vector<16xf32>
      %parallel_loop3A_123 = arith.cmpf olt, %parallel_loop3A_122, %parallel_loop3A_100 : vector<16xf32>
      %parallel_loop3A_124 = arith.mulf %parallel_loop3A_121, %exp3A : vector<16xf32>
      %parallel_loop3A_125 = arith.cmpf olt, %parallel_loop3A_124, %parallel_loop3A_100 : vector<16xf32>
      %parallel_loop3A_126 = arith.constant 1 : i32
      %parallel_loop3A_127 = vector.broadcast %parallel_loop3A_126 : i32 to vector<16xi32>
      %parallel_loop3A_128 = arith.addi %parallel_loop3A_108, %parallel_loop3A_127 : vector<16xi32>
      %parallel_loop3A_129 = arith.constant 1 : i32
      %parallel_loop3A_130 = vector.broadcast %parallel_loop3A_129 : i32 to vector<16xi32>
      %parallel_loop3A_131 = arith.subi %parallel_loop3A_108, %parallel_loop3A_130 : vector<16xi32>
      %parallel_loop3A_132 = arith.select %parallel_loop3A_123, %parallel_loop3A_108, %parallel_loop3A_131 : vector<16xi1>, vector<16xi32>
      %parallel_loop3A_133 = arith.select %parallel_loop3A_125, %parallel_loop3A_128, %parallel_loop3A_132 : vector<16xi1>, vector<16xi32>
      %parallel_loop3A_134 = arith.constant 0 : i32
      %parallel_loop3A_135 = vector.broadcast %parallel_loop3A_134 : i32 to vector<16xi32>
      %parallel_loop3A_136 = arith.subi %parallel_loop3A_133, %parallel_loop3A_135 : vector<16xi32>
      %parallel_loop3A_137 = arith.constant 0 : i32
      %parallel_loop3A_138 = arith.constant 34430 : i32
      %parallel_loop3A_139 = vector.broadcast %parallel_loop3A_137 : i32 to vector<16xi32>
      %parallel_loop3A_140 = arith.maxsi %parallel_loop3A_139, %parallel_loop3A_136 : vector<16xi32>
      %parallel_loop3A_141 = vector.broadcast %parallel_loop3A_138 : i32 to vector<16xi32>
      %parallel_loop3A_142 = arith.minsi %parallel_loop3A_141, %parallel_loop3A_140 : vector<16xi32>
      %parallel_loop3A_143 = tpu.vector_load_idx %arg5[%parallel_loop3A_142] : memref<34432xf32, #tpu.memory_space<vmem>>[vector<16xi32>], vector<16xf32>,
      %parallel_loop3A_144 = arith.constant 1 : i32
      %parallel_loop3A_145 = vector.broadcast %parallel_loop3A_144 : i32 to vector<16xi32>
      %parallel_loop3A_146 = arith.addi %parallel_loop3A_142, %parallel_loop3A_145 : vector<16xi32>
      %parallel_loop3A_147 = tpu.vector_load_idx %arg5[%parallel_loop3A_146] : memref<34432xf32, #tpu.memory_space<vmem>>[vector<16xi32>], vector<16xf32>,
      %parallel_loop3A_148 = arith.constant 0 : i32
      %parallel_loop3A_149 = vector.broadcast %parallel_loop3A_148 : i32 to vector<16xi32>
      %parallel_loop3A_150 = arith.addi %parallel_loop3A_142, %parallel_loop3A_149 : vector<16xi32>
      %parallel_loop3A_151 = arith.sitofp %parallel_loop3A_150 : vector<16xi32> to vector<16xf32>
      %parallel_loop3A_152 = arith.constant 0.00762939453 : f32
      %parallel_loop3A_153 = vector.broadcast %parallel_loop3A_152 : f32 to vector<16xf32>
      %parallel_loop3A_154 = arith.mulf %parallel_loop3A_151, %parallel_loop3A_153 : vector<16xf32>
      %parallel_loop3A_155 = arith.constant 5.000000e+03 : f32
      %parallel_loop3A_156 = vector.broadcast %parallel_loop3A_155 : f32 to vector<16xf32>
      %parallel_loop3A_157 = arith.addf %parallel_loop3A_156, %parallel_loop3A_154 : vector<16xf32>
      %parallel_loop3A_158 = arith.mulf %parallel_loop3A_157, %exp3A : vector<16xf32>
      %parallel_loop3A_159 = arith.constant 0.00762939453 : f32
      %parallel_loop3A_160 = vector.broadcast %parallel_loop3A_159 : f32 to vector<16xf32>
      %parallel_loop3A_161 = arith.addf %parallel_loop3A_154, %parallel_loop3A_160 : vector<16xf32>
      %parallel_loop3A_162 = arith.constant 5.000000e+03 : f32
      %parallel_loop3A_163 = vector.broadcast %parallel_loop3A_162 : f32 to vector<16xf32>
      %parallel_loop3A_164 = arith.addf %parallel_loop3A_163, %parallel_loop3A_161 : vector<16xf32>
      %parallel_loop3A_165 = arith.mulf %parallel_loop3A_164, %exp3A : vector<16xf32>
      %parallel_loop3A_166 = arith.subf %parallel_loop3A_147, %parallel_loop3A_143 : vector<16xf32>
      %parallel_loop3A_167 = arith.subf %parallel_loop3A_165, %parallel_loop3A_158 : vector<16xf32>
      %parallel_loop3A_168 = arith.divf %parallel_loop3A_166, %parallel_loop3A_167 : vector<16xf32>
      %parallel_loop3A_169 = arith.subf %parallel_loop3A_100, %parallel_loop3A_158 : vector<16xf32>
      %parallel_loop3A_170 = arith.mulf %parallel_loop3A_168, %parallel_loop3A_169 : vector<16xf32>
      %parallel_loop3A_171 = arith.addf %parallel_loop3A_143, %parallel_loop3A_170 : vector<16xf32>
      %parallel_loop3A_172 = arith.index_cast %parallel_loop3A_91 : i32 to index
      %parallel_loop3A_173 = tpu.vector_load %arg6[%parallel_loop3A_172] {strides = array<i32>} : memref<32768xf32, #tpu.memory_space<vmem>>, vector<16xf32>,
      tpu.vector_store %arg6[%parallel_loop3A_172], %parallel_loop3A_171 {strides = array<i32>} : memref<32768xf32, #tpu.memory_space<vmem>>, vector<16xf32>,
    } {sc.loop_unroll_factor = 8 : i64, sc.parallel_access}
    %mul3A_57 = arith.constant 131072 : i32
    %mul3A_58 = arith.muli %add3A, %mul3A_57 : i32
    %add3A_59 = arith.constant 0 : i32
    %add3A_60 = arith.addi %mul3A_58, %add3A_59 : i32
    "tpu.region"() ({
      %run_scoped3A = tpu.sem_alloc : memref<!tpu.dma_semaphore, #tpu.memory_space<semaphore_mem>>
      %dma_start3A = tpu.memref_slice %arg4[%add3A_60] : memref<4194304xf32, #tpu.memory_space<hbm>> -> memref<32768xf32, #tpu.memory_space<hbm>>
      %dma_start3A_91 = tpu.memref_slice %arg4[%add3A_60] : memref<4194304xf32, #tpu.memory_space<hbm>> -> memref<32768xf32, #tpu.memory_space<hbm>>
      tpu.enqueue_dma source(%arg6 : memref<32768xf32, #tpu.memory_space<vmem>>) target(%dma_start3A_91 : memref<32768xf32, #tpu.memory_space<hbm>>) target_semaphore(%run_scoped3A : memref<!tpu.dma_semaphore, #tpu.memory_space<semaphore_mem>>)
      %dma_wait3A = tpu.memref_slice %arg4[%add3A_60] : memref<4194304xf32, #tpu.memory_space<hbm>> -> memref<32768xf32, #tpu.memory_space<hbm>>
      %dma_wait3A_92 = tpu.memref_slice %arg4[%add3A_60] : memref<4194304xf32, #tpu.memory_space<hbm>> -> memref<32768xf32, #tpu.memory_space<hbm>>
      tpu.wait_dma2 semaphore(%run_scoped3A : memref<!tpu.dma_semaphore, #tpu.memory_space<semaphore_mem>>) src(%arg6 : memref<32768xf32, #tpu.memory_space<vmem>>) dst(%dma_wait3A_92 : memref<32768xf32, #tpu.memory_space<hbm>>)
      tpu.yield
    }) : () -> ()
    "tpu.region"() ({
      %run_scoped3A = tpu.sem_alloc : memref<!tpu.dma_semaphore, #tpu.memory_space<semaphore_mem>>
      %dma_start3A = arith.constant 31992 : i32
      %dma_start3A_91 = tpu.memref_slice %arg2[%dma_start3A] : memref<131072xf32, #tpu.memory_space<hbm>> -> memref<34432xf32, #tpu.memory_space<hbm>>
      %dma_start3A_92 = arith.constant 31992 : i32
      %dma_start3A_93 = tpu.memref_slice %arg2[%dma_start3A_92] : memref<131072xf32, #tpu.memory_space<hbm>> -> memref<34432xf32, #tpu.memory_space<hbm>>
      tpu.enqueue_dma source(%dma_start3A_93 : memref<34432xf32, #tpu.memory_space<hbm>>) target(%arg5 : memref<34432xf32, #tpu.memory_space<vmem>>) target_semaphore(%run_scoped3A : memref<!tpu.dma_semaphore, #tpu.memory_space<semaphore_mem>>)
      %dma_wait3A = arith.constant 31992 : i32
      %dma_wait3A_94 = tpu.memref_slice %arg2[%dma_wait3A] : memref<131072xf32, #tpu.memory_space<hbm>> -> memref<34432xf32, #tpu.memory_space<hbm>>
      %dma_wait3A_95 = arith.constant 31992 : i32
      %dma_wait3A_96 = tpu.memref_slice %arg2[%dma_wait3A_95] : memref<131072xf32, #tpu.memory_space<hbm>> -> memref<34432xf32, #tpu.memory_space<hbm>>
      tpu.wait_dma2 semaphore(%run_scoped3A : memref<!tpu.dma_semaphore, #tpu.memory_space<semaphore_mem>>) src(%dma_wait3A_96 : memref<34432xf32, #tpu.memory_space<hbm>>) dst(%arg5 : memref<34432xf32, #tpu.memory_space<vmem>>)
      tpu.yield
    }) : () -> ()
    %add3A_61 = arith.constant 3.276800e+04 : f32
    %add3A_62 = vector.broadcast %add3A_61 : f32 to vector<16xf32>
    %add3A_63 = arith.addf %convert_element_type3A, %add3A_62 : vector<16xf32>
    %parallel_loop3A_64 = arith.constant 0 : i32
    %parallel_loop3A_65 = arith.constant 32768 : i32
    %parallel_loop3A_66 = arith.constant 16 : i32
    scf.for %parallel_loop3A_91 = %parallel_loop3A_64 to %parallel_loop3A_65 step %parallel_loop3A_66  : i32 {
      %parallel_loop3A_92 = arith.sitofp %parallel_loop3A_91 : i32 to f32
      %parallel_loop3A_93 = vector.broadcast %parallel_loop3A_92 : f32 to vector<16xf32>
      %parallel_loop3A_94 = arith.addf %parallel_loop3A_93, %add3A_63 : vector<16xf32>
      %parallel_loop3A_95 = arith.constant 0.00762939453 : f32
      %parallel_loop3A_96 = vector.broadcast %parallel_loop3A_95 : f32 to vector<16xf32>
      %parallel_loop3A_97 = arith.mulf %parallel_loop3A_94, %parallel_loop3A_96 : vector<16xf32>
      %parallel_loop3A_98 = arith.constant 5.000000e+03 : f32
      %parallel_loop3A_99 = vector.broadcast %parallel_loop3A_98 : f32 to vector<16xf32>
      %parallel_loop3A_100 = arith.addf %parallel_loop3A_99, %parallel_loop3A_97 : vector<16xf32>
      %parallel_loop3A_101 = arith.mulf %parallel_loop3A_100, %mul3A_50 : vector<16xf32>
      %parallel_loop3A_102 = arith.constant 6.512640e+05 : f32
      %parallel_loop3A_103 = vector.broadcast %parallel_loop3A_102 : f32 to vector<16xf32>
      %parallel_loop3A_104 = arith.subf %parallel_loop3A_101, %parallel_loop3A_103 : vector<16xf32>
      %parallel_loop3A_105 = arith.fptosi %parallel_loop3A_104 : vector<16xf32> to vector<16xi32>
      %parallel_loop3A_106 = arith.constant 4096 : i32
      %parallel_loop3A_107 = vector.broadcast %parallel_loop3A_106 : i32 to vector<16xi32>
      %parallel_loop3A_108 = arith.subi %parallel_loop3A_105, %parallel_loop3A_107 : vector<16xi32>
      %parallel_loop3A_109 = arith.sitofp %parallel_loop3A_108 : vector<16xi32> to vector<16xf32>
      %parallel_loop3A_110 = arith.constant 0.00762939453 : f32
      %parallel_loop3A_111 = vector.broadcast %parallel_loop3A_110 : f32 to vector<16xf32>
      %parallel_loop3A_112 = arith.mulf %parallel_loop3A_109, %parallel_loop3A_111 : vector<16xf32>
      %parallel_loop3A_113 = arith.constant 5.000000e+03 : f32
      %parallel_loop3A_114 = vector.broadcast %parallel_loop3A_113 : f32 to vector<16xf32>
      %parallel_loop3A_115 = arith.addf %parallel_loop3A_114, %parallel_loop3A_112 : vector<16xf32>
      %parallel_loop3A_116 = arith.constant 0.00762939453 : f32
      %parallel_loop3A_117 = vector.broadcast %parallel_loop3A_116 : f32 to vector<16xf32>
      %parallel_loop3A_118 = arith.addf %parallel_loop3A_112, %parallel_loop3A_117 : vector<16xf32>
      %parallel_loop3A_119 = arith.constant 5.000000e+03 : f32
      %parallel_loop3A_120 = vector.broadcast %parallel_loop3A_119 : f32 to vector<16xf32>
      %parallel_loop3A_121 = arith.addf %parallel_loop3A_120, %parallel_loop3A_118 : vector<16xf32>
      %parallel_loop3A_122 = arith.mulf %parallel_loop3A_115, %exp3A : vector<16xf32>
      %parallel_loop3A_123 = arith.cmpf olt, %parallel_loop3A_122, %parallel_loop3A_100 : vector<16xf32>
      %parallel_loop3A_124 = arith.mulf %parallel_loop3A_121, %exp3A : vector<16xf32>
      %parallel_loop3A_125 = arith.cmpf olt, %parallel_loop3A_124, %parallel_loop3A_100 : vector<16xf32>
      %parallel_loop3A_126 = arith.constant 1 : i32
      %parallel_loop3A_127 = vector.broadcast %parallel_loop3A_126 : i32 to vector<16xi32>
      %parallel_loop3A_128 = arith.addi %parallel_loop3A_108, %parallel_loop3A_127 : vector<16xi32>
      %parallel_loop3A_129 = arith.constant 1 : i32
      %parallel_loop3A_130 = vector.broadcast %parallel_loop3A_129 : i32 to vector<16xi32>
      %parallel_loop3A_131 = arith.subi %parallel_loop3A_108, %parallel_loop3A_130 : vector<16xi32>
      %parallel_loop3A_132 = arith.select %parallel_loop3A_123, %parallel_loop3A_108, %parallel_loop3A_131 : vector<16xi1>, vector<16xi32>
      %parallel_loop3A_133 = arith.select %parallel_loop3A_125, %parallel_loop3A_128, %parallel_loop3A_132 : vector<16xi1>, vector<16xi32>
      %parallel_loop3A_134 = arith.constant 31992 : i32
      %parallel_loop3A_135 = vector.broadcast %parallel_loop3A_134 : i32 to vector<16xi32>
      %parallel_loop3A_136 = arith.subi %parallel_loop3A_133, %parallel_loop3A_135 : vector<16xi32>
      %parallel_loop3A_137 = arith.constant 0 : i32
      %parallel_loop3A_138 = arith.constant 34430 : i32
      %parallel_loop3A_139 = vector.broadcast %parallel_loop3A_137 : i32 to vector<16xi32>
      %parallel_loop3A_140 = arith.maxsi %parallel_loop3A_139, %parallel_loop3A_136 : vector<16xi32>
      %parallel_loop3A_141 = vector.broadcast %parallel_loop3A_138 : i32 to vector<16xi32>
      %parallel_loop3A_142 = arith.minsi %parallel_loop3A_141, %parallel_loop3A_140 : vector<16xi32>
      %parallel_loop3A_143 = tpu.vector_load_idx %arg5[%parallel_loop3A_142] : memref<34432xf32, #tpu.memory_space<vmem>>[vector<16xi32>], vector<16xf32>,
      %parallel_loop3A_144 = arith.constant 1 : i32
      %parallel_loop3A_145 = vector.broadcast %parallel_loop3A_144 : i32 to vector<16xi32>
      %parallel_loop3A_146 = arith.addi %parallel_loop3A_142, %parallel_loop3A_145 : vector<16xi32>
      %parallel_loop3A_147 = tpu.vector_load_idx %arg5[%parallel_loop3A_146] : memref<34432xf32, #tpu.memory_space<vmem>>[vector<16xi32>], vector<16xf32>,
      %parallel_loop3A_148 = arith.constant 31992 : i32
      %parallel_loop3A_149 = vector.broadcast %parallel_loop3A_148 : i32 to vector<16xi32>
      %parallel_loop3A_150 = arith.addi %parallel_loop3A_142, %parallel_loop3A_149 : vector<16xi32>
      %parallel_loop3A_151 = arith.sitofp %parallel_loop3A_150 : vector<16xi32> to vector<16xf32>
      %parallel_loop3A_152 = arith.constant 0.00762939453 : f32
      %parallel_loop3A_153 = vector.broadcast %parallel_loop3A_152 : f32 to vector<16xf32>
      %parallel_loop3A_154 = arith.mulf %parallel_loop3A_151, %parallel_loop3A_153 : vector<16xf32>
      %parallel_loop3A_155 = arith.constant 5.000000e+03 : f32
      %parallel_loop3A_156 = vector.broadcast %parallel_loop3A_155 : f32 to vector<16xf32>
      %parallel_loop3A_157 = arith.addf %parallel_loop3A_156, %parallel_loop3A_154 : vector<16xf32>
      %parallel_loop3A_158 = arith.mulf %parallel_loop3A_157, %exp3A : vector<16xf32>
      %parallel_loop3A_159 = arith.constant 0.00762939453 : f32
      %parallel_loop3A_160 = vector.broadcast %parallel_loop3A_159 : f32 to vector<16xf32>
      %parallel_loop3A_161 = arith.addf %parallel_loop3A_154, %parallel_loop3A_160 : vector<16xf32>
      %parallel_loop3A_162 = arith.constant 5.000000e+03 : f32
      %parallel_loop3A_163 = vector.broadcast %parallel_loop3A_162 : f32 to vector<16xf32>
      %parallel_loop3A_164 = arith.addf %parallel_loop3A_163, %parallel_loop3A_161 : vector<16xf32>
      %parallel_loop3A_165 = arith.mulf %parallel_loop3A_164, %exp3A : vector<16xf32>
      %parallel_loop3A_166 = arith.subf %parallel_loop3A_147, %parallel_loop3A_143 : vector<16xf32>
      %parallel_loop3A_167 = arith.subf %parallel_loop3A_165, %parallel_loop3A_158 : vector<16xf32>
      %parallel_loop3A_168 = arith.divf %parallel_loop3A_166, %parallel_loop3A_167 : vector<16xf32>
      %parallel_loop3A_169 = arith.subf %parallel_loop3A_100, %parallel_loop3A_158 : vector<16xf32>
      %parallel_loop3A_170 = arith.mulf %parallel_loop3A_168, %parallel_loop3A_169 : vector<16xf32>
      %parallel_loop3A_171 = arith.addf %parallel_loop3A_143, %parallel_loop3A_170 : vector<16xf32>
      %parallel_loop3A_172 = arith.index_cast %parallel_loop3A_91 : i32 to index
      %parallel_loop3A_173 = tpu.vector_load %arg6[%parallel_loop3A_172] {strides = array<i32>} : memref<32768xf32, #tpu.memory_space<vmem>>, vector<16xf32>,
      tpu.vector_store %arg6[%parallel_loop3A_172], %parallel_loop3A_171 {strides = array<i32>} : memref<32768xf32, #tpu.memory_space<vmem>>, vector<16xf32>,
    } {sc.loop_unroll_factor = 8 : i64, sc.parallel_access}
    %mul3A_67 = arith.constant 131072 : i32
    %mul3A_68 = arith.muli %add3A, %mul3A_67 : i32
    %add3A_69 = arith.constant 32768 : i32
    %add3A_70 = arith.addi %mul3A_68, %add3A_69 : i32
    "tpu.region"() ({
      %run_scoped3A = tpu.sem_alloc : memref<!tpu.dma_semaphore, #tpu.memory_space<semaphore_mem>>
      %dma_start3A = tpu.memref_slice %arg4[%add3A_70] : memref<4194304xf32, #tpu.memory_space<hbm>> -> memref<32768xf32, #tpu.memory_space<hbm>>
      %dma_start3A_91 = tpu.memref_slice %arg4[%add3A_70] : memref<4194304xf32, #tpu.memory_space<hbm>> -> memref<32768xf32, #tpu.memory_space<hbm>>
      tpu.enqueue_dma source(%arg6 : memref<32768xf32, #tpu.memory_space<vmem>>) target(%dma_start3A_91 : memref<32768xf32, #tpu.memory_space<hbm>>) target_semaphore(%run_scoped3A : memref<!tpu.dma_semaphore, #tpu.memory_space<semaphore_mem>>)
      %dma_wait3A = tpu.memref_slice %arg4[%add3A_70] : memref<4194304xf32, #tpu.memory_space<hbm>> -> memref<32768xf32, #tpu.memory_space<hbm>>
      %dma_wait3A_92 = tpu.memref_slice %arg4[%add3A_70] : memref<4194304xf32, #tpu.memory_space<hbm>> -> memref<32768xf32, #tpu.memory_space<hbm>>
      tpu.wait_dma2 semaphore(%run_scoped3A : memref<!tpu.dma_semaphore, #tpu.memory_space<semaphore_mem>>) src(%arg6 : memref<32768xf32, #tpu.memory_space<vmem>>) dst(%dma_wait3A_92 : memref<32768xf32, #tpu.memory_space<hbm>>)
      tpu.yield
    }) : () -> ()
    "tpu.region"() ({
      %run_scoped3A = tpu.sem_alloc : memref<!tpu.dma_semaphore, #tpu.memory_space<semaphore_mem>>
      %dma_start3A = arith.constant 64760 : i32
      %dma_start3A_91 = tpu.memref_slice %arg2[%dma_start3A] : memref<131072xf32, #tpu.memory_space<hbm>> -> memref<34432xf32, #tpu.memory_space<hbm>>
      %dma_start3A_92 = arith.constant 64760 : i32
      %dma_start3A_93 = tpu.memref_slice %arg2[%dma_start3A_92] : memref<131072xf32, #tpu.memory_space<hbm>> -> memref<34432xf32, #tpu.memory_space<hbm>>
      tpu.enqueue_dma source(%dma_start3A_93 : memref<34432xf32, #tpu.memory_space<hbm>>) target(%arg5 : memref<34432xf32, #tpu.memory_space<vmem>>) target_semaphore(%run_scoped3A : memref<!tpu.dma_semaphore, #tpu.memory_space<semaphore_mem>>)
      %dma_wait3A = arith.constant 64760 : i32
      %dma_wait3A_94 = tpu.memref_slice %arg2[%dma_wait3A] : memref<131072xf32, #tpu.memory_space<hbm>> -> memref<34432xf32, #tpu.memory_space<hbm>>
      %dma_wait3A_95 = arith.constant 64760 : i32
      %dma_wait3A_96 = tpu.memref_slice %arg2[%dma_wait3A_95] : memref<131072xf32, #tpu.memory_space<hbm>> -> memref<34432xf32, #tpu.memory_space<hbm>>
      tpu.wait_dma2 semaphore(%run_scoped3A : memref<!tpu.dma_semaphore, #tpu.memory_space<semaphore_mem>>) src(%dma_wait3A_96 : memref<34432xf32, #tpu.memory_space<hbm>>) dst(%arg5 : memref<34432xf32, #tpu.memory_space<vmem>>)
      tpu.yield
    }) : () -> ()
    %add3A_71 = arith.constant 6.553600e+04 : f32
    %add3A_72 = vector.broadcast %add3A_71 : f32 to vector<16xf32>
    %add3A_73 = arith.addf %convert_element_type3A, %add3A_72 : vector<16xf32>
    %parallel_loop3A_74 = arith.constant 0 : i32
    %parallel_loop3A_75 = arith.constant 32768 : i32
    %parallel_loop3A_76 = arith.constant 16 : i32
    scf.for %parallel_loop3A_91 = %parallel_loop3A_74 to %parallel_loop3A_75 step %parallel_loop3A_76  : i32 {
      %parallel_loop3A_92 = arith.sitofp %parallel_loop3A_91 : i32 to f32
      %parallel_loop3A_93 = vector.broadcast %parallel_loop3A_92 : f32 to vector<16xf32>
      %parallel_loop3A_94 = arith.addf %parallel_loop3A_93, %add3A_73 : vector<16xf32>
      %parallel_loop3A_95 = arith.constant 0.00762939453 : f32
      %parallel_loop3A_96 = vector.broadcast %parallel_loop3A_95 : f32 to vector<16xf32>
      %parallel_loop3A_97 = arith.mulf %parallel_loop3A_94, %parallel_loop3A_96 : vector<16xf32>
      %parallel_loop3A_98 = arith.constant 5.000000e+03 : f32
      %parallel_loop3A_99 = vector.broadcast %parallel_loop3A_98 : f32 to vector<16xf32>
      %parallel_loop3A_100 = arith.addf %parallel_loop3A_99, %parallel_loop3A_97 : vector<16xf32>
      %parallel_loop3A_101 = arith.mulf %parallel_loop3A_100, %mul3A_50 : vector<16xf32>
      %parallel_loop3A_102 = arith.constant 6.512640e+05 : f32
      %parallel_loop3A_103 = vector.broadcast %parallel_loop3A_102 : f32 to vector<16xf32>
      %parallel_loop3A_104 = arith.subf %parallel_loop3A_101, %parallel_loop3A_103 : vector<16xf32>
      %parallel_loop3A_105 = arith.fptosi %parallel_loop3A_104 : vector<16xf32> to vector<16xi32>
      %parallel_loop3A_106 = arith.constant 4096 : i32
      %parallel_loop3A_107 = vector.broadcast %parallel_loop3A_106 : i32 to vector<16xi32>
      %parallel_loop3A_108 = arith.subi %parallel_loop3A_105, %parallel_loop3A_107 : vector<16xi32>
      %parallel_loop3A_109 = arith.sitofp %parallel_loop3A_108 : vector<16xi32> to vector<16xf32>
      %parallel_loop3A_110 = arith.constant 0.00762939453 : f32
      %parallel_loop3A_111 = vector.broadcast %parallel_loop3A_110 : f32 to vector<16xf32>
      %parallel_loop3A_112 = arith.mulf %parallel_loop3A_109, %parallel_loop3A_111 : vector<16xf32>
      %parallel_loop3A_113 = arith.constant 5.000000e+03 : f32
      %parallel_loop3A_114 = vector.broadcast %parallel_loop3A_113 : f32 to vector<16xf32>
      %parallel_loop3A_115 = arith.addf %parallel_loop3A_114, %parallel_loop3A_112 : vector<16xf32>
      %parallel_loop3A_116 = arith.constant 0.00762939453 : f32
      %parallel_loop3A_117 = vector.broadcast %parallel_loop3A_116 : f32 to vector<16xf32>
      %parallel_loop3A_118 = arith.addf %parallel_loop3A_112, %parallel_loop3A_117 : vector<16xf32>
      %parallel_loop3A_119 = arith.constant 5.000000e+03 : f32
      %parallel_loop3A_120 = vector.broadcast %parallel_loop3A_119 : f32 to vector<16xf32>
      %parallel_loop3A_121 = arith.addf %parallel_loop3A_120, %parallel_loop3A_118 : vector<16xf32>
      %parallel_loop3A_122 = arith.mulf %parallel_loop3A_115, %exp3A : vector<16xf32>
      %parallel_loop3A_123 = arith.cmpf olt, %parallel_loop3A_122, %parallel_loop3A_100 : vector<16xf32>
      %parallel_loop3A_124 = arith.mulf %parallel_loop3A_121, %exp3A : vector<16xf32>
      %parallel_loop3A_125 = arith.cmpf olt, %parallel_loop3A_124, %parallel_loop3A_100 : vector<16xf32>
      %parallel_loop3A_126 = arith.constant 1 : i32
      %parallel_loop3A_127 = vector.broadcast %parallel_loop3A_126 : i32 to vector<16xi32>
      %parallel_loop3A_128 = arith.addi %parallel_loop3A_108, %parallel_loop3A_127 : vector<16xi32>
      %parallel_loop3A_129 = arith.constant 1 : i32
      %parallel_loop3A_130 = vector.broadcast %parallel_loop3A_129 : i32 to vector<16xi32>
      %parallel_loop3A_131 = arith.subi %parallel_loop3A_108, %parallel_loop3A_130 : vector<16xi32>
      %parallel_loop3A_132 = arith.select %parallel_loop3A_123, %parallel_loop3A_108, %parallel_loop3A_131 : vector<16xi1>, vector<16xi32>
      %parallel_loop3A_133 = arith.select %parallel_loop3A_125, %parallel_loop3A_128, %parallel_loop3A_132 : vector<16xi1>, vector<16xi32>
      %parallel_loop3A_134 = arith.constant 64760 : i32
      %parallel_loop3A_135 = vector.broadcast %parallel_loop3A_134 : i32 to vector<16xi32>
      %parallel_loop3A_136 = arith.subi %parallel_loop3A_133, %parallel_loop3A_135 : vector<16xi32>
      %parallel_loop3A_137 = arith.constant 0 : i32
      %parallel_loop3A_138 = arith.constant 34430 : i32
      %parallel_loop3A_139 = vector.broadcast %parallel_loop3A_137 : i32 to vector<16xi32>
      %parallel_loop3A_140 = arith.maxsi %parallel_loop3A_139, %parallel_loop3A_136 : vector<16xi32>
      %parallel_loop3A_141 = vector.broadcast %parallel_loop3A_138 : i32 to vector<16xi32>
      %parallel_loop3A_142 = arith.minsi %parallel_loop3A_141, %parallel_loop3A_140 : vector<16xi32>
      %parallel_loop3A_143 = tpu.vector_load_idx %arg5[%parallel_loop3A_142] : memref<34432xf32, #tpu.memory_space<vmem>>[vector<16xi32>], vector<16xf32>,
      %parallel_loop3A_144 = arith.constant 1 : i32
      %parallel_loop3A_145 = vector.broadcast %parallel_loop3A_144 : i32 to vector<16xi32>
      %parallel_loop3A_146 = arith.addi %parallel_loop3A_142, %parallel_loop3A_145 : vector<16xi32>
      %parallel_loop3A_147 = tpu.vector_load_idx %arg5[%parallel_loop3A_146] : memref<34432xf32, #tpu.memory_space<vmem>>[vector<16xi32>], vector<16xf32>,
      %parallel_loop3A_148 = arith.constant 64760 : i32
      %parallel_loop3A_149 = vector.broadcast %parallel_loop3A_148 : i32 to vector<16xi32>
      %parallel_loop3A_150 = arith.addi %parallel_loop3A_142, %parallel_loop3A_149 : vector<16xi32>
      %parallel_loop3A_151 = arith.sitofp %parallel_loop3A_150 : vector<16xi32> to vector<16xf32>
      %parallel_loop3A_152 = arith.constant 0.00762939453 : f32
      %parallel_loop3A_153 = vector.broadcast %parallel_loop3A_152 : f32 to vector<16xf32>
      %parallel_loop3A_154 = arith.mulf %parallel_loop3A_151, %parallel_loop3A_153 : vector<16xf32>
      %parallel_loop3A_155 = arith.constant 5.000000e+03 : f32
      %parallel_loop3A_156 = vector.broadcast %parallel_loop3A_155 : f32 to vector<16xf32>
      %parallel_loop3A_157 = arith.addf %parallel_loop3A_156, %parallel_loop3A_154 : vector<16xf32>
      %parallel_loop3A_158 = arith.mulf %parallel_loop3A_157, %exp3A : vector<16xf32>
      %parallel_loop3A_159 = arith.constant 0.00762939453 : f32
      %parallel_loop3A_160 = vector.broadcast %parallel_loop3A_159 : f32 to vector<16xf32>
      %parallel_loop3A_161 = arith.addf %parallel_loop3A_154, %parallel_loop3A_160 : vector<16xf32>
      %parallel_loop3A_162 = arith.constant 5.000000e+03 : f32
      %parallel_loop3A_163 = vector.broadcast %parallel_loop3A_162 : f32 to vector<16xf32>
      %parallel_loop3A_164 = arith.addf %parallel_loop3A_163, %parallel_loop3A_161 : vector<16xf32>
      %parallel_loop3A_165 = arith.mulf %parallel_loop3A_164, %exp3A : vector<16xf32>
      %parallel_loop3A_166 = arith.subf %parallel_loop3A_147, %parallel_loop3A_143 : vector<16xf32>
      %parallel_loop3A_167 = arith.subf %parallel_loop3A_165, %parallel_loop3A_158 : vector<16xf32>
      %parallel_loop3A_168 = arith.divf %parallel_loop3A_166, %parallel_loop3A_167 : vector<16xf32>
      %parallel_loop3A_169 = arith.subf %parallel_loop3A_100, %parallel_loop3A_158 : vector<16xf32>
      %parallel_loop3A_170 = arith.mulf %parallel_loop3A_168, %parallel_loop3A_169 : vector<16xf32>
      %parallel_loop3A_171 = arith.addf %parallel_loop3A_143, %parallel_loop3A_170 : vector<16xf32>
      %parallel_loop3A_172 = arith.index_cast %parallel_loop3A_91 : i32 to index
      %parallel_loop3A_173 = tpu.vector_load %arg6[%parallel_loop3A_172] {strides = array<i32>} : memref<32768xf32, #tpu.memory_space<vmem>>, vector<16xf32>,
      tpu.vector_store %arg6[%parallel_loop3A_172], %parallel_loop3A_171 {strides = array<i32>} : memref<32768xf32, #tpu.memory_space<vmem>>, vector<16xf32>,
    } {sc.loop_unroll_factor = 8 : i64, sc.parallel_access}
    %mul3A_77 = arith.constant 131072 : i32
    %mul3A_78 = arith.muli %add3A, %mul3A_77 : i32
    %add3A_79 = arith.constant 65536 : i32
    %add3A_80 = arith.addi %mul3A_78, %add3A_79 : i32
    "tpu.region"() ({
      %run_scoped3A = tpu.sem_alloc : memref<!tpu.dma_semaphore, #tpu.memory_space<semaphore_mem>>
      %dma_start3A = tpu.memref_slice %arg4[%add3A_80] : memref<4194304xf32, #tpu.memory_space<hbm>> -> memref<32768xf32, #tpu.memory_space<hbm>>
      %dma_start3A_91 = tpu.memref_slice %arg4[%add3A_80] : memref<4194304xf32, #tpu.memory_space<hbm>> -> memref<32768xf32, #tpu.memory_space<hbm>>
      tpu.enqueue_dma source(%arg6 : memref<32768xf32, #tpu.memory_space<vmem>>) target(%dma_start3A_91 : memref<32768xf32, #tpu.memory_space<hbm>>) target_semaphore(%run_scoped3A : memref<!tpu.dma_semaphore, #tpu.memory_space<semaphore_mem>>)
      %dma_wait3A = tpu.memref_slice %arg4[%add3A_80] : memref<4194304xf32, #tpu.memory_space<hbm>> -> memref<32768xf32, #tpu.memory_space<hbm>>
      %dma_wait3A_92 = tpu.memref_slice %arg4[%add3A_80] : memref<4194304xf32, #tpu.memory_space<hbm>> -> memref<32768xf32, #tpu.memory_space<hbm>>
      tpu.wait_dma2 semaphore(%run_scoped3A : memref<!tpu.dma_semaphore, #tpu.memory_space<semaphore_mem>>) src(%arg6 : memref<32768xf32, #tpu.memory_space<vmem>>) dst(%dma_wait3A_92 : memref<32768xf32, #tpu.memory_space<hbm>>)
      tpu.yield
    }) : () -> ()
    "tpu.region"() ({
      %run_scoped3A = tpu.sem_alloc : memref<!tpu.dma_semaphore, #tpu.memory_space<semaphore_mem>>
      %dma_start3A = arith.constant 96640 : i32
      %dma_start3A_91 = tpu.memref_slice %arg2[%dma_start3A] : memref<131072xf32, #tpu.memory_space<hbm>> -> memref<34432xf32, #tpu.memory_space<hbm>>
      %dma_start3A_92 = arith.constant 96640 : i32
      %dma_start3A_93 = tpu.memref_slice %arg2[%dma_start3A_92] : memref<131072xf32, #tpu.memory_space<hbm>> -> memref<34432xf32, #tpu.memory_space<hbm>>
      tpu.enqueue_dma source(%dma_start3A_93 : memref<34432xf32, #tpu.memory_space<hbm>>) target(%arg5 : memref<34432xf32, #tpu.memory_space<vmem>>) target_semaphore(%run_scoped3A : memref<!tpu.dma_semaphore, #tpu.memory_space<semaphore_mem>>)
      %dma_wait3A = arith.constant 96640 : i32
      %dma_wait3A_94 = tpu.memref_slice %arg2[%dma_wait3A] : memref<131072xf32, #tpu.memory_space<hbm>> -> memref<34432xf32, #tpu.memory_space<hbm>>
      %dma_wait3A_95 = arith.constant 96640 : i32
      %dma_wait3A_96 = tpu.memref_slice %arg2[%dma_wait3A_95] : memref<131072xf32, #tpu.memory_space<hbm>> -> memref<34432xf32, #tpu.memory_space<hbm>>
      tpu.wait_dma2 semaphore(%run_scoped3A : memref<!tpu.dma_semaphore, #tpu.memory_space<semaphore_mem>>) src(%dma_wait3A_96 : memref<34432xf32, #tpu.memory_space<hbm>>) dst(%arg5 : memref<34432xf32, #tpu.memory_space<vmem>>)
      tpu.yield
    }) : () -> ()
    %add3A_81 = arith.constant 9.830400e+04 : f32
    %add3A_82 = vector.broadcast %add3A_81 : f32 to vector<16xf32>
    %add3A_83 = arith.addf %convert_element_type3A, %add3A_82 : vector<16xf32>
    %parallel_loop3A_84 = arith.constant 0 : i32
    %parallel_loop3A_85 = arith.constant 32768 : i32
    %parallel_loop3A_86 = arith.constant 16 : i32
    scf.for %parallel_loop3A_91 = %parallel_loop3A_84 to %parallel_loop3A_85 step %parallel_loop3A_86  : i32 {
      %parallel_loop3A_92 = arith.sitofp %parallel_loop3A_91 : i32 to f32
      %parallel_loop3A_93 = vector.broadcast %parallel_loop3A_92 : f32 to vector<16xf32>
      %parallel_loop3A_94 = arith.addf %parallel_loop3A_93, %add3A_83 : vector<16xf32>
      %parallel_loop3A_95 = arith.constant 0.00762939453 : f32
      %parallel_loop3A_96 = vector.broadcast %parallel_loop3A_95 : f32 to vector<16xf32>
      %parallel_loop3A_97 = arith.mulf %parallel_loop3A_94, %parallel_loop3A_96 : vector<16xf32>
      %parallel_loop3A_98 = arith.constant 5.000000e+03 : f32
      %parallel_loop3A_99 = vector.broadcast %parallel_loop3A_98 : f32 to vector<16xf32>
      %parallel_loop3A_100 = arith.addf %parallel_loop3A_99, %parallel_loop3A_97 : vector<16xf32>
      %parallel_loop3A_101 = arith.mulf %parallel_loop3A_100, %mul3A_50 : vector<16xf32>
      %parallel_loop3A_102 = arith.constant 6.512640e+05 : f32
      %parallel_loop3A_103 = vector.broadcast %parallel_loop3A_102 : f32 to vector<16xf32>
      %parallel_loop3A_104 = arith.subf %parallel_loop3A_101, %parallel_loop3A_103 : vector<16xf32>
      %parallel_loop3A_105 = arith.fptosi %parallel_loop3A_104 : vector<16xf32> to vector<16xi32>
      %parallel_loop3A_106 = arith.constant 4096 : i32
      %parallel_loop3A_107 = vector.broadcast %parallel_loop3A_106 : i32 to vector<16xi32>
      %parallel_loop3A_108 = arith.subi %parallel_loop3A_105, %parallel_loop3A_107 : vector<16xi32>
      %parallel_loop3A_109 = arith.sitofp %parallel_loop3A_108 : vector<16xi32> to vector<16xf32>
      %parallel_loop3A_110 = arith.constant 0.00762939453 : f32
      %parallel_loop3A_111 = vector.broadcast %parallel_loop3A_110 : f32 to vector<16xf32>
      %parallel_loop3A_112 = arith.mulf %parallel_loop3A_109, %parallel_loop3A_111 : vector<16xf32>
      %parallel_loop3A_113 = arith.constant 5.000000e+03 : f32
      %parallel_loop3A_114 = vector.broadcast %parallel_loop3A_113 : f32 to vector<16xf32>
      %parallel_loop3A_115 = arith.addf %parallel_loop3A_114, %parallel_loop3A_112 : vector<16xf32>
      %parallel_loop3A_116 = arith.constant 0.00762939453 : f32
      %parallel_loop3A_117 = vector.broadcast %parallel_loop3A_116 : f32 to vector<16xf32>
      %parallel_loop3A_118 = arith.addf %parallel_loop3A_112, %parallel_loop3A_117 : vector<16xf32>
      %parallel_loop3A_119 = arith.constant 5.000000e+03 : f32
      %parallel_loop3A_120 = vector.broadcast %parallel_loop3A_119 : f32 to vector<16xf32>
      %parallel_loop3A_121 = arith.addf %parallel_loop3A_120, %parallel_loop3A_118 : vector<16xf32>
      %parallel_loop3A_122 = arith.mulf %parallel_loop3A_115, %exp3A : vector<16xf32>
      %parallel_loop3A_123 = arith.cmpf olt, %parallel_loop3A_122, %parallel_loop3A_100 : vector<16xf32>
      %parallel_loop3A_124 = arith.mulf %parallel_loop3A_121, %exp3A : vector<16xf32>
      %parallel_loop3A_125 = arith.cmpf olt, %parallel_loop3A_124, %parallel_loop3A_100 : vector<16xf32>
      %parallel_loop3A_126 = arith.constant 1 : i32
      %parallel_loop3A_127 = vector.broadcast %parallel_loop3A_126 : i32 to vector<16xi32>
      %parallel_loop3A_128 = arith.addi %parallel_loop3A_108, %parallel_loop3A_127 : vector<16xi32>
      %parallel_loop3A_129 = arith.constant 1 : i32
      %parallel_loop3A_130 = vector.broadcast %parallel_loop3A_129 : i32 to vector<16xi32>
      %parallel_loop3A_131 = arith.subi %parallel_loop3A_108, %parallel_loop3A_130 : vector<16xi32>
      %parallel_loop3A_132 = arith.select %parallel_loop3A_123, %parallel_loop3A_108, %parallel_loop3A_131 : vector<16xi1>, vector<16xi32>
      %parallel_loop3A_133 = arith.select %parallel_loop3A_125, %parallel_loop3A_128, %parallel_loop3A_132 : vector<16xi1>, vector<16xi32>
      %parallel_loop3A_134 = arith.constant 96640 : i32
      %parallel_loop3A_135 = vector.broadcast %parallel_loop3A_134 : i32 to vector<16xi32>
      %parallel_loop3A_136 = arith.subi %parallel_loop3A_133, %parallel_loop3A_135 : vector<16xi32>
      %parallel_loop3A_137 = arith.constant 0 : i32
      %parallel_loop3A_138 = arith.constant 34430 : i32
      %parallel_loop3A_139 = vector.broadcast %parallel_loop3A_137 : i32 to vector<16xi32>
      %parallel_loop3A_140 = arith.maxsi %parallel_loop3A_139, %parallel_loop3A_136 : vector<16xi32>
      %parallel_loop3A_141 = vector.broadcast %parallel_loop3A_138 : i32 to vector<16xi32>
      %parallel_loop3A_142 = arith.minsi %parallel_loop3A_141, %parallel_loop3A_140 : vector<16xi32>
      %parallel_loop3A_143 = tpu.vector_load_idx %arg5[%parallel_loop3A_142] : memref<34432xf32, #tpu.memory_space<vmem>>[vector<16xi32>], vector<16xf32>,
      %parallel_loop3A_144 = arith.constant 1 : i32
      %parallel_loop3A_145 = vector.broadcast %parallel_loop3A_144 : i32 to vector<16xi32>
      %parallel_loop3A_146 = arith.addi %parallel_loop3A_142, %parallel_loop3A_145 : vector<16xi32>
      %parallel_loop3A_147 = tpu.vector_load_idx %arg5[%parallel_loop3A_146] : memref<34432xf32, #tpu.memory_space<vmem>>[vector<16xi32>], vector<16xf32>,
      %parallel_loop3A_148 = arith.constant 96640 : i32
      %parallel_loop3A_149 = vector.broadcast %parallel_loop3A_148 : i32 to vector<16xi32>
      %parallel_loop3A_150 = arith.addi %parallel_loop3A_142, %parallel_loop3A_149 : vector<16xi32>
      %parallel_loop3A_151 = arith.sitofp %parallel_loop3A_150 : vector<16xi32> to vector<16xf32>
      %parallel_loop3A_152 = arith.constant 0.00762939453 : f32
      %parallel_loop3A_153 = vector.broadcast %parallel_loop3A_152 : f32 to vector<16xf32>
      %parallel_loop3A_154 = arith.mulf %parallel_loop3A_151, %parallel_loop3A_153 : vector<16xf32>
      %parallel_loop3A_155 = arith.constant 5.000000e+03 : f32
      %parallel_loop3A_156 = vector.broadcast %parallel_loop3A_155 : f32 to vector<16xf32>
      %parallel_loop3A_157 = arith.addf %parallel_loop3A_156, %parallel_loop3A_154 : vector<16xf32>
      %parallel_loop3A_158 = arith.mulf %parallel_loop3A_157, %exp3A : vector<16xf32>
      %parallel_loop3A_159 = arith.constant 0.00762939453 : f32
      %parallel_loop3A_160 = vector.broadcast %parallel_loop3A_159 : f32 to vector<16xf32>
      %parallel_loop3A_161 = arith.addf %parallel_loop3A_154, %parallel_loop3A_160 : vector<16xf32>
      %parallel_loop3A_162 = arith.constant 5.000000e+03 : f32
      %parallel_loop3A_163 = vector.broadcast %parallel_loop3A_162 : f32 to vector<16xf32>
      %parallel_loop3A_164 = arith.addf %parallel_loop3A_163, %parallel_loop3A_161 : vector<16xf32>
      %parallel_loop3A_165 = arith.mulf %parallel_loop3A_164, %exp3A : vector<16xf32>
      %parallel_loop3A_166 = arith.subf %parallel_loop3A_147, %parallel_loop3A_143 : vector<16xf32>
      %parallel_loop3A_167 = arith.subf %parallel_loop3A_165, %parallel_loop3A_158 : vector<16xf32>
      %parallel_loop3A_168 = arith.divf %parallel_loop3A_166, %parallel_loop3A_167 : vector<16xf32>
      %parallel_loop3A_169 = arith.subf %parallel_loop3A_100, %parallel_loop3A_158 : vector<16xf32>
      %parallel_loop3A_170 = arith.mulf %parallel_loop3A_168, %parallel_loop3A_169 : vector<16xf32>
      %parallel_loop3A_171 = arith.addf %parallel_loop3A_143, %parallel_loop3A_170 : vector<16xf32>
      %parallel_loop3A_172 = arith.index_cast %parallel_loop3A_91 : i32 to index
      %parallel_loop3A_173 = tpu.vector_load %arg6[%parallel_loop3A_172] {strides = array<i32>} : memref<32768xf32, #tpu.memory_space<vmem>>, vector<16xf32>,
      tpu.vector_store %arg6[%parallel_loop3A_172], %parallel_loop3A_171 {strides = array<i32>} : memref<32768xf32, #tpu.memory_space<vmem>>, vector<16xf32>,
    } {sc.loop_unroll_factor = 8 : i64, sc.parallel_access}
    %mul3A_87 = arith.constant 131072 : i32
    %mul3A_88 = arith.muli %add3A, %mul3A_87 : i32
    %add3A_89 = arith.constant 98304 : i32
    %add3A_90 = arith.addi %mul3A_88, %add3A_89 : i32
    "tpu.region"() ({
      %run_scoped3A = tpu.sem_alloc : memref<!tpu.dma_semaphore, #tpu.memory_space<semaphore_mem>>
      %dma_start3A = tpu.memref_slice %arg4[%add3A_90] : memref<4194304xf32, #tpu.memory_space<hbm>> -> memref<32768xf32, #tpu.memory_space<hbm>>
      %dma_start3A_91 = tpu.memref_slice %arg4[%add3A_90] : memref<4194304xf32, #tpu.memory_space<hbm>> -> memref<32768xf32, #tpu.memory_space<hbm>>
      tpu.enqueue_dma source(%arg6 : memref<32768xf32, #tpu.memory_space<vmem>>) target(%dma_start3A_91 : memref<32768xf32, #tpu.memory_space<hbm>>) target_semaphore(%run_scoped3A : memref<!tpu.dma_semaphore, #tpu.memory_space<semaphore_mem>>)
      %dma_wait3A = tpu.memref_slice %arg4[%add3A_90] : memref<4194304xf32, #tpu.memory_space<hbm>> -> memref<32768xf32, #tpu.memory_space<hbm>>
      %dma_wait3A_92 = tpu.memref_slice %arg4[%add3A_90] : memref<4194304xf32, #tpu.memory_space<hbm>> -> memref<32768xf32, #tpu.memory_space<hbm>>
      tpu.wait_dma2 semaphore(%run_scoped3A : memref<!tpu.dma_semaphore, #tpu.memory_space<semaphore_mem>>) src(%arg6 : memref<32768xf32, #tpu.memory_space<vmem>>) dst(%dma_wait3A_92 : memref<32768xf32, #tpu.memory_space<hbm>>)
      tpu.yield
    }) : () -> ()
    return
  }
}

module attributes {stable_mosaic.version = 14 : i64} {
  func.func @_tc2_body(%arg0: i32, %arg1: memref<1x1024x128xf32, #tpu.memory_space<vmem>>, %arg2: memref<1x1024x128xf32, #tpu.memory_space<vmem>>, %arg3: memref<1x128x128xf32, #tpu.memory_space<vmem>>, %arg4: memref<1x128x128xf32, #tpu.memory_space<vmem>>, %arg5: memref<1x128x128xf32, #tpu.memory_space<vmem>>, %arg6: memref<1x1024x128xf32, #tpu.memory_space<vmem>>) attributes {dimension_semantics = [#tpu.dimension_semantics<arbitrary>], iteration_bounds = array<i64: 32>, scalar_prefetch = 0 : i64, scratch_operands = 0 : i64, tpu.core_type = #tpu.core_type<tc>, window_params = [{transform_indices = @transform_0, window_bounds = array<i64: 1, 1024, 128>}, {transform_indices = @transform_1, window_bounds = array<i64: 1, 1024, 128>}, {transform_indices = @transform_2, window_bounds = array<i64: 1, 128, 128>}, {transform_indices = @transform_3, window_bounds = array<i64: 1, 128, 128>}, {transform_indices = @transform_4, window_bounds = array<i64: 1, 128, 128>}, {transform_indices = @transform_5, window_bounds = array<i64: 1, 1024, 128>}]} {
    %get3A = arith.constant 0 : index
    %get3A_0 = arith.constant 0 : index
    %get3A_1 = arith.constant 0 : index
    %get3A_2 = vector.load %arg1[%get3A, %get3A_0, %get3A_1] : memref<1x1024x128xf32, #tpu.memory_space<vmem>>, vector<1x1024x128xf32>
    %get3A_3 = vector.shape_cast %get3A_2 : vector<1x1024x128xf32> to vector<1024x128xf32>
    %get3A_4 = arith.constant 0 : index
    %get3A_5 = arith.constant 0 : index
    %get3A_6 = arith.constant 0 : index
    %get3A_7 = vector.load %arg2[%get3A_4, %get3A_5, %get3A_6] : memref<1x1024x128xf32, #tpu.memory_space<vmem>>, vector<1x1024x128xf32>
    %get3A_8 = vector.shape_cast %get3A_7 : vector<1x1024x128xf32> to vector<1024x128xf32>
    %mul3A = arith.mulf %get3A_3, %get3A_8 : vector<1024x128xf32>
    %slice3A = vector.extract_strided_slice %mul3A {offsets = [1, 0], sizes = [1023, 128], strides = [1, 1]} : vector<1024x128xf32> to vector<1023x128xf32>
    %broadcast_in_dim3A = arith.constant 1.000000e+00 : f32
    %broadcast_in_dim3A_9 = vector.broadcast %broadcast_in_dim3A : f32 to vector<1x128xf32>
    %concatenate3A = tpu.concatenate %slice3A, %broadcast_in_dim3A_9 in 0 : vector<1023x128xf32>, vector<1x128xf32> -> vector<1024x128xf32>
    %broadcast_in_dim3A_10 = arith.constant 1.000000e+00 : f32
    %broadcast_in_dim3A_11 = vector.broadcast %broadcast_in_dim3A_10 : f32 to vector<1x128xf32>
    %slice3A_12 = vector.extract_strided_slice %mul3A {offsets = [0, 0], sizes = [1023, 128], strides = [1, 1]} : vector<1024x128xf32> to vector<1023x128xf32>
    %concatenate3A_13 = tpu.concatenate %broadcast_in_dim3A_11, %slice3A_12 in 0 : vector<1x128xf32>, vector<1023x128xf32> -> vector<1024x128xf32>
    %get3A_14 = arith.constant 0 : index
    %get3A_15 = arith.constant 0 : index
    %get3A_16 = arith.constant 0 : index
    %get3A_17 = vector.load %arg3[%get3A_14, %get3A_15, %get3A_16] : memref<1x128x128xf32, #tpu.memory_space<vmem>>, vector<1x128x128xf32>
    %get3A_18 = vector.shape_cast %get3A_17 : vector<1x128x128xf32> to vector<128x128xf32>
    %dot_general3A = arith.constant dense<0.000000e+00> : vector<1024x128xf32>
    %dot_general3A_19 = tpu.matmul %mul3A, %get3A_18, %dot_general3A {dimension_numbers = #tpu.dot_dimension_numbers<[1], [0], [0], [1], [0, 0, 1, 1], [], []>, transpose_lhs_hint = false} : vector<1024x128xf32>, vector<128x128xf32>, vector<1024x128xf32> -> vector<1024x128xf32>
    %get3A_20 = arith.constant 0 : index
    %get3A_21 = arith.constant 0 : index
    %get3A_22 = arith.constant 0 : index
    %get3A_23 = vector.load %arg4[%get3A_20, %get3A_21, %get3A_22] : memref<1x128x128xf32, #tpu.memory_space<vmem>>, vector<1x128x128xf32>
    %get3A_24 = vector.shape_cast %get3A_23 : vector<1x128x128xf32> to vector<128x128xf32>
    %dot_general3A_25 = arith.constant dense<0.000000e+00> : vector<1024x128xf32>
    %dot_general3A_26 = tpu.matmul %concatenate3A, %get3A_24, %dot_general3A_25 {dimension_numbers = #tpu.dot_dimension_numbers<[1], [0], [0], [1], [0, 0, 1, 1], [], []>, transpose_lhs_hint = false} : vector<1024x128xf32>, vector<128x128xf32>, vector<1024x128xf32> -> vector<1024x128xf32>
    %add3A = arith.addf %dot_general3A_19, %dot_general3A_26 : vector<1024x128xf32>
    %get3A_27 = arith.constant 0 : index
    %get3A_28 = arith.constant 0 : index
    %get3A_29 = arith.constant 0 : index
    %get3A_30 = vector.load %arg5[%get3A_27, %get3A_28, %get3A_29] : memref<1x128x128xf32, #tpu.memory_space<vmem>>, vector<1x128x128xf32>
    %get3A_31 = vector.shape_cast %get3A_30 : vector<1x128x128xf32> to vector<128x128xf32>
    %dot_general3A_32 = arith.constant dense<0.000000e+00> : vector<1024x128xf32>
    %dot_general3A_33 = tpu.matmul %concatenate3A_13, %get3A_31, %dot_general3A_32 {dimension_numbers = #tpu.dot_dimension_numbers<[1], [0], [0], [1], [0, 0, 1, 1], [], []>, transpose_lhs_hint = false} : vector<1024x128xf32>, vector<128x128xf32>, vector<1024x128xf32> -> vector<1024x128xf32>
    %add3A_34 = arith.addf %add3A, %dot_general3A_33 : vector<1024x128xf32>
    %swap3A = arith.constant 0 : index
    %swap3A_35 = arith.constant 0 : index
    %swap3A_36 = arith.constant 0 : index
    %swap3A_37 = vector.load %arg6[%swap3A, %swap3A_35, %swap3A_36] : memref<1x1024x128xf32, #tpu.memory_space<vmem>>, vector<1x1024x128xf32>
    %swap3A_38 = vector.shape_cast %swap3A_37 : vector<1x1024x128xf32> to vector<1024x128xf32>
    %swap3A_39 = vector.shape_cast %add3A_34 : vector<1024x128xf32> to vector<1x1024x128xf32>
    tpu.vector_store %arg6[%swap3A, %swap3A_35, %swap3A_36], %swap3A_39 {strides = array<i32>} : memref<1x1024x128xf32, #tpu.memory_space<vmem>>, vector<1x1024x128xf32>,
    return
  }
  func.func @transform_0(%arg0: i32) -> (i32, i32, i32) {
    %c0_i32 = arith.constant 0 : i32
    %c0_i32_0 = arith.constant 0 : i32
    %c0_i32_1 = arith.constant 0 : i32
    return %arg0, %c0_i32, %c0_i32_0 : i32, i32, i32
  }
  func.func @transform_1(%arg0: i32) -> (i32, i32, i32) {
    %c0_i32 = arith.constant 0 : i32
    %c0_i32_0 = arith.constant 0 : i32
    %c0_i32_1 = arith.constant 0 : i32
    return %arg0, %c0_i32, %c0_i32_0 : i32, i32, i32
  }
  func.func @transform_2(%arg0: i32) -> (i32, i32, i32) {
    %c0_i32 = arith.constant 0 : i32
    %c0_i32_0 = arith.constant 0 : i32
    %c0_i32_1 = arith.constant 0 : i32
    return %arg0, %c0_i32, %c0_i32_0 : i32, i32, i32
  }
  func.func @transform_3(%arg0: i32) -> (i32, i32, i32) {
    %c0_i32 = arith.constant 0 : i32
    %c0_i32_0 = arith.constant 0 : i32
    %c0_i32_1 = arith.constant 0 : i32
    return %arg0, %c0_i32, %c0_i32_0 : i32, i32, i32
  }
  func.func @transform_4(%arg0: i32) -> (i32, i32, i32) {
    %c0_i32 = arith.constant 0 : i32
    %c0_i32_0 = arith.constant 0 : i32
    %c0_i32_1 = arith.constant 0 : i32
    return %arg0, %c0_i32, %c0_i32_0 : i32, i32, i32
  }
  func.func @transform_5(%arg0: i32) -> (i32, i32, i32) {
    %c0_i32 = arith.constant 0 : i32
    %c0_i32_0 = arith.constant 0 : i32
    %c0_i32_1 = arith.constant 0 : i32
    return %arg0, %c0_i32, %c0_i32_0 : i32, i32, i32
  }
}

module attributes {stable_mosaic.version = 14 : i64} {
  func.func @_tc4_body(%arg0: memref<32x16xf32, #tpu.memory_space<vmem>>, %arg1: memref<32x16xf32, #tpu.memory_space<vmem>>, %arg2: memref<1x1xf32, #tpu.memory_space<smem>>) attributes {dimension_semantics = [], scalar_prefetch = 0 : i64, scratch_operands = 0 : i64, tpu.core_type = #tpu.core_type<tc>} {
    %get3A = arith.constant 0 : index
    %get3A_0 = arith.constant 0 : index
    %get3A_1 = vector.load %arg0[%get3A, %get3A_0] : memref<32x16xf32, #tpu.memory_space<vmem>>, vector<32x16xf32>
    %reduce_sum3A = vector.shape_cast %get3A_1 : vector<32x16xf32> to vector<1x32x16xf32>
    %reduce_sum3A_2 = arith.constant dense<0.000000e+00> : vector<1xf32>
    %reduce_sum3A_3 = vector.multi_reduction <add>, %reduce_sum3A, %reduce_sum3A_2 [1, 2] : vector<1x32x16xf32> to vector<1xf32>
    %reduce_sum3A_4 = vector.shape_cast %reduce_sum3A_3 : vector<1xf32> to vector<1x1x1xf32>
    %reduce_sum3A_5 = vector.extract %reduce_sum3A_4[0, 0, 0] : f32 from vector<1x1x1xf32>
    %get3A_6 = arith.constant 0 : index
    %get3A_7 = arith.constant 0 : index
    %get3A_8 = vector.load %arg1[%get3A_6, %get3A_7] : memref<32x16xf32, #tpu.memory_space<vmem>>, vector<32x16xf32>
    %reduce_sum3A_9 = vector.shape_cast %get3A_8 : vector<32x16xf32> to vector<1x32x16xf32>
    %reduce_sum3A_10 = arith.constant dense<0.000000e+00> : vector<1xf32>
    %reduce_sum3A_11 = vector.multi_reduction <add>, %reduce_sum3A_9, %reduce_sum3A_10 [1, 2] : vector<1x32x16xf32> to vector<1xf32>
    %reduce_sum3A_12 = vector.shape_cast %reduce_sum3A_11 : vector<1xf32> to vector<1x1x1xf32>
    %reduce_sum3A_13 = vector.extract %reduce_sum3A_12[0, 0, 0] : f32 from vector<1x1x1xf32>
    %div3A = arith.divf %reduce_sum3A_5, %reduce_sum3A_13 : f32
    %sqrt3A = math.sqrt %div3A : f32
    %swap3A = arith.constant 0 : index
    %swap3A_14 = arith.constant 0 : index
    %swap3A_15 = memref.load %arg2[%swap3A, %swap3A_14] : memref<1x1xf32, #tpu.memory_space<smem>>
    memref.store %sqrt3A, %arg2[%swap3A, %swap3A_14] : memref<1x1xf32, #tpu.memory_space<smem>>
    return
  }
}

</mosaic_0001>

<sc_bundles>
// kernel: kernel.6.cloned.1.call-start
scs
__scs_entry_jumppad:
0x0: {  	(pc) =	sbr.rel $0x88, $3  }
0x1: {  	(tag) =	ssettag $0x0;
	lr =	simm.s32 $0x1  }
0x2: {  	[smem:$0x3F9B] =	sst lr;
	_ =	strace $0xD0000000  }
0x3: {  	_ = 	snop  }
0x4: {  	_ = 	snop  }
0x5: {  	_ = 	snop  }
0x6: {  	_ = 	snop  }
0x7: {  	_ = 	snop  }
__scs_overlays_trampoline_lowered:
0x8: {  	[smem:$0x3FAA] =	sst s0  }
0x9: {  	[smem:$0x3FAB] =	sst s1  }
0xa: {  	[smem:$0x3FAC] =	sst s2  }
0xb: {  	[smem:$0x3FAD] =	sst s3  }
0xc: {  	[smem:$0x3FAE] =	sst s4  }
0xd: {  	[smem:$0x3FAF] =	sst s5  }
0xe: {  	[smem:$0x3FB0] =	sst s6  }
0xf: {  	[smem:$0x3FB1] =	sst s7  }
0x10: {  	[smem:$0x3FB2] =	sst s8  }
0x11: {  	[smem:$0x3FB3] =	sst s9;
	s0 =	simm.s32 @!p0 $0x0  }
0x12: {  	s1 =	sld [smem:$0x3F99];
	s0 =	simm.s32 @p0 $0x1  }
0x13: {  	[smem:$0x3FB4] =	sst s0;
	s0 =	simm.s32 @!p1 $0x0  }
0x14: {  	s2 =	sld [smem:$0x3F98];
	s0 =	simm.s32 @p1 $0x1  }
0x15: {  	[smem:$0x3FB5] =	sst s0;
	s0 =	simm.s32 @!p2 $0x0  }
0x16: {  	s3 =	sld [smem:$0x3FDB];
	s0 =	simm.s32 @p2 $0x1  }
0x17: {  	s4 =	simm.s32 $0x1BF5;
	[smem:$0x3FB7] =	sst s0  }
0x18: {  	s0 =	sld [smem:$0x3F9A];
	_ =	swait.ge [sflag:s4], $0x0  }
0x19: {  	s7 =	sld [smem:$0x3F9B]  }
0x1a: {  	s8 =	sadd.s32 $0xFFFFE003, lr  }
0x1b: {  	s9 =	sadd.s32 $0xFFFFFEF7, lr;
	s5 =	simm.s32 $0xFFFFFFFF;
	p2 =	slt.u32 s8, $0xFFFFF086  }
0x1c: {  	p1 =	slt.u32 s9, $0xF7A;
	s5 =	simm.s32 @!p2 $0x0  }
0x1d: {  	s5 =	simm.s32 @p1 $0x1;
	p0 =	seq.s32 s7, s2  }
0x1e: {  	s7 =	smul.u32 @!p0 $0xF7A, s2;
	p2 =	seq.s32 @!p0 s5, $0x0  }
0x1f: {  	s9 =	smul.u32 $0xF7A, s1;
	s8 =	simm.s32 @!p0 $0x1BF5;
	p2 =	por !p2, p0  }
0x20: {  	[sflag:s8] =	ssyncset.s32 @!p0 $0xFFFFF086;
	s6 =	sadd.s32 @!p0 s3, s7;
	s7 =	simm.s32 @!p0 $0x108  }
0x21: {  	s3 =	sadd.s32 s3, s9;
	s6 =	sadd.s32 @!p0 $0x88, s6;
	s7 =	simm.s32 @p2 $0x1082  }
0x22: {  	[simem:s7], [sflag:s8] =	dma.local @!p0 [hbm:s6], $0xF7A  }
0x23: {  	s9 =	sor.u32 $0xD0000000, s2;
	s6 =	simm.s32 $0x108;
	_ =	swait.ge @!p0 [sflag:s8], $0x0  }
0x24: {  	s3 =	sadd.s32 $0x88, s3;
	s6 =	simm.s32 @!p1 $0x1082;
	[sflag:s4] =	ssyncset.s32 $0xFFFFF086  }
0x25: {  	[simem:s6], [sflag:s4] =	dma.local [hbm:s3], $0xF7A  }
0x26: {  	[smem:$0x3F9B] =	sst s1;
	(tag) =	ssettag s2;
	_ =	strace s9  }
0x27: {  	s1 =	sld [smem:$0x3FAB]  }
0x28: {  	s2 =	sld [smem:$0x3FAC]  }
0x29: {  	s4 =	sld [smem:$0x3FAE]  }
0x2a: {  	p0 =	seq.s32 s5, $0x0;
	s5 =	sld [smem:$0x3FAF]  }
0x2b: {  	s6 =	sld [smem:$0x3FB0]  }
0x2c: {  	s7 =	sld [smem:$0x3FB1]  }
0x2d: {  	s3 =	simm.s32 $0x108;
	s8 =	sld [smem:$0x3FB2]  }
0x2e: {  	s3 =	simm.s32 @!p0 $0x1082;
	s9 =	sld [smem:$0x3FB3]  }
0x2f: {  	lr =	sadd.s32 s0, s3;
	s0 =	sld [smem:$0x3FAA]  }
0x30: {  	s3 =	sld [smem:$0x3FAD]  }
0x31: {  	[smem:$0x3FB6] =	sst s10  }
0x32: {  	s10 =	sld [smem:$0x3FB4];
	_ =	sdelay $0x3  }
0x33: {  	p0 =	seq.s32 s10, $0x1;
	s10 =	sld [smem:$0x3FB6];
	_ =	sdelay $0x3  }
0x34: {  	[smem:$0x3FB6] =	sst s10  }
0x35: {  	s10 =	sld [smem:$0x3FB5];
	_ =	sdelay $0x3  }
0x36: {  	p1 =	seq.s32 s10, $0x1;
	s10 =	sld [smem:$0x3FB6];
	_ =	sdelay $0x3  }
0x37: {  	[smem:$0x3FB6] =	sst s10  }
0x38: {  	s10 =	sld [smem:$0x3FB7]  }
0x39: {  	_ = 	snop;
	(pc) =	sbr.ind lr, $3  }
0x3a: {  	_ = 	snop  }
0x3b: {  	_ = 	snop  }
0x3c: {  	p2 =	seq.s32 s10, $0x1;
	s10 =	sld [smem:$0x3FB6]  }
0x3d: {  	_ =	shalt  }
0x3e: {  	_ =	shalt  }
0x3f: {  	_ =	shalt  }
0x40: {  	_ =	shalt  }
0x41: {  	_ =	shalt  }
0x42: {  	_ =	shalt  }
0x43: {  	_ =	shalt  }
0x44: {  	_ =	shalt  }
0x45: {  	_ =	shalt  }
0x46: {  	_ =	shalt  }
0x47: {  	_ =	shalt  }
0x48: {  	_ =	shalt  }
0x49: {  	_ =	shalt  }
0x4a: {  	_ =	shalt  }
0x4b: {  	_ =	shalt  }
0x4c: {  	_ =	shalt  }
0x4d: {  	_ =	shalt  }
0x4e: {  	_ =	shalt  }
0x4f: {  	_ =	shalt  }
0x50: {  	_ =	shalt  }
0x51: {  	_ =	shalt  }
0x52: {  	_ =	shalt  }
0x53: {  	_ =	shalt  }
0x54: {  	_ =	shalt  }
0x55: {  	_ =	shalt  }
0x56: {  	_ =	shalt  }
0x57: {  	_ =	shalt  }
0x58: {  	_ =	shalt  }
0x59: {  	_ =	shalt  }
0x5a: {  	_ =	shalt  }
0x5b: {  	_ =	shalt  }
0x5c: {  	_ =	shalt  }
0x5d: {  	_ =	shalt  }
0x5e: {  	_ =	shalt  }
0x5f: {  	_ =	shalt  }
0x60: {  	_ =	shalt  }
0x61: {  	_ =	shalt  }
0x62: {  	_ =	shalt  }
0x63: {  	_ =	shalt  }
0x64: {  	_ =	shalt  }
0x65: {  	_ =	shalt  }
0x66: {  	_ =	shalt  }
0x67: {  	_ =	shalt  }
0x68: {  	_ =	shalt  }
0x69: {  	_ =	shalt  }
0x6a: {  	_ =	shalt  }
0x6b: {  	_ =	shalt  }
0x6c: {  	_ =	shalt  }
0x6d: {  	_ =	shalt  }
0x6e: {  	_ =	shalt  }
0x6f: {  	_ =	shalt  }
0x70: {  	_ =	shalt  }
0x71: {  	_ =	shalt  }
0x72: {  	_ =	shalt  }
0x73: {  	_ =	shalt  }
0x74: {  	_ =	shalt  }
0x75: {  	_ =	shalt  }
0x76: {  	_ =	shalt  }
0x77: {  	_ =	shalt  }
0x78: {  	_ =	shalt  }
0x79: {  	_ =	shalt  }
0x7a: {  	_ =	shalt  }
0x7b: {  	_ =	shalt  }
0x7c: {  	_ =	shalt  }
0x7d: {  	_ =	shalt  }
0x7e: {  	_ =	shalt  }
0x7f: {  	_ =	shalt  }
0x80: {  	_ =	shalt  }
0x81: {  	_ =	shalt  }
0x82: {  	_ =	shalt  }
0x83: {  	_ =	shalt  }
0x84: {  	_ =	shalt  }
0x85: {  	_ =	shalt  }
0x86: {  	_ =	shalt  }
0x87: {  	_ =	shalt  }
.Lfunc_end0:
.L_simem_size_0:
called_computation_lowered:
.L_overlay_start_0:
0x88: {  	s2 =	sld [smem:$0x3FD9]  }
0x89: {  	s3 =	sld [smem:$0x3FFE];
	_ =	sdelay $0x1  }
0x8a: {  	s1 =	srdreg.scid  }
0x8b: {  	s0 =	sand.u32 $0x1, s1  }
0x8c: {  	s17 =	sshll.u32 s0, $0xA;
	s2 =	sadd.s32 s3, s2  }
0x8d: {  	s2 =	sadd.s32 s2, s17  }
0x8e: {  	[smem:$0x3FC2] =	sst s2  }
0x8f: {  	_ = 	snop  }
0x90: {  	s2 =	sld [smem:$0x3FC9]  }
0x91: {  	s18 =	sld [smem:$0x3FC8];
	(tm) =	ssettm $0x1  }
0x92: {  	s4 =	sld [smem:$0x3FFB];
	_ =	sdelay $0x3  }
0x93: {  	_ =	strace s4  }
0x94: {  	s4 =	sld [smem:$0x3FFC];
	_ =	sdelay $0x3  }
0x95: {  	_ =	strace s4  }
0x96: {  	s4 =	sld [smem:$0x3FFD];
	_ =	sdelay $0x3  }
0x97: {  	_ =	strace s4  }
0x98: {  	_ =	strace $0x8FFFFFFF  }
0x99: {  	s19 =	sld [smem:$0x3FDB];
	_ =	sdelay $0x1  }
0x9a: {  	s5 =	simm.s32 $_scs_section_size  }
0x9b: {  	s6 =	simm.s32 $_size__tile_overlayer_lowered;
	s7 =	simm.s32 $_tile_overlayer_lowered  }
0x9c: {  	s22 =	simm.s32 $0x1BFF;
	s21 =	sshll.u32 s7, $0x1;
	s4 =	sadd.s32 s5, s19  }
0x9d: {  	s8 =	simm.s32 $0x0;
	s20 =	sshll.u32 s6, $0x1;
	s6 =	sadd.s32 s21, s4  }
0x9e: {  	[timem:s8], [sflag:s22] =	dma.local [hbm:s6], s20  }
0x9f: {  	_ =	swait.ge [sflag:s22], s20  }
0xa0: {  	s5 =	ssub.s32 $0x0, s20;
	[sflag:s22] =	ssyncset.done $0x0  }
0xa1: {  	[sflag:s22] =	ssyncadd.s32 s5;
	_ =	sdelay $0x1  }
0xa2: {  	s23 =	simm.s32 $0x1B8B  }
0xa3: {  	_ =	swait.ge [sflag:s23], $0x1  }
0xa4: {  	[sflag:s23] =	ssyncset.done $0x0  }
0xa5: {  	s25 =	simm.s32 $0x1B8E;
	s24 =	sld [smem:$0x3FFE];
	[sflag:s23] =	ssyncadd.s32 $0xFFFFFFFF  }
0xa6: {  	s26 =	simm.s32 $execute0_lowered;
	[smem:$0x3FD2] =	sst s25  }
0xa7: {  	s6 =	sshll.u32 s26, $0x1;
	_ =	strace $0x80000046;
	[dreg:$0x1] =	wrdreg $0xFFFFFFFF  }
0xa8: {  	s28 =	simm.s32 $_size_execute0_lowered;
	s4 =	sadd.s32 s4, s6;
	[dreg:$0x0] =	wrdreg $0x0  }
0xa9: {  	s6 =	sshll.u32 s28, $0x1;
	[dreg:$0x2] =	wrdreg s4  }
0xaa: {  	[dreg:$0x3] =	wrdreg s6  }
0xab: {  	[dreg:$0x4] =	wrdreg $0xC0  }
0xac: {  	_ =	task [dreg:s8], $0x5FFFF  }
0xad: {  	[dreg:$0x1] =	wrdreg $0xFFFFFFFF  }
0xae: {  	[dreg:$0x0] =	wrdreg $0x60  }
0xaf: {  	[dreg:$0x2] =	wrdreg s2  }
0xb0: {  	[dreg:$0x3] =	wrdreg s18  }
0xb1: {  	[dreg:$0x4] =	wrdreg s24  }
0xb2: {  	[dreg:$0x5] =	wrdreg $0x9  }
0xb3: {  	_ =	task.clear_ibuf [dreg:s8], $0x6FFFF;
	_ =	strace $0x90000046  }
0xb4: {  	s29 =	simm.s32 $0x9;
	_ =	strace $0x80000048  }
0xb5: {  	_ =	swait.ge [sflag:s29], $0x1  }
0xb6: {  	[sflag:s29] =	ssyncadd.s32 $0xFFFFFFFF  }
0xb7: {  	_ =	strace $0x90000048  }
0xb8: {  	_ =	sfence  }
0xb9: {  	s30 =	sld [smem:$0x0];
	_ =	sdelay $0x2  }
0xba: {  	s31 =	sshll.u32 s1, $0xD;
	s1 =	sshrl.u32 s1, $0x2  }
0xbb: {  	s3 =	sand.u32 $0x4000, s31;
	s1 =	sadd.s32 s1, s30  }
0xbc: {  	s0 =	sor.u32 s3, s0;
	s1 =	sshll.u32 s1, $0x11  }
0xbd: {  	s0 =	sor.u32 s1, s0  }
0xbe: {  	s0 =	sadd.s32 $0x8F2B, s0  }
0xbf: {  	[sflag:s0] =	ssyncadd.remote.s32 $0x1  }
0xc0: {  	_ =	sfence.sel $0xFFFF  }
0xc1: {  	[dreg:$0x0] =	wrdreg $0xFFFFFFFF;
	(pc) =	sbr.abs _section_cstart, $3  }
0xc2: {  	[dreg:$0x1] =	wrdreg $0xFFFFFFFF  }
0xc3: {  	_ =	task.clear_ibuf [dreg:s8], $0x2FFFF;
	_ =	strace $0x9FFFFFFF  }
0xc4: {  	(tm) =	ssettm $0x7FFFFFFF  }
0xc5: {  	_ =	shalt  }
tec
execute0_lowered:
.L_overlay_start_1:
0x0: {  	(tag) =	ssettag $0x1  }
0x1: {  	v0 =	vimm.f32 $1.500000000e+01;
	vm15 =	vcmask $0x300;
	vm14 =	vcmask $0x704  }
0x2: {  	vm9 =	vcmask $0xB08;
	vm6 =	vcmask $0xF0C;
	vm5 =	vcmask $0x1310  }
0x3: {  	vm3 =	vcmask $0x1714;
	vm1 =	vcmask $0x1B18;
	s1 =	rddreg [dreg:$0x0];
	vm2 =	vcmask $0x1F1C  }
0x4: {  	s3 =	srdreg.scid;
	vm4 =	vcmask $0x2320;
	s2 =	rddreg [dreg:$0x1];
	vm7 =	vcmask $0x2724;
	vm8 =	vcmask $0x2B28  }
0x5: {  	s0 =	stileid.u32;
	s5 =	rddreg [dreg:$0x2];
	s4 =	simm.s32 $0x0;
	vm10 =	vcmask $0x2F2C;
	vm11 =	vcmask $0x3330;
	v0 =	vsel vm15, $0x0, v0  }
0x6: {  	v2 =	vimm.f32 $2.997924480e+08;
	vm12 =	vcmask $0x3734;
	s14 =	sand.u32 $0x1, s3;
	s30 =	sshll.u32 s0, $0x1;
	[smem:$0x7FF] =	sst s4;
	v0 =	vsel vm14, $0x3F800000, v0  }
0x7: {  	v3 =	vlaneseq.u32;
	vm13 =	vcmask $0x3B38;
	s3 =	rddreg [dreg:$0x3];
	s6 =	sor.u32 s14, s30;
	_ =	strace $0x80000047;
	v0 =	vsel vm9, $0x40000000, v0  }
0x8: {  	s7 =	sand.u32 $0xF, s6;
	(erf) = vrcp.f32 v2;
	v2 =	vimm.f32 $6.555100000e+04;
	v0 =	vsel vm6, $0x40400000, v0  }
0x9: {  	v1 =	vmov s7;
	v2 =	vsel vm15, $0x47800000, v2;
	v0 =	vsel vm5, $0x40800000, v0  }
0xa: {  	vm0 =	veq.s32 v1, v3;
	v1 =	vimm.f32 $3.278300000e+04;
	v3 =	vimm.f32 $9.831900000e+04  }
0xb: {  	s12 =	simm.s32 $0x10680;
	v2 =	vsel vm14, $0x47800080, v2;
	v0 =	vsel vm3, $0x40A00000, v0;
	v1 =	vsel vm15, $0x47000000, v1  }
0xc: {  	s13 =	simm.s32 $0x8680;
	s8 =	sadd.s32 $0x1F9F, s1;
	v3 =	vsel vm15, $0x47C00000, v3;
	v2 =	vsel vm9, $0x47800100, v2;
	v0 =	vsel vm1, $0x40C00000, v0  }
0xd: {  	v1 =	vsel vm14, $0x47000100, v1;
	v3 =	vsel vm14, $0x47C00080, v3;
	v2 =	vsel vm6, $0x47800180, v2  }
0xe: {  	s10 =	sadd.s32 $0x2F30, s1;
	v0 =	vsel vm2, $0x40E00000, v0;
	v1 =	vsel vm9, $0x47000200, v1;
	v3 =	vsel vm9, $0x47C00100, v3  }
0xf: {  	s6 =	sshll.u32 s6, $0xE;
	v2 =	vsel vm5, $0x47800200, v2;
	v0 =	vsel vm4, $0x41000000, v0;
	v1 =	vsel vm6, $0x47000300, v1  }
0x10: {  	v3 =	vsel vm6, $0x47C00180, v3;
	v2 =	vsel vm3, $0x47800280, v2;
	v0 =	vsel vm7, $0x41100000, v0  }
0x11: {  	v1 =	vsel vm5, $0x47000400, v1;
	v3 =	vsel vm5, $0x47C00200, v3;
	v2 =	vsel vm1, $0x47800300, v2  }
0x12: {  	s11 =	sadd.s32 s6, s5;
	s6 =	sadd.s32 $0xF9F, s1;
	v0 =	vsel vm8, $0x41200000, v0;
	v1 =	vsel vm3, $0x47000500, v1;
	v3 =	vsel vm3, $0x47C00280, v3  }
0x13: {  	s5 =	sadd.s32 $0x2C00, s11;
	v2 =	vsel vm2, $0x47800380, v2;
	v0 =	vsel vm10, $0x41300000, v0;
	v1 =	vsel vm1, $0x47000600, v1  }
0x14: {  	v3 =	vsel vm1, $0x47C00300, v3;
	v2 =	vsel vm4, $0x47800400, v2;
	v1 =	vsel vm2, $0x47000700, v1  }
0x15: {  	s7 =	sadd.s32 $0x3C00, s11;
	v0 =	vsel vm11, $0x41400000, v0;
	v3 =	vsel vm2, $0x47C00380, v3;
	v1 =	vsel vm4, $0x47000800, v1  }
0x16: {  	v2 =	vsel vm7, $0x47800480, v2;
	v3 =	vsel vm4, $0x47C00400, v3;
	v1 =	vsel vm7, $0x47000900, v1  }
0x17: {  	s9 =	sadd.s32 $0x4C00, s11;
	v0 =	vsel vm12, $0x41500000, v0;
	v3 =	vsel vm7, $0x47C00480, v3;
	v1 =	vsel vm8, $0x47000A00, v1  }
0x18: {  	v2 =	vsel vm8, $0x47800500, v2;
	v3 =	vsel vm8, $0x47C00500, v3;
	v1 =	vsel vm10, $0x47000B00, v1  }
0x19: {  	s14 =	ssub.s32 $0x2, s14;
	v2 =	vsel vm10, $0x47800580, v2;
	v3 =	vsel vm10, $0x47C00580, v3;
	v1 =	vsel vm11, $0x47000C00, v1  }
0x1a: {  	s31 =	sshll.u32 s0, $0x3;
	s15 =	sshrl.u32 s14, $0x1;
	s11 =	sadd.s32 $0x5C00, s11;
	v0 =	vsel vm13, $0x41600000, v0;
	v2 =	vsel vm11, $0x47800600, v2;
	v3 =	vsel vm11, $0x47C00600, v3  }
0x1b: {  	s17 =	simm.s32 $0x0;
	s16 =	sand.u32 $0x40, s31;
	s14 =	ssub.s32 s14, s15;
	v5 =	vsel vm12, $0x47800680, v2;
	v4 =	vsel vm12, $0x47000D00, v1;
	v6 =	vsel vm12, $0x47C00680, v3  }
0x1c: {  	s16 =	sshrl.u32 s16, $0x2;
	s15 =	simm.s32 $0x1;
	s14 =	smax.u32 s14, $0x1;
	v3 =	vsel vm13, $0x47800700, v5;
	v2 =	vsel vm13, $0x47000E00, v4;
	v4 =	vsel vm13, $0x47C00700, v6;
	v1 =	vpop (erf)  }
.LBB2_1:
0x1d: {  	[tilespmem:s12], [sflag:$0x1] =	stream.linear.gather [hbm4b:s2+s4], $0x80, $0x38;
	[tilespmem:$0x10700] =	vst v63  }
0x1e: {  	_ =	swait.ge [sflag:s15], $0x80  }
0x1f: {  	[sflag:s15] =	ssyncset.done $0x0  }
0x20: {  	[sflag:s15] =	ssyncadd.s32 $0xFFFFFF80  }
0x21: {  	v5 =	vld [tilespmem:s16+$0x10680];
	_ =	sdelay $0x4  }
0x22: {  	v5 =	vnsel vm0, $0x0, v5  }
0x23: {  	(xrf2) =	vadd.scan.msk.f32 $0xffff, v5;
	_ =	sdelay $0x9  }
0x24: {  	v5, _, _ =	vpop (xrf2)  }
0x25: {  	v5 =	vbroadcast v5, $0xF;
	_ =	sdelay $0x1  }
0x26: {  	v5 =	vmul.f32 v5, v1;
	_ =	sdelay $0x1  }
0x27: {  	v5 =	vmul.f32 $1.442695020e+00, v5;
	_ =	sdelay $0x1  }
0x28: {  	(erf) = vpow2.f32 v5;
	_ =	sdelay $0x8  }
0x29: {  	v5 =	vpop (erf)  }
0x2a: {  	(erf) = vrcp.f32 v5;
	_ =	sdelay $0x1  }
0x2b: {  	s18 =	simm.s32 $0x10;
	s19 =	scvt.s32.f32 s4;
	s20 =	simm.s32 $0x20  }
0x2c: {  	s21 =	simm.s32 $0x30;
	s22 =	simm.s32 $0x40;
	s18 =	scvt.s32.f32 s18  }
0x2d: {  	s28 =	simm.s32 $0x50;
	s20 =	scvt.s32.f32 s20;
	s25 =	scvt.s32.f32 s21  }
0x2e: {  	s30 =	simm.s32 $0x60;
	s26 =	scvt.s32.f32 s22;
	s29 =	scvt.s32.f32 s28;
	v7 =	vadd.f32 s19, v0;
	v8 =	vadd.f32 s18, v0  }
0x2f: {  	s31 =	scvt.s32.f32 s30;
	v9 =	vadd.f32 s20, v0;
	v10 =	vadd.f32 s25, v0  }
0x30: {  	v11 =	vadd.f32 s26, v0;
	v14 =	vadd.f32 s29, v0;
	v7 =	vmul.f32 $7.629394530e-03, v7  }
0x31: {  	v16 =	vadd.f32 s31, v0;
	v8 =	vmul.f32 $7.629394530e-03, v8;
	v9 =	vmul.f32 $7.629394530e-03, v9  }
0x32: {  	v15 =	vmul.f32 $7.629394530e-03, v10;
	v11 =	vmul.f32 $7.629394530e-03, v11;
	v13 =	vadd.f32 $5.000000000e+03, v7;
	v6 =	vpop (erf)  }
0x33: {  	v7 =	vmul.f32 $7.629394530e-03, v14;
	v12 =	vadd.f32 $5.000000000e+03, v8;
	v6 =	vmul.f32 $1.310720060e+02, v6  }
0x34: {  	v14 =	vmul.f32 $7.629394530e-03, v16;
	v10 =	vadd.f32 $5.000000000e+03, v9;
	v9 =	vadd.f32 $5.000000000e+03, v15  }
0x35: {  	v11 =	vadd.f32 $5.000000000e+03, v11;
	v8 =	vadd.f32 $5.000000000e+03, v7;
	v15 =	vmul.f32 v13, v6  }
0x36: {  	v7 =	vadd.f32 $5.000000000e+03, v14;
	v16 =	vmul.f32 v12, v6;
	v17 =	vmul.f32 v10, v6  }
0x37: {  	v18 =	vmul.f32 v11, v6;
	v19 =	vmul.f32 v8, v6;
	v14 =	vadd.f32 $-6.512640000e+05, v15  }
0x38: {  	v20 =	vmul.f32 v7, v6;
	v16 =	vadd.f32 $-6.512640000e+05, v16;
	v17 =	vadd.f32 $-6.512640000e+05, v17  }
0x39: {  	v15 =	vmul.f32 v9, v6;
	v18 =	vadd.f32 $-6.512640000e+05, v18;
	v19 =	vadd.f32 $-6.512640000e+05, v19  }
0x3a: {  	v20 =	vadd.f32 $-6.512640000e+05, v20;
	v14 =	vtrunc.f32 v14;
	v16 =	vtrunc.f32 v16  }
0x3b: {  	v17 =	vtrunc.f32 v17;
	v18 =	vtrunc.f32 v18  }
0x3c: {  	v19 =	vtrunc.f32 v19;
	v20 =	vtrunc.f32 v20  }
0x3d: {  	v15 =	vadd.f32 $-6.512640000e+05, v15;
	v14 =	vcvt.f32.s32 v14;
	v16 =	vcvt.f32.s32 v16  }
0x3e: {  	v17 =	vcvt.f32.s32 v17;
	v18 =	vcvt.f32.s32 v18  }
0x3f: {  	v19 =	vcvt.f32.s32 v19;
	v15 =	vtrunc.f32 v15  }
0x40: {  	v20 =	vcvt.f32.s32 v20;
	v15 =	vcvt.f32.s32 v15  }
0x41: {  	v21 =	vadd.s32 $0xFFFFF001, v14;
	v22 =	vadd.s32 $0xFFFFF000, v14;
	v14 =	vadd.s32 $0xFFFFEFFF, v14  }
0x42: {  	v23 =	vadd.s32 $0xFFFFF001, v16;
	v24 =	vadd.s32 $0xFFFFF001, v17;
	v26 =	vadd.s32 $0xFFFFF001, v18  }
0x43: {  	v27 =	vadd.s32 $0xFFFFEFFF, v16;
	v28 =	vadd.s32 $0xFFFFF001, v19;
	v29 =	vadd.s32 $0xFFFFF001, v20  }
0x44: {  	v16 =	vadd.s32 $0xFFFFF000, v16;
	v31 =	vadd.s32 $0xFFFFF000, v17;
	v34 =	vadd.s32 $0xFFFFF000, v18  }
0x45: {  	v37 =	vadd.s32 $0xFFFFF000, v19;
	v40 =	vadd.s32 $0xFFFFF000, v20;
	v30 =	vcvt.s32.f32 v22  }
0x46: {  	v17 =	vadd.s32 $0xFFFFEFFF, v17;
	v32 =	vcvt.s32.f32 v16;
	v35 =	vcvt.s32.f32 v31  }
0x47: {  	v18 =	vadd.s32 $0xFFFFEFFF, v18;
	v38 =	vcvt.s32.f32 v34;
	v39 =	vcvt.s32.f32 v37  }
0x48: {  	v41 =	vcvt.s32.f32 v40;
	v33 =	vadd.s32 $0xFFFFF000, v15;
	v30 =	vmul.f32 $7.629394530e-03, v30  }
0x49: {  	v19 =	vadd.s32 $0xFFFFEFFF, v19;
	v36 =	vcvt.s32.f32 v33;
	v32 =	vmul.f32 $7.629394530e-03, v32  }
0x4a: {  	v35 =	vmul.f32 $7.629394530e-03, v35;
	v38 =	vmul.f32 $7.629394530e-03, v38;
	v42 =	vadd.f32 $5.000000000e+03, v30  }
0x4b: {  	v39 =	vmul.f32 $7.629394530e-03, v39;
	v30 =	vadd.f32 $7.629394530e-03, v30;
	v43 =	vadd.f32 $5.000000000e+03, v32  }
0x4c: {  	v41 =	vmul.f32 $7.629394530e-03, v41;
	v44 =	vadd.f32 $5.000000000e+03, v35;
	v46 =	vadd.f32 $5.000000000e+03, v38  }
0x4d: {  	v20 =	vadd.s32 $0xFFFFEFFF, v20;
	v47 =	vadd.f32 $5.000000000e+03, v39;
	v32 =	vadd.f32 $7.629394530e-03, v32  }
0x4e: {  	v36 =	vmul.f32 $7.629394530e-03, v36;
	v48 =	vadd.f32 $5.000000000e+03, v41;
	v35 =	vadd.f32 $7.629394530e-03, v35  }
0x4f: {  	v25 =	vadd.s32 $0xFFFFF001, v15;
	v38 =	vadd.f32 $7.629394530e-03, v38;
	v39 =	vadd.f32 $7.629394530e-03, v39  }
0x50: {  	v15 =	vadd.s32 $0xFFFFEFFF, v15;
	v41 =	vadd.f32 $7.629394530e-03, v41;
	v45 =	vadd.f32 $5.000000000e+03, v36  }
0x51: {  	v36 =	vadd.f32 $7.629394530e-03, v36;
	v42 =	vmul.f32 v42, v5;
	v43 =	vmul.f32 v43, v5  }
0x52: {  	v44 =	vmul.f32 v44, v5;
	v30 =	vadd.f32 $5.000000000e+03, v30;
	v46 =	vmul.f32 v46, v5  }
0x53: {  	v32 =	vadd.f32 $5.000000000e+03, v32;
	v35 =	vadd.f32 $5.000000000e+03, v35;
	v47 =	vmul.f32 v47, v5  }
0x54: {  	v38 =	vadd.f32 $5.000000000e+03, v38;
	v48 =	vmul.f32 v48, v5;
	v39 =	vadd.f32 $5.000000000e+03, v39  }
0x55: {  	v41 =	vadd.f32 $5.000000000e+03, v41;
	v45 =	vmul.f32 v45, v5;
	v36 =	vadd.f32 $5.000000000e+03, v36  }
0x56: {  	vm1 =	vlt.f32 v42, v13;
	v30 =	vmul.f32 v30, v5;
	vm2 =	vlt.f32 v44, v10  }
0x57: {  	s19 =	simm.s32 $0x70;
	vm4 =	vlt.f32 v46, v11;
	v52 =	vmul.f32 v35, v5;
	vm5 =	vlt.f32 v47, v8  }
0x58: {  	s18 =	scvt.s32.f32 s19;
	v54 =	vmul.f32 v38, v5;
	vm6 =	vlt.f32 v48, v7;
	v55 =	vmul.f32 v41, v5  }
0x59: {  	v14 =	vsel vm1, v22, v14;
	vm1 =	vlt.f32 v43, v12;
	vm3 =	vlt.f32 v45, v9  }
0x5a: {  	v16 =	vsel vm1, v16, v27;
	v27 =	vsel vm3, v33, v15;
	v15 =	vadd.f32 s18, v0  }
0x5b: {  	v22 =	vmul.f32 v32, v5;
	v17 =	vsel vm2, v31, v17;
	v18 =	vsel vm4, v34, v18  }
0x5c: {  	v19 =	vsel vm5, v37, v19;
	v20 =	vsel vm6, v40, v20;
	v15 =	vmul.f32 $7.629394530e-03, v15  }
0x5d: {  	v53 =	vmul.f32 v36, v5;
	vm7 =	vlt.f32 v30, v13;
	v30 =	vmul.f32 v39, v5  }
0x5e: {  	vm2 =	vlt.f32 v52, v10;
	vm4 =	vlt.f32 v54, v11;
	v15 =	vadd.f32 $5.000000000e+03, v15  }
0x5f: {  	vm6 =	vlt.f32 v55, v7;
	v14 =	vsel vm7, v21, v14;
	vm1 =	vlt.f32 v22, v12  }
0x60: {  	v17 =	vsel vm2, v24, v17;
	v18 =	vsel vm4, v26, v18;
	v22 =	vmul.f32 v15, v6  }
0x61: {  	v20 =	vsel vm6, v29, v20;
	vm3 =	vlt.f32 v53, v9;
	vm5 =	vlt.f32 v30, v8  }
0x62: {  	vm7 =	vgt.s32 v14, $0x0;
	v16 =	vsel vm1, v23, v16;
	v22 =	vadd.f32 $-6.512640000e+05, v22  }
0x63: {  	vm2 =	vgt.s32 v17, $0x0;
	vm4 =	vgt.s32 v18, $0x0;
	vm6 =	vgt.s32 v20, $0x0  }
0x64: {  	v21 =	vsel vm3, v25, v27;
	v19 =	vsel vm5, v28, v19;
	v22 =	vtrunc.f32 v22  }
0x65: {  	v14 =	vnsel vm7, $0x0, v14;
	vm1 =	vgt.s32 v16, $0x0;
	v22 =	vcvt.f32.s32 v22  }
0x66: {  	v17 =	vnsel vm2, $0x0, v17;
	v18 =	vnsel vm4, $0x0, v18;
	v20 =	vnsel vm6, $0x0, v20  }
0x67: {  	vm3 =	vgt.s32 v21, $0x0;
	v14 =	vmin.u32 v14, $0x867E;
	v25 =	vadd.s32 $0xFFFFF000, v22  }
0x68: {  	vm5 =	vgt.s32 v19, $0x0;
	v16 =	vnsel vm1, $0x0, v16;
	v26 =	vcvt.s32.f32 v25  }
0x69: {  	v17 =	vmin.u32 v17, $0x867E;
	v18 =	vmin.u32 v18, $0x867E;
	v20 =	vmin.u32 v20, $0x867E  }
0x6a: {  	v21 =	vnsel vm3, $0x0, v21;
	v23 =	vadd.s32 $0x1, v14;
	v26 =	vmul.f32 $7.629394530e-03, v26  }
0x6b: {  	v19 =	vnsel vm5, $0x0, v19;
	v24 =	vcvt.s32.f32 v14;
	v16 =	vmin.u32 v16, $0x867E  }
0x6c: {  	v28 =	vadd.s32 $0x1, v17;
	v30 =	vcvt.s32.f32 v17;
	v58 =	vadd.f32 $7.629394530e-03, v26  }
0x6d: {  	v57 =	vcvt.s32.f32 v18;
	v60 =	vcvt.s32.f32 v20;
	v26 =	vadd.f32 $5.000000000e+03, v26  }
0x6e: {  	v37 =	vadd.s32 $0x1, v18;
	v54 =	vadd.s32 $0x1, v20;
	v34 =	vadd.f32 $5.000000000e+03, v58  }
0x6f: {  	v21 =	vmin.u32 v21, $0x867E;
	v19 =	vmin.u32 v19, $0x867E;
	v26 =	vmul.f32 v26, v5  }
0x70: {  	v27 =	vadd.s32 $0x1, v16;
	v29 =	vcvt.s32.f32 v16;
	v34 =	vmul.f32 v34, v5  }
0x71: {  	v31 =	vadd.s32 $0x1, v21;
	vm1 =	vlt.f32 v26, v15;
	v26 =	vadd.s32 $0xFFFFEFFF, v22  }
0x72: {  	v22 =	vadd.s32 $0xFFFFF001, v22;
	v25 =	vsel vm1, v25, v26;
	vm2 =	vlt.f32 v34, v15  }
0x73: {  	v56 =	vcvt.s32.f32 v21;
	v59 =	vcvt.s32.f32 v19;
	v22 =	vsel vm2, v22, v25  }
0x74: {  	v24 =	vmul.f32 $7.629394530e-03, v24;
	v30 =	vmul.f32 $7.629394530e-03, v30;
	vm1 =	vgt.s32 v22, $0x0  }
0x75: {  	[tilespmem:s4], [sflag:$0x1] =	stream.linear.gather [hbm4b:s1+s4], $0x8680, $0x38;
	v33 =	vmul.f32 $7.629394530e-03, v57;
	v62 =	vmul.f32 $7.629394530e-03, v60;
	v22 =	vnsel vm1, $0x0, v22;
	[tilespmem:$0x10700] =	vst v63  }
0x76: {  	_ =	swait.ge [sflag:s15], $0x8680;
	v29 =	vmul.f32 $7.629394530e-03, v29;
	v48 =	vadd.f32 $5.000000000e+03, v30;
	v22 =	vmin.u32 v22, $0x867E  }
0x77: {  	[sflag:s15] =	ssyncset.done $0x0;
	v50 =	vadd.f32 $5.000000000e+03, v33;
	v52 =	vadd.f32 $5.000000000e+03, v62;
	v53 =	vcvt.s32.f32 v22  }
0x78: {  	[sflag:s15] =	ssyncadd.s32 $0xFFFF7980;
	v32 =	vmul.f32 $7.629394530e-03, v56;
	v30 =	vadd.f32 $7.629394530e-03, v30;
	v33 =	vadd.f32 $7.629394530e-03, v33  }
0x79: {  	v56 =	vld.idx.msk [tilespmem:v17+s4+$0x0], $0xffff;
	v63 =	vadd.f32 $5.000000000e+03, v29;
	v29 =	vadd.f32 $7.629394530e-03, v29;
	v43 =	vmul.f32 $7.629394530e-03, v53  }
0x7a: {  	v61 =	vadd.s32 $0x1, v19;
	v55 =	vld.idx.msk [tilespmem:v16+s4+$0x0], $0xffff;
	v49 =	vadd.f32 $5.000000000e+03, v32;
	v32 =	vadd.f32 $7.629394530e-03, v32  }
0x7b: {  	v16 =	vld.idx.msk [tilespmem:v18+s4+$0x0], $0xffff;
	v36 =	vmul.f32 v48, v5;
	v40 =	vmul.f32 v50, v5;
	v17 =	vadd.f32 $7.629394530e-03, v43  }
0x7c: {  	v18 =	vld.idx.msk [tilespmem:v20+s4+$0x0], $0xffff;
	v33 =	vadd.f32 $5.000000000e+03, v33;
	v35 =	vmul.f32 v63, v5;
	v20 =	vadd.f32 $5.000000000e+03, v32  }
0x7d: {  	v39 =	vmul.f32 v49, v5;
	v43 =	vadd.f32 $5.000000000e+03, v43;
	v57 =	vadd.f32 $5.000000000e+03, v17  }
0x7e: {  	v20 =	vmul.f32 v20, v5;
	v26 =	vmul.f32 $7.629394530e-03, v59;
	v17 =	vld.idx.msk [tilespmem:v19+s4+$0x0], $0xffff;
	v19 =	vadd.f32 $5.000000000e+03, v29  }
0x7f: {  	v29 =	vadd.f32 $5.000000000e+03, v30;
	v58 =	vmul.f32 v43, v5;
	v59 =	vmul.f32 v57, v5  }
0x80: {  	v20 =	vsub.f32 v20, v39;
	v60 =	vadd.s32 $0x1, v22;
	v19 =	vmul.f32 v19, v5  }
0x81: {  	v34 =	vadd.f32 $7.629394530e-03, v62;
	v29 =	vmul.f32 v29, v5;
	v42 =	vsub.f32 v59, v58  }
0x82: {  	v33 =	vmul.f32 v33, v5;
	v51 =	vadd.f32 $5.000000000e+03, v26;
	v19 =	vsub.f32 v19, v35  }
0x83: {  	v14 =	vld.idx.msk [tilespmem:v14+s4+$0x0], $0xffff;
	v26 =	vadd.f32 $7.629394530e-03, v26;
	v29 =	vsub.f32 v29, v36;
	(erf) = vrcp.f32 v42  }
0x84: {  	v25 =	vadd.f32 $5.000000000e+03, v24;
	v24 =	vadd.f32 $7.629394530e-03, v24;
	(erf) = vrcp.f32 v19;
	v19 =	vld.idx.msk [tilespmem:v22+s4+$0x0], $0xffff  }
0x85: {  	v34 =	vadd.f32 $5.000000000e+03, v34;
	v26 =	vadd.f32 $5.000000000e+03, v26;
	(erf) = vrcp.f32 v29;
	v29 =	vld.idx.msk [tilespmem:v60+s4+$0x0], $0xffff  }
0x86: {  	v23 =	vld.idx.msk [tilespmem:v23+s4+$0x0], $0xffff;
	v25 =	vmul.f32 v25, v5;
	v24 =	vadd.f32 $5.000000000e+03, v24;
	v41 =	vmul.f32 v51, v5  }
0x87: {  	v38 =	vld.idx.msk [tilespmem:v61+s4+$0x0], $0xffff;
	v61 =	vmul.f32 v34, v5;
	v26 =	vmul.f32 v26, v5;
	v22 =	vsub.f32 v33, v40  }
0x88: {  	v27 =	vld.idx.msk [tilespmem:v27+s4+$0x0], $0xffff;
	v10 =	vsub.f32 v10, v36;
	v30 =	vmul.f32 v52, v5;
	(erf) = vrcp.f32 v20  }
0x89: {  	v28 =	vld.idx.msk [tilespmem:v28+s4+$0x0], $0xffff;
	v24 =	vmul.f32 v24, v5;
	v26 =	vsub.f32 v26, v41;
	(erf) = vrcp.f32 v22  }
0x8a: {  	v21 =	vld.idx.msk [tilespmem:v21+s4+$0x0], $0xffff;
	v33 =	vsub.f32 v61, v30;
	v29 =	vsub.f32 v29, v19  }
0x8b: {  	v31 =	vld.idx.msk [tilespmem:v31+s4+$0x0], $0xffff;
	v22 =	vsub.f32 v23, v14;
	v23 =	vsub.f32 v24, v25;
	(erf) = vrcp.f32 v26  }
0x8c: {  	v37 =	vld.idx.msk [tilespmem:v37+s4+$0x0], $0xffff;
	v11 =	vsub.f32 v11, v40;
	v13 =	vsub.f32 v13, v25;
	(erf) = vrcp.f32 v33;
	v25 =	vpop (erf)  }
0x8d: {  	v24 =	vsub.f32 v27, v55;
	(erf) = vrcp.f32 v23;
	v25 =	vmul.f32 v29, v25  }
0x8e: {  	v12 =	vsub.f32 v12, v35;
	v20 =	vld.idx.msk [tilespmem:v54+s4+$0x0], $0xffff;
	v26 =	vsub.f32 v28, v56;
	v29 =	vpop (erf)  }
0x8f: {  	v9 =	vsub.f32 v9, v39;
	v15 =	vsub.f32 v15, v58;
	v24 =	vmul.f32 v24, v29;
	v29 =	vpop (erf)  }
0x90: {  	v8 =	vsub.f32 v8, v41;
	v27 =	vsub.f32 v31, v21;
	v26 =	vmul.f32 v26, v29  }
0x91: {  	v28 =	vsub.f32 v37, v16;
	v15 =	vmul.f32 v25, v15;
	v25 =	vpop (erf);
	v12 =	vmul.f32 v24, v12  }
0x92: {  	v7 =	vsub.f32 v7, v30;
	v23 =	vsub.f32 v38, v17;
	v24 =	vmul.f32 v27, v25;
	v25 =	vpop (erf)  }
0x93: {  	s30 =	simm.s32 $0xE0;
	v20 =	vsub.f32 v20, v18;
	v10 =	vmul.f32 v26, v10;
	v25 =	vmul.f32 v28, v25  }
0x94: {  	s22 =	simm.s32 $0xA0;
	s20 =	simm.s32 $0x80;
	s31 =	scvt.s32.f32 s30;
	v32 =	vadd.f32 v15, v19;
	v30 =	vadd.f32 v12, v55;
	v26 =	vpop (erf);
	v9 =	vmul.f32 v24, v9  }
0x95: {  	s21 =	simm.s32 $0x90;
	s18 =	scvt.s32.f32 s20;
	s20 =	scvt.s32.f32 s22;
	v31 =	vadd.f32 v10, v56;
	v12 =	vpop (erf);
	v15 =	vmul.f32 v23, v26;
	v19 =	vmul.f32 v25, v11  }
0x96: {  	s23 =	simm.s32 $0xB0;
	s19 =	scvt.s32.f32 s21;
	v23 =	vadd.f32 s31, v0;
	v10 =	vmul.f32 v20, v12;
	v12 =	vpop (erf);
	v33 =	vadd.f32 v9, v21  }
0x97: {  	s24 =	simm.s32 $0xC0;
	s25 =	scvt.s32.f32 s23;
	v9 =	vadd.f32 s20, v0;
	v11 =	vmul.f32 v22, v12;
	v15 =	vmul.f32 v15, v8  }
0x98: {  	s28 =	simm.s32 $0xD0;
	s26 =	scvt.s32.f32 s24;
	v8 =	vadd.f32 s19, v0;
	v38 =	vadd.f32 v19, v16;
	v20 =	vmul.f32 v10, v7  }
0x99: {  	s29 =	scvt.s32.f32 s28;
	v7 =	vadd.f32 s18, v0;
	v10 =	vadd.f32 s25, v0;
	v9 =	vmul.f32 $7.629394530e-03, v9  }
0x9a: {  	v21 =	vmul.f32 v11, v13;
	v11 =	vadd.f32 s26, v0;
	v8 =	vmul.f32 $7.629394530e-03, v8  }
0x9b: {  	v13 =	vadd.f32 s29, v0;
	v41 =	vadd.f32 v15, v17;
	v7 =	vmul.f32 $7.629394530e-03, v7  }
0x9c: {  	v10 =	vmul.f32 $7.629394530e-03, v10;
	v22 =	vmul.f32 $7.629394530e-03, v11;
	v12 =	vadd.f32 $5.000000000e+03, v8  }
0x9d: {  	v11 =	vadd.f32 $5.000000000e+03, v7;
	v7 =	vmul.f32 $7.629394530e-03, v13;
	v13 =	vadd.f32 $5.000000000e+03, v9  }
0x9e: {  	v23 =	vmul.f32 $7.629394530e-03, v23;
	v8 =	vadd.f32 $5.000000000e+03, v10;
	v10 =	vadd.f32 $5.000000000e+03, v22  }
0x9f: {  	v22 =	vmul.f32 v12, v6;
	v24 =	vmul.f32 v11, v6;
	v9 =	vadd.f32 $5.000000000e+03, v7  }
0xa0: {  	v25 =	vmul.f32 v13, v6;
	v7 =	vadd.f32 $5.000000000e+03, v23;
	v26 =	vmul.f32 v10, v6  }
0xa1: {  	v22 =	vadd.f32 $-6.512640000e+05, v22;
	v23 =	vadd.f32 $-6.512640000e+05, v24;
	v24 =	vmul.f32 v8, v6  }
0xa2: {  	v27 =	vmul.f32 v9, v6;
	v28 =	vmul.f32 v7, v6;
	v25 =	vadd.f32 $-6.512640000e+05, v25  }
0xa3: {  	v26 =	vadd.f32 $-6.512640000e+05, v26;
	v22 =	vtrunc.f32 v22;
	v23 =	vtrunc.f32 v23  }
0xa4: {  	v24 =	vadd.f32 $-6.512640000e+05, v24;
	v27 =	vadd.f32 $-6.512640000e+05, v27;
	v25 =	vtrunc.f32 v25  }
0xa5: {  	v28 =	vadd.f32 $-6.512640000e+05, v28;
	v22 =	vcvt.f32.s32 v22;
	v23 =	vcvt.f32.s32 v23  }
0xa6: {  	v42 =	vadd.f32 v20, v18;
	v19 =	vtrunc.f32 v26;
	v16 =	vtrunc.f32 v24  }
0xa7: {  	v43 =	vadd.f32 v21, v14;
	v15 =	vtrunc.f32 v27;
	v17 =	vtrunc.f32 v28  }
0xa8: {  	v28 =	vcvt.f32.s32 v25;
	v34 =	vcvt.f32.s32 v19;
	v21 =	vadd.s32 $0xFFFFEFFF, v22  }
0xa9: {  	v29 =	vcvt.f32.s32 v16;
	v20 =	vadd.s32 $0xFFFFF001, v23;
	v35 =	vcvt.f32.s32 v15  }
0xaa: {  	v36 =	vcvt.f32.s32 v17;
	v62 =	vadd.s32 $0xFFFFF000, v23;
	v63 =	vadd.s32 $0xFFFFEFFF, v23  }
0xab: {  	v17 =	vadd.s32 $0xFFFFF001, v22;
	v22 =	vadd.s32 $0xFFFFF000, v22;
	v14 =	vadd.s32 $0xFFFFF001, v28  }
0xac: {  	v16 =	vadd.s32 $0xFFFFF001, v34;
	v55 =	vcvt.s32.f32 v62;
	v23 =	vadd.s32 $0xFFFFF000, v28  }
0xad: {  	v56 =	vcvt.s32.f32 v22;
	v24 =	vadd.s32 $0xFFFFF000, v34;
	v28 =	vadd.s32 $0xFFFFEFFF, v28  }
0xae: {  	v34 =	vadd.s32 $0xFFFFEFFF, v34;
	v15 =	vadd.s32 $0xFFFFF001, v29;
	v18 =	vadd.s32 $0xFFFFF001, v35  }
0xaf: {  	v19 =	vadd.s32 $0xFFFFF001, v36;
	v25 =	vadd.s32 $0xFFFFF000, v29;
	v57 =	vcvt.s32.f32 v23  }
0xb0: {  	v27 =	vadd.s32 $0xFFFFF000, v35;
	v59 =	vcvt.s32.f32 v24;
	v26 =	vadd.s32 $0xFFFFF000, v36  }
0xb1: {  	v29 =	vadd.s32 $0xFFFFEFFF, v29;
	v58 =	vcvt.s32.f32 v25;
	v40 =	vmul.f32 $7.629394530e-03, v55  }
0xb2: {  	v35 =	vadd.s32 $0xFFFFEFFF, v35;
	v60 =	vcvt.s32.f32 v27;
	v49 =	vcvt.s32.f32 v26  }
0xb3: {  	v36 =	vadd.s32 $0xFFFFEFFF, v36;
	v44 =	vmul.f32 $7.629394530e-03, v56;
	v45 =	vmul.f32 $7.629394530e-03, v57  }
0xb4: {  	v47 =	vmul.f32 $7.629394530e-03, v59;
	v50 =	vadd.f32 $5.000000000e+03, v40;
	v40 =	vadd.f32 $7.629394530e-03, v40  }
0xb5: {  	v46 =	vmul.f32 $7.629394530e-03, v58;
	v51 =	vadd.f32 $5.000000000e+03, v44;
	v44 =	vadd.f32 $7.629394530e-03, v44  }
0xb6: {  	v48 =	vmul.f32 $7.629394530e-03, v60;
	v52 =	vadd.f32 $5.000000000e+03, v45;
	v61 =	vadd.f32 $5.000000000e+03, v47  }
0xb7: {  	v49 =	vmul.f32 $7.629394530e-03, v49;
	v45 =	vadd.f32 $7.629394530e-03, v45;
	v47 =	vadd.f32 $7.629394530e-03, v47  }
0xb8: {  	s18 =	simm.s32 $0x86C0;
	v50 =	vmul.f32 v50, v5;
	v53 =	vadd.f32 $5.000000000e+03, v46;
	v46 =	vadd.f32 $7.629394530e-03, v46  }
0xb9: {  	[tilespmem:s18+$0xFFFFFFD0] =	vst v30;
	v51 =	vmul.f32 v51, v5;
	v56 =	vadd.f32 $7.629394530e-03, v48;
	v30 =	vadd.f32 $5.000000000e+03, v40  }
0xba: {  	[tilespmem:s18+$0xFFFFFFE0] =	vst v31;
	v31 =	vadd.f32 $5.000000000e+03, v44;
	v57 =	vmul.f32 v52, v5;
	v59 =	vadd.f32 $5.000000000e+03, v45  }
0xbb: {  	vm1 =	vlt.f32 v50, v11;
	v58 =	vmul.f32 v53, v5;
	v50 =	vmul.f32 v61, v5  }
0xbc: {  	[tilespmem:s18+$0x0] =	vst v38;
	v61 =	vadd.f32 $5.000000000e+03, v46;
	v38 =	vadd.f32 $5.000000000e+03, v56;
	v40 =	vmul.f32 v30, v5  }
0xbd: {  	[tilespmem:s18+$0x30] =	vst v32;
	v32 =	vmul.f32 v31, v5;
	v37 =	vsel vm1, v62, v63;
	v62 =	vadd.f32 $5.000000000e+03, v48  }
0xbe: {  	vm1 =	vlt.f32 v51, v12;
	v63 =	vadd.f32 $5.000000000e+03, v49;
	v49 =	vadd.f32 $7.629394530e-03, v49  }
0xbf: {  	[tilespmem:s18+$0xFFFFFFF0] =	vst v33;
	vm3 =	vlt.f32 v57, v13;
	v30 =	vmul.f32 v59, v5;
	vm4 =	vlt.f32 v58, v8  }
0xc0: {  	[tilespmem:s18+$0x10] =	vst v41;
	v60 =	vmul.f32 v62, v5;
	v62 =	vadd.f32 $5.000000000e+03, v47;
	v63 =	vmul.f32 v63, v5  }
0xc1: {  	[tilespmem:s18+$0x20] =	vst v42;
	vm2 =	vlt.f32 v50, v10;
	v33 =	vmul.f32 v61, v5;
	v39 =	vadd.f32 $5.000000000e+03, v49  }
0xc2: {  	s20 =	simm.s32 $0xF0;
	s19 =	simm.s32 $0x100;
	[tilespmem:s18+$0xFFFFFFC0] =	vst v43;
	vm6 =	vlt.f32 v60, v9;
	v31 =	vmul.f32 v62, v5;
	vm5 =	vlt.f32 v63, v7  }
.LBB2_2:
0xc3: {  	p0 =	slt.u32 s19, $0x7F80;
	vm7 =	vlt.f32 v40, v11;
	v38 =	vmul.f32 v38, v5;
	v39 =	vmul.f32 v39, v5;
	s20 =	scvt.s32.f32 s20  }
0xc4: {  	v21 =	vsel vm1, v22, v21;
	v22 =	vsel vm3, v23, v28;
	v23 =	vsel vm4, v25, v29  }
0xc5: {  	v24 =	vsel vm2, v24, v34;
	v25 =	vsel vm6, v27, v35;
	v27 =	vadd.f32 s20, v0  }
0xc6: {  	vm1 =	vlt.f32 v32, v12;
	v26 =	vsel vm5, v26, v36;
	v20 =	vsel vm7, v20, v37  }
0xc7: {  	vm2 =	vlt.f32 v30, v13;
	vm3 =	vlt.f32 v33, v8;
	v27 =	vmul.f32 $7.629394530e-03, v27  }
0xc8: {  	vm4 =	vlt.f32 v31, v10;
	vm5 =	vlt.f32 v38, v9;
	vm6 =	vlt.f32 v39, v7  }
0xc9: {  	v21 =	vsel vm1, v17, v21;
	vm7 =	vgt.s32 v20, $0x0;
	v17 =	vadd.f32 $5.000000000e+03, v27  }
0xca: {  	v14 =	vsel vm2, v14, v22;
	v15 =	vsel vm3, v15, v23;
	v16 =	vsel vm4, v16, v24  }
0xcb: {  	v18 =	vsel vm5, v18, v25;
	v19 =	vsel vm6, v19, v26;
	v22 =	vmul.f32 v17, v6  }
0xcc: {  	vm1 =	vgt.s32 v21, $0x0;
	vm2 =	vgt.s32 v14, $0x0;
	v20 =	vnsel vm7, $0x0, v20  }
0xcd: {  	vm3 =	vgt.s32 v15, $0x0;
	vm4 =	vgt.s32 v16, $0x0;
	v22 =	vadd.f32 $-6.512640000e+05, v22  }
0xce: {  	v20 =	vmin.u32 v20, $0x867E;
	vm5 =	vgt.s32 v18, $0x0;
	vm6 =	vgt.s32 v19, $0x0  }
0xcf: {  	v21 =	vnsel vm1, $0x0, v21;
	v14 =	vnsel vm2, $0x0, v14;
	v22 =	vtrunc.f32 v22  }
0xd0: {  	v15 =	vnsel vm3, $0x0, v15;
	v16 =	vnsel vm4, $0x0, v16;
	v22 =	vcvt.f32.s32 v22  }
0xd1: {  	v23 =	vadd.s32 $0x1, v20;
	v18 =	vnsel vm5, $0x0, v18;
	v19 =	vnsel vm6, $0x0, v19  }
0xd2: {  	v21 =	vmin.u32 v21, $0x867E;
	v24 =	vcvt.s32.f32 v20;
	v25 =	vadd.s32 $0xFFFFF000, v22  }
0xd3: {  	v26 =	vmin.u32 v14, $0x867E;
	v15 =	vmin.u32 v15, $0x867E;
	v14 =	vcvt.s32.f32 v25  }
0xd4: {  	v16 =	vmin.u32 v16, $0x867E;
	v18 =	vmin.u32 v18, $0x867E;
	v19 =	vmin.u32 v19, $0x867E  }
0xd5: {  	v28 =	vadd.s32 $0x1, v26;
	v27 =	vadd.s32 $0x1, v21;
	v14 =	vmul.f32 $7.629394530e-03, v14  }
0xd6: {  	v29 =	vcvt.s32.f32 v21;
	v30 =	vcvt.s32.f32 v26;
	v31 =	vadd.s32 $0x1, v15  }
0xd7: {  	v32 =	vcvt.s32.f32 v15;
	v33 =	vcvt.s32.f32 v16;
	v34 =	vadd.f32 $7.629394530e-03, v14  }
0xd8: {  	v35 =	vcvt.s32.f32 v18;
	v36 =	vcvt.s32.f32 v19;
	v14 =	vadd.f32 $5.000000000e+03, v14  }
0xd9: {  	v24 =	vmul.f32 $7.629394530e-03, v24;
	v29 =	vmul.f32 $7.629394530e-03, v29;
	v34 =	vadd.f32 $5.000000000e+03, v34  }
0xda: {  	v37 =	vadd.s32 $0x1, v16;
	v30 =	vmul.f32 $7.629394530e-03, v30;
	v14 =	vmul.f32 v14, v5  }
0xdb: {  	v38 =	vadd.s32 $0x1, v18;
	v32 =	vmul.f32 $7.629394530e-03, v32;
	v34 =	vmul.f32 v34, v5  }
0xdc: {  	v33 =	vmul.f32 $7.629394530e-03, v33;
	vm1 =	vlt.f32 v14, v17;
	v14 =	vadd.s32 $0xFFFFEFFF, v22  }
0xdd: {  	v22 =	vadd.s32 $0xFFFFF001, v22;
	v14 =	vsel vm1, v25, v14;
	vm2 =	vlt.f32 v34, v17  }
0xde: {  	v25 =	vmul.f32 $7.629394530e-03, v35;
	v34 =	vmul.f32 $7.629394530e-03, v36;
	v14 =	vsel vm2, v22, v14  }
0xdf: {  	v22 =	vadd.f32 $5.000000000e+03, v24;
	v24 =	vadd.f32 $7.629394530e-03, v24;
	vm1 =	vgt.s32 v14, $0x0  }
0xe0: {  	v35 =	vadd.f32 $5.000000000e+03, v29;
	v36 =	vadd.f32 $5.000000000e+03, v30;
	v39 =	vnsel vm1, $0x0, v14  }
0xe1: {  	v40 =	vadd.f32 $5.000000000e+03, v33;
	v14 =	vld.idx.msk [tilespmem:v20+s4+$0x0], $0xffff;
	v20 =	vadd.f32 $5.000000000e+03, v32;
	v39 =	vmin.u32 v39, $0x867E  }
0xe2: {  	v41 =	vadd.f32 $5.000000000e+03, v25;
	v42 =	vadd.f32 $5.000000000e+03, v34;
	v23 =	vld.idx.msk [tilespmem:v23+s4+$0x0], $0xffff;
	v43 =	vcvt.s32.f32 v39  }
0xe3: {  	v44 =	vadd.s32 $0x1, v19;
	v29 =	vadd.f32 $7.629394530e-03, v29;
	v30 =	vadd.f32 $7.629394530e-03, v30;
	v21 =	vld.idx.msk [tilespmem:v21+s4+$0x0], $0xffff  }
0xe4: {  	v33 =	vadd.f32 $7.629394530e-03, v33;
	v32 =	vadd.f32 $7.629394530e-03, v32;
	v26 =	vld.idx.msk [tilespmem:v26+s4+$0x0], $0xffff;
	v43 =	vmul.f32 $7.629394530e-03, v43  }
0xe5: {  	v25 =	vadd.f32 $7.629394530e-03, v25;
	v34 =	vadd.f32 $7.629394530e-03, v34;
	v22 =	vmul.f32 v22, v5;
	v45 =	vld.idx.msk [tilespmem:v15+s4+$0x0], $0xffff  }
0xe6: {  	v35 =	vmul.f32 v35, v5;
	v36 =	vmul.f32 v36, v5;
	v46 =	vld.idx.msk [tilespmem:v16+s4+$0x0], $0xffff;
	v47 =	vadd.f32 $7.629394530e-03, v43  }
0xe7: {  	v40 =	vmul.f32 v40, v5;
	v24 =	vadd.f32 $5.000000000e+03, v24;
	v20 =	vmul.f32 v20, v5;
	v16 =	vld.idx.msk [tilespmem:v18+s4+$0x0], $0xffff  }
0xe8: {  	v18 =	vmul.f32 v41, v5;
	v15 =	vld.idx.msk [tilespmem:v19+s4+$0x0], $0xffff;
	v19 =	vadd.f32 $5.000000000e+03, v43;
	v41 =	vadd.f32 $5.000000000e+03, v47  }
0xe9: {  	v29 =	vadd.f32 $5.000000000e+03, v29;
	v30 =	vadd.f32 $5.000000000e+03, v30;
	v42 =	vmul.f32 v42, v5;
	v27 =	vld.idx.msk [tilespmem:v27+s4+$0x0], $0xffff  }
0xea: {  	v32 =	vadd.f32 $5.000000000e+03, v32;
	v28 =	vld.idx.msk [tilespmem:v28+s4+$0x0], $0xffff;
	v19 =	vmul.f32 v19, v5;
	v41 =	vmul.f32 v41, v5  }
0xeb: {  	v33 =	vadd.f32 $5.000000000e+03, v33;
	v29 =	vmul.f32 v29, v5;
	v43 =	vadd.s32 $0x1, v39;
	v31 =	vld.idx.msk [tilespmem:v31+s4+$0x0], $0xffff  }
0xec: {  	v25 =	vadd.f32 $5.000000000e+03, v25;
	v30 =	vmul.f32 v30, v5;
	v37 =	vld.idx.msk [tilespmem:v37+s4+$0x0], $0xffff;
	v41 =	vsub.f32 v41, v19  }
0xed: {  	v34 =	vadd.f32 $5.000000000e+03, v34;
	v29 =	vsub.f32 v29, v35;
	v32 =	vmul.f32 v32, v5;
	v38 =	vld.idx.msk [tilespmem:v38+s4+$0x0], $0xffff  }
0xee: {  	v33 =	vmul.f32 v33, v5;
	v30 =	vsub.f32 v30, v36;
	v44 =	vld.idx.msk [tilespmem:v44+s4+$0x0], $0xffff;
	(erf) = vrcp.f32 v41  }
0xef: {  	v25 =	vmul.f32 v25, v5;
	v32 =	vsub.f32 v32, v20;
	v39 =	vld.idx.msk [tilespmem:v39+s4+$0x0], $0xffff;
	(erf) = vrcp.f32 v29  }
0xf0: {  	v29 =	vsub.f32 v33, v40;
	v33 =	vmul.f32 v34, v5;
	v34 =	vld.idx.msk [tilespmem:v43+s4+$0x0], $0xffff;
	(erf) = vrcp.f32 v30  }
0xf1: {  	v24 =	vmul.f32 v24, v5;
	v25 =	vsub.f32 v25, v18;
	(erf) = vrcp.f32 v32  }
0xf2: {  	v23 =	vsub.f32 v23, v14;
	v30 =	vsub.f32 v33, v42;
	(erf) = vrcp.f32 v29  }
0xf3: {  	v24 =	vsub.f32 v24, v22;
	v27 =	vsub.f32 v27, v21;
	(erf) = vrcp.f32 v25  }
0xf4: {  	v25 =	vsub.f32 v28, v26;
	v28 =	vsub.f32 v31, v45;
	(erf) = vrcp.f32 v30  }
0xf5: {  	v29 =	vsub.f32 v37, v46;
	v30 =	vsub.f32 v38, v16;
	(erf) = vrcp.f32 v24  }
0xf6: {  	v24 =	vsub.f32 v44, v15;
	v31 =	vsub.f32 v34, v39  }
0xf7: {  	v12 =	vsub.f32 v12, v35;
	v11 =	vsub.f32 v11, v22;
	v22 =	vpop (erf)  }
0xf8: {  	v13 =	vsub.f32 v13, v36;
	v17 =	vsub.f32 v17, v19;
	v22 =	vmul.f32 v31, v22;
	v19 =	vpop (erf)  }
0xf9: {  	v10 =	vsub.f32 v10, v40;
	v8 =	vsub.f32 v8, v20;
	v27 =	vmul.f32 v27, v19;
	v20 =	vpop (erf)  }
0xfa: {  	v9 =	vsub.f32 v9, v18;
	v25 =	vmul.f32 v25, v20;
	v17 =	vmul.f32 v22, v17;
	v18 =	vpop (erf)  }
0xfb: {  	v7 =	vsub.f32 v7, v42;
	v12 =	vmul.f32 v27, v12;
	v18 =	vmul.f32 v28, v18;
	v19 =	vpop (erf)  }
0xfc: {  	v13 =	vmul.f32 v25, v13;
	v19 =	vmul.f32 v29, v19;
	v22 =	vadd.f32 v17, v39;
	v20 =	vpop (erf)  }
0xfd: {  	s18 =	sadd.s32 $0x80, s18;
	v12 =	vadd.f32 v12, v21;
	v8 =	vmul.f32 v18, v8;
	v18 =	vmul.f32 v30, v20;
	v20 =	vpop (erf)  }
0xfe: {  	v13 =	vadd.f32 v13, v26;
	v10 =	vmul.f32 v19, v10;
	v19 =	vmul.f32 v24, v20;
	[tilespmem:s18+$0x30] =	vst v22;
	v17 =	vpop (erf)  }
0xff: {  	s21 =	sadd.s32 $0x10, s19;
	s20 =	scvt.s32.f32 s19;
	v17 =	vmul.f32 v23, v17;
	[tilespmem:s18+$0xFFFFFFD0] =	vst v12;
	v8 =	vadd.f32 v8, v45;
	v9 =	vmul.f32 v18, v9  }
0x100: {  	s22 =	sadd.s32 $0x20, s19;
	s21 =	scvt.s32.f32 s21;
	[tilespmem:s18+$0xFFFFFFE0] =	vst v13;
	v10 =	vadd.f32 v10, v46;
	v7 =	vmul.f32 v19, v7  }
0x101: {  	s23 =	sadd.s32 $0x40, s19;
	v12 =	vadd.f32 s20, v0;
	s20 =	scvt.s32.f32 s22;
	s22 =	sadd.s32 $0x30, s19;
	v11 =	vmul.f32 v17, v11;
	[tilespmem:s18+$0xFFFFFFF0] =	vst v8;
	v8 =	vadd.f32 v9, v16  }
0x102: {  	v9 =	vadd.f32 s21, v0;
	s21 =	scvt.s32.f32 s22;
	s22 =	scvt.s32.f32 s23;
	s23 =	sadd.s32 $0x50, s19;
	[tilespmem:s18+$0x0] =	vst v10;
	v7 =	vadd.f32 v7, v15  }
0x103: {  	v10 =	vadd.f32 s20, v0;
	s20 =	scvt.s32.f32 s23;
	s23 =	sadd.s32 $0x60, s19;
	v11 =	vadd.f32 v11, v14;
	[tilespmem:s18+$0x10] =	vst v8  }
0x104: {  	v8 =	vmul.f32 $7.629394530e-03, v12;
	v12 =	vadd.f32 s21, v0;
	v13 =	vadd.f32 s22, v0;
	s21 =	scvt.s32.f32 s23;
	[tilespmem:s18+$0x20] =	vst v7  }
0x105: {  	v7 =	vmul.f32 $7.629394530e-03, v9;
	v9 =	vmul.f32 $7.629394530e-03, v10;
	v10 =	vadd.f32 s20, v0;
	[tilespmem:s18+$0xFFFFFFC0] =	vst v11  }
0x106: {  	v14 =	vmul.f32 $7.629394530e-03, v12;
	v15 =	vmul.f32 $7.629394530e-03, v13;
	v16 =	vadd.f32 s21, v0  }
0x107: {  	v11 =	vadd.f32 $5.000000000e+03, v8;
	v12 =	vadd.f32 $5.000000000e+03, v7;
	v7 =	vmul.f32 $7.629394530e-03, v10  }
0x108: {  	v13 =	vadd.f32 $5.000000000e+03, v9;
	v8 =	vadd.f32 $5.000000000e+03, v14;
	v14 =	vmul.f32 $7.629394530e-03, v16  }
0x109: {  	v16 =	vmul.f32 v11, v6;
	v10 =	vadd.f32 $5.000000000e+03, v15;
	v9 =	vadd.f32 $5.000000000e+03, v7  }
0x10a: {  	v15 =	vmul.f32 v12, v6;
	v17 =	vmul.f32 v13, v6;
	v7 =	vadd.f32 $5.000000000e+03, v14  }
0x10b: {  	v14 =	vadd.f32 $-6.512640000e+05, v16;
	v16 =	vmul.f32 v8, v6;
	v18 =	vmul.f32 v10, v6  }
0x10c: {  	v15 =	vadd.f32 $-6.512640000e+05, v15;
	v19 =	vmul.f32 v9, v6;
	v20 =	vmul.f32 v7, v6  }
0x10d: {  	v17 =	vadd.f32 $-6.512640000e+05, v17;
	v14 =	vtrunc.f32 v14;
	v16 =	vadd.f32 $-6.512640000e+05, v16  }
0x10e: {  	v18 =	vadd.f32 $-6.512640000e+05, v18;
	v14 =	vcvt.f32.s32 v14;
	v19 =	vadd.f32 $-6.512640000e+05, v19  }
0x10f: {  	v15 =	vtrunc.f32 v15;
	v17 =	vtrunc.f32 v17;
	v20 =	vadd.f32 $-6.512640000e+05, v20  }
0x110: {  	v16 =	vtrunc.f32 v16;
	v18 =	vtrunc.f32 v18  }
0x111: {  	v19 =	vtrunc.f32 v19;
	v21 =	vtrunc.f32 v20  }
0x112: {  	v22 =	vcvt.f32.s32 v15;
	v28 =	vcvt.f32.s32 v17  }
0x113: {  	v29 =	vcvt.f32.s32 v16;
	v30 =	vcvt.f32.s32 v18  }
0x114: {  	v20 =	vadd.s32 $0xFFFFF001, v14;
	v31 =	vcvt.f32.s32 v19;
	v32 =	vcvt.f32.s32 v21  }
0x115: {  	v33 =	vadd.s32 $0xFFFFF000, v14;
	v37 =	vadd.s32 $0xFFFFEFFF, v14;
	v17 =	vadd.s32 $0xFFFFF001, v22  }
0x116: {  	v14 =	vadd.s32 $0xFFFFF001, v28;
	v15 =	vadd.s32 $0xFFFFF001, v29;
	v16 =	vadd.s32 $0xFFFFF001, v30  }
0x117: {  	v21 =	vadd.s32 $0xFFFFEFFF, v22;
	v18 =	vadd.s32 $0xFFFFF001, v31;
	v19 =	vadd.s32 $0xFFFFF001, v32  }
0x118: {  	v34 =	vcvt.s32.f32 v33;
	v23 =	vadd.s32 $0xFFFFF000, v28;
	v22 =	vadd.s32 $0xFFFFF000, v22  }
0x119: {  	v25 =	vadd.s32 $0xFFFFF000, v29;
	v24 =	vadd.s32 $0xFFFFF000, v30;
	v35 =	vcvt.s32.f32 v22  }
0x11a: {  	v36 =	vcvt.s32.f32 v23;
	v38 =	vcvt.s32.f32 v25;
	v27 =	vadd.s32 $0xFFFFF000, v31  }
0x11b: {  	v39 =	vcvt.s32.f32 v24;
	v40 =	vcvt.s32.f32 v27;
	v26 =	vadd.s32 $0xFFFFF000, v32  }
0x11c: {  	v28 =	vadd.s32 $0xFFFFEFFF, v28;
	v34 =	vmul.f32 $7.629394530e-03, v34;
	v41 =	vcvt.s32.f32 v26  }
0x11d: {  	v29 =	vadd.s32 $0xFFFFEFFF, v29;
	v36 =	vmul.f32 $7.629394530e-03, v36;
	v35 =	vmul.f32 $7.629394530e-03, v35  }
0x11e: {  	v42 =	vadd.f32 $5.000000000e+03, v34;
	v38 =	vmul.f32 $7.629394530e-03, v38;
	v39 =	vmul.f32 $7.629394530e-03, v39  }
0x11f: {  	v43 =	vadd.f32 $7.629394530e-03, v34;
	v40 =	vmul.f32 $7.629394530e-03, v40;
	v44 =	vadd.f32 $5.000000000e+03, v35  }
0x120: {  	v45 =	vadd.f32 $5.000000000e+03, v36;
	v46 =	vadd.f32 $5.000000000e+03, v38;
	v41 =	vmul.f32 $7.629394530e-03, v41  }
0x121: {  	v34 =	vadd.s32 $0xFFFFEFFF, v30;
	v47 =	vadd.f32 $5.000000000e+03, v39;
	v30 =	vadd.f32 $5.000000000e+03, v40  }
0x122: {  	v48 =	vadd.f32 $7.629394530e-03, v35;
	v35 =	vadd.s32 $0xFFFFEFFF, v31;
	v31 =	vadd.f32 $5.000000000e+03, v41  }
0x123: {  	v49 =	vadd.f32 $7.629394530e-03, v36;
	v36 =	vadd.s32 $0xFFFFEFFF, v32;
	v38 =	vadd.f32 $7.629394530e-03, v38  }
0x124: {  	v32 =	vmul.f32 v42, v5;
	v39 =	vadd.f32 $7.629394530e-03, v39;
	v40 =	vadd.f32 $7.629394530e-03, v40  }
0x125: {  	v42 =	vmul.f32 v44, v5;
	v44 =	vmul.f32 v45, v5;
	v41 =	vadd.f32 $7.629394530e-03, v41  }
0x126: {  	v43 =	vadd.f32 $5.000000000e+03, v43;
	v45 =	vmul.f32 v46, v5;
	v46 =	vmul.f32 v47, v5  }
0x127: {  	v47 =	vadd.f32 $5.000000000e+03, v48;
	v48 =	vadd.f32 $5.000000000e+03, v49;
	v49 =	vmul.f32 v30, v5  }
0x128: {  	v50 =	vadd.f32 $5.000000000e+03, v38;
	v51 =	vadd.f32 $5.000000000e+03, v39;
	v52 =	vmul.f32 v31, v5  }
.Ltmp0:
0x129: {  	vm1 =	vlt.f32 v32, v11;
	v38 =	vadd.f32 $5.000000000e+03, v40;
	v39 =	vadd.f32 $5.000000000e+03, v41;
	(pc) =	sbr.rel @p0 .LBB2_2-.Ltmp0, $4  }
0x12a: {  	v40 =	vmul.f32 v43, v5;
	v37 =	vsel vm1, v33, v37;
	vm1 =	vlt.f32 v42, v12  }
0x12b: {  	vm3 =	vlt.f32 v44, v13;
	vm4 =	vlt.f32 v45, v8;
	vm2 =	vlt.f32 v46, v10  }
0x12c: {  	v32 =	vmul.f32 v47, v5;
	v30 =	vmul.f32 v48, v5;
	vm6 =	vlt.f32 v49, v9  }
0x12d: {  	s20 =	sadd.s32 $0x70, s19;
	s19 =	sadd.s32 $0x80, s19;
	v33 =	vmul.f32 v50, v5;
	v31 =	vmul.f32 v51, v5;
	vm5 =	vlt.f32 v52, v7  }
0x12e: {  	vm7 =	vlt.f32 v40, v11;
	v38 =	vmul.f32 v38, v5;
	v39 =	vmul.f32 v39, v5;
	s19 =	scvt.s32.f32 s20  }
0x12f: {  	v21 =	vsel vm1, v22, v21;
	v22 =	vsel vm3, v23, v28;
	v23 =	vsel vm4, v25, v29  }
0x130: {  	v24 =	vsel vm2, v24, v34;
	v25 =	vsel vm6, v27, v35;
	v27 =	vadd.f32 s19, v0  }
0x131: {  	vm1 =	vlt.f32 v32, v12;
	v26 =	vsel vm5, v26, v36;
	vm2 =	vlt.f32 v30, v13  }
0x132: {  	v20 =	vsel vm7, v20, v37;
	vm3 =	vlt.f32 v33, v8;
	v27 =	vmul.f32 $7.629394530e-03, v27  }
0x133: {  	vm13 =	vlt.f32 v31, v10;
	v21 =	vsel vm1, v17, v21;
	v14 =	vsel vm2, v14, v22  }
0x134: {  	vm14 =	vlt.f32 v38, v9;
	vm15 =	vlt.f32 v39, v7;
	v17 =	vadd.f32 $5.000000000e+03, v27  }
0x135: {  	vm7 =	vgt.s32 v20, $0x0;
	v15 =	vsel vm3, v15, v23;
	v16 =	vsel vm13, v16, v24  }
0x136: {  	vm1 =	vgt.s32 v21, $0x0;
	vm2 =	vgt.s32 v14, $0x0;
	v22 =	vmul.f32 v17, v6  }
0x137: {  	v18 =	vsel vm14, v18, v25;
	v19 =	vsel vm15, v19, v26;
	v20 =	vnsel vm7, $0x0, v20  }
0x138: {  	vm3 =	vgt.s32 v15, $0x0;
	vm4 =	vgt.s32 v16, $0x0;
	v22 =	vadd.f32 $-6.512640000e+05, v22  }
0x139: {  	v21 =	vnsel vm1, $0x0, v21;
	v14 =	vnsel vm2, $0x0, v14;
	v20 =	vmin.u32 v20, $0x867E  }
0x13a: {  	vm5 =	vgt.s32 v18, $0x0;
	vm6 =	vgt.s32 v19, $0x0;
	v22 =	vtrunc.f32 v22  }
0x13b: {  	v15 =	vnsel vm3, $0x0, v15;
	v16 =	vnsel vm4, $0x0, v16;
	v22 =	vcvt.f32.s32 v22  }
0x13c: {  	v21 =	vmin.u32 v21, $0x867E;
	v14 =	vmin.u32 v14, $0x867E;
	v23 =	vadd.s32 $0x1, v20  }
0x13d: {  	v18 =	vnsel vm5, $0x0, v18;
	v19 =	vnsel vm6, $0x0, v19;
	v25 =	vadd.s32 $0xFFFFF000, v22  }
0x13e: {  	v24 =	vcvt.s32.f32 v20;
	v15 =	vmin.u32 v15, $0x867E;
	v26 =	vcvt.s32.f32 v25  }
0x13f: {  	v16 =	vmin.u32 v16, $0x867E;
	v29 =	vadd.s32 $0x1, v21;
	v30 =	vadd.s32 $0x1, v14  }
0x140: {  	v27 =	vmin.u32 v18, $0x867E;
	v28 =	vmin.u32 v19, $0x867E;
	v18 =	vmul.f32 $7.629394530e-03, v26  }
0x141: {  	v19 =	vcvt.s32.f32 v21;
	v31 =	vadd.s32 $0x1, v15;
	v51 =	vcvt.s32.f32 v15  }
0x142: {  	v52 =	vcvt.s32.f32 v16;
	v56 =	vadd.s32 $0x1, v16;
	v53 =	vadd.f32 $7.629394530e-03, v18  }
0x143: {  	v54 =	vcvt.s32.f32 v27;
	v55 =	vcvt.s32.f32 v28;
	v18 =	vadd.f32 $5.000000000e+03, v18  }
0x144: {  	v24 =	vmul.f32 $7.629394530e-03, v24;
	v19 =	vmul.f32 $7.629394530e-03, v19;
	v34 =	vadd.f32 $5.000000000e+03, v53  }
0x145: {  	v57 =	vadd.s32 $0x1, v27;
	v32 =	vmul.f32 $7.629394530e-03, v51;
	v18 =	vmul.f32 v18, v5  }
0x146: {  	v46 =	vadd.s32 $0x1, v28;
	v33 =	vmul.f32 $7.629394530e-03, v52;
	v34 =	vmul.f32 v34, v5  }
0x147: {  	v58 =	vmul.f32 $7.629394530e-03, v55;
	vm1 =	vlt.f32 v18, v17;
	v18 =	vadd.s32 $0xFFFFEFFF, v22  }
0x148: {  	v22 =	vadd.s32 $0xFFFFF001, v22;
	v18 =	vsel vm1, v25, v18;
	vm2 =	vlt.f32 v34, v17  }
0x149: {  	v59 =	vadd.f32 $5.000000000e+03, v19;
	v61 =	vadd.f32 $5.000000000e+03, v32;
	v18 =	vsel vm2, v22, v18  }
0x14a: {  	v62 =	vadd.f32 $5.000000000e+03, v33;
	v26 =	vcvt.s32.f32 v14;
	vm1 =	vgt.s32 v18, $0x0  }
0x14b: {  	v45 =	vadd.f32 $7.629394530e-03, v19;
	v32 =	vadd.f32 $7.629394530e-03, v32;
	v18 =	vnsel vm1, $0x0, v18  }
0x14c: {  	v33 =	vadd.f32 $7.629394530e-03, v33;
	v63 =	vld.idx.msk [tilespmem:v15+s4+$0x0], $0xffff;
	v26 =	vmul.f32 $7.629394530e-03, v26;
	v41 =	vmin.u32 v18, $0x867E  }
0x14d: {  	v43 =	vadd.f32 $5.000000000e+03, v58;
	v15 =	vmul.f32 v59, v5;
	v18 =	vld.idx.msk [tilespmem:v20+s4+$0x0], $0xffff;
	v20 =	vcvt.s32.f32 v41  }
0x14e: {  	v50 =	vmul.f32 v62, v5;
	v60 =	vadd.f32 $5.000000000e+03, v26;
	v26 =	vadd.f32 $7.629394530e-03, v26  }
0x14f: {  	v44 =	vld.idx.msk [tilespmem:v23+s4+$0x0], $0xffff;
	v32 =	vadd.f32 $5.000000000e+03, v32;
	v33 =	vadd.f32 $5.000000000e+03, v33;
	v23 =	vmul.f32 $7.629394530e-03, v20  }
0x150: {  	v52 =	vmul.f32 v43, v5;
	v26 =	vadd.f32 $5.000000000e+03, v26;
	v25 =	vmul.f32 $7.629394530e-03, v54  }
0x151: {  	v48 =	vmul.f32 v60, v5;
	v22 =	vadd.f32 $5.000000000e+03, v24;
	v49 =	vadd.f32 $7.629394530e-03, v23  }
0x152: {  	v26 =	vmul.f32 v26, v5;
	v24 =	vadd.f32 $7.629394530e-03, v24;
	v42 =	vadd.f32 $5.000000000e+03, v25  }
0x153: {  	v47 =	vld.idx.msk [tilespmem:v14+s4+$0x0], $0xffff;
	v32 =	vmul.f32 v32, v5;
	v51 =	vadd.f32 $5.000000000e+03, v23;
	v36 =	vadd.f32 $5.000000000e+03, v49  }
0x154: {  	v26 =	vsub.f32 v26, v48;
	v14 =	vmul.f32 v22, v5;
	v23 =	vld.idx.msk [tilespmem:v28+s4+$0x0], $0xffff;
	v28 =	vadd.f32 $5.000000000e+03, v45  }
0x155: {  	v22 =	vadd.f32 $7.629394530e-03, v25;
	v40 =	vmul.f32 v51, v5;
	v36 =	vmul.f32 v36, v5  }
0x156: {  	v21 =	vld.idx.msk [tilespmem:v21+s4+$0x0], $0xffff;
	v25 =	vadd.f32 $7.629394530e-03, v58;
	v53 =	vadd.s32 $0x1, v41;
	v28 =	vmul.f32 v28, v5  }
0x157: {  	v19 =	vld.idx.msk [tilespmem:v16+s4+$0x0], $0xffff;
	v33 =	vmul.f32 v33, v5;
	v16 =	vadd.f32 $5.000000000e+03, v24;
	v36 =	vsub.f32 v36, v40  }
0x158: {  	v29 =	vld.idx.msk [tilespmem:v29+s4+$0x0], $0xffff;
	v24 =	vmul.f32 v61, v5;
	v22 =	vadd.f32 $5.000000000e+03, v22;
	v28 =	vsub.f32 v28, v15  }
0x159: {  	v25 =	vadd.f32 $5.000000000e+03, v25;
	v20 =	vld.idx.msk [tilespmem:v27+s4+$0x0], $0xffff;
	v27 =	vmul.f32 v42, v5;
	(erf) = vrcp.f32 v36  }
0x15a: {  	v32 =	vsub.f32 v32, v24;
	v22 =	vmul.f32 v22, v5;
	(erf) = vrcp.f32 v28;
	v28 =	vld.idx.msk [tilespmem:v41+s4+$0x0], $0xffff  }
0x15b: {  	v33 =	vsub.f32 v33, v50;
	v25 =	vmul.f32 v25, v5;
	(erf) = vrcp.f32 v26;
	v26 =	vld.idx.msk [tilespmem:v53+s4+$0x0], $0xffff  }
0x15c: {  	v16 =	vmul.f32 v16, v5;
	v22 =	vsub.f32 v22, v27;
	(erf) = vrcp.f32 v32  }
0x15d: {  	v25 =	vsub.f32 v25, v52;
	(erf) = vrcp.f32 v33  }
0x15e: {  	v30 =	vld.idx.msk [tilespmem:v30+s4+$0x0], $0xffff;
	v12 =	vsub.f32 v12, v15;
	v16 =	vsub.f32 v16, v14;
	(erf) = vrcp.f32 v22  }
0x15f: {  	v31 =	vld.idx.msk [tilespmem:v31+s4+$0x0], $0xffff;
	v10 =	vsub.f32 v10, v50;
	v29 =	vsub.f32 v29, v21;
	(erf) = vrcp.f32 v25  }
0x160: {  	s21 =	simm.s32 $0x10;
	v7 =	vsub.f32 v7, v52;
	v54 =	vld.idx.msk [tilespmem:v46+s4+$0x0], $0xffff;
	(erf) = vrcp.f32 v16;
	v16 =	vsub.f32 v26, v28  }
0x161: {  	s21 =	scvt.s32.f32 s21;
	v37 =	vld.idx.msk [tilespmem:v56+s4+$0x0], $0xffff;
	v13 =	vsub.f32 v13, v48;
	v11 =	vsub.f32 v11, v14  }
0x162: {  	v38 =	vld.idx.msk [tilespmem:v57+s4+$0x0], $0xffff;
	v8 =	vsub.f32 v8, v24;
	v15 =	vsub.f32 v17, v40  }
0x163: {  	v24 =	vadd.f32 s21, v2;
	v55 =	vsub.f32 v44, v18;
	v14 =	vpop (erf)  }
0x164: {  	v9 =	vsub.f32 v9, v27;
	v22 =	vsub.f32 v30, v47;
	v14 =	vmul.f32 v16, v14;
	v16 =	vpop (erf)  }
0x165: {  	v56 =	vsub.f32 v54, v23;
	v30 =	vsub.f32 v31, v63;
	v16 =	vmul.f32 v29, v16;
	v17 =	vpop (erf)  }
0x166: {  	s22 =	simm.s32 $0x20;
	v25 =	vsub.f32 v37, v19;
	v14 =	vmul.f32 v14, v15;
	v17 =	vmul.f32 v22, v17;
	v15 =	vpop (erf)  }
0x167: {  	s23 =	simm.s32 $0x0;
	s25 =	scvt.s32.f32 s22;
	v31 =	vsub.f32 v38, v20;
	v12 =	vmul.f32 v16, v12;
	v16 =	vmul.f32 v30, v15;
	v15 =	vpop (erf)  }
0x168: {  	s29 =	simm.s32 $0x50;
	s24 =	scvt.s32.f32 s23;
	v14 =	vadd.f32 v14, v28;
	v13 =	vmul.f32 v17, v13;
	v17 =	vmul.f32 v25, v15;
	v22 =	vpop (erf)  }
0x169: {  	s26 =	simm.s32 $0x30;
	s20 =	scvt.s32.f32 s29;
	v25 =	vadd.f32 s25, v2;
	v15 =	vadd.f32 v12, v21;
	v22 =	vmul.f32 v31, v22  }
0x16a: {  	s28 =	simm.s32 $0x40;
	s22 =	scvt.s32.f32 s26;
	v8 =	vmul.f32 v16, v8;
	v21 =	vadd.f32 s24, v2;
	v16 =	vadd.f32 v13, v47  }
0x16b: {  	s30 =	simm.s32 $0x60;
	s21 =	scvt.s32.f32 s28;
	v26 =	vmul.f32 v17, v10;
	v10 =	vadd.f32 s20, v2;
	v12 =	vpop (erf);
	v27 =	vmul.f32 v22, v9  }
0x16c: {  	v9 =	vadd.f32 s22, v2;
	v17 =	vadd.f32 v8, v63;
	s22 =	scvt.s32.f32 s30;
	v12 =	vmul.f32 v56, v12;
	v13 =	vpop (erf)  }
0x16d: {  	v8 =	vadd.f32 s21, v2;
	v10 =	vmul.f32 $7.629394530e-03, v10;
	v13 =	vmul.f32 v55, v13  }
0x16e: {  	v22 =	vadd.f32 s22, v2;
	v28 =	vmul.f32 v12, v7;
	v7 =	vmul.f32 $7.629394530e-03, v21  }
0x16f: {  	v12 =	vmul.f32 $7.629394530e-03, v24;
	v21 =	vmul.f32 $7.629394530e-03, v25;
	v10 =	vadd.f32 $5.000000000e+03, v10  }
0x170: {  	v29 =	vmul.f32 v13, v11;
	v11 =	vadd.f32 $5.000000000e+03, v7;
	v7 =	vmul.f32 $7.629394530e-03, v9  }
0x171: {  	v9 =	vmul.f32 $7.629394530e-03, v8;
	v13 =	vadd.f32 $5.000000000e+03, v12;
	v12 =	vadd.f32 $5.000000000e+03, v21  }
0x172: {  	v8 =	vadd.f32 $5.000000000e+03, v7;
	v7 =	vmul.f32 $7.629394530e-03, v22;
	v21 =	vmul.f32 v11, v6  }
0x173: {  	v31 =	vmul.f32 v10, v6;
	v9 =	vadd.f32 $5.000000000e+03, v9;
	v22 =	vmul.f32 v13, v6  }
0x174: {  	v24 =	vmul.f32 v12, v6;
	v7 =	vadd.f32 $5.000000000e+03, v7;
	v21 =	vadd.f32 $-6.512640000e+05, v21  }
0x175: {  	v25 =	vmul.f32 v8, v6;
	v30 =	vmul.f32 v9, v6;
	v22 =	vadd.f32 $-6.512640000e+05, v22  }
0x176: {  	v24 =	vadd.f32 $-6.512640000e+05, v24;
	v57 =	vmul.f32 v7, v6;
	v21 =	vtrunc.f32 v21  }
0x177: {  	v25 =	vadd.f32 $-6.512640000e+05, v25;
	v30 =	vadd.f32 $-6.512640000e+05, v30;
	v59 =	vtrunc.f32 v22  }
0x178: {  	v24 =	vtrunc.f32 v24;
	v58 =	vcvt.f32.s32 v21;
	v21 =	vadd.f32 $-6.512640000e+05, v31  }
0x179: {  	v22 =	vadd.f32 v26, v19;
	v25 =	vtrunc.f32 v25;
	v31 =	vadd.f32 $-6.512640000e+05, v57  }
0x17a: {  	v26 =	vtrunc.f32 v30;
	v30 =	vtrunc.f32 v21;
	v21 =	vadd.f32 v27, v20  }
0x17b: {  	v27 =	vcvt.f32.s32 v59;
	v20 =	vadd.f32 v28, v23;
	v23 =	vcvt.f32.s32 v24  }
0x17c: {  	v19 =	vadd.f32 v29, v18;
	v24 =	vcvt.f32.s32 v25;
	v18 =	vcvt.f32.s32 v26  }
0x17d: {  	v26 =	vadd.s32 $0xFFFFF001, v58;
	v28 =	vadd.s32 $0xFFFFEFFF, v58;
	v31 =	vtrunc.f32 v31  }
0x17e: {  	v25 =	vcvt.f32.s32 v30;
	v30 =	vadd.s32 $0xFFFFF000, v58;
	v29 =	vcvt.f32.s32 v31  }
0x17f: {  	v31 =	vadd.s32 $0xFFFFF001, v27;
	v32 =	vadd.s32 $0xFFFFF001, v23;
	v33 =	vadd.s32 $0xFFFFF001, v24  }
0x180: {  	v34 =	vadd.s32 $0xFFFFF001, v18;
	v60 =	vcvt.s32.f32 v30;
	v37 =	vadd.s32 $0xFFFFF000, v27  }
0x181: {  	v38 =	vadd.s32 $0xFFFFF000, v23;
	v40 =	vadd.s32 $0xFFFFF000, v24;
	v63 =	vadd.s32 $0xFFFFF000, v18  }
0x182: {  	v27 =	vadd.s32 $0xFFFFEFFF, v27;
	v23 =	vadd.s32 $0xFFFFEFFF, v23;
	v24 =	vadd.s32 $0xFFFFEFFF, v24  }
0x183: {  	v18 =	vadd.s32 $0xFFFFEFFF, v18;
	v35 =	vadd.s32 $0xFFFFF001, v25;
	v61 =	vcvt.s32.f32 v37  }
0x184: {  	v62 =	vcvt.s32.f32 v38;
	v54 =	vcvt.s32.f32 v40;
	v55 =	vadd.s32 $0xFFFFF000, v25  }
0x185: {  	v56 =	vcvt.s32.f32 v63;
	v25 =	vadd.s32 $0xFFFFEFFF, v25;
	v36 =	vmul.f32 $7.629394530e-03, v60  }
0x186: {  	v57 =	vadd.s32 $0xFFFFF000, v29;
	v58 =	vcvt.s32.f32 v55;
	v50 =	vadd.s32 $0xFFFFF001, v29  }
0x187: {  	v29 =	vadd.s32 $0xFFFFEFFF, v29;
	v39 =	vmul.f32 $7.629394530e-03, v61;
	v41 =	vmul.f32 $7.629394530e-03, v62  }
0x188: {  	v45 =	vmul.f32 $7.629394530e-03, v56;
	v49 =	vadd.f32 $5.000000000e+03, v36;
	v36 =	vadd.f32 $7.629394530e-03, v36  }
0x189: {  	v48 =	vcvt.s32.f32 v57;
	v51 =	vadd.f32 $5.000000000e+03, v39;
	v59 =	vadd.f32 $5.000000000e+03, v41  }
0x18a: {  	v47 =	vmul.f32 $7.629394530e-03, v58;
	v60 =	vadd.f32 $5.000000000e+03, v45;
	v39 =	vadd.f32 $7.629394530e-03, v39  }
0x18b: {  	v43 =	vmul.f32 $7.629394530e-03, v54;
	v41 =	vadd.f32 $7.629394530e-03, v41;
	v45 =	vadd.f32 $7.629394530e-03, v45  }
0x18c: {  	v48 =	vmul.f32 $7.629394530e-03, v48;
	v61 =	vadd.f32 $5.000000000e+03, v47;
	v47 =	vadd.f32 $7.629394530e-03, v47  }
0x18d: {  	v49 =	vmul.f32 v49, v5;
	v36 =	vadd.f32 $5.000000000e+03, v36;
	v39 =	vadd.f32 $5.000000000e+03, v39  }
0x18e: {  	v51 =	vmul.f32 v51, v5;
	v41 =	vadd.f32 $5.000000000e+03, v41;
	v45 =	vadd.f32 $5.000000000e+03, v45  }
0x18f: {  	vm1 =	vlt.f32 v49, v11;
	v49 =	vmul.f32 v59, v5;
	v47 =	vadd.f32 $5.000000000e+03, v47  }
0x190: {  	v36 =	vmul.f32 v36, v5;
	v28 =	vsel vm1, v30, v28;
	v30 =	vadd.f32 $5.000000000e+03, v43  }
0x191: {  	vm1 =	vlt.f32 v51, v13;
	v51 =	vmul.f32 v60, v5;
	v39 =	vmul.f32 v39, v5  }
0x192: {  	v43 =	vadd.f32 $7.629394530e-03, v43;
	v41 =	vmul.f32 v41, v5;
	v45 =	vmul.f32 v45, v5  }
0x193: {  	vm2 =	vlt.f32 v49, v12;
	v49 =	vmul.f32 v61, v5;
	v47 =	vmul.f32 v47, v5  }
0x194: {  	vm12 =	vlt.f32 v36, v11;
	v27 =	vsel vm1, v37, v27;
	v30 =	vmul.f32 v30, v5  }
0x195: {  	v43 =	vadd.f32 $5.000000000e+03, v43;
	vm9 =	vlt.f32 v51, v9;
	v23 =	vsel vm2, v38, v23  }
0x196: {  	v26 =	vsel vm12, v26, v28;
	vm3 =	vlt.f32 v30, v8;
	v30 =	vadd.f32 $5.000000000e+03, v48  }
0x197: {  	vm1 =	vlt.f32 v39, v13;
	vm2 =	vlt.f32 v41, v12;
	vm13 =	vlt.f32 v45, v9  }
0x198: {  	s31 =	simm.s32 $0x70;
	vm10 =	vlt.f32 v49, v10;
	v18 =	vsel vm9, v63, v18;
	v30 =	vmul.f32 v30, v5  }
0x199: {  	s20 =	scvt.s32.f32 s31;
	vm14 =	vlt.f32 v47, v10;
	v26 =	vadd.s32 $0xFFFF8308, v26;
	v48 =	vadd.f32 $7.629394530e-03, v48  }
0x19a: {  	v27 =	vsel vm1, v31, v27;
	v23 =	vsel vm2, v32, v23;
	vm11 =	vlt.f32 v30, v7  }
0x19b: {  	v48 =	vadd.f32 $5.000000000e+03, v48;
	v28 =	vsel vm11, v57, v29;
	v29 =	vadd.f32 s20, v2  }
0x19c: {  	v43 =	vmul.f32 v43, v5;
	v25 =	vsel vm10, v55, v25;
	v18 =	vsel vm13, v34, v18  }
0x19d: {  	vm1 =	vgt.s32 v26, $0x0;
	v30 =	vmul.f32 v48, v5;
	v29 =	vmul.f32 $7.629394530e-03, v29  }
0x19e: {  	v27 =	vadd.s32 $0xFFFF8308, v27;
	v23 =	vadd.s32 $0xFFFF8308, v23;
	v24 =	vsel vm3, v40, v24  }
0x19f: {  	vm15 =	vlt.f32 v30, v7;
	v30 =	vadd.s32 $0xFFFF8308, v18;
	v18 =	vadd.f32 $5.000000000e+03, v29  }
0x1a0: {  	v25 =	vsel vm14, v35, v25;
	v26 =	vnsel vm1, $0x0, v26;
	vm1 =	vgt.s32 v27, $0x0  }
0x1a1: {  	vm2 =	vgt.s32 v23, $0x0;
	vm3 =	vlt.f32 v43, v8;
	v29 =	vmul.f32 v18, v6  }
0x1a2: {  	v25 =	vadd.s32 $0xFFFF8308, v25;
	v26 =	vmin.u32 v26, $0x867E;
	v27 =	vnsel vm1, $0x0, v27  }
0x1a3: {  	v23 =	vnsel vm2, $0x0, v23;
	v24 =	vsel vm3, v33, v24;
	v29 =	vadd.f32 $-6.512640000e+05, v29  }
0x1a4: {  	vm10 =	vgt.s32 v25, $0x0;
	v31 =	vadd.s32 $0x1, v26;
	v62 =	vadd.s32 $0x7CF8, v26  }
0x1a5: {  	v27 =	vmin.u32 v27, $0x867E;
	v23 =	vmin.u32 v23, $0x867E;
	v29 =	vtrunc.f32 v29  }
0x1a6: {  	s18 =	sadd.s32 $0x80, s18;
	v24 =	vadd.s32 $0xFFFF8308, v24;
	v25 =	vnsel vm10, $0x0, v25;
	v29 =	vcvt.f32.s32 v29  }
0x1a7: {  	[tilespmem:s18+$0x30] =	vst v14;
	v35 =	vadd.s32 $0x1, v27;
	v36 =	vadd.s32 $0x1, v23;
	v14 =	vcvt.s32.f32 v62  }
0x1a8: {  	[tilespmem:s18+$0xFFFFFFE0] =	vst v16;
	v16 =	vadd.s32 $0x7CF8, v27;
	v45 =	vadd.s32 $0x7CF8, v23;
	v63 =	vadd.s32 $0xFFFFF000, v29  }
0x1a9: {  	[tilespmem:s18+$0xFFFFFFD0] =	vst v15;
	vm3 =	vgt.s32 v24, $0x0;
	v25 =	vmin.u32 v25, $0x867E;
	v44 =	vcvt.s32.f32 v63  }
0x1aa: {  	[tilespmem:s18+$0x0] =	vst v22;
	v16 =	vcvt.s32.f32 v16;
	v22 =	vcvt.s32.f32 v45;
	v24 =	vnsel vm3, $0x0, v24  }
0x1ab: {  	[tilespmem:s18+$0xFFFFFFC0] =	vst v19;
	v47 =	vadd.s32 $0x7CF8, v25;
	v19 =	vadd.s32 $0x1, v25;
	v15 =	vmul.f32 $7.629394530e-03, v44  }
0x1ac: {  	v14 =	vmul.f32 $7.629394530e-03, v14;
	v28 =	vsel vm15, v50, v28;
	vm9 =	vgt.s32 v30, $0x0  }
0x1ad: {  	[tilespmem:s18+$0x20] =	vst v20;
	v24 =	vmin.u32 v24, $0x867E;
	v20 =	vcvt.s32.f32 v47;
	v48 =	vadd.f32 $7.629394530e-03, v15  }
0x1ae: {  	v16 =	vmul.f32 $7.629394530e-03, v16;
	v22 =	vmul.f32 $7.629394530e-03, v22;
	v15 =	vadd.f32 $5.000000000e+03, v15  }
0x1af: {  	v28 =	vadd.s32 $0xFFFF8308, v28;
	v30 =	vnsel vm9, $0x0, v30;
	v49 =	vadd.f32 $5.000000000e+03, v48  }
0x1b0: {  	v37 =	vadd.s32 $0x1, v24;
	v46 =	vadd.s32 $0x7CF8, v24;
	v15 =	vmul.f32 v15, v5  }
0x1b1: {  	v51 =	vadd.f32 $5.000000000e+03, v14;
	v52 =	vadd.f32 $7.629394530e-03, v14;
	v34 =	vmul.f32 v49, v5  }
0x1b2: {  	vm11 =	vgt.s32 v28, $0x0;
	vm1 =	vlt.f32 v15, v18;
	v15 =	vadd.s32 $0xFFFFEFFF, v29  }
0x1b3: {  	v29 =	vadd.s32 $0xFFFFF001, v29;
	v15 =	vsel vm1, v63, v15;
	vm2 =	vlt.f32 v34, v18  }
0x1b4: {  	[tilespmem:s18+$0x10] =	vst v21;
	v30 =	vmin.u32 v30, $0x867E;
	v21 =	vcvt.s32.f32 v46;
	v15 =	vsel vm2, v29, v15  }
0x1b5: {  	[tilespmem:s18+$0xFFFFFFF0] =	vst v17;
	v20 =	vmul.f32 $7.629394530e-03, v20;
	v53 =	vadd.f32 $5.000000000e+03, v22;
	v15 =	vadd.s32 $0xFFFF8308, v15  }
0x1b6: {  	[hbm4b:s5+s23] =	stream.linear.scatter [tilespmem:s13], [sflag:$0x1], $0x8000, $0x38;
	v59 =	vadd.f32 $7.629394530e-03, v16;
	v22 =	vadd.f32 $7.629394530e-03, v22;
	vm1 =	vgt.s32 v15, $0x0;
	[tilespmem:$0x10700] =	vst v63  }
0x1b7: {  	_ =	swait.ge [sflag:s15], $0x8000;
	v28 =	vnsel vm11, $0x0, v28;
	v17 =	vadd.s32 $0x7CF8, v30;
	v14 =	vnsel vm1, $0x0, v15  }
0x1b8: {  	[sflag:s15] =	ssyncset.done $0x0;
	v32 =	vadd.s32 $0x1, v30;
	v17 =	vcvt.s32.f32 v17;
	v54 =	vmin.u32 v14, $0x867E  }
0x1b9: {  	[sflag:s15] =	ssyncadd.s32 $0xFFFF8000;
	v33 =	vmul.f32 v51, v5;
	v21 =	vmul.f32 $7.629394530e-03, v21;
	v57 =	vadd.s32 $0x7CF8, v54  }
0x1ba: {  	[tilespmem:s23], [sflag:$0x1] =	stream.linear.gather [hbm4b:s6+s23], $0x8680, $0x38;
	v22 =	vadd.f32 $5.000000000e+03, v22;
	v17 =	vmul.f32 $7.629394530e-03, v17;
	v42 =	vcvt.s32.f32 v57;
	[tilespmem:$0x10700] =	vst v63  }
0x1bb: {  	_ =	swait.ge [sflag:s15], $0x8680;
	v28 =	vmin.u32 v28, $0x867E;
	v55 =	vadd.f32 $5.000000000e+03, v21;
	v21 =	vadd.f32 $7.629394530e-03, v21  }
0x1bc: {  	[sflag:s15] =	ssyncset.done $0x0;
	v56 =	vadd.f32 $5.000000000e+03, v17;
	v61 =	vadd.f32 $7.629394530e-03, v17;
	v17 =	vmul.f32 $7.629394530e-03, v42  }
0x1bd: {  	[sflag:s15] =	ssyncadd.s32 $0xFFFF7980;
	v50 =	vadd.s32 $0x7CF8, v28;
	v60 =	vadd.s32 $0x1, v28;
	v21 =	vadd.f32 $5.000000000e+03, v21  }
0x1be: {  	v38 =	vcvt.s32.f32 v50;
	v14 =	vld.idx.msk [tilespmem:v26+s4+$0x0], $0xffff;
	v26 =	vadd.f32 $5.000000000e+03, v20;
	v63 =	vadd.f32 $7.629394530e-03, v17  }
0x1bf: {  	v22 =	vmul.f32 v22, v5;
	v21 =	vmul.f32 v21, v5;
	v15 =	vadd.f32 $5.000000000e+03, v16  }
0x1c0: {  	v16 =	vld.idx.msk [tilespmem:v25+s4+$0x0], $0xffff;
	v25 =	vmul.f32 v26, v5;
	v26 =	vadd.f32 $5.000000000e+03, v17;
	v50 =	vadd.f32 $5.000000000e+03, v63  }
0x1c1: {  	v29 =	vmul.f32 $7.629394530e-03, v38;
	v38 =	vmul.f32 v53, v5;
	v17 =	vld.idx.msk [tilespmem:v28+s4+$0x0], $0xffff;
	v28 =	vadd.f32 $5.000000000e+03, v59  }
0x1c2: {  	v51 =	vadd.f32 $5.000000000e+03, v61;
	v26 =	vmul.f32 v26, v5;
	v41 =	vmul.f32 v50, v5  }
0x1c3: {  	v27 =	vld.idx.msk [tilespmem:v27+s4+$0x0], $0xffff;
	v58 =	vadd.f32 $5.000000000e+03, v29;
	v62 =	vmul.f32 v15, v5;
	v28 =	vmul.f32 v28, v5  }
0x1c4: {  	v15 =	vld.idx.msk [tilespmem:v30+s4+$0x0], $0xffff;
	v30 =	vadd.f32 $5.000000000e+03, v52;
	v52 =	vadd.s32 $0x1, v54;
	v41 =	vsub.f32 v41, v26  }
0x1c5: {  	v23 =	vld.idx.msk [tilespmem:v23+s4+$0x0], $0xffff;
	v44 =	vmul.f32 v51, v5;
	v20 =	vadd.f32 $7.629394530e-03, v20;
	v28 =	vsub.f32 v28, v62  }
0x1c6: {  	v35 =	vld.idx.msk [tilespmem:v35+s4+$0x0], $0xffff;
	v29 =	vadd.f32 $7.629394530e-03, v29;
	v22 =	vsub.f32 v22, v38;
	(erf) = vrcp.f32 v41  }
0x1c7: {  	v24 =	vld.idx.msk [tilespmem:v24+s4+$0x0], $0xffff;
	v48 =	vmul.f32 v55, v5;
	v20 =	vadd.f32 $5.000000000e+03, v20;
	(erf) = vrcp.f32 v28  }
0x1c8: {  	v49 =	vmul.f32 v56, v5;
	v29 =	vadd.f32 $5.000000000e+03, v29;
	v28 =	vld.idx.msk [tilespmem:v54+s4+$0x0], $0xffff;
	(erf) = vrcp.f32 v22  }
0x1c9: {  	v21 =	vsub.f32 v21, v48;
	v20 =	vmul.f32 v20, v5;
	v22 =	vld.idx.msk [tilespmem:v52+s4+$0x0], $0xffff  }
0x1ca: {  	v37 =	vld.idx.msk [tilespmem:v37+s4+$0x0], $0xffff;
	v43 =	vmul.f32 v58, v5;
	v29 =	vmul.f32 v29, v5;
	v54 =	vsub.f32 v44, v49  }
0x1cb: {  	v36 =	vld.idx.msk [tilespmem:v36+s4+$0x0], $0xffff;
	v30 =	vmul.f32 v30, v5;
	v20 =	vsub.f32 v20, v25;
	(erf) = vrcp.f32 v21  }
0x1cc: {  	v21 =	vsub.f32 v29, v43;
	(erf) = vrcp.f32 v54  }
0x1cd: {  	v29 =	vsub.f32 v30, v33;
	v30 =	vsub.f32 v35, v27;
	(erf) = vrcp.f32 v20  }
0x1ce: {  	v19 =	vld.idx.msk [tilespmem:v19+s4+$0x0], $0xffff;
	v11 =	vsub.f32 v11, v33;
	(erf) = vrcp.f32 v21;
	v22 =	vsub.f32 v22, v28  }
0x1cf: {  	v32 =	vld.idx.msk [tilespmem:v32+s4+$0x0], $0xffff;
	v55 =	vsub.f32 v37, v24;
	v8 =	vsub.f32 v8, v48;
	(erf) = vrcp.f32 v29;
	v56 =	vpop (erf)  }
0x1d0: {  	v31 =	vld.idx.msk [tilespmem:v31+s4+$0x0], $0xffff;
	v18 =	vsub.f32 v18, v26;
	v20 =	vsub.f32 v36, v23;
	v22 =	vmul.f32 v22, v56;
	v26 =	vpop (erf)  }
0x1d1: {  	v9 =	vsub.f32 v9, v49;
	v53 =	vld.idx.msk [tilespmem:v60+s4+$0x0], $0xffff;
	v12 =	vsub.f32 v12, v38;
	v26 =	vmul.f32 v30, v26;
	v30 =	vpop (erf)  }
0x1d2: {  	v7 =	vsub.f32 v7, v43;
	v20 =	vmul.f32 v20, v30;
	v18 =	vmul.f32 v22, v18  }
0x1d3: {  	v13 =	vsub.f32 v13, v62;
	v19 =	vsub.f32 v19, v16  }
0x1d4: {  	v10 =	vsub.f32 v10, v25;
	v21 =	vsub.f32 v32, v15;
	v22 =	vpop (erf);
	v12 =	vmul.f32 v20, v12  }
0x1d5: {  	s26 =	simm.s32 $0xD0;
	v31 =	vsub.f32 v31, v14;
	v13 =	vmul.f32 v26, v13;
	v22 =	vmul.f32 v55, v22;
	v25 =	vpop (erf)  }
0x1d6: {  	s29 =	scvt.s32.f32 s26;
	v29 =	vsub.f32 v53, v17;
	v25 =	vmul.f32 v21, v25;
	v21 =	vadd.f32 v18, v28;
	v18 =	vpop (erf)  }
0x1d7: {  	s21 =	simm.s32 $0x90;
	s23 =	simm.s32 $0xB0;
	s20 =	simm.s32 $0x80;
	v20 =	vadd.f32 v13, v27;
	v8 =	vmul.f32 v22, v8;
	v13 =	vmul.f32 v19, v18;
	v18 =	vpop (erf)  }
0x1d8: {  	s22 =	simm.s32 $0xA0;
	s24 =	scvt.s32.f32 s23;
	s18 =	scvt.s32.f32 s20;
	v26 =	vadd.f32 s29, v2;
	v22 =	vadd.f32 v12, v23;
	v19 =	vmul.f32 v25, v9;
	v12 =	vpop (erf)  }
0x1d9: {  	s25 =	simm.s32 $0xC0;
	s19 =	scvt.s32.f32 s21;
	s20 =	scvt.s32.f32 s22;
	v9 =	vmul.f32 v29, v18;
	v12 =	vmul.f32 v31, v12;
	v23 =	vadd.f32 v8, v24  }
0x1da: {  	s28 =	scvt.s32.f32 s25;
	s30 =	simm.s32 $0xE0;
	v8 =	vadd.f32 s18, v2;
	v18 =	vmul.f32 v13, v10;
	v10 =	vadd.f32 s24, v2  }
0x1db: {  	s31 =	scvt.s32.f32 s30;
	v24 =	vmul.f32 v9, v7;
	v7 =	vadd.f32 s19, v2;
	v9 =	vadd.f32 s20, v2  }
0x1dc: {  	v25 =	vmul.f32 v12, v11;
	v8 =	vmul.f32 $7.629394530e-03, v8;
	v12 =	vadd.f32 s28, v2  }
0x1dd: {  	v27 =	vadd.f32 s31, v2;
	v7 =	vmul.f32 $7.629394530e-03, v7;
	v9 =	vmul.f32 $7.629394530e-03, v9  }
0x1de: {  	v11 =	vadd.f32 $5.000000000e+03, v8;
	v8 =	vmul.f32 $7.629394530e-03, v10;
	v10 =	vmul.f32 $7.629394530e-03, v12  }
0x1df: {  	v13 =	vadd.f32 $5.000000000e+03, v7;
	v12 =	vadd.f32 $5.000000000e+03, v9;
	v7 =	vmul.f32 $7.629394530e-03, v26  }
0x1e0: {  	v26 =	vmul.f32 $7.629394530e-03, v27;
	v8 =	vadd.f32 $5.000000000e+03, v8;
	v9 =	vadd.f32 $5.000000000e+03, v10  }
0x1e1: {  	v27 =	vmul.f32 v11, v6;
	v28 =	vmul.f32 v13, v6;
	v10 =	vadd.f32 $5.000000000e+03, v7  }
0x1e2: {  	v29 =	vmul.f32 v12, v6;
	v7 =	vadd.f32 $5.000000000e+03, v26;
	v30 =	vmul.f32 v8, v6  }
0x1e3: {  	v26 =	vadd.f32 $-6.512640000e+05, v27;
	v27 =	vmul.f32 v9, v6;
	v31 =	vmul.f32 v10, v6  }
0x1e4: {  	v28 =	vadd.f32 $-6.512640000e+05, v28;
	v29 =	vadd.f32 $-6.512640000e+05, v29;
	v57 =	vmul.f32 v7, v6  }
0x1e5: {  	v26 =	vtrunc.f32 v26;
	v30 =	vadd.f32 $-6.512640000e+05, v30;
	v27 =	vadd.f32 $-6.512640000e+05, v27  }
0x1e6: {  	v26 =	vcvt.f32.s32 v26;
	v28 =	vtrunc.f32 v28;
	v31 =	vadd.f32 $-6.512640000e+05, v31  }
0x1e7: {  	v29 =	vtrunc.f32 v29;
	v32 =	vadd.f32 $-6.512640000e+05, v57;
	v30 =	vtrunc.f32 v30  }
0x1e8: {  	v33 =	vadd.f32 v19, v15;
	v15 =	vtrunc.f32 v27;
	v28 =	vcvt.f32.s32 v28  }
0x1e9: {  	v27 =	vadd.f32 v18, v16;
	v19 =	vtrunc.f32 v31;
	v16 =	vtrunc.f32 v32  }
0x1ea: {  	v32 =	vadd.f32 v24, v17;
	v24 =	vcvt.f32.s32 v29;
	v29 =	vcvt.f32.s32 v30  }
0x1eb: {  	v30 =	vadd.f32 v25, v14;
	v25 =	vcvt.f32.s32 v15;
	v34 =	vadd.s32 $0xFFFFF001, v26  }
0x1ec: {  	v35 =	vadd.s32 $0xFFFFEFFF, v26;
	v26 =	vadd.s32 $0xFFFFF000, v26;
	v31 =	vcvt.f32.s32 v19  }
0x1ed: {  	v36 =	vcvt.f32.s32 v16;
	v18 =	vadd.s32 $0xFFFFF001, v28;
	v19 =	vcvt.s32.f32 v26  }
0x1ee: {  	v37 =	vadd.s32 $0xFFFFF000, v28;
	v28 =	vadd.s32 $0xFFFFEFFF, v28;
	v14 =	vadd.s32 $0xFFFFF001, v24  }
0x1ef: {  	v16 =	vadd.s32 $0xFFFFF001, v29;
	v17 =	vadd.s32 $0xFFFFF001, v25;
	v38 =	vadd.s32 $0xFFFFF000, v24  }
0x1f0: {  	v58 =	vcvt.s32.f32 v37;
	v40 =	vadd.s32 $0xFFFFF000, v29;
	v42 =	vadd.s32 $0xFFFFF000, v25  }
0x1f1: {  	v56 =	vadd.s32 $0xFFFFEFFF, v24;
	v29 =	vadd.s32 $0xFFFFEFFF, v29;
	v52 =	vadd.s32 $0xFFFFEFFF, v25  }
0x1f2: {  	v15 =	vadd.s32 $0xFFFFF001, v31;
	v59 =	vcvt.s32.f32 v38;
	v60 =	vcvt.s32.f32 v40  }
0x1f3: {  	v61 =	vmul.f32 $7.629394530e-03, v19;
	v45 =	vadd.s32 $0xFFFFF000, v31;
	v62 =	vcvt.s32.f32 v42  }
0x1f4: {  	v47 =	vadd.s32 $0xFFFFF000, v36;
	v19 =	vadd.s32 $0xFFFFF001, v36;
	v63 =	vcvt.s32.f32 v45  }
0x1f5: {  	v36 =	vadd.s32 $0xFFFFEFFF, v36;
	v54 =	vcvt.s32.f32 v47;
	v39 =	vmul.f32 $7.629394530e-03, v58  }
0x1f6: {  	v55 =	vadd.f32 $5.000000000e+03, v61;
	v41 =	vmul.f32 $7.629394530e-03, v59;
	v43 =	vmul.f32 $7.629394530e-03, v60  }
0x1f7: {  	v46 =	vmul.f32 $7.629394530e-03, v62;
	v44 =	vadd.f32 $7.629394530e-03, v61;
	v60 =	vadd.s32 $0xFFFFEFFF, v31  }
0x1f8: {  	v57 =	vadd.f32 $5.000000000e+03, v39;
	v48 =	vmul.f32 $7.629394530e-03, v63;
	v39 =	vadd.f32 $7.629394530e-03, v39  }
0x1f9: {  	v49 =	vmul.f32 $7.629394530e-03, v54;
	v58 =	vadd.f32 $5.000000000e+03, v46;
	v25 =	vadd.f32 $7.629394530e-03, v41  }
0x1fa: {  	v24 =	vmul.f32 v55, v5;
	v59 =	vadd.f32 $7.629394530e-03, v43;
	v31 =	vadd.f32 $7.629394530e-03, v46  }
0x1fb: {  	v44 =	vadd.f32 $5.000000000e+03, v44;
	v50 =	vmul.f32 v57, v5;
	v61 =	vadd.f32 $7.629394530e-03, v48  }
0x1fc: {  	v62 =	vadd.f32 $7.629394530e-03, v49;
	v39 =	vadd.f32 $5.000000000e+03, v39;
	vm1 =	vlt.f32 v24, v11  }
0x1fd: {  	v24 =	vadd.f32 $5.000000000e+03, v41;
	v63 =	vmul.f32 v58, v5;
	v25 =	vadd.f32 $5.000000000e+03, v25  }
0x1fe: {  	s18 =	simm.s32 $0x86C0;
	v41 =	vadd.f32 $5.000000000e+03, v59;
	v31 =	vadd.f32 $5.000000000e+03, v31;
	v44 =	vmul.f32 v44, v5  }
0x1ff: {  	[tilespmem:s18+$0x30] =	vst v21;
	v35 =	vsel vm1, v26, v35;
	v26 =	vadd.f32 $5.000000000e+03, v43;
	vm2 =	vlt.f32 v50, v13  }
0x200: {  	[tilespmem:s18+$0xFFFFFFD0] =	vst v20;
	v46 =	vadd.f32 $5.000000000e+03, v61;
	v20 =	vmul.f32 v39, v5;
	v24 =	vmul.f32 v24, v5  }
0x201: {  	[tilespmem:s18+$0xFFFFFFE0] =	vst v22;
	vm12 =	vlt.f32 v63, v9;
	v21 =	vmul.f32 v25, v5;
	v26 =	vmul.f32 v26, v5  }
0x202: {  	[tilespmem:s18+$0xFFFFFFF0] =	vst v23;
	v22 =	vmul.f32 v41, v5;
	v23 =	vmul.f32 v31, v5;
	vm1 =	vlt.f32 v24, v12  }
0x203: {  	v24 =	vadd.f32 $5.000000000e+03, v48;
	vm3 =	vlt.f32 v26, v8;
	v26 =	vadd.f32 $5.000000000e+03, v49  }
0x204: {  	vm15 =	vlt.f32 v44, v11;
	v25 =	vsel vm2, v37, v28;
	v48 =	vadd.f32 $5.000000000e+03, v62  }
0x205: {  	[tilespmem:s18+$0x10] =	vst v27;
	v28 =	vsel vm12, v42, v52;
	v24 =	vmul.f32 v24, v5;
	v26 =	vmul.f32 v26, v5  }
0x206: {  	[tilespmem:s18+$0x20] =	vst v32;
	v32 =	vsel vm15, v34, v35;
	v31 =	vmul.f32 v48, v5;
	v27 =	vsel vm3, v40, v29  }
0x207: {  	[tilespmem:s18+$0x0] =	vst v33;
	vm13 =	vlt.f32 v24, v10;
	v24 =	vmul.f32 v46, v5;
	vm14 =	vlt.f32 v26, v7  }
0x208: {  	s20 =	simm.s32 $0xF0;
	s19 =	simm.s32 $0x100;
	[tilespmem:s18+$0xFFFFFFC0] =	vst v30;
	v26 =	vsel vm1, v38, v56;
	v29 =	vsel vm13, v45, v60;
	v30 =	vsel vm14, v47, v36  }
.LBB2_4:
0x209: {  	p0 =	slt.u32 s19, $0x7F80;
	vm1 =	vlt.f32 v20, v13;
	vm2 =	vlt.f32 v21, v12;
	vm3 =	vlt.f32 v22, v8;
	s20 =	scvt.s32.f32 s20  }
0x20a: {  	vm4 =	vlt.f32 v23, v9;
	vm5 =	vlt.f32 v24, v10;
	vm6 =	vlt.f32 v31, v7  }
0x20b: {  	v20 =	vadd.s32 $0xFFFF8308, v32;
	v18 =	vsel vm1, v18, v25;
	v21 =	vadd.f32 s20, v2  }
0x20c: {  	v14 =	vsel vm2, v14, v26;
	v16 =	vsel vm3, v16, v27;
	v17 =	vsel vm4, v17, v28  }
0x20d: {  	v15 =	vsel vm5, v15, v29;
	v19 =	vsel vm6, v19, v30;
	v21 =	vmul.f32 $7.629394530e-03, v21  }
0x20e: {  	vm1 =	vgt.s32 v20, $0x0;
	v18 =	vadd.s32 $0xFFFF8308, v18;
	v22 =	vadd.s32 $0xFFFF8308, v14  }
0x20f: {  	v16 =	vadd.s32 $0xFFFF8308, v16;
	v17 =	vadd.s32 $0xFFFF8308, v17;
	v14 =	vadd.f32 $5.000000000e+03, v21  }
0x210: {  	v20 =	vnsel vm1, $0x0, v20;
	v15 =	vadd.s32 $0xFFFF8308, v15;
	v19 =	vadd.s32 $0xFFFF8308, v19  }
0x211: {  	vm1 =	vgt.s32 v18, $0x0;
	vm2 =	vgt.s32 v22, $0x0;
	v21 =	vmul.f32 v14, v6  }
0x212: {  	vm3 =	vgt.s32 v16, $0x0;
	vm4 =	vgt.s32 v17, $0x0;
	vm5 =	vgt.s32 v15, $0x0  }
0x213: {  	v20 =	vmin.u32 v20, $0x867E;
	vm6 =	vgt.s32 v19, $0x0;
	v21 =	vadd.f32 $-6.512640000e+05, v21  }
0x214: {  	v18 =	vnsel vm1, $0x0, v18;
	v22 =	vnsel vm2, $0x0, v22;
	v16 =	vnsel vm3, $0x0, v16  }
0x215: {  	v17 =	vnsel vm4, $0x0, v17;
	v15 =	vnsel vm5, $0x0, v15;
	v21 =	vtrunc.f32 v21  }
0x216: {  	v23 =	vadd.s32 $0x1, v20;
	v19 =	vnsel vm6, $0x0, v19;
	v21 =	vcvt.f32.s32 v21  }
0x217: {  	v24 =	vadd.s32 $0x7CF8, v20;
	v18 =	vmin.u32 v18, $0x867E;
	v22 =	vmin.u32 v22, $0x867E  }
0x218: {  	v16 =	vmin.u32 v16, $0x867E;
	v17 =	vmin.u32 v17, $0x867E;
	v25 =	vadd.s32 $0xFFFFF000, v21  }
0x219: {  	v26 =	vmin.u32 v15, $0x867E;
	v27 =	vmin.u32 v19, $0x867E;
	v15 =	vcvt.s32.f32 v25  }
0x21a: {  	v28 =	vadd.s32 $0x1, v18;
	v29 =	vadd.s32 $0x1, v22;
	v30 =	vadd.s32 $0x1, v16  }
0x21b: {  	v19 =	vcvt.s32.f32 v24;
	v24 =	vadd.s32 $0x1, v17;
	v15 =	vmul.f32 $7.629394530e-03, v15  }
0x21c: {  	v31 =	vadd.s32 $0x7CF8, v18;
	v32 =	vadd.s32 $0x7CF8, v22;
	v33 =	vadd.s32 $0x7CF8, v16  }
0x21d: {  	v34 =	vadd.s32 $0x7CF8, v17;
	v35 =	vadd.s32 $0x7CF8, v26;
	v36 =	vadd.f32 $7.629394530e-03, v15  }
0x21e: {  	v31 =	vcvt.s32.f32 v31;
	v32 =	vcvt.s32.f32 v32;
	v15 =	vadd.f32 $5.000000000e+03, v15  }
0x21f: {  	v33 =	vcvt.s32.f32 v33;
	v34 =	vcvt.s32.f32 v34;
	v36 =	vadd.f32 $5.000000000e+03, v36  }
0x220: {  	v37 =	vadd.s32 $0x7CF8, v27;
	v35 =	vcvt.s32.f32 v35;
	v15 =	vmul.f32 v15, v5  }
0x221: {  	v38 =	vadd.s32 $0x1, v26;
	v37 =	vcvt.s32.f32 v37;
	v36 =	vmul.f32 v36, v5  }
0x222: {  	v19 =	vmul.f32 $7.629394530e-03, v19;
	vm1 =	vlt.f32 v15, v14;
	v15 =	vadd.s32 $0xFFFFEFFF, v21  }
0x223: {  	v21 =	vadd.s32 $0xFFFFF001, v21;
	v15 =	vsel vm1, v25, v15;
	vm2 =	vlt.f32 v36, v14  }
0x224: {  	v25 =	vmul.f32 $7.629394530e-03, v31;
	v31 =	vmul.f32 $7.629394530e-03, v32;
	v15 =	vsel vm2, v21, v15  }
0x225: {  	v32 =	vmul.f32 $7.629394530e-03, v34;
	v21 =	vmul.f32 $7.629394530e-03, v33;
	v15 =	vadd.s32 $0xFFFF8308, v15  }
0x226: {  	v34 =	vmul.f32 $7.629394530e-03, v37;
	v33 =	vmul.f32 $7.629394530e-03, v35;
	vm1 =	vgt.s32 v15, $0x0  }
0x227: {  	v36 =	vadd.f32 $7.629394530e-03, v19;
	v35 =	vadd.f32 $5.000000000e+03, v19;
	v15 =	vnsel vm1, $0x0, v15  }
0x228: {  	v37 =	vadd.f32 $5.000000000e+03, v25;
	v39 =	vadd.f32 $5.000000000e+03, v31;
	v40 =	vmin.u32 v15, $0x867E  }
0x229: {  	v41 =	vadd.f32 $5.000000000e+03, v32;
	v15 =	vld.idx.msk [tilespmem:v20+s4+$0x0], $0xffff;
	v20 =	vadd.f32 $5.000000000e+03, v21;
	v19 =	vadd.s32 $0x7CF8, v40  }
0x22a: {  	v43 =	vadd.f32 $5.000000000e+03, v34;
	v42 =	vadd.f32 $5.000000000e+03, v33;
	v23 =	vld.idx.msk [tilespmem:v23+s4+$0x0], $0xffff;
	v19 =	vcvt.s32.f32 v19  }
0x22b: {  	v45 =	vadd.s32 $0x1, v27;
	v25 =	vadd.f32 $7.629394530e-03, v25;
	v31 =	vadd.f32 $7.629394530e-03, v31;
	v44 =	vld.idx.msk [tilespmem:v18+s4+$0x0], $0xffff  }
0x22c: {  	v32 =	vadd.f32 $7.629394530e-03, v32;
	v21 =	vadd.f32 $7.629394530e-03, v21;
	v22 =	vld.idx.msk [tilespmem:v22+s4+$0x0], $0xffff;
	v46 =	vmul.f32 $7.629394530e-03, v19  }
0x22d: {  	v34 =	vadd.f32 $7.629394530e-03, v34;
	v35 =	vmul.f32 v35, v5;
	v33 =	vadd.f32 $7.629394530e-03, v33;
	v19 =	vld.idx.msk [tilespmem:v16+s4+$0x0], $0xffff  }
0x22e: {  	v37 =	vmul.f32 v37, v5;
	v39 =	vmul.f32 v39, v5;
	v18 =	vld.idx.msk [tilespmem:v17+s4+$0x0], $0xffff;
	v47 =	vadd.f32 $7.629394530e-03, v46  }
0x22f: {  	v36 =	vadd.f32 $5.000000000e+03, v36;
	v41 =	vmul.f32 v41, v5;
	v20 =	vmul.f32 v20, v5;
	v17 =	vld.idx.msk [tilespmem:v26+s4+$0x0], $0xffff  }
0x230: {  	v26 =	vmul.f32 v42, v5;
	v16 =	vld.idx.msk [tilespmem:v27+s4+$0x0], $0xffff;
	v27 =	vadd.f32 $5.000000000e+03, v46;
	v42 =	vadd.f32 $5.000000000e+03, v47  }
0x231: {  	v25 =	vadd.f32 $5.000000000e+03, v25;
	v31 =	vadd.f32 $5.000000000e+03, v31;
	v43 =	vmul.f32 v43, v5;
	v28 =	vld.idx.msk [tilespmem:v28+s4+$0x0], $0xffff  }
0x232: {  	v21 =	vadd.f32 $5.000000000e+03, v21;
	v29 =	vld.idx.msk [tilespmem:v29+s4+$0x0], $0xffff;
	v27 =	vmul.f32 v27, v5;
	v42 =	vmul.f32 v42, v5  }
0x233: {  	v32 =	vadd.f32 $5.000000000e+03, v32;
	v25 =	vmul.f32 v25, v5;
	v46 =	vadd.s32 $0x1, v40;
	v30 =	vld.idx.msk [tilespmem:v30+s4+$0x0], $0xffff  }
0x234: {  	v31 =	vmul.f32 v31, v5;
	v33 =	vadd.f32 $5.000000000e+03, v33;
	v24 =	vld.idx.msk [tilespmem:v24+s4+$0x0], $0xffff;
	v42 =	vsub.f32 v42, v27  }
0x235: {  	v34 =	vadd.f32 $5.000000000e+03, v34;
	v25 =	vsub.f32 v25, v37;
	v21 =	vmul.f32 v21, v5;
	v38 =	vld.idx.msk [tilespmem:v38+s4+$0x0], $0xffff  }
0x236: {  	v32 =	vmul.f32 v32, v5;
	v31 =	vsub.f32 v31, v39;
	v45 =	vld.idx.msk [tilespmem:v45+s4+$0x0], $0xffff;
	(erf) = vrcp.f32 v42  }
0x237: {  	v33 =	vmul.f32 v33, v5;
	v21 =	vsub.f32 v21, v20;
	v40 =	vld.idx.msk [tilespmem:v40+s4+$0x0], $0xffff;
	(erf) = vrcp.f32 v25  }
0x238: {  	v25 =	vsub.f32 v32, v41;
	v32 =	vmul.f32 v34, v5;
	v34 =	vld.idx.msk [tilespmem:v46+s4+$0x0], $0xffff;
	(erf) = vrcp.f32 v31  }
0x239: {  	v33 =	vsub.f32 v33, v26;
	v31 =	vmul.f32 v36, v5;
	(erf) = vrcp.f32 v21  }
0x23a: {  	v21 =	vsub.f32 v23, v15;
	v23 =	vsub.f32 v32, v43;
	(erf) = vrcp.f32 v25  }
0x23b: {  	v28 =	vsub.f32 v28, v44;
	v25 =	vsub.f32 v31, v35;
	(erf) = vrcp.f32 v33  }
0x23c: {  	v29 =	vsub.f32 v29, v22;
	v30 =	vsub.f32 v30, v19;
	(erf) = vrcp.f32 v23  }
0x23d: {  	v23 =	vsub.f32 v24, v18;
	v24 =	vsub.f32 v38, v17;
	(erf) = vrcp.f32 v25  }
0x23e: {  	v25 =	vsub.f32 v45, v16;
	v31 =	vsub.f32 v34, v40  }
0x23f: {  	v11 =	vsub.f32 v11, v35;
	v13 =	vsub.f32 v13, v37;
	v32 =	vpop (erf)  }
0x240: {  	v12 =	vsub.f32 v12, v39;
	v14 =	vsub.f32 v14, v27;
	v31 =	vmul.f32 v31, v32;
	v27 =	vpop (erf)  }
0x241: {  	v9 =	vsub.f32 v9, v41;
	v8 =	vsub.f32 v8, v20;
	v28 =	vmul.f32 v28, v27;
	v20 =	vpop (erf)  }
0x242: {  	v10 =	vsub.f32 v10, v26;
	v20 =	vmul.f32 v29, v20;
	v14 =	vmul.f32 v31, v14;
	v26 =	vpop (erf)  }
0x243: {  	v7 =	vsub.f32 v7, v43;
	v13 =	vmul.f32 v28, v13;
	v26 =	vmul.f32 v30, v26;
	v27 =	vpop (erf)  }
0x244: {  	v12 =	vmul.f32 v20, v12;
	v20 =	vmul.f32 v23, v27;
	v27 =	vadd.f32 v14, v40;
	v23 =	vpop (erf)  }
0x245: {  	s18 =	sadd.s32 $0x80, s18;
	v13 =	vadd.f32 v13, v44;
	v8 =	vmul.f32 v26, v8;
	v23 =	vmul.f32 v24, v23;
	v24 =	vpop (erf)  }
0x246: {  	s21 =	sadd.s32 $0x10, s19;
	s20 =	scvt.s32.f32 s19;
	v12 =	vadd.f32 v12, v22;
	v9 =	vmul.f32 v20, v9;
	v20 =	vmul.f32 v25, v24;
	[tilespmem:s18+$0x30] =	vst v27;
	v14 =	vpop (erf)  }
0x247: {  	s22 =	sadd.s32 $0x20, s19;
	s21 =	scvt.s32.f32 s21;
	v14 =	vmul.f32 v21, v14;
	[tilespmem:s18+$0xFFFFFFD0] =	vst v13;
	v8 =	vadd.f32 v8, v19;
	v10 =	vmul.f32 v23, v10  }
0x248: {  	v13 =	vadd.f32 s20, v2;
	s20 =	scvt.s32.f32 s22;
	s22 =	sadd.s32 $0x30, s19;
	[tilespmem:s18+$0xFFFFFFE0] =	vst v12;
	v9 =	vadd.f32 v9, v18;
	v7 =	vmul.f32 v20, v7  }
0x249: {  	s23 =	sadd.s32 $0x50, s19;
	v12 =	vadd.f32 s21, v2;
	s21 =	scvt.s32.f32 s22;
	s22 =	sadd.s32 $0x40, s19;
	v11 =	vmul.f32 v14, v11;
	[tilespmem:s18+$0xFFFFFFF0] =	vst v8;
	v8 =	vadd.f32 v10, v17  }
0x24a: {  	v10 =	vadd.f32 s20, v2;
	s20 =	scvt.s32.f32 s22;
	s22 =	scvt.s32.f32 s23;
	s23 =	sadd.s32 $0x60, s19;
	[tilespmem:s18+$0x0] =	vst v9;
	v7 =	vadd.f32 v7, v16  }
0x24b: {  	v9 =	vadd.f32 s21, v2;
	s21 =	scvt.s32.f32 s23;
	v11 =	vadd.f32 v11, v15;
	[tilespmem:s18+$0x10] =	vst v8  }
0x24c: {  	v8 =	vmul.f32 $7.629394530e-03, v13;
	v13 =	vadd.f32 s20, v2;
	v14 =	vadd.f32 s22, v2;
	[tilespmem:s18+$0x20] =	vst v7  }
0x24d: {  	v10 =	vmul.f32 $7.629394530e-03, v10;
	v7 =	vmul.f32 $7.629394530e-03, v12;
	v15 =	vadd.f32 s21, v2;
	[tilespmem:s18+$0xFFFFFFC0] =	vst v11  }
0x24e: {  	v11 =	vadd.f32 $5.000000000e+03, v8;
	v8 =	vmul.f32 $7.629394530e-03, v9;
	v9 =	vmul.f32 $7.629394530e-03, v13  }
0x24f: {  	v12 =	vadd.f32 $5.000000000e+03, v10;
	v13 =	vadd.f32 $5.000000000e+03, v7;
	v7 =	vmul.f32 $7.629394530e-03, v14  }
0x250: {  	v14 =	vmul.f32 $7.629394530e-03, v15;
	v8 =	vadd.f32 $5.000000000e+03, v8;
	v9 =	vadd.f32 $5.000000000e+03, v9  }
0x251: {  	v15 =	vmul.f32 v11, v6;
	v16 =	vmul.f32 v13, v6;
	v10 =	vadd.f32 $5.000000000e+03, v7  }
0x252: {  	v17 =	vmul.f32 v12, v6;
	v7 =	vadd.f32 $5.000000000e+03, v14;
	v18 =	vmul.f32 v8, v6  }
0x253: {  	v14 =	vadd.f32 $-6.512640000e+05, v15;
	v15 =	vmul.f32 v9, v6;
	v19 =	vmul.f32 v10, v6  }
0x254: {  	v17 =	vadd.f32 $-6.512640000e+05, v17;
	v16 =	vadd.f32 $-6.512640000e+05, v16;
	v20 =	vmul.f32 v7, v6  }
0x255: {  	v14 =	vtrunc.f32 v14;
	v18 =	vadd.f32 $-6.512640000e+05, v18;
	v15 =	vadd.f32 $-6.512640000e+05, v15  }
0x256: {  	v14 =	vcvt.f32.s32 v14;
	v16 =	vtrunc.f32 v16;
	v19 =	vadd.f32 $-6.512640000e+05, v19  }
0x257: {  	v17 =	vtrunc.f32 v17;
	v20 =	vadd.f32 $-6.512640000e+05, v20;
	v18 =	vtrunc.f32 v18  }
0x258: {  	v15 =	vtrunc.f32 v15;
	v19 =	vtrunc.f32 v19  }
0x259: {  	v21 =	vcvt.f32.s32 v16;
	v16 =	vtrunc.f32 v20  }
0x25a: {  	v20 =	vcvt.f32.s32 v17;
	v22 =	vcvt.f32.s32 v18  }
0x25b: {  	v23 =	vcvt.f32.s32 v15;
	v24 =	vcvt.f32.s32 v19  }
0x25c: {  	v29 =	vadd.s32 $0xFFFFF001, v14;
	v25 =	vadd.s32 $0xFFFFEFFF, v14;
	v26 =	vcvt.f32.s32 v16  }
0x25d: {  	v27 =	vadd.s32 $0xFFFFF000, v14;
	v18 =	vadd.s32 $0xFFFFF001, v21;
	v14 =	vadd.s32 $0xFFFFF001, v20  }
0x25e: {  	v16 =	vadd.s32 $0xFFFFF001, v22;
	v17 =	vadd.s32 $0xFFFFF001, v23;
	v15 =	vadd.s32 $0xFFFFF001, v24  }
0x25f: {  	v19 =	vcvt.s32.f32 v27;
	v28 =	vadd.s32 $0xFFFFF000, v21;
	v30 =	vadd.s32 $0xFFFFF000, v20  }
0x260: {  	v31 =	vcvt.s32.f32 v28;
	v32 =	vadd.s32 $0xFFFFF000, v22;
	v33 =	vadd.s32 $0xFFFFF000, v23  }
0x261: {  	v34 =	vcvt.s32.f32 v30;
	v35 =	vcvt.s32.f32 v32;
	v36 =	vadd.s32 $0xFFFFF000, v24  }
0x262: {  	v37 =	vcvt.s32.f32 v33;
	v39 =	vadd.s32 $0xFFFFF000, v26;
	v38 =	vcvt.s32.f32 v36  }
0x263: {  	v40 =	vmul.f32 $7.629394530e-03, v19;
	v19 =	vadd.s32 $0xFFFFF001, v26;
	v41 =	vcvt.s32.f32 v39  }
0x264: {  	v42 =	vadd.s32 $0xFFFFEFFF, v21;
	v31 =	vmul.f32 $7.629394530e-03, v31;
	v21 =	vmul.f32 $7.629394530e-03, v34  }
0x265: {  	v34 =	vadd.s32 $0xFFFFEFFF, v20;
	v20 =	vmul.f32 $7.629394530e-03, v35;
	v35 =	vmul.f32 $7.629394530e-03, v37  }
0x266: {  	v37 =	vadd.f32 $5.000000000e+03, v40;
	v40 =	vadd.f32 $7.629394530e-03, v40;
	v38 =	vmul.f32 $7.629394530e-03, v38  }
0x267: {  	v43 =	vadd.f32 $5.000000000e+03, v31;
	v41 =	vmul.f32 $7.629394530e-03, v41;
	v44 =	vadd.f32 $5.000000000e+03, v21  }
0x268: {  	v46 =	vadd.s32 $0xFFFFEFFF, v22;
	v45 =	vadd.f32 $5.000000000e+03, v20;
	v22 =	vadd.f32 $5.000000000e+03, v35  }
0x269: {  	v47 =	vadd.s32 $0xFFFFEFFF, v23;
	v23 =	vadd.f32 $5.000000000e+03, v38;
	v48 =	vadd.f32 $5.000000000e+03, v41  }
0x26a: {  	v49 =	vadd.s32 $0xFFFFEFFF, v24;
	v31 =	vadd.f32 $7.629394530e-03, v31;
	v21 =	vadd.f32 $7.629394530e-03, v21  }
0x26b: {  	v20 =	vadd.f32 $7.629394530e-03, v20;
	v24 =	vadd.f32 $7.629394530e-03, v35;
	v35 =	vadd.s32 $0xFFFFEFFF, v26  }
0x26c: {  	v26 =	vmul.f32 v37, v5;
	v37 =	vadd.f32 $7.629394530e-03, v38;
	v38 =	vadd.f32 $7.629394530e-03, v41  }
0x26d: {  	v40 =	vadd.f32 $5.000000000e+03, v40;
	v41 =	vmul.f32 v43, v5;
	v43 =	vmul.f32 v44, v5  }
0x26e: {  	v31 =	vadd.f32 $5.000000000e+03, v31;
	v44 =	vmul.f32 v45, v5;
	v22 =	vmul.f32 v22, v5  }
0x26f: {  	v21 =	vadd.f32 $5.000000000e+03, v21;
	v45 =	vadd.f32 $5.000000000e+03, v20;
	v23 =	vmul.f32 v23, v5  }
0x270: {  	v24 =	vadd.f32 $5.000000000e+03, v24;
	v37 =	vadd.f32 $5.000000000e+03, v37;
	v48 =	vmul.f32 v48, v5  }
0x271: {  	vm1 =	vlt.f32 v26, v11;
	v26 =	vmul.f32 v40, v5;
	v38 =	vadd.f32 $5.000000000e+03, v38  }
0x272: {  	v40 =	vsel vm1, v27, v25;
	vm1 =	vlt.f32 v41, v13;
	vm2 =	vlt.f32 v43, v12  }
0x273: {  	v20 =	vmul.f32 v31, v5;
	vm3 =	vlt.f32 v44, v8;
	vm4 =	vlt.f32 v22, v9  }
.Ltmp1:
0x274: {  	v21 =	vmul.f32 v21, v5;
	v22 =	vmul.f32 v45, v5;
	vm5 =	vlt.f32 v23, v10;
	(pc) =	sbr.rel @p0 .LBB2_4-.Ltmp1, $4  }
0x275: {  	v23 =	vmul.f32 v24, v5;
	v24 =	vmul.f32 v37, v5;
	vm6 =	vlt.f32 v48, v7  }
0x276: {  	vm7 =	vlt.f32 v26, v11;
	v25 =	vsel vm1, v28, v42;
	v31 =	vmul.f32 v38, v5  }
0x277: {  	v26 =	vsel vm2, v30, v34;
	v27 =	vsel vm3, v32, v46;
	v28 =	vsel vm4, v33, v47  }
0x278: {  	s20 =	sadd.s32 $0x70, s19;
	s19 =	sadd.s32 $0x80, s19;
	v32 =	vsel vm7, v29, v40;
	v29 =	vsel vm5, v36, v49;
	v30 =	vsel vm6, v39, v35  }
0x279: {  	s19 =	scvt.s32.f32 s20;
	_ =	sdelay $0x1  }
0x27a: {  	vm1 =	vlt.f32 v20, v13;
	vm2 =	vlt.f32 v21, v12;
	v21 =	vadd.f32 s19, v2  }
0x27b: {  	vm3 =	vlt.f32 v22, v8;
	vm4 =	vlt.f32 v23, v9;
	vm5 =	vlt.f32 v24, v10  }
0x27c: {  	vm6 =	vlt.f32 v31, v7;
	v20 =	vadd.s32 $0xFFFF8308, v32;
	v21 =	vmul.f32 $7.629394530e-03, v21  }
0x27d: {  	v18 =	vsel vm1, v18, v25;
	v14 =	vsel vm2, v14, v26;
	v16 =	vsel vm3, v16, v27  }
0x27e: {  	v17 =	vsel vm4, v17, v28;
	v22 =	vadd.s32 $0xFFFF8308, v14;
	v14 =	vadd.f32 $5.000000000e+03, v21  }
0x27f: {  	v15 =	vsel vm5, v15, v29;
	v19 =	vsel vm6, v19, v30;
	vm1 =	vgt.s32 v20, $0x0  }
0x280: {  	v18 =	vadd.s32 $0xFFFF8308, v18;
	v16 =	vadd.s32 $0xFFFF8308, v16;
	v21 =	vmul.f32 v14, v6  }
0x281: {  	v17 =	vadd.s32 $0xFFFF8308, v17;
	v20 =	vnsel vm1, $0x0, v20;
	v15 =	vadd.s32 $0xFFFF8308, v15  }
0x282: {  	v19 =	vadd.s32 $0xFFFF8308, v19;
	vm1 =	vgt.s32 v18, $0x0;
	v21 =	vadd.f32 $-6.512640000e+05, v21  }
0x283: {  	vm2 =	vgt.s32 v22, $0x0;
	vm3 =	vgt.s32 v16, $0x0;
	vm14 =	vgt.s32 v17, $0x0  }
0x284: {  	vm15 =	vgt.s32 v15, $0x0;
	v20 =	vmin.u32 v20, $0x867E;
	v21 =	vtrunc.f32 v21  }
0x285: {  	vm9 =	vgt.s32 v19, $0x0;
	v18 =	vnsel vm1, $0x0, v18;
	v21 =	vcvt.f32.s32 v21  }
0x286: {  	v22 =	vnsel vm2, $0x0, v22;
	v16 =	vnsel vm3, $0x0, v16;
	v17 =	vnsel vm14, $0x0, v17  }
0x287: {  	v19 =	vnsel vm9, $0x0, v19;
	v25 =	vmin.u32 v18, $0x867E;
	v18 =	vadd.s32 $0xFFFFF000, v21  }
0x288: {  	v15 =	vnsel vm15, $0x0, v15;
	v26 =	vmin.u32 v19, $0x867E;
	v19 =	vcvt.s32.f32 v18  }
0x289: {  	v23 =	vadd.s32 $0x1, v20;
	v24 =	vadd.s32 $0x7CF8, v20;
	v22 =	vmin.u32 v22, $0x867E  }
0x28a: {  	v16 =	vmin.u32 v16, $0x867E;
	v17 =	vmin.u32 v17, $0x867E;
	v19 =	vmul.f32 $7.629394530e-03, v19  }
0x28b: {  	v15 =	vmin.u32 v15, $0x867E;
	v24 =	vcvt.s32.f32 v24;
	v27 =	vadd.s32 $0x1, v25  }
0x28c: {  	v28 =	vadd.s32 $0x1, v22;
	v29 =	vadd.s32 $0x1, v16;
	v36 =	vadd.f32 $7.629394530e-03, v19  }
0x28d: {  	v31 =	vadd.s32 $0x7CF8, v25;
	v57 =	vadd.s32 $0x7CF8, v22;
	v19 =	vadd.f32 $5.000000000e+03, v19  }
0x28e: {  	v33 =	vadd.s32 $0x7CF8, v16;
	v34 =	vadd.s32 $0x7CF8, v17;
	v36 =	vadd.f32 $5.000000000e+03, v36  }
0x28f: {  	v35 =	vadd.s32 $0x7CF8, v15;
	v31 =	vcvt.s32.f32 v31;
	v19 =	vmul.f32 v19, v5  }
0x290: {  	v37 =	vadd.s32 $0x7CF8, v26;
	v32 =	vcvt.s32.f32 v57;
	v36 =	vmul.f32 v36, v5  }
0x291: {  	v34 =	vcvt.s32.f32 v34;
	vm1 =	vlt.f32 v19, v14;
	v19 =	vadd.s32 $0xFFFFEFFF, v21  }
0x292: {  	v21 =	vadd.s32 $0xFFFFF001, v21;
	v18 =	vsel vm1, v18, v19;
	vm2 =	vlt.f32 v36, v14  }
0x293: {  	v35 =	vcvt.s32.f32 v35;
	v37 =	vcvt.s32.f32 v37;
	v18 =	vsel vm2, v21, v18  }
0x294: {  	v24 =	vmul.f32 $7.629394530e-03, v24;
	v58 =	vmul.f32 $7.629394530e-03, v34;
	v18 =	vadd.s32 $0xFFFF8308, v18  }
0x295: {  	v59 =	vmul.f32 $7.629394530e-03, v35;
	v60 =	vmul.f32 $7.629394530e-03, v37;
	vm1 =	vgt.s32 v18, $0x0  }
0x296: {  	v61 =	vadd.f32 $5.000000000e+03, v24;
	v24 =	vadd.f32 $7.629394530e-03, v24;
	v18 =	vnsel vm1, $0x0, v18  }
0x297: {  	v41 =	vadd.f32 $5.000000000e+03, v58;
	v43 =	vadd.f32 $5.000000000e+03, v59;
	v39 =	vmin.u32 v18, $0x867E  }
0x298: {  	v44 =	vadd.f32 $5.000000000e+03, v60;
	v19 =	vmul.f32 $7.629394530e-03, v31;
	v42 =	vadd.s32 $0x7CF8, v39  }
0x299: {  	v34 =	vadd.f32 $7.629394530e-03, v60;
	v31 =	vmul.f32 $7.629394530e-03, v32;
	v18 =	vld.idx.msk [tilespmem:v20+s4+$0x0], $0xffff;
	v20 =	vcvt.s32.f32 v42  }
0x29a: {  	v33 =	vcvt.s32.f32 v33;
	v32 =	vadd.f32 $7.629394530e-03, v58;
	v62 =	vadd.f32 $5.000000000e+03, v19  }
0x29b: {  	v48 =	vld.idx.msk [tilespmem:v23+s4+$0x0], $0xffff;
	v63 =	vadd.f32 $5.000000000e+03, v31;
	v45 =	vadd.f32 $7.629394530e-03, v19;
	v23 =	vmul.f32 $7.629394530e-03, v20  }
0x29c: {  	v21 =	vmul.f32 $7.629394530e-03, v33;
	v31 =	vadd.f32 $7.629394530e-03, v31;
	v33 =	vadd.f32 $7.629394530e-03, v59  }
0x29d: {  	v30 =	vadd.s32 $0x1, v17;
	v19 =	vld.idx.msk [tilespmem:v17+s4+$0x0], $0xffff;
	v17 =	vadd.f32 $5.000000000e+03, v24;
	v50 =	vadd.f32 $7.629394530e-03, v23  }
0x29e: {  	v38 =	vadd.s32 $0x1, v15;
	v32 =	vadd.f32 $5.000000000e+03, v32;
	v40 =	vadd.f32 $5.000000000e+03, v21  }
0x29f: {  	v46 =	vadd.s32 $0x1, v26;
	v52 =	vadd.f32 $5.000000000e+03, v23;
	v37 =	vadd.f32 $5.000000000e+03, v50  }
0x2a0: {  	v51 =	vmul.f32 v41, v5;
	v21 =	vadd.f32 $7.629394530e-03, v21;
	v23 =	vld.idx.msk [tilespmem:v26+s4+$0x0], $0xffff;
	v26 =	vadd.f32 $5.000000000e+03, v45  }
0x2a1: {  	v31 =	vadd.f32 $5.000000000e+03, v31;
	v41 =	vmul.f32 v52, v5;
	v37 =	vmul.f32 v37, v5  }
0x2a2: {  	v47 =	vld.idx.msk [tilespmem:v16+s4+$0x0], $0xffff;
	v16 =	vmul.f32 v62, v5;
	v54 =	vadd.s32 $0x1, v39;
	v26 =	vmul.f32 v26, v5  }
0x2a3: {  	v25 =	vld.idx.msk [tilespmem:v25+s4+$0x0], $0xffff;
	v49 =	vmul.f32 v63, v5;
	v31 =	vmul.f32 v31, v5;
	v37 =	vsub.f32 v37, v41  }
0x2a4: {  	v22 =	vld.idx.msk [tilespmem:v22+s4+$0x0], $0xffff;
	v35 =	vmul.f32 v61, v5;
	v21 =	vadd.f32 $5.000000000e+03, v21;
	v26 =	vsub.f32 v26, v16  }
0x2a5: {  	v27 =	vld.idx.msk [tilespmem:v27+s4+$0x0], $0xffff;
	v24 =	vmul.f32 v40, v5;
	v31 =	vsub.f32 v31, v49;
	(erf) = vrcp.f32 v37  }
0x2a6: {  	v33 =	vadd.f32 $5.000000000e+03, v33;
	v21 =	vmul.f32 v21, v5;
	(erf) = vrcp.f32 v26;
	v26 =	vld.idx.msk [tilespmem:v39+s4+$0x0], $0xffff  }
0x2a7: {  	v34 =	vadd.f32 $5.000000000e+03, v34;
	v32 =	vmul.f32 v32, v5;
	(erf) = vrcp.f32 v31;
	v31 =	vld.idx.msk [tilespmem:v54+s4+$0x0], $0xffff  }
0x2a8: {  	v33 =	vmul.f32 v33, v5;
	v20 =	vld.idx.msk [tilespmem:v15+s4+$0x0], $0xffff;
	v15 =	vmul.f32 v43, v5;
	v21 =	vsub.f32 v21, v24  }
0x2a9: {  	v28 =	vld.idx.msk [tilespmem:v28+s4+$0x0], $0xffff;
	v53 =	vmul.f32 v44, v5;
	v11 =	vsub.f32 v11, v35;
	v32 =	vsub.f32 v32, v51  }
0x2aa: {  	v29 =	vld.idx.msk [tilespmem:v29+s4+$0x0], $0xffff;
	v34 =	vmul.f32 v34, v5;
	v33 =	vsub.f32 v33, v15;
	(erf) = vrcp.f32 v21  }
0x2ab: {  	v9 =	vsub.f32 v9, v51;
	v17 =	vmul.f32 v17, v5;
	(erf) = vrcp.f32 v32  }
0x2ac: {  	v30 =	vld.idx.msk [tilespmem:v30+s4+$0x0], $0xffff;
	v34 =	vsub.f32 v34, v53;
	(erf) = vrcp.f32 v33;
	v31 =	vsub.f32 v31, v26  }
0x2ad: {  	v38 =	vld.idx.msk [tilespmem:v38+s4+$0x0], $0xffff;
	v7 =	vsub.f32 v7, v53;
	v17 =	vsub.f32 v17, v35  }
0x2ae: {  	v27 =	vsub.f32 v27, v25;
	v28 =	vsub.f32 v28, v22;
	(erf) = vrcp.f32 v34  }
0x2af: {  	v55 =	vld.idx.msk [tilespmem:v46+s4+$0x0], $0xffff;
	v29 =	vsub.f32 v29, v47;
	v13 =	vsub.f32 v13, v16;
	(erf) = vrcp.f32 v17;
	v16 =	vpop (erf)  }
0x2b0: {  	v12 =	vsub.f32 v12, v49;
	v14 =	vsub.f32 v14, v41;
	v16 =	vmul.f32 v31, v16;
	v31 =	vpop (erf)  }
0x2b1: {  	v30 =	vsub.f32 v30, v19;
	v8 =	vsub.f32 v8, v24;
	v27 =	vmul.f32 v27, v31  }
0x2b2: {  	v10 =	vsub.f32 v10, v15;
	v56 =	vsub.f32 v38, v20;
	v24 =	vpop (erf);
	v14 =	vmul.f32 v16, v14  }
0x2b3: {  	s23 =	simm.s32 $0x0;
	v21 =	vsub.f32 v48, v18;
	v24 =	vmul.f32 v28, v24;
	v15 =	vpop (erf);
	v13 =	vmul.f32 v27, v13  }
0x2b4: {  	s22 =	simm.s32 $0x20;
	s24 =	scvt.s32.f32 s23;
	v17 =	vsub.f32 v55, v23;
	v16 =	vmul.f32 v29, v15;
	v15 =	vpop (erf);
	v14 =	vadd.f32 v14, v26  }
0x2b5: {  	s29 =	simm.s32 $0x50;
	s25 =	scvt.s32.f32 s22;
	v12 =	vmul.f32 v24, v12;
	v24 =	vmul.f32 v30, v15;
	v26 =	vpop (erf);
	v15 =	vadd.f32 v13, v25  }
0x2b6: {  	s21 =	simm.s32 $0x10;
	s26 =	simm.s32 $0x30;
	s20 =	scvt.s32.f32 s29;
	v8 =	vmul.f32 v16, v8;
	v25 =	vadd.f32 s24, v3;
	v26 =	vmul.f32 v56, v26  }
0x2b7: {  	s21 =	scvt.s32.f32 s21;
	s22 =	scvt.s32.f32 s26;
	v16 =	vadd.f32 v12, v22;
	v22 =	vadd.f32 s25, v3;
	v24 =	vmul.f32 v24, v9;
	v13 =	vpop (erf)  }
0x2b8: {  	s28 =	simm.s32 $0x40;
	v26 =	vmul.f32 v26, v10;
	v10 =	vadd.f32 s20, v3;
	v12 =	vmul.f32 v17, v13;
	v13 =	vpop (erf)  }
0x2b9: {  	s30 =	simm.s32 $0x60;
	v9 =	vadd.f32 s22, v3;
	v13 =	vmul.f32 v21, v13;
	v21 =	vadd.f32 s21, v3;
	s21 =	scvt.s32.f32 s28  }
0x2ba: {  	s22 =	scvt.s32.f32 s30;
	v17 =	vadd.f32 v8, v47;
	v10 =	vmul.f32 $7.629394530e-03, v10;
	v27 =	vmul.f32 v12, v7  }
0x2bb: {  	v7 =	vmul.f32 $7.629394530e-03, v25;
	v28 =	vmul.f32 v13, v11;
	v8 =	vadd.f32 s21, v3  }
0x2bc: {  	v12 =	vmul.f32 $7.629394530e-03, v21;
	v21 =	vmul.f32 $7.629394530e-03, v22;
	v22 =	vadd.f32 s22, v3  }
0x2bd: {  	v10 =	vadd.f32 $5.000000000e+03, v10;
	v11 =	vadd.f32 $5.000000000e+03, v7;
	v7 =	vmul.f32 $7.629394530e-03, v9  }
0x2be: {  	v9 =	vmul.f32 $7.629394530e-03, v8;
	v13 =	vadd.f32 $5.000000000e+03, v12;
	v12 =	vadd.f32 $5.000000000e+03, v21  }
0x2bf: {  	v8 =	vadd.f32 $5.000000000e+03, v7;
	v7 =	vmul.f32 $7.629394530e-03, v22;
	v21 =	vmul.f32 v11, v6  }
0x2c0: {  	v31 =	vmul.f32 v10, v6;
	v9 =	vadd.f32 $5.000000000e+03, v9;
	v22 =	vmul.f32 v13, v6  }
0x2c1: {  	v25 =	vmul.f32 v12, v6;
	v7 =	vadd.f32 $5.000000000e+03, v7;
	v21 =	vadd.f32 $-6.512640000e+05, v21  }
0x2c2: {  	v29 =	vmul.f32 v8, v6;
	v30 =	vmul.f32 v9, v6;
	v22 =	vadd.f32 $-6.512640000e+05, v22  }
0x2c3: {  	v25 =	vadd.f32 $-6.512640000e+05, v25;
	v57 =	vmul.f32 v7, v6;
	v21 =	vtrunc.f32 v21  }
0x2c4: {  	v29 =	vadd.f32 $-6.512640000e+05, v29;
	v30 =	vadd.f32 $-6.512640000e+05, v30;
	v58 =	vcvt.f32.s32 v21  }
0x2c5: {  	v59 =	vtrunc.f32 v22;
	v21 =	vadd.f32 $-6.512640000e+05, v31;
	v25 =	vtrunc.f32 v25  }
0x2c6: {  	v22 =	vadd.f32 v24, v19;
	v19 =	vadd.f32 v28, v18;
	v29 =	vtrunc.f32 v29  }
0x2c7: {  	v31 =	vadd.f32 $-6.512640000e+05, v57;
	v24 =	vtrunc.f32 v30;
	v30 =	vtrunc.f32 v21  }
0x2c8: {  	v21 =	vadd.f32 v26, v20;
	v26 =	vcvt.f32.s32 v59;
	v20 =	vadd.f32 v27, v23  }
0x2c9: {  	v23 =	vcvt.f32.s32 v25;
	v25 =	vcvt.f32.s32 v29;
	v27 =	vadd.s32 $0xFFFFF001, v58  }
0x2ca: {  	v28 =	vadd.s32 $0xFFFFEFFF, v58;
	v31 =	vtrunc.f32 v31;
	v18 =	vcvt.f32.s32 v24  }
0x2cb: {  	v24 =	vcvt.f32.s32 v30;
	v30 =	vadd.s32 $0xFFFFF000, v58;
	v29 =	vcvt.f32.s32 v31  }
0x2cc: {  	v31 =	vadd.s32 $0xFFFFF001, v26;
	v32 =	vadd.s32 $0xFFFFF001, v23;
	v33 =	vadd.s32 $0xFFFFF001, v25  }
0x2cd: {  	v60 =	vcvt.s32.f32 v30;
	v37 =	vadd.s32 $0xFFFFF000, v26;
	v38 =	vadd.s32 $0xFFFFF000, v23  }
0x2ce: {  	v40 =	vadd.s32 $0xFFFFF000, v25;
	v26 =	vadd.s32 $0xFFFFEFFF, v26;
	v23 =	vadd.s32 $0xFFFFEFFF, v23  }
0x2cf: {  	v25 =	vadd.s32 $0xFFFFEFFF, v25;
	v34 =	vadd.s32 $0xFFFFF001, v18;
	v35 =	vadd.s32 $0xFFFFF001, v24  }
0x2d0: {  	v61 =	vcvt.s32.f32 v37;
	v62 =	vcvt.s32.f32 v38;
	v63 =	vadd.s32 $0xFFFFF000, v18  }
0x2d1: {  	v54 =	vcvt.s32.f32 v40;
	v55 =	vadd.s32 $0xFFFFF000, v24;
	v18 =	vadd.s32 $0xFFFFEFFF, v18  }
0x2d2: {  	v24 =	vadd.s32 $0xFFFFEFFF, v24;
	v36 =	vmul.f32 $7.629394530e-03, v60;
	v56 =	vcvt.s32.f32 v63  }
0x2d3: {  	v57 =	vadd.s32 $0xFFFFF000, v29;
	v58 =	vcvt.s32.f32 v55;
	v50 =	vadd.s32 $0xFFFFF001, v29  }
0x2d4: {  	v29 =	vadd.s32 $0xFFFFEFFF, v29;
	v48 =	vcvt.s32.f32 v57;
	v39 =	vmul.f32 $7.629394530e-03, v61  }
0x2d5: {  	v41 =	vmul.f32 $7.629394530e-03, v62;
	v43 =	vmul.f32 $7.629394530e-03, v54;
	v49 =	vadd.f32 $5.000000000e+03, v36  }
0x2d6: {  	v45 =	vmul.f32 $7.629394530e-03, v56;
	v36 =	vadd.f32 $7.629394530e-03, v36;
	v51 =	vadd.f32 $5.000000000e+03, v39  }
0x2d7: {  	v47 =	vmul.f32 $7.629394530e-03, v58;
	v59 =	vadd.f32 $5.000000000e+03, v41;
	v39 =	vadd.f32 $7.629394530e-03, v39  }
0x2d8: {  	v48 =	vmul.f32 $7.629394530e-03, v48;
	v41 =	vadd.f32 $7.629394530e-03, v41;
	v60 =	vadd.f32 $5.000000000e+03, v45  }
0x2d9: {  	v49 =	vmul.f32 v49, v5;
	v61 =	vadd.f32 $5.000000000e+03, v47;
	v45 =	vadd.f32 $7.629394530e-03, v45  }
0x2da: {  	v47 =	vadd.f32 $7.629394530e-03, v47;
	v36 =	vadd.f32 $5.000000000e+03, v36;
	v51 =	vmul.f32 v51, v5  }
0x2db: {  	v39 =	vadd.f32 $5.000000000e+03, v39;
	v41 =	vadd.f32 $5.000000000e+03, v41;
	vm1 =	vlt.f32 v49, v11  }
0x2dc: {  	v49 =	vmul.f32 v59, v5;
	v45 =	vadd.f32 $5.000000000e+03, v45;
	v47 =	vadd.f32 $5.000000000e+03, v47  }
0x2dd: {  	v36 =	vmul.f32 v36, v5;
	v28 =	vsel vm1, v30, v28;
	v30 =	vadd.f32 $5.000000000e+03, v43  }
0x2de: {  	vm1 =	vlt.f32 v51, v13;
	v51 =	vmul.f32 v60, v5;
	v39 =	vmul.f32 v39, v5  }
0x2df: {  	v41 =	vmul.f32 v41, v5;
	vm2 =	vlt.f32 v49, v12;
	v49 =	vmul.f32 v61, v5  }
0x2e0: {  	v43 =	vadd.f32 $7.629394530e-03, v43;
	v45 =	vmul.f32 v45, v5;
	v47 =	vmul.f32 v47, v5  }
0x2e1: {  	vm7 =	vlt.f32 v36, v11;
	v26 =	vsel vm1, v37, v26;
	v30 =	vmul.f32 v30, v5  }
0x2e2: {  	v43 =	vadd.f32 $5.000000000e+03, v43;
	vm10 =	vlt.f32 v51, v9;
	v23 =	vsel vm2, v38, v23  }
0x2e3: {  	v27 =	vsel vm7, v27, v28;
	vm3 =	vlt.f32 v30, v8;
	v30 =	vadd.f32 $5.000000000e+03, v48  }
0x2e4: {  	vm1 =	vlt.f32 v39, v13;
	vm2 =	vlt.f32 v41, v12;
	vm11 =	vlt.f32 v49, v10  }
0x2e5: {  	s31 =	simm.s32 $0x70;
	v18 =	vsel vm10, v63, v18;
	vm13 =	vlt.f32 v45, v9;
	v30 =	vmul.f32 v30, v5  }
0x2e6: {  	s20 =	scvt.s32.f32 s31;
	vm14 =	vlt.f32 v47, v10;
	v27 =	vadd.s32 $0xFFFF0308, v27;
	v48 =	vadd.f32 $7.629394530e-03, v48  }
0x2e7: {  	v26 =	vsel vm1, v31, v26;
	v23 =	vsel vm2, v32, v23;
	vm12 =	vlt.f32 v30, v7  }
0x2e8: {  	v48 =	vadd.f32 $5.000000000e+03, v48;
	v28 =	vsel vm12, v57, v29;
	v29 =	vadd.f32 s20, v3  }
0x2e9: {  	v43 =	vmul.f32 v43, v5;
	v24 =	vsel vm11, v55, v24;
	v18 =	vsel vm13, v34, v18  }
0x2ea: {  	vm1 =	vgt.s32 v27, $0x0;
	v30 =	vmul.f32 v48, v5;
	v29 =	vmul.f32 $7.629394530e-03, v29  }
0x2eb: {  	v26 =	vadd.s32 $0xFFFF0308, v26;
	v23 =	vadd.s32 $0xFFFF0308, v23;
	v25 =	vsel vm3, v40, v25  }
0x2ec: {  	vm15 =	vlt.f32 v30, v7;
	v30 =	vadd.s32 $0xFFFF0308, v18;
	v18 =	vadd.f32 $5.000000000e+03, v29  }
0x2ed: {  	v24 =	vsel vm14, v35, v24;
	v27 =	vnsel vm1, $0x0, v27;
	vm1 =	vgt.s32 v26, $0x0  }
0x2ee: {  	vm2 =	vgt.s32 v23, $0x0;
	vm3 =	vlt.f32 v43, v8;
	v29 =	vmul.f32 v18, v6  }
0x2ef: {  	v24 =	vadd.s32 $0xFFFF0308, v24;
	v27 =	vmin.u32 v27, $0x867E;
	v26 =	vnsel vm1, $0x0, v26  }
0x2f0: {  	v23 =	vnsel vm2, $0x0, v23;
	v25 =	vsel vm3, v33, v25;
	v29 =	vadd.f32 $-6.512640000e+05, v29  }
0x2f1: {  	vm10 =	vgt.s32 v24, $0x0;
	v31 =	vadd.s32 $0x1, v27;
	v62 =	vadd.s32 $0xFCF8, v27  }
0x2f2: {  	v26 =	vmin.u32 v26, $0x867E;
	v23 =	vmin.u32 v23, $0x867E;
	v29 =	vtrunc.f32 v29  }
0x2f3: {  	s18 =	sadd.s32 $0x80, s18;
	v25 =	vadd.s32 $0xFFFF0308, v25;
	v24 =	vnsel vm10, $0x0, v24;
	v29 =	vcvt.f32.s32 v29  }
0x2f4: {  	[tilespmem:s18+$0x30] =	vst v14;
	v35 =	vadd.s32 $0x1, v26;
	v36 =	vadd.s32 $0x1, v23;
	v14 =	vcvt.s32.f32 v62  }
0x2f5: {  	[tilespmem:s18+$0xFFFFFFE0] =	vst v16;
	v16 =	vadd.s32 $0xFCF8, v26;
	v45 =	vadd.s32 $0xFCF8, v23;
	v63 =	vadd.s32 $0xFFFFF000, v29  }
0x2f6: {  	[tilespmem:s18+$0xFFFFFFD0] =	vst v15;
	vm3 =	vgt.s32 v25, $0x0;
	v24 =	vmin.u32 v24, $0x867E;
	v44 =	vcvt.s32.f32 v63  }
0x2f7: {  	[tilespmem:s18+$0x0] =	vst v22;
	v16 =	vcvt.s32.f32 v16;
	v22 =	vcvt.s32.f32 v45;
	v25 =	vnsel vm3, $0x0, v25  }
0x2f8: {  	[tilespmem:s18+$0xFFFFFFC0] =	vst v19;
	v47 =	vadd.s32 $0xFCF8, v24;
	v19 =	vadd.s32 $0x1, v24;
	v15 =	vmul.f32 $7.629394530e-03, v44  }
0x2f9: {  	v14 =	vmul.f32 $7.629394530e-03, v14;
	v28 =	vsel vm15, v50, v28;
	vm9 =	vgt.s32 v30, $0x0  }
0x2fa: {  	[tilespmem:s18+$0x20] =	vst v20;
	v25 =	vmin.u32 v25, $0x867E;
	v20 =	vcvt.s32.f32 v47;
	v48 =	vadd.f32 $7.629394530e-03, v15  }
0x2fb: {  	v16 =	vmul.f32 $7.629394530e-03, v16;
	v22 =	vmul.f32 $7.629394530e-03, v22;
	v15 =	vadd.f32 $5.000000000e+03, v15  }
0x2fc: {  	v28 =	vadd.s32 $0xFFFF0308, v28;
	v30 =	vnsel vm9, $0x0, v30;
	v49 =	vadd.f32 $5.000000000e+03, v48  }
0x2fd: {  	v37 =	vadd.s32 $0x1, v25;
	v46 =	vadd.s32 $0xFCF8, v25;
	v15 =	vmul.f32 v15, v5  }
0x2fe: {  	v51 =	vadd.f32 $5.000000000e+03, v14;
	v52 =	vadd.f32 $7.629394530e-03, v14;
	v34 =	vmul.f32 v49, v5  }
0x2ff: {  	vm11 =	vgt.s32 v28, $0x0;
	vm1 =	vlt.f32 v15, v18;
	v15 =	vadd.s32 $0xFFFFEFFF, v29  }
0x300: {  	v29 =	vadd.s32 $0xFFFFF001, v29;
	v15 =	vsel vm1, v63, v15;
	vm2 =	vlt.f32 v34, v18  }
0x301: {  	[tilespmem:s18+$0x10] =	vst v21;
	v30 =	vmin.u32 v30, $0x867E;
	v21 =	vcvt.s32.f32 v46;
	v15 =	vsel vm2, v29, v15  }
0x302: {  	[tilespmem:s18+$0xFFFFFFF0] =	vst v17;
	v20 =	vmul.f32 $7.629394530e-03, v20;
	v53 =	vadd.f32 $5.000000000e+03, v22;
	v15 =	vadd.s32 $0xFFFF0308, v15  }
0x303: {  	[hbm4b:s7+s23] =	stream.linear.scatter [tilespmem:s13], [sflag:$0x1], $0x8000, $0x38;
	v59 =	vadd.f32 $7.629394530e-03, v16;
	v22 =	vadd.f32 $7.629394530e-03, v22;
	vm1 =	vgt.s32 v15, $0x0;
	[tilespmem:$0x10700] =	vst v63  }
0x304: {  	_ =	swait.ge [sflag:s15], $0x8000;
	v28 =	vnsel vm11, $0x0, v28;
	v17 =	vadd.s32 $0xFCF8, v30;
	v14 =	vnsel vm1, $0x0, v15  }
0x305: {  	[sflag:s15] =	ssyncset.done $0x0;
	v32 =	vadd.s32 $0x1, v30;
	v17 =	vcvt.s32.f32 v17;
	v54 =	vmin.u32 v14, $0x867E  }
0x306: {  	[sflag:s15] =	ssyncadd.s32 $0xFFFF8000;
	v33 =	vmul.f32 v51, v5;
	v21 =	vmul.f32 $7.629394530e-03, v21;
	v57 =	vadd.s32 $0xFCF8, v54  }
0x307: {  	[tilespmem:s23], [sflag:$0x1] =	stream.linear.gather [hbm4b:s8+s23], $0x8680, $0x38;
	v22 =	vadd.f32 $5.000000000e+03, v22;
	v17 =	vmul.f32 $7.629394530e-03, v17;
	v42 =	vcvt.s32.f32 v57;
	[tilespmem:$0x10700] =	vst v63  }
0x308: {  	_ =	swait.ge [sflag:s15], $0x8680;
	v28 =	vmin.u32 v28, $0x867E;
	v55 =	vadd.f32 $5.000000000e+03, v21;
	v21 =	vadd.f32 $7.629394530e-03, v21  }
0x309: {  	[sflag:s15] =	ssyncset.done $0x0;
	v56 =	vadd.f32 $5.000000000e+03, v17;
	v61 =	vadd.f32 $7.629394530e-03, v17;
	v17 =	vmul.f32 $7.629394530e-03, v42  }
0x30a: {  	[sflag:s15] =	ssyncadd.s32 $0xFFFF7980;
	v50 =	vadd.s32 $0xFCF8, v28;
	v60 =	vadd.s32 $0x1, v28;
	v21 =	vadd.f32 $5.000000000e+03, v21  }
0x30b: {  	v38 =	vcvt.s32.f32 v50;
	v14 =	vld.idx.msk [tilespmem:v27+s4+$0x0], $0xffff;
	v27 =	vadd.f32 $5.000000000e+03, v20;
	v63 =	vadd.f32 $7.629394530e-03, v17  }
0x30c: {  	v22 =	vmul.f32 v22, v5;
	v21 =	vmul.f32 v21, v5;
	v15 =	vadd.f32 $5.000000000e+03, v16  }
0x30d: {  	v16 =	vld.idx.msk [tilespmem:v24+s4+$0x0], $0xffff;
	v24 =	vmul.f32 v27, v5;
	v27 =	vadd.f32 $5.000000000e+03, v17;
	v50 =	vadd.f32 $5.000000000e+03, v63  }
0x30e: {  	v29 =	vmul.f32 $7.629394530e-03, v38;
	v38 =	vmul.f32 v53, v5;
	v17 =	vld.idx.msk [tilespmem:v28+s4+$0x0], $0xffff;
	v28 =	vadd.f32 $5.000000000e+03, v59  }
0x30f: {  	v51 =	vadd.f32 $5.000000000e+03, v61;
	v27 =	vmul.f32 v27, v5;
	v41 =	vmul.f32 v50, v5  }
0x310: {  	v26 =	vld.idx.msk [tilespmem:v26+s4+$0x0], $0xffff;
	v58 =	vadd.f32 $5.000000000e+03, v29;
	v62 =	vmul.f32 v15, v5;
	v28 =	vmul.f32 v28, v5  }
0x311: {  	v15 =	vld.idx.msk [tilespmem:v30+s4+$0x0], $0xffff;
	v30 =	vadd.f32 $5.000000000e+03, v52;
	v52 =	vadd.s32 $0x1, v54;
	v41 =	vsub.f32 v41, v27  }
0x312: {  	v23 =	vld.idx.msk [tilespmem:v23+s4+$0x0], $0xffff;
	v44 =	vmul.f32 v51, v5;
	v20 =	vadd.f32 $7.629394530e-03, v20;
	v28 =	vsub.f32 v28, v62  }
0x313: {  	v35 =	vld.idx.msk [tilespmem:v35+s4+$0x0], $0xffff;
	v29 =	vadd.f32 $7.629394530e-03, v29;
	v22 =	vsub.f32 v22, v38;
	(erf) = vrcp.f32 v41  }
0x314: {  	v25 =	vld.idx.msk [tilespmem:v25+s4+$0x0], $0xffff;
	v48 =	vmul.f32 v55, v5;
	v20 =	vadd.f32 $5.000000000e+03, v20;
	(erf) = vrcp.f32 v28  }
0x315: {  	v49 =	vmul.f32 v56, v5;
	v29 =	vadd.f32 $5.000000000e+03, v29;
	v28 =	vld.idx.msk [tilespmem:v54+s4+$0x0], $0xffff;
	(erf) = vrcp.f32 v22  }
0x316: {  	v21 =	vsub.f32 v21, v48;
	v20 =	vmul.f32 v20, v5;
	v22 =	vld.idx.msk [tilespmem:v52+s4+$0x0], $0xffff  }
0x317: {  	v37 =	vld.idx.msk [tilespmem:v37+s4+$0x0], $0xffff;
	v43 =	vmul.f32 v58, v5;
	v29 =	vmul.f32 v29, v5;
	v54 =	vsub.f32 v44, v49  }
0x318: {  	v36 =	vld.idx.msk [tilespmem:v36+s4+$0x0], $0xffff;
	v30 =	vmul.f32 v30, v5;
	v20 =	vsub.f32 v20, v24;
	(erf) = vrcp.f32 v21  }
0x319: {  	v21 =	vsub.f32 v29, v43;
	(erf) = vrcp.f32 v54  }
0x31a: {  	v29 =	vsub.f32 v30, v33;
	v30 =	vsub.f32 v35, v26;
	(erf) = vrcp.f32 v20  }
0x31b: {  	v19 =	vld.idx.msk [tilespmem:v19+s4+$0x0], $0xffff;
	v11 =	vsub.f32 v11, v33;
	(erf) = vrcp.f32 v21;
	v22 =	vsub.f32 v22, v28  }
0x31c: {  	v32 =	vld.idx.msk [tilespmem:v32+s4+$0x0], $0xffff;
	v55 =	vsub.f32 v37, v25;
	v8 =	vsub.f32 v8, v48;
	(erf) = vrcp.f32 v29;
	v56 =	vpop (erf)  }
0x31d: {  	v31 =	vld.idx.msk [tilespmem:v31+s4+$0x0], $0xffff;
	v18 =	vsub.f32 v18, v27;
	v20 =	vsub.f32 v36, v23;
	v22 =	vmul.f32 v22, v56;
	v27 =	vpop (erf)  }
0x31e: {  	v9 =	vsub.f32 v9, v49;
	v53 =	vld.idx.msk [tilespmem:v60+s4+$0x0], $0xffff;
	v12 =	vsub.f32 v12, v38;
	v27 =	vmul.f32 v30, v27;
	v30 =	vpop (erf)  }
0x31f: {  	v7 =	vsub.f32 v7, v43;
	v20 =	vmul.f32 v20, v30;
	v18 =	vmul.f32 v22, v18  }
0x320: {  	v13 =	vsub.f32 v13, v62;
	v19 =	vsub.f32 v19, v16  }
0x321: {  	v10 =	vsub.f32 v10, v24;
	v21 =	vsub.f32 v32, v15;
	v22 =	vpop (erf);
	v12 =	vmul.f32 v20, v12  }
0x322: {  	s30 =	simm.s32 $0xE0;
	v31 =	vsub.f32 v31, v14;
	v13 =	vmul.f32 v27, v13;
	v22 =	vmul.f32 v55, v22;
	v24 =	vpop (erf)  }
0x323: {  	s31 =	scvt.s32.f32 s30;
	v29 =	vsub.f32 v53, v17;
	v24 =	vmul.f32 v21, v24;
	v21 =	vadd.f32 v18, v28;
	v18 =	vpop (erf)  }
0x324: {  	s21 =	simm.s32 $0x90;
	s23 =	simm.s32 $0xB0;
	s20 =	simm.s32 $0x80;
	v20 =	vadd.f32 v13, v26;
	v8 =	vmul.f32 v22, v8;
	v13 =	vmul.f32 v19, v18;
	v18 =	vpop (erf)  }
0x325: {  	s22 =	simm.s32 $0xA0;
	s24 =	scvt.s32.f32 s23;
	s18 =	scvt.s32.f32 s20;
	v27 =	vadd.f32 s31, v3;
	v22 =	vadd.f32 v12, v23;
	v19 =	vmul.f32 v24, v9;
	v12 =	vpop (erf)  }
0x326: {  	s25 =	simm.s32 $0xC0;
	s19 =	scvt.s32.f32 s21;
	s20 =	scvt.s32.f32 s22;
	v9 =	vmul.f32 v29, v18;
	v12 =	vmul.f32 v31, v12;
	v23 =	vadd.f32 v8, v25  }
0x327: {  	s26 =	simm.s32 $0xD0;
	s28 =	scvt.s32.f32 s25;
	v8 =	vadd.f32 s18, v3;
	v18 =	vmul.f32 v13, v10;
	v10 =	vadd.f32 s24, v3  }
0x328: {  	s29 =	scvt.s32.f32 s26;
	v24 =	vmul.f32 v9, v7;
	v7 =	vadd.f32 s19, v3;
	v9 =	vadd.f32 s20, v3  }
0x329: {  	v25 =	vmul.f32 v12, v11;
	v8 =	vmul.f32 $7.629394530e-03, v8;
	v12 =	vadd.f32 s28, v3  }
0x32a: {  	v26 =	vadd.f32 s29, v3;
	v7 =	vmul.f32 $7.629394530e-03, v7;
	v9 =	vmul.f32 $7.629394530e-03, v9  }
0x32b: {  	v11 =	vadd.f32 $5.000000000e+03, v8;
	v8 =	vmul.f32 $7.629394530e-03, v10;
	v10 =	vmul.f32 $7.629394530e-03, v12  }
0x32c: {  	v13 =	vadd.f32 $5.000000000e+03, v7;
	v12 =	vadd.f32 $5.000000000e+03, v9;
	v7 =	vmul.f32 $7.629394530e-03, v26  }
0x32d: {  	v26 =	vmul.f32 $7.629394530e-03, v27;
	v8 =	vadd.f32 $5.000000000e+03, v8;
	v9 =	vadd.f32 $5.000000000e+03, v10  }
0x32e: {  	v27 =	vmul.f32 v11, v6;
	v28 =	vmul.f32 v13, v6;
	v10 =	vadd.f32 $5.000000000e+03, v7  }
0x32f: {  	v29 =	vmul.f32 v12, v6;
	v7 =	vadd.f32 $5.000000000e+03, v26;
	v30 =	vmul.f32 v8, v6  }
0x330: {  	v26 =	vadd.f32 $-6.512640000e+05, v27;
	v27 =	vmul.f32 v9, v6;
	v31 =	vmul.f32 v10, v6  }
0x331: {  	v28 =	vadd.f32 $-6.512640000e+05, v28;
	v29 =	vadd.f32 $-6.512640000e+05, v29;
	v57 =	vmul.f32 v7, v6  }
0x332: {  	v26 =	vtrunc.f32 v26;
	v30 =	vadd.f32 $-6.512640000e+05, v30;
	v27 =	vadd.f32 $-6.512640000e+05, v27  }
0x333: {  	v26 =	vcvt.f32.s32 v26;
	v28 =	vtrunc.f32 v28;
	v31 =	vadd.f32 $-6.512640000e+05, v31  }
0x334: {  	v29 =	vtrunc.f32 v29;
	v32 =	vadd.f32 $-6.512640000e+05, v57;
	v30 =	vtrunc.f32 v30  }
0x335: {  	v33 =	vadd.f32 v19, v15;
	v15 =	vtrunc.f32 v27;
	v28 =	vcvt.f32.s32 v28  }
0x336: {  	v27 =	vadd.f32 v18, v16;
	v19 =	vtrunc.f32 v31;
	v16 =	vtrunc.f32 v32  }
0x337: {  	v32 =	vadd.f32 v24, v17;
	v24 =	vcvt.f32.s32 v29;
	v29 =	vcvt.f32.s32 v30  }
0x338: {  	v30 =	vadd.f32 v25, v14;
	v25 =	vcvt.f32.s32 v15;
	v34 =	vadd.s32 $0xFFFFF001, v26  }
0x339: {  	v35 =	vadd.s32 $0xFFFFEFFF, v26;
	v26 =	vadd.s32 $0xFFFFF000, v26;
	v31 =	vcvt.f32.s32 v19  }
0x33a: {  	v36 =	vcvt.f32.s32 v16;
	v18 =	vadd.s32 $0xFFFFF001, v28;
	v19 =	vcvt.s32.f32 v26  }
0x33b: {  	v37 =	vadd.s32 $0xFFFFF000, v28;
	v28 =	vadd.s32 $0xFFFFEFFF, v28;
	v14 =	vadd.s32 $0xFFFFF001, v24  }
0x33c: {  	v16 =	vadd.s32 $0xFFFFF001, v29;
	v17 =	vadd.s32 $0xFFFFF001, v25;
	v38 =	vadd.s32 $0xFFFFF000, v24  }
0x33d: {  	v58 =	vcvt.s32.f32 v37;
	v40 =	vadd.s32 $0xFFFFF000, v29;
	v42 =	vadd.s32 $0xFFFFF000, v25  }
0x33e: {  	v56 =	vadd.s32 $0xFFFFEFFF, v24;
	v29 =	vadd.s32 $0xFFFFEFFF, v29;
	v52 =	vadd.s32 $0xFFFFEFFF, v25  }
0x33f: {  	v15 =	vadd.s32 $0xFFFFF001, v31;
	v59 =	vcvt.s32.f32 v38;
	v60 =	vcvt.s32.f32 v40  }
0x340: {  	v61 =	vmul.f32 $7.629394530e-03, v19;
	v45 =	vadd.s32 $0xFFFFF000, v31;
	v62 =	vcvt.s32.f32 v42  }
0x341: {  	v47 =	vadd.s32 $0xFFFFF000, v36;
	v19 =	vadd.s32 $0xFFFFF001, v36;
	v63 =	vcvt.s32.f32 v45  }
0x342: {  	v36 =	vadd.s32 $0xFFFFEFFF, v36;
	v54 =	vcvt.s32.f32 v47;
	v39 =	vmul.f32 $7.629394530e-03, v58  }
0x343: {  	v55 =	vadd.f32 $5.000000000e+03, v61;
	v41 =	vmul.f32 $7.629394530e-03, v59;
	v43 =	vmul.f32 $7.629394530e-03, v60  }
0x344: {  	v46 =	vmul.f32 $7.629394530e-03, v62;
	v44 =	vadd.f32 $7.629394530e-03, v61;
	v60 =	vadd.s32 $0xFFFFEFFF, v31  }
0x345: {  	v57 =	vadd.f32 $5.000000000e+03, v39;
	v48 =	vmul.f32 $7.629394530e-03, v63;
	v39 =	vadd.f32 $7.629394530e-03, v39  }
0x346: {  	v49 =	vmul.f32 $7.629394530e-03, v54;
	v58 =	vadd.f32 $5.000000000e+03, v46;
	v25 =	vadd.f32 $7.629394530e-03, v41  }
0x347: {  	v24 =	vmul.f32 v55, v5;
	v59 =	vadd.f32 $7.629394530e-03, v43;
	v31 =	vadd.f32 $7.629394530e-03, v46  }
0x348: {  	v44 =	vadd.f32 $5.000000000e+03, v44;
	v50 =	vmul.f32 v57, v5;
	v61 =	vadd.f32 $7.629394530e-03, v48  }
0x349: {  	v62 =	vadd.f32 $7.629394530e-03, v49;
	v39 =	vadd.f32 $5.000000000e+03, v39;
	vm1 =	vlt.f32 v24, v11  }
0x34a: {  	v24 =	vadd.f32 $5.000000000e+03, v41;
	v63 =	vmul.f32 v58, v5;
	v25 =	vadd.f32 $5.000000000e+03, v25  }
0x34b: {  	s18 =	simm.s32 $0x86C0;
	v41 =	vadd.f32 $5.000000000e+03, v59;
	v31 =	vadd.f32 $5.000000000e+03, v31;
	v44 =	vmul.f32 v44, v5  }
0x34c: {  	[tilespmem:s18+$0x30] =	vst v21;
	v35 =	vsel vm1, v26, v35;
	v26 =	vadd.f32 $5.000000000e+03, v43;
	vm2 =	vlt.f32 v50, v13  }
0x34d: {  	[tilespmem:s18+$0xFFFFFFD0] =	vst v20;
	v46 =	vadd.f32 $5.000000000e+03, v61;
	v20 =	vmul.f32 v39, v5;
	v24 =	vmul.f32 v24, v5  }
0x34e: {  	[tilespmem:s18+$0xFFFFFFE0] =	vst v22;
	vm12 =	vlt.f32 v63, v9;
	v21 =	vmul.f32 v25, v5;
	v26 =	vmul.f32 v26, v5  }
0x34f: {  	[tilespmem:s18+$0xFFFFFFF0] =	vst v23;
	v22 =	vmul.f32 v41, v5;
	v23 =	vmul.f32 v31, v5;
	vm1 =	vlt.f32 v24, v12  }
0x350: {  	v24 =	vadd.f32 $5.000000000e+03, v48;
	vm3 =	vlt.f32 v26, v8;
	v26 =	vadd.f32 $5.000000000e+03, v49  }
0x351: {  	vm15 =	vlt.f32 v44, v11;
	v25 =	vsel vm2, v37, v28;
	v48 =	vadd.f32 $5.000000000e+03, v62  }
0x352: {  	[tilespmem:s18+$0x10] =	vst v27;
	v28 =	vsel vm12, v42, v52;
	v24 =	vmul.f32 v24, v5;
	v26 =	vmul.f32 v26, v5  }
0x353: {  	[tilespmem:s18+$0x20] =	vst v32;
	v32 =	vsel vm15, v34, v35;
	v31 =	vmul.f32 v48, v5;
	v27 =	vsel vm3, v40, v29  }
0x354: {  	[tilespmem:s18+$0x0] =	vst v33;
	vm13 =	vlt.f32 v24, v10;
	v24 =	vmul.f32 v46, v5;
	vm14 =	vlt.f32 v26, v7  }
0x355: {  	s20 =	simm.s32 $0xF0;
	s19 =	simm.s32 $0x100;
	[tilespmem:s18+$0xFFFFFFC0] =	vst v30;
	v26 =	vsel vm1, v38, v56;
	v29 =	vsel vm13, v45, v60;
	v30 =	vsel vm14, v47, v36  }
.LBB2_6:
0x356: {  	p0 =	slt.u32 s19, $0x7F80;
	vm1 =	vlt.f32 v20, v13;
	vm2 =	vlt.f32 v21, v12;
	vm3 =	vlt.f32 v22, v8;
	s20 =	scvt.s32.f32 s20  }
0x357: {  	vm4 =	vlt.f32 v23, v9;
	vm5 =	vlt.f32 v24, v10;
	vm6 =	vlt.f32 v31, v7  }
0x358: {  	v20 =	vadd.s32 $0xFFFF0308, v32;
	v18 =	vsel vm1, v18, v25;
	v21 =	vadd.f32 s20, v3  }
0x359: {  	v14 =	vsel vm2, v14, v26;
	v16 =	vsel vm3, v16, v27;
	v17 =	vsel vm4, v17, v28  }
0x35a: {  	v15 =	vsel vm5, v15, v29;
	v19 =	vsel vm6, v19, v30;
	v21 =	vmul.f32 $7.629394530e-03, v21  }
0x35b: {  	vm1 =	vgt.s32 v20, $0x0;
	v18 =	vadd.s32 $0xFFFF0308, v18;
	v22 =	vadd.s32 $0xFFFF0308, v14  }
0x35c: {  	v16 =	vadd.s32 $0xFFFF0308, v16;
	v17 =	vadd.s32 $0xFFFF0308, v17;
	v14 =	vadd.f32 $5.000000000e+03, v21  }
0x35d: {  	v20 =	vnsel vm1, $0x0, v20;
	v15 =	vadd.s32 $0xFFFF0308, v15;
	v19 =	vadd.s32 $0xFFFF0308, v19  }
0x35e: {  	vm1 =	vgt.s32 v18, $0x0;
	vm2 =	vgt.s32 v22, $0x0;
	v21 =	vmul.f32 v14, v6  }
0x35f: {  	vm3 =	vgt.s32 v16, $0x0;
	vm4 =	vgt.s32 v17, $0x0;
	vm5 =	vgt.s32 v15, $0x0  }
0x360: {  	v20 =	vmin.u32 v20, $0x867E;
	vm6 =	vgt.s32 v19, $0x0;
	v21 =	vadd.f32 $-6.512640000e+05, v21  }
0x361: {  	v18 =	vnsel vm1, $0x0, v18;
	v22 =	vnsel vm2, $0x0, v22;
	v16 =	vnsel vm3, $0x0, v16  }
0x362: {  	v17 =	vnsel vm4, $0x0, v17;
	v15 =	vnsel vm5, $0x0, v15;
	v21 =	vtrunc.f32 v21  }
0x363: {  	v23 =	vadd.s32 $0x1, v20;
	v19 =	vnsel vm6, $0x0, v19;
	v21 =	vcvt.f32.s32 v21  }
0x364: {  	v24 =	vadd.s32 $0xFCF8, v20;
	v18 =	vmin.u32 v18, $0x867E;
	v22 =	vmin.u32 v22, $0x867E  }
0x365: {  	v16 =	vmin.u32 v16, $0x867E;
	v17 =	vmin.u32 v17, $0x867E;
	v25 =	vadd.s32 $0xFFFFF000, v21  }
0x366: {  	v26 =	vmin.u32 v15, $0x867E;
	v27 =	vmin.u32 v19, $0x867E;
	v15 =	vcvt.s32.f32 v25  }
0x367: {  	v28 =	vadd.s32 $0x1, v18;
	v29 =	vadd.s32 $0x1, v22;
	v30 =	vadd.s32 $0x1, v16  }
0x368: {  	v19 =	vcvt.s32.f32 v24;
	v24 =	vadd.s32 $0x1, v17;
	v15 =	vmul.f32 $7.629394530e-03, v15  }
0x369: {  	v31 =	vadd.s32 $0xFCF8, v18;
	v32 =	vadd.s32 $0xFCF8, v22;
	v33 =	vadd.s32 $0xFCF8, v16  }
0x36a: {  	v34 =	vadd.s32 $0xFCF8, v17;
	v35 =	vadd.s32 $0xFCF8, v26;
	v36 =	vadd.f32 $7.629394530e-03, v15  }
0x36b: {  	v31 =	vcvt.s32.f32 v31;
	v32 =	vcvt.s32.f32 v32;
	v15 =	vadd.f32 $5.000000000e+03, v15  }
0x36c: {  	v33 =	vcvt.s32.f32 v33;
	v34 =	vcvt.s32.f32 v34;
	v36 =	vadd.f32 $5.000000000e+03, v36  }
0x36d: {  	v37 =	vadd.s32 $0xFCF8, v27;
	v35 =	vcvt.s32.f32 v35;
	v15 =	vmul.f32 v15, v5  }
0x36e: {  	v38 =	vadd.s32 $0x1, v26;
	v37 =	vcvt.s32.f32 v37;
	v36 =	vmul.f32 v36, v5  }
0x36f: {  	v19 =	vmul.f32 $7.629394530e-03, v19;
	vm1 =	vlt.f32 v15, v14;
	v15 =	vadd.s32 $0xFFFFEFFF, v21  }
0x370: {  	v21 =	vadd.s32 $0xFFFFF001, v21;
	v15 =	vsel vm1, v25, v15;
	vm2 =	vlt.f32 v36, v14  }
0x371: {  	v25 =	vmul.f32 $7.629394530e-03, v31;
	v31 =	vmul.f32 $7.629394530e-03, v32;
	v15 =	vsel vm2, v21, v15  }
0x372: {  	v32 =	vmul.f32 $7.629394530e-03, v34;
	v21 =	vmul.f32 $7.629394530e-03, v33;
	v15 =	vadd.s32 $0xFFFF0308, v15  }
0x373: {  	v34 =	vmul.f32 $7.629394530e-03, v37;
	v33 =	vmul.f32 $7.629394530e-03, v35;
	vm1 =	vgt.s32 v15, $0x0  }
0x374: {  	v36 =	vadd.f32 $7.629394530e-03, v19;
	v35 =	vadd.f32 $5.000000000e+03, v19;
	v15 =	vnsel vm1, $0x0, v15  }
0x375: {  	v37 =	vadd.f32 $5.000000000e+03, v25;
	v39 =	vadd.f32 $5.000000000e+03, v31;
	v40 =	vmin.u32 v15, $0x867E  }
0x376: {  	v41 =	vadd.f32 $5.000000000e+03, v32;
	v15 =	vld.idx.msk [tilespmem:v20+s4+$0x0], $0xffff;
	v20 =	vadd.f32 $5.000000000e+03, v21;
	v19 =	vadd.s32 $0xFCF8, v40  }
0x377: {  	v43 =	vadd.f32 $5.000000000e+03, v34;
	v42 =	vadd.f32 $5.000000000e+03, v33;
	v23 =	vld.idx.msk [tilespmem:v23+s4+$0x0], $0xffff;
	v19 =	vcvt.s32.f32 v19  }
0x378: {  	v45 =	vadd.s32 $0x1, v27;
	v25 =	vadd.f32 $7.629394530e-03, v25;
	v31 =	vadd.f32 $7.629394530e-03, v31;
	v44 =	vld.idx.msk [tilespmem:v18+s4+$0x0], $0xffff  }
0x379: {  	v32 =	vadd.f32 $7.629394530e-03, v32;
	v21 =	vadd.f32 $7.629394530e-03, v21;
	v22 =	vld.idx.msk [tilespmem:v22+s4+$0x0], $0xffff;
	v46 =	vmul.f32 $7.629394530e-03, v19  }
0x37a: {  	v34 =	vadd.f32 $7.629394530e-03, v34;
	v35 =	vmul.f32 v35, v5;
	v33 =	vadd.f32 $7.629394530e-03, v33;
	v19 =	vld.idx.msk [tilespmem:v16+s4+$0x0], $0xffff  }
0x37b: {  	v37 =	vmul.f32 v37, v5;
	v39 =	vmul.f32 v39, v5;
	v18 =	vld.idx.msk [tilespmem:v17+s4+$0x0], $0xffff;
	v47 =	vadd.f32 $7.629394530e-03, v46  }
0x37c: {  	v36 =	vadd.f32 $5.000000000e+03, v36;
	v41 =	vmul.f32 v41, v5;
	v20 =	vmul.f32 v20, v5;
	v17 =	vld.idx.msk [tilespmem:v26+s4+$0x0], $0xffff  }
0x37d: {  	v26 =	vmul.f32 v42, v5;
	v16 =	vld.idx.msk [tilespmem:v27+s4+$0x0], $0xffff;
	v27 =	vadd.f32 $5.000000000e+03, v46;
	v42 =	vadd.f32 $5.000000000e+03, v47  }
0x37e: {  	v25 =	vadd.f32 $5.000000000e+03, v25;
	v31 =	vadd.f32 $5.000000000e+03, v31;
	v43 =	vmul.f32 v43, v5;
	v28 =	vld.idx.msk [tilespmem:v28+s4+$0x0], $0xffff  }
0x37f: {  	v21 =	vadd.f32 $5.000000000e+03, v21;
	v29 =	vld.idx.msk [tilespmem:v29+s4+$0x0], $0xffff;
	v27 =	vmul.f32 v27, v5;
	v42 =	vmul.f32 v42, v5  }
0x380: {  	v32 =	vadd.f32 $5.000000000e+03, v32;
	v25 =	vmul.f32 v25, v5;
	v46 =	vadd.s32 $0x1, v40;
	v30 =	vld.idx.msk [tilespmem:v30+s4+$0x0], $0xffff  }
0x381: {  	v31 =	vmul.f32 v31, v5;
	v33 =	vadd.f32 $5.000000000e+03, v33;
	v24 =	vld.idx.msk [tilespmem:v24+s4+$0x0], $0xffff;
	v42 =	vsub.f32 v42, v27  }
0x382: {  	v34 =	vadd.f32 $5.000000000e+03, v34;
	v25 =	vsub.f32 v25, v37;
	v21 =	vmul.f32 v21, v5;
	v38 =	vld.idx.msk [tilespmem:v38+s4+$0x0], $0xffff  }
0x383: {  	v32 =	vmul.f32 v32, v5;
	v31 =	vsub.f32 v31, v39;
	v45 =	vld.idx.msk [tilespmem:v45+s4+$0x0], $0xffff;
	(erf) = vrcp.f32 v42  }
0x384: {  	v33 =	vmul.f32 v33, v5;
	v21 =	vsub.f32 v21, v20;
	v40 =	vld.idx.msk [tilespmem:v40+s4+$0x0], $0xffff;
	(erf) = vrcp.f32 v25  }
0x385: {  	v25 =	vsub.f32 v32, v41;
	v32 =	vmul.f32 v34, v5;
	v34 =	vld.idx.msk [tilespmem:v46+s4+$0x0], $0xffff;
	(erf) = vrcp.f32 v31  }
0x386: {  	v33 =	vsub.f32 v33, v26;
	v31 =	vmul.f32 v36, v5;
	(erf) = vrcp.f32 v21  }
0x387: {  	v21 =	vsub.f32 v23, v15;
	v23 =	vsub.f32 v32, v43;
	(erf) = vrcp.f32 v25  }
0x388: {  	v28 =	vsub.f32 v28, v44;
	v25 =	vsub.f32 v31, v35;
	(erf) = vrcp.f32 v33  }
0x389: {  	v29 =	vsub.f32 v29, v22;
	v30 =	vsub.f32 v30, v19;
	(erf) = vrcp.f32 v23  }
0x38a: {  	v23 =	vsub.f32 v24, v18;
	v24 =	vsub.f32 v38, v17;
	(erf) = vrcp.f32 v25  }
0x38b: {  	v25 =	vsub.f32 v45, v16;
	v31 =	vsub.f32 v34, v40  }
0x38c: {  	v11 =	vsub.f32 v11, v35;
	v13 =	vsub.f32 v13, v37;
	v32 =	vpop (erf)  }
0x38d: {  	v12 =	vsub.f32 v12, v39;
	v14 =	vsub.f32 v14, v27;
	v31 =	vmul.f32 v31, v32;
	v27 =	vpop (erf)  }
0x38e: {  	v9 =	vsub.f32 v9, v41;
	v8 =	vsub.f32 v8, v20;
	v28 =	vmul.f32 v28, v27;
	v20 =	vpop (erf)  }
0x38f: {  	v10 =	vsub.f32 v10, v26;
	v20 =	vmul.f32 v29, v20;
	v14 =	vmul.f32 v31, v14;
	v26 =	vpop (erf)  }
0x390: {  	v7 =	vsub.f32 v7, v43;
	v13 =	vmul.f32 v28, v13;
	v26 =	vmul.f32 v30, v26;
	v27 =	vpop (erf)  }
0x391: {  	v12 =	vmul.f32 v20, v12;
	v20 =	vmul.f32 v23, v27;
	v27 =	vadd.f32 v14, v40;
	v23 =	vpop (erf)  }
0x392: {  	s18 =	sadd.s32 $0x80, s18;
	v13 =	vadd.f32 v13, v44;
	v8 =	vmul.f32 v26, v8;
	v23 =	vmul.f32 v24, v23;
	v24 =	vpop (erf)  }
0x393: {  	s21 =	sadd.s32 $0x10, s19;
	s20 =	scvt.s32.f32 s19;
	v12 =	vadd.f32 v12, v22;
	v9 =	vmul.f32 v20, v9;
	v20 =	vmul.f32 v25, v24;
	[tilespmem:s18+$0x30] =	vst v27;
	v14 =	vpop (erf)  }
0x394: {  	s22 =	sadd.s32 $0x20, s19;
	s21 =	scvt.s32.f32 s21;
	v14 =	vmul.f32 v21, v14;
	[tilespmem:s18+$0xFFFFFFD0] =	vst v13;
	v8 =	vadd.f32 v8, v19;
	v10 =	vmul.f32 v23, v10  }
0x395: {  	v13 =	vadd.f32 s20, v3;
	s20 =	scvt.s32.f32 s22;
	s22 =	sadd.s32 $0x30, s19;
	[tilespmem:s18+$0xFFFFFFE0] =	vst v12;
	v9 =	vadd.f32 v9, v18;
	v7 =	vmul.f32 v20, v7  }
0x396: {  	s23 =	sadd.s32 $0x50, s19;
	v12 =	vadd.f32 s21, v3;
	s21 =	scvt.s32.f32 s22;
	s22 =	sadd.s32 $0x40, s19;
	v11 =	vmul.f32 v14, v11;
	[tilespmem:s18+$0xFFFFFFF0] =	vst v8;
	v8 =	vadd.f32 v10, v17  }
0x397: {  	v10 =	vadd.f32 s20, v3;
	s20 =	scvt.s32.f32 s22;
	s22 =	scvt.s32.f32 s23;
	s23 =	sadd.s32 $0x60, s19;
	[tilespmem:s18+$0x0] =	vst v9;
	v7 =	vadd.f32 v7, v16  }
0x398: {  	v9 =	vadd.f32 s21, v3;
	s21 =	scvt.s32.f32 s23;
	v11 =	vadd.f32 v11, v15;
	[tilespmem:s18+$0x10] =	vst v8  }
0x399: {  	v8 =	vmul.f32 $7.629394530e-03, v13;
	v13 =	vadd.f32 s20, v3;
	v14 =	vadd.f32 s22, v3;
	[tilespmem:s18+$0x20] =	vst v7  }
0x39a: {  	v10 =	vmul.f32 $7.629394530e-03, v10;
	v7 =	vmul.f32 $7.629394530e-03, v12;
	v15 =	vadd.f32 s21, v3;
	[tilespmem:s18+$0xFFFFFFC0] =	vst v11  }
0x39b: {  	v11 =	vadd.f32 $5.000000000e+03, v8;
	v8 =	vmul.f32 $7.629394530e-03, v9;
	v9 =	vmul.f32 $7.629394530e-03, v13  }
0x39c: {  	v12 =	vadd.f32 $5.000000000e+03, v10;
	v13 =	vadd.f32 $5.000000000e+03, v7;
	v7 =	vmul.f32 $7.629394530e-03, v14  }
0x39d: {  	v14 =	vmul.f32 $7.629394530e-03, v15;
	v8 =	vadd.f32 $5.000000000e+03, v8;
	v9 =	vadd.f32 $5.000000000e+03, v9  }
0x39e: {  	v15 =	vmul.f32 v11, v6;
	v16 =	vmul.f32 v13, v6;
	v10 =	vadd.f32 $5.000000000e+03, v7  }
0x39f: {  	v17 =	vmul.f32 v12, v6;
	v7 =	vadd.f32 $5.000000000e+03, v14;
	v18 =	vmul.f32 v8, v6  }
0x3a0: {  	v14 =	vadd.f32 $-6.512640000e+05, v15;
	v15 =	vmul.f32 v9, v6;
	v19 =	vmul.f32 v10, v6  }
0x3a1: {  	v17 =	vadd.f32 $-6.512640000e+05, v17;
	v16 =	vadd.f32 $-6.512640000e+05, v16;
	v20 =	vmul.f32 v7, v6  }
0x3a2: {  	v14 =	vtrunc.f32 v14;
	v18 =	vadd.f32 $-6.512640000e+05, v18;
	v15 =	vadd.f32 $-6.512640000e+05, v15  }
0x3a3: {  	v14 =	vcvt.f32.s32 v14;
	v16 =	vtrunc.f32 v16;
	v19 =	vadd.f32 $-6.512640000e+05, v19  }
0x3a4: {  	v17 =	vtrunc.f32 v17;
	v20 =	vadd.f32 $-6.512640000e+05, v20;
	v18 =	vtrunc.f32 v18  }
0x3a5: {  	v15 =	vtrunc.f32 v15;
	v19 =	vtrunc.f32 v19  }
0x3a6: {  	v21 =	vcvt.f32.s32 v16;
	v16 =	vtrunc.f32 v20  }
0x3a7: {  	v20 =	vcvt.f32.s32 v17;
	v22 =	vcvt.f32.s32 v18  }
0x3a8: {  	v23 =	vcvt.f32.s32 v15;
	v24 =	vcvt.f32.s32 v19  }
0x3a9: {  	v29 =	vadd.s32 $0xFFFFF001, v14;
	v25 =	vadd.s32 $0xFFFFEFFF, v14;
	v26 =	vcvt.f32.s32 v16  }
0x3aa: {  	v27 =	vadd.s32 $0xFFFFF000, v14;
	v18 =	vadd.s32 $0xFFFFF001, v21;
	v14 =	vadd.s32 $0xFFFFF001, v20  }
0x3ab: {  	v16 =	vadd.s32 $0xFFFFF001, v22;
	v17 =	vadd.s32 $0xFFFFF001, v23;
	v15 =	vadd.s32 $0xFFFFF001, v24  }
0x3ac: {  	v19 =	vcvt.s32.f32 v27;
	v28 =	vadd.s32 $0xFFFFF000, v21;
	v30 =	vadd.s32 $0xFFFFF000, v20  }
0x3ad: {  	v31 =	vcvt.s32.f32 v28;
	v32 =	vadd.s32 $0xFFFFF000, v22;
	v33 =	vadd.s32 $0xFFFFF000, v23  }
0x3ae: {  	v34 =	vcvt.s32.f32 v30;
	v35 =	vcvt.s32.f32 v32;
	v36 =	vadd.s32 $0xFFFFF000, v24  }
0x3af: {  	v37 =	vcvt.s32.f32 v33;
	v39 =	vadd.s32 $0xFFFFF000, v26;
	v38 =	vcvt.s32.f32 v36  }
0x3b0: {  	v40 =	vmul.f32 $7.629394530e-03, v19;
	v19 =	vadd.s32 $0xFFFFF001, v26;
	v41 =	vcvt.s32.f32 v39  }
0x3b1: {  	v42 =	vadd.s32 $0xFFFFEFFF, v21;
	v31 =	vmul.f32 $7.629394530e-03, v31;
	v21 =	vmul.f32 $7.629394530e-03, v34  }
0x3b2: {  	v34 =	vadd.s32 $0xFFFFEFFF, v20;
	v20 =	vmul.f32 $7.629394530e-03, v35;
	v35 =	vmul.f32 $7.629394530e-03, v37  }
0x3b3: {  	v37 =	vadd.f32 $5.000000000e+03, v40;
	v40 =	vadd.f32 $7.629394530e-03, v40;
	v38 =	vmul.f32 $7.629394530e-03, v38  }
0x3b4: {  	v43 =	vadd.f32 $5.000000000e+03, v31;
	v41 =	vmul.f32 $7.629394530e-03, v41;
	v44 =	vadd.f32 $5.000000000e+03, v21  }
0x3b5: {  	v46 =	vadd.s32 $0xFFFFEFFF, v22;
	v45 =	vadd.f32 $5.000000000e+03, v20;
	v22 =	vadd.f32 $5.000000000e+03, v35  }
0x3b6: {  	v47 =	vadd.s32 $0xFFFFEFFF, v23;
	v23 =	vadd.f32 $5.000000000e+03, v38;
	v48 =	vadd.f32 $5.000000000e+03, v41  }
0x3b7: {  	v49 =	vadd.s32 $0xFFFFEFFF, v24;
	v31 =	vadd.f32 $7.629394530e-03, v31;
	v21 =	vadd.f32 $7.629394530e-03, v21  }
0x3b8: {  	v20 =	vadd.f32 $7.629394530e-03, v20;
	v24 =	vadd.f32 $7.629394530e-03, v35;
	v35 =	vadd.s32 $0xFFFFEFFF, v26  }
0x3b9: {  	v26 =	vmul.f32 v37, v5;
	v37 =	vadd.f32 $7.629394530e-03, v38;
	v38 =	vadd.f32 $7.629394530e-03, v41  }
0x3ba: {  	v40 =	vadd.f32 $5.000000000e+03, v40;
	v41 =	vmul.f32 v43, v5;
	v43 =	vmul.f32 v44, v5  }
0x3bb: {  	v31 =	vadd.f32 $5.000000000e+03, v31;
	v44 =	vmul.f32 v45, v5;
	v22 =	vmul.f32 v22, v5  }
0x3bc: {  	v21 =	vadd.f32 $5.000000000e+03, v21;
	v45 =	vadd.f32 $5.000000000e+03, v20;
	v23 =	vmul.f32 v23, v5  }
0x3bd: {  	v24 =	vadd.f32 $5.000000000e+03, v24;
	v37 =	vadd.f32 $5.000000000e+03, v37;
	v48 =	vmul.f32 v48, v5  }
0x3be: {  	vm1 =	vlt.f32 v26, v11;
	v26 =	vmul.f32 v40, v5;
	v38 =	vadd.f32 $5.000000000e+03, v38  }
0x3bf: {  	v40 =	vsel vm1, v27, v25;
	vm1 =	vlt.f32 v41, v13;
	vm2 =	vlt.f32 v43, v12  }
0x3c0: {  	v20 =	vmul.f32 v31, v5;
	vm3 =	vlt.f32 v44, v8;
	vm4 =	vlt.f32 v22, v9  }
.Ltmp2:
0x3c1: {  	v21 =	vmul.f32 v21, v5;
	v22 =	vmul.f32 v45, v5;
	vm5 =	vlt.f32 v23, v10;
	(pc) =	sbr.rel @p0 .LBB2_6-.Ltmp2, $4  }
0x3c2: {  	v23 =	vmul.f32 v24, v5;
	v24 =	vmul.f32 v37, v5;
	vm6 =	vlt.f32 v48, v7  }
0x3c3: {  	vm7 =	vlt.f32 v26, v11;
	v25 =	vsel vm1, v28, v42;
	v31 =	vmul.f32 v38, v5  }
0x3c4: {  	v26 =	vsel vm2, v30, v34;
	v27 =	vsel vm3, v32, v46;
	v28 =	vsel vm4, v33, v47  }
0x3c5: {  	s20 =	sadd.s32 $0x70, s19;
	s19 =	sadd.s32 $0x80, s19;
	v32 =	vsel vm7, v29, v40;
	v29 =	vsel vm5, v36, v49;
	v30 =	vsel vm6, v39, v35  }
0x3c6: {  	s19 =	scvt.s32.f32 s20;
	_ =	sdelay $0x1  }
0x3c7: {  	vm1 =	vlt.f32 v20, v13;
	vm2 =	vlt.f32 v21, v12;
	v21 =	vadd.f32 s19, v3  }
0x3c8: {  	vm3 =	vlt.f32 v22, v8;
	vm4 =	vlt.f32 v23, v9;
	vm5 =	vlt.f32 v24, v10  }
0x3c9: {  	vm6 =	vlt.f32 v31, v7;
	v20 =	vadd.s32 $0xFFFF0308, v32;
	v21 =	vmul.f32 $7.629394530e-03, v21  }
0x3ca: {  	v18 =	vsel vm1, v18, v25;
	v14 =	vsel vm2, v14, v26;
	v16 =	vsel vm3, v16, v27  }
0x3cb: {  	v17 =	vsel vm4, v17, v28;
	v22 =	vadd.s32 $0xFFFF0308, v14;
	v14 =	vadd.f32 $5.000000000e+03, v21  }
0x3cc: {  	v15 =	vsel vm5, v15, v29;
	v19 =	vsel vm6, v19, v30;
	vm1 =	vgt.s32 v20, $0x0  }
0x3cd: {  	v18 =	vadd.s32 $0xFFFF0308, v18;
	v16 =	vadd.s32 $0xFFFF0308, v16;
	v21 =	vmul.f32 v14, v6  }
0x3ce: {  	v17 =	vadd.s32 $0xFFFF0308, v17;
	v20 =	vnsel vm1, $0x0, v20;
	v15 =	vadd.s32 $0xFFFF0308, v15  }
0x3cf: {  	v19 =	vadd.s32 $0xFFFF0308, v19;
	vm1 =	vgt.s32 v18, $0x0;
	v21 =	vadd.f32 $-6.512640000e+05, v21  }
0x3d0: {  	vm2 =	vgt.s32 v22, $0x0;
	vm3 =	vgt.s32 v16, $0x0;
	vm14 =	vgt.s32 v17, $0x0  }
0x3d1: {  	vm15 =	vgt.s32 v15, $0x0;
	v20 =	vmin.u32 v20, $0x867E;
	v21 =	vtrunc.f32 v21  }
0x3d2: {  	vm9 =	vgt.s32 v19, $0x0;
	v18 =	vnsel vm1, $0x0, v18;
	v21 =	vcvt.f32.s32 v21  }
0x3d3: {  	v22 =	vnsel vm2, $0x0, v22;
	v16 =	vnsel vm3, $0x0, v16;
	v17 =	vnsel vm14, $0x0, v17  }
0x3d4: {  	v19 =	vnsel vm9, $0x0, v19;
	v25 =	vmin.u32 v18, $0x867E;
	v18 =	vadd.s32 $0xFFFFF000, v21  }
0x3d5: {  	v15 =	vnsel vm15, $0x0, v15;
	v26 =	vmin.u32 v19, $0x867E;
	v19 =	vcvt.s32.f32 v18  }
0x3d6: {  	v23 =	vadd.s32 $0x1, v20;
	v24 =	vadd.s32 $0xFCF8, v20;
	v22 =	vmin.u32 v22, $0x867E  }
0x3d7: {  	v16 =	vmin.u32 v16, $0x867E;
	v17 =	vmin.u32 v17, $0x867E;
	v19 =	vmul.f32 $7.629394530e-03, v19  }
0x3d8: {  	v15 =	vmin.u32 v15, $0x867E;
	v24 =	vcvt.s32.f32 v24;
	v27 =	vadd.s32 $0x1, v25  }
0x3d9: {  	v28 =	vadd.s32 $0x1, v22;
	v29 =	vadd.s32 $0x1, v16;
	v36 =	vadd.f32 $7.629394530e-03, v19  }
0x3da: {  	v31 =	vadd.s32 $0xFCF8, v25;
	v57 =	vadd.s32 $0xFCF8, v22;
	v19 =	vadd.f32 $5.000000000e+03, v19  }
0x3db: {  	v33 =	vadd.s32 $0xFCF8, v16;
	v34 =	vadd.s32 $0xFCF8, v17;
	v36 =	vadd.f32 $5.000000000e+03, v36  }
0x3dc: {  	v35 =	vadd.s32 $0xFCF8, v15;
	v31 =	vcvt.s32.f32 v31;
	v19 =	vmul.f32 v19, v5  }
0x3dd: {  	v37 =	vadd.s32 $0xFCF8, v26;
	v32 =	vcvt.s32.f32 v57;
	v36 =	vmul.f32 v36, v5  }
0x3de: {  	v34 =	vcvt.s32.f32 v34;
	vm1 =	vlt.f32 v19, v14;
	v19 =	vadd.s32 $0xFFFFEFFF, v21  }
0x3df: {  	v21 =	vadd.s32 $0xFFFFF001, v21;
	v18 =	vsel vm1, v18, v19;
	vm2 =	vlt.f32 v36, v14  }
0x3e0: {  	v35 =	vcvt.s32.f32 v35;
	v37 =	vcvt.s32.f32 v37;
	v18 =	vsel vm2, v21, v18  }
0x3e1: {  	v24 =	vmul.f32 $7.629394530e-03, v24;
	v58 =	vmul.f32 $7.629394530e-03, v34;
	v18 =	vadd.s32 $0xFFFF0308, v18  }
0x3e2: {  	v59 =	vmul.f32 $7.629394530e-03, v35;
	v60 =	vmul.f32 $7.629394530e-03, v37;
	vm1 =	vgt.s32 v18, $0x0  }
0x3e3: {  	v61 =	vadd.f32 $5.000000000e+03, v24;
	v24 =	vadd.f32 $7.629394530e-03, v24;
	v18 =	vnsel vm1, $0x0, v18  }
0x3e4: {  	v41 =	vadd.f32 $5.000000000e+03, v58;
	v43 =	vadd.f32 $5.000000000e+03, v59;
	v39 =	vmin.u32 v18, $0x867E  }
0x3e5: {  	v44 =	vadd.f32 $5.000000000e+03, v60;
	v19 =	vmul.f32 $7.629394530e-03, v31;
	v42 =	vadd.s32 $0xFCF8, v39  }
0x3e6: {  	v34 =	vadd.f32 $7.629394530e-03, v60;
	v31 =	vmul.f32 $7.629394530e-03, v32;
	v18 =	vld.idx.msk [tilespmem:v20+s4+$0x0], $0xffff;
	v20 =	vcvt.s32.f32 v42  }
0x3e7: {  	v33 =	vcvt.s32.f32 v33;
	v32 =	vadd.f32 $7.629394530e-03, v58;
	v62 =	vadd.f32 $5.000000000e+03, v19  }
0x3e8: {  	v48 =	vld.idx.msk [tilespmem:v23+s4+$0x0], $0xffff;
	v63 =	vadd.f32 $5.000000000e+03, v31;
	v45 =	vadd.f32 $7.629394530e-03, v19;
	v23 =	vmul.f32 $7.629394530e-03, v20  }
0x3e9: {  	v21 =	vmul.f32 $7.629394530e-03, v33;
	v31 =	vadd.f32 $7.629394530e-03, v31;
	v33 =	vadd.f32 $7.629394530e-03, v59  }
0x3ea: {  	v30 =	vadd.s32 $0x1, v17;
	v19 =	vld.idx.msk [tilespmem:v17+s4+$0x0], $0xffff;
	v17 =	vadd.f32 $5.000000000e+03, v24;
	v50 =	vadd.f32 $7.629394530e-03, v23  }
0x3eb: {  	v38 =	vadd.s32 $0x1, v15;
	v32 =	vadd.f32 $5.000000000e+03, v32;
	v40 =	vadd.f32 $5.000000000e+03, v21  }
0x3ec: {  	v46 =	vadd.s32 $0x1, v26;
	v52 =	vadd.f32 $5.000000000e+03, v23;
	v37 =	vadd.f32 $5.000000000e+03, v50  }
0x3ed: {  	v51 =	vmul.f32 v41, v5;
	v21 =	vadd.f32 $7.629394530e-03, v21;
	v23 =	vld.idx.msk [tilespmem:v26+s4+$0x0], $0xffff;
	v26 =	vadd.f32 $5.000000000e+03, v45  }
0x3ee: {  	v31 =	vadd.f32 $5.000000000e+03, v31;
	v41 =	vmul.f32 v52, v5;
	v37 =	vmul.f32 v37, v5  }
0x3ef: {  	v47 =	vld.idx.msk [tilespmem:v16+s4+$0x0], $0xffff;
	v16 =	vmul.f32 v62, v5;
	v54 =	vadd.s32 $0x1, v39;
	v26 =	vmul.f32 v26, v5  }
0x3f0: {  	v25 =	vld.idx.msk [tilespmem:v25+s4+$0x0], $0xffff;
	v49 =	vmul.f32 v63, v5;
	v31 =	vmul.f32 v31, v5;
	v37 =	vsub.f32 v37, v41  }
0x3f1: {  	v22 =	vld.idx.msk [tilespmem:v22+s4+$0x0], $0xffff;
	v35 =	vmul.f32 v61, v5;
	v21 =	vadd.f32 $5.000000000e+03, v21;
	v26 =	vsub.f32 v26, v16  }
0x3f2: {  	v27 =	vld.idx.msk [tilespmem:v27+s4+$0x0], $0xffff;
	v24 =	vmul.f32 v40, v5;
	v31 =	vsub.f32 v31, v49;
	(erf) = vrcp.f32 v37  }
0x3f3: {  	v33 =	vadd.f32 $5.000000000e+03, v33;
	v21 =	vmul.f32 v21, v5;
	(erf) = vrcp.f32 v26;
	v26 =	vld.idx.msk [tilespmem:v39+s4+$0x0], $0xffff  }
0x3f4: {  	v34 =	vadd.f32 $5.000000000e+03, v34;
	v32 =	vmul.f32 v32, v5;
	(erf) = vrcp.f32 v31;
	v31 =	vld.idx.msk [tilespmem:v54+s4+$0x0], $0xffff  }
0x3f5: {  	v33 =	vmul.f32 v33, v5;
	v20 =	vld.idx.msk [tilespmem:v15+s4+$0x0], $0xffff;
	v15 =	vmul.f32 v43, v5;
	v21 =	vsub.f32 v21, v24  }
0x3f6: {  	v28 =	vld.idx.msk [tilespmem:v28+s4+$0x0], $0xffff;
	v53 =	vmul.f32 v44, v5;
	v11 =	vsub.f32 v11, v35;
	v32 =	vsub.f32 v32, v51  }
0x3f7: {  	v29 =	vld.idx.msk [tilespmem:v29+s4+$0x0], $0xffff;
	v34 =	vmul.f32 v34, v5;
	v33 =	vsub.f32 v33, v15;
	(erf) = vrcp.f32 v21  }
0x3f8: {  	v9 =	vsub.f32 v9, v51;
	v17 =	vmul.f32 v17, v5;
	(erf) = vrcp.f32 v32  }
0x3f9: {  	v30 =	vld.idx.msk [tilespmem:v30+s4+$0x0], $0xffff;
	v34 =	vsub.f32 v34, v53;
	(erf) = vrcp.f32 v33;
	v31 =	vsub.f32 v31, v26  }
0x3fa: {  	v38 =	vld.idx.msk [tilespmem:v38+s4+$0x0], $0xffff;
	v7 =	vsub.f32 v7, v53;
	v17 =	vsub.f32 v17, v35  }
0x3fb: {  	v27 =	vsub.f32 v27, v25;
	v28 =	vsub.f32 v28, v22;
	(erf) = vrcp.f32 v34  }
0x3fc: {  	v55 =	vld.idx.msk [tilespmem:v46+s4+$0x0], $0xffff;
	v29 =	vsub.f32 v29, v47;
	v13 =	vsub.f32 v13, v16;
	(erf) = vrcp.f32 v17;
	v16 =	vpop (erf)  }
0x3fd: {  	v12 =	vsub.f32 v12, v49;
	v14 =	vsub.f32 v14, v41;
	v16 =	vmul.f32 v31, v16;
	v31 =	vpop (erf)  }
0x3fe: {  	v30 =	vsub.f32 v30, v19;
	v8 =	vsub.f32 v8, v24;
	v27 =	vmul.f32 v27, v31  }
0x3ff: {  	v10 =	vsub.f32 v10, v15;
	v56 =	vsub.f32 v38, v20;
	v24 =	vpop (erf);
	v14 =	vmul.f32 v16, v14  }
0x400: {  	s23 =	simm.s32 $0x0;
	v21 =	vsub.f32 v48, v18;
	v24 =	vmul.f32 v28, v24;
	v15 =	vpop (erf);
	v13 =	vmul.f32 v27, v13  }
0x401: {  	s22 =	simm.s32 $0x20;
	s24 =	scvt.s32.f32 s23;
	v17 =	vsub.f32 v55, v23;
	v16 =	vmul.f32 v29, v15;
	v15 =	vpop (erf);
	v14 =	vadd.f32 v14, v26  }
0x402: {  	s29 =	simm.s32 $0x50;
	s25 =	scvt.s32.f32 s22;
	v12 =	vmul.f32 v24, v12;
	v24 =	vmul.f32 v30, v15;
	v26 =	vpop (erf);
	v15 =	vadd.f32 v13, v25  }
0x403: {  	s21 =	simm.s32 $0x10;
	s26 =	simm.s32 $0x30;
	s20 =	scvt.s32.f32 s29;
	v8 =	vmul.f32 v16, v8;
	v25 =	vadd.f32 s24, v4;
	v26 =	vmul.f32 v56, v26  }
0x404: {  	s21 =	scvt.s32.f32 s21;
	s22 =	scvt.s32.f32 s26;
	v16 =	vadd.f32 v12, v22;
	v22 =	vadd.f32 s25, v4;
	v24 =	vmul.f32 v24, v9;
	v13 =	vpop (erf)  }
0x405: {  	s28 =	simm.s32 $0x40;
	v26 =	vmul.f32 v26, v10;
	v10 =	vadd.f32 s20, v4;
	v12 =	vmul.f32 v17, v13;
	v13 =	vpop (erf)  }
0x406: {  	s30 =	simm.s32 $0x60;
	v9 =	vadd.f32 s22, v4;
	v13 =	vmul.f32 v21, v13;
	v21 =	vadd.f32 s21, v4;
	s21 =	scvt.s32.f32 s28  }
0x407: {  	s22 =	scvt.s32.f32 s30;
	v17 =	vadd.f32 v8, v47;
	v10 =	vmul.f32 $7.629394530e-03, v10;
	v27 =	vmul.f32 v12, v7  }
0x408: {  	v7 =	vmul.f32 $7.629394530e-03, v25;
	v28 =	vmul.f32 v13, v11;
	v8 =	vadd.f32 s21, v4  }
0x409: {  	v12 =	vmul.f32 $7.629394530e-03, v21;
	v21 =	vmul.f32 $7.629394530e-03, v22;
	v22 =	vadd.f32 s22, v4  }
0x40a: {  	v10 =	vadd.f32 $5.000000000e+03, v10;
	v11 =	vadd.f32 $5.000000000e+03, v7;
	v7 =	vmul.f32 $7.629394530e-03, v9  }
0x40b: {  	v9 =	vmul.f32 $7.629394530e-03, v8;
	v13 =	vadd.f32 $5.000000000e+03, v12;
	v12 =	vadd.f32 $5.000000000e+03, v21  }
0x40c: {  	v8 =	vadd.f32 $5.000000000e+03, v7;
	v7 =	vmul.f32 $7.629394530e-03, v22;
	v21 =	vmul.f32 v11, v6  }
0x40d: {  	v31 =	vmul.f32 v10, v6;
	v9 =	vadd.f32 $5.000000000e+03, v9;
	v22 =	vmul.f32 v13, v6  }
0x40e: {  	v25 =	vmul.f32 v12, v6;
	v7 =	vadd.f32 $5.000000000e+03, v7;
	v21 =	vadd.f32 $-6.512640000e+05, v21  }
0x40f: {  	v29 =	vmul.f32 v8, v6;
	v30 =	vmul.f32 v9, v6;
	v22 =	vadd.f32 $-6.512640000e+05, v22  }
0x410: {  	v25 =	vadd.f32 $-6.512640000e+05, v25;
	v57 =	vmul.f32 v7, v6;
	v21 =	vtrunc.f32 v21  }
0x411: {  	v29 =	vadd.f32 $-6.512640000e+05, v29;
	v30 =	vadd.f32 $-6.512640000e+05, v30;
	v58 =	vcvt.f32.s32 v21  }
0x412: {  	v59 =	vtrunc.f32 v22;
	v21 =	vadd.f32 $-6.512640000e+05, v31;
	v25 =	vtrunc.f32 v25  }
0x413: {  	v22 =	vadd.f32 v24, v19;
	v19 =	vadd.f32 v28, v18;
	v29 =	vtrunc.f32 v29  }
0x414: {  	v31 =	vadd.f32 $-6.512640000e+05, v57;
	v24 =	vtrunc.f32 v30;
	v30 =	vtrunc.f32 v21  }
0x415: {  	v21 =	vadd.f32 v26, v20;
	v26 =	vcvt.f32.s32 v59;
	v20 =	vadd.f32 v27, v23  }
0x416: {  	v23 =	vcvt.f32.s32 v25;
	v25 =	vcvt.f32.s32 v29;
	v27 =	vadd.s32 $0xFFFFF001, v58  }
0x417: {  	v28 =	vadd.s32 $0xFFFFEFFF, v58;
	v31 =	vtrunc.f32 v31;
	v18 =	vcvt.f32.s32 v24  }
0x418: {  	v24 =	vcvt.f32.s32 v30;
	v30 =	vadd.s32 $0xFFFFF000, v58;
	v29 =	vcvt.f32.s32 v31  }
0x419: {  	v31 =	vadd.s32 $0xFFFFF001, v26;
	v32 =	vadd.s32 $0xFFFFF001, v23;
	v33 =	vadd.s32 $0xFFFFF001, v25  }
0x41a: {  	v60 =	vcvt.s32.f32 v30;
	v37 =	vadd.s32 $0xFFFFF000, v26;
	v38 =	vadd.s32 $0xFFFFF000, v23  }
0x41b: {  	v40 =	vadd.s32 $0xFFFFF000, v25;
	v26 =	vadd.s32 $0xFFFFEFFF, v26;
	v23 =	vadd.s32 $0xFFFFEFFF, v23  }
0x41c: {  	v25 =	vadd.s32 $0xFFFFEFFF, v25;
	v34 =	vadd.s32 $0xFFFFF001, v18;
	v35 =	vadd.s32 $0xFFFFF001, v24  }
0x41d: {  	v61 =	vcvt.s32.f32 v37;
	v62 =	vcvt.s32.f32 v38;
	v63 =	vadd.s32 $0xFFFFF000, v18  }
0x41e: {  	v54 =	vcvt.s32.f32 v40;
	v55 =	vadd.s32 $0xFFFFF000, v24;
	v18 =	vadd.s32 $0xFFFFEFFF, v18  }
0x41f: {  	v24 =	vadd.s32 $0xFFFFEFFF, v24;
	v36 =	vmul.f32 $7.629394530e-03, v60;
	v56 =	vcvt.s32.f32 v63  }
0x420: {  	v57 =	vadd.s32 $0xFFFFF000, v29;
	v58 =	vcvt.s32.f32 v55;
	v50 =	vadd.s32 $0xFFFFF001, v29  }
0x421: {  	v29 =	vadd.s32 $0xFFFFEFFF, v29;
	v48 =	vcvt.s32.f32 v57;
	v39 =	vmul.f32 $7.629394530e-03, v61  }
0x422: {  	v41 =	vmul.f32 $7.629394530e-03, v62;
	v43 =	vmul.f32 $7.629394530e-03, v54;
	v49 =	vadd.f32 $5.000000000e+03, v36  }
0x423: {  	v45 =	vmul.f32 $7.629394530e-03, v56;
	v36 =	vadd.f32 $7.629394530e-03, v36;
	v51 =	vadd.f32 $5.000000000e+03, v39  }
0x424: {  	v47 =	vmul.f32 $7.629394530e-03, v58;
	v59 =	vadd.f32 $5.000000000e+03, v41;
	v39 =	vadd.f32 $7.629394530e-03, v39  }
0x425: {  	v48 =	vmul.f32 $7.629394530e-03, v48;
	v41 =	vadd.f32 $7.629394530e-03, v41;
	v60 =	vadd.f32 $5.000000000e+03, v45  }
0x426: {  	v49 =	vmul.f32 v49, v5;
	v61 =	vadd.f32 $5.000000000e+03, v47;
	v45 =	vadd.f32 $7.629394530e-03, v45  }
0x427: {  	v47 =	vadd.f32 $7.629394530e-03, v47;
	v36 =	vadd.f32 $5.000000000e+03, v36;
	v51 =	vmul.f32 v51, v5  }
0x428: {  	v39 =	vadd.f32 $5.000000000e+03, v39;
	v41 =	vadd.f32 $5.000000000e+03, v41;
	vm1 =	vlt.f32 v49, v11  }
0x429: {  	v49 =	vmul.f32 v59, v5;
	v45 =	vadd.f32 $5.000000000e+03, v45;
	v47 =	vadd.f32 $5.000000000e+03, v47  }
0x42a: {  	v36 =	vmul.f32 v36, v5;
	v28 =	vsel vm1, v30, v28;
	v30 =	vadd.f32 $5.000000000e+03, v43  }
0x42b: {  	vm1 =	vlt.f32 v51, v13;
	v51 =	vmul.f32 v60, v5;
	v39 =	vmul.f32 v39, v5  }
0x42c: {  	v41 =	vmul.f32 v41, v5;
	vm2 =	vlt.f32 v49, v12;
	v49 =	vmul.f32 v61, v5  }
0x42d: {  	v43 =	vadd.f32 $7.629394530e-03, v43;
	v45 =	vmul.f32 v45, v5;
	v47 =	vmul.f32 v47, v5  }
0x42e: {  	vm7 =	vlt.f32 v36, v11;
	v26 =	vsel vm1, v37, v26;
	v30 =	vmul.f32 v30, v5  }
0x42f: {  	v43 =	vadd.f32 $5.000000000e+03, v43;
	vm10 =	vlt.f32 v51, v9;
	v23 =	vsel vm2, v38, v23  }
0x430: {  	v27 =	vsel vm7, v27, v28;
	vm3 =	vlt.f32 v30, v8;
	v30 =	vadd.f32 $5.000000000e+03, v48  }
0x431: {  	vm1 =	vlt.f32 v39, v13;
	vm2 =	vlt.f32 v41, v12;
	vm11 =	vlt.f32 v49, v10  }
0x432: {  	s31 =	simm.s32 $0x70;
	v18 =	vsel vm10, v63, v18;
	vm13 =	vlt.f32 v45, v9;
	v30 =	vmul.f32 v30, v5  }
0x433: {  	s20 =	scvt.s32.f32 s31;
	vm14 =	vlt.f32 v47, v10;
	v27 =	vadd.s32 $0xFFFE8680, v27;
	v48 =	vadd.f32 $7.629394530e-03, v48  }
0x434: {  	v26 =	vsel vm1, v31, v26;
	v23 =	vsel vm2, v32, v23;
	vm12 =	vlt.f32 v30, v7  }
0x435: {  	v48 =	vadd.f32 $5.000000000e+03, v48;
	v28 =	vsel vm12, v57, v29;
	v29 =	vadd.f32 s20, v4  }
0x436: {  	v43 =	vmul.f32 v43, v5;
	v24 =	vsel vm11, v55, v24;
	v18 =	vsel vm13, v34, v18  }
0x437: {  	vm1 =	vgt.s32 v27, $0x0;
	v30 =	vmul.f32 v48, v5;
	v29 =	vmul.f32 $7.629394530e-03, v29  }
0x438: {  	v26 =	vadd.s32 $0xFFFE8680, v26;
	v23 =	vadd.s32 $0xFFFE8680, v23;
	v25 =	vsel vm3, v40, v25  }
0x439: {  	vm15 =	vlt.f32 v30, v7;
	v30 =	vadd.s32 $0xFFFE8680, v18;
	v18 =	vadd.f32 $5.000000000e+03, v29  }
0x43a: {  	v24 =	vsel vm14, v35, v24;
	v27 =	vnsel vm1, $0x0, v27;
	vm1 =	vgt.s32 v26, $0x0  }
0x43b: {  	vm2 =	vgt.s32 v23, $0x0;
	vm3 =	vlt.f32 v43, v8;
	v29 =	vmul.f32 v18, v6  }
0x43c: {  	v24 =	vadd.s32 $0xFFFE8680, v24;
	v27 =	vmin.u32 v27, $0x867E;
	v26 =	vnsel vm1, $0x0, v26  }
0x43d: {  	v23 =	vnsel vm2, $0x0, v23;
	v25 =	vsel vm3, v33, v25;
	v29 =	vadd.f32 $-6.512640000e+05, v29  }
0x43e: {  	vm10 =	vgt.s32 v24, $0x0;
	v31 =	vadd.s32 $0x1, v27;
	v62 =	vadd.s32 $0x17980, v27  }
0x43f: {  	v26 =	vmin.u32 v26, $0x867E;
	v23 =	vmin.u32 v23, $0x867E;
	v29 =	vtrunc.f32 v29  }
0x440: {  	s18 =	sadd.s32 $0x80, s18;
	v25 =	vadd.s32 $0xFFFE8680, v25;
	v24 =	vnsel vm10, $0x0, v24;
	v29 =	vcvt.f32.s32 v29  }
0x441: {  	[tilespmem:s18+$0x30] =	vst v14;
	v35 =	vadd.s32 $0x1, v26;
	v36 =	vadd.s32 $0x1, v23;
	v14 =	vcvt.s32.f32 v62  }
0x442: {  	[tilespmem:s18+$0xFFFFFFE0] =	vst v16;
	v16 =	vadd.s32 $0x17980, v26;
	v45 =	vadd.s32 $0x17980, v23;
	v63 =	vadd.s32 $0xFFFFF000, v29  }
0x443: {  	[tilespmem:s18+$0xFFFFFFD0] =	vst v15;
	vm3 =	vgt.s32 v25, $0x0;
	v24 =	vmin.u32 v24, $0x867E;
	v44 =	vcvt.s32.f32 v63  }
0x444: {  	[tilespmem:s18+$0x0] =	vst v22;
	v16 =	vcvt.s32.f32 v16;
	v22 =	vcvt.s32.f32 v45;
	v25 =	vnsel vm3, $0x0, v25  }
0x445: {  	[tilespmem:s18+$0xFFFFFFC0] =	vst v19;
	v47 =	vadd.s32 $0x17980, v24;
	v19 =	vadd.s32 $0x1, v24;
	v15 =	vmul.f32 $7.629394530e-03, v44  }
0x446: {  	v14 =	vmul.f32 $7.629394530e-03, v14;
	v28 =	vsel vm15, v50, v28;
	vm9 =	vgt.s32 v30, $0x0  }
0x447: {  	[tilespmem:s18+$0x20] =	vst v20;
	v25 =	vmin.u32 v25, $0x867E;
	v20 =	vcvt.s32.f32 v47;
	v48 =	vadd.f32 $7.629394530e-03, v15  }
0x448: {  	v16 =	vmul.f32 $7.629394530e-03, v16;
	v22 =	vmul.f32 $7.629394530e-03, v22;
	v15 =	vadd.f32 $5.000000000e+03, v15  }
0x449: {  	v28 =	vadd.s32 $0xFFFE8680, v28;
	v30 =	vnsel vm9, $0x0, v30;
	v49 =	vadd.f32 $5.000000000e+03, v48  }
0x44a: {  	v37 =	vadd.s32 $0x1, v25;
	v46 =	vadd.s32 $0x17980, v25;
	v15 =	vmul.f32 v15, v5  }
0x44b: {  	v51 =	vadd.f32 $5.000000000e+03, v14;
	v52 =	vadd.f32 $7.629394530e-03, v14;
	v34 =	vmul.f32 v49, v5  }
0x44c: {  	vm11 =	vgt.s32 v28, $0x0;
	vm1 =	vlt.f32 v15, v18;
	v15 =	vadd.s32 $0xFFFFEFFF, v29  }
0x44d: {  	v29 =	vadd.s32 $0xFFFFF001, v29;
	v15 =	vsel vm1, v63, v15;
	vm2 =	vlt.f32 v34, v18  }
0x44e: {  	[tilespmem:s18+$0x10] =	vst v21;
	v30 =	vmin.u32 v30, $0x867E;
	v21 =	vcvt.s32.f32 v46;
	v15 =	vsel vm2, v29, v15  }
0x44f: {  	[tilespmem:s18+$0xFFFFFFF0] =	vst v17;
	v20 =	vmul.f32 $7.629394530e-03, v20;
	v53 =	vadd.f32 $5.000000000e+03, v22;
	v15 =	vadd.s32 $0xFFFE8680, v15  }
0x450: {  	[hbm4b:s9+s23] =	stream.linear.scatter [tilespmem:s13], [sflag:$0x1], $0x8000, $0x38;
	v59 =	vadd.f32 $7.629394530e-03, v16;
	v22 =	vadd.f32 $7.629394530e-03, v22;
	vm1 =	vgt.s32 v15, $0x0;
	[tilespmem:$0x10700] =	vst v63  }
0x451: {  	_ =	swait.ge [sflag:s15], $0x8000;
	v28 =	vnsel vm11, $0x0, v28;
	v17 =	vadd.s32 $0x17980, v30;
	v14 =	vnsel vm1, $0x0, v15  }
0x452: {  	[sflag:s15] =	ssyncset.done $0x0;
	v32 =	vadd.s32 $0x1, v30;
	v17 =	vcvt.s32.f32 v17;
	v54 =	vmin.u32 v14, $0x867E  }
0x453: {  	[sflag:s15] =	ssyncadd.s32 $0xFFFF8000;
	v33 =	vmul.f32 v51, v5;
	v21 =	vmul.f32 $7.629394530e-03, v21;
	v57 =	vadd.s32 $0x17980, v54  }
0x454: {  	[tilespmem:s23], [sflag:$0x1] =	stream.linear.gather [hbm4b:s10+s23], $0x8680, $0x38;
	v22 =	vadd.f32 $5.000000000e+03, v22;
	v17 =	vmul.f32 $7.629394530e-03, v17;
	v42 =	vcvt.s32.f32 v57;
	[tilespmem:$0x10700] =	vst v63  }
0x455: {  	_ =	swait.ge [sflag:s15], $0x8680;
	v28 =	vmin.u32 v28, $0x867E;
	v55 =	vadd.f32 $5.000000000e+03, v21;
	v21 =	vadd.f32 $7.629394530e-03, v21  }
0x456: {  	[sflag:s15] =	ssyncset.done $0x0;
	v56 =	vadd.f32 $5.000000000e+03, v17;
	v61 =	vadd.f32 $7.629394530e-03, v17;
	v17 =	vmul.f32 $7.629394530e-03, v42  }
0x457: {  	[sflag:s15] =	ssyncadd.s32 $0xFFFF7980;
	v50 =	vadd.s32 $0x17980, v28;
	v60 =	vadd.s32 $0x1, v28;
	v21 =	vadd.f32 $5.000000000e+03, v21  }
0x458: {  	v38 =	vcvt.s32.f32 v50;
	v14 =	vld.idx.msk [tilespmem:v27+s4+$0x0], $0xffff;
	v27 =	vadd.f32 $5.000000000e+03, v20;
	v63 =	vadd.f32 $7.629394530e-03, v17  }
0x459: {  	v22 =	vmul.f32 v22, v5;
	v21 =	vmul.f32 v21, v5;
	v15 =	vadd.f32 $5.000000000e+03, v16  }
0x45a: {  	v16 =	vld.idx.msk [tilespmem:v24+s4+$0x0], $0xffff;
	v24 =	vmul.f32 v27, v5;
	v27 =	vadd.f32 $5.000000000e+03, v17;
	v50 =	vadd.f32 $5.000000000e+03, v63  }
0x45b: {  	v29 =	vmul.f32 $7.629394530e-03, v38;
	v38 =	vmul.f32 v53, v5;
	v17 =	vld.idx.msk [tilespmem:v28+s4+$0x0], $0xffff;
	v28 =	vadd.f32 $5.000000000e+03, v59  }
0x45c: {  	v51 =	vadd.f32 $5.000000000e+03, v61;
	v27 =	vmul.f32 v27, v5;
	v41 =	vmul.f32 v50, v5  }
0x45d: {  	v26 =	vld.idx.msk [tilespmem:v26+s4+$0x0], $0xffff;
	v58 =	vadd.f32 $5.000000000e+03, v29;
	v62 =	vmul.f32 v15, v5;
	v28 =	vmul.f32 v28, v5  }
0x45e: {  	v15 =	vld.idx.msk [tilespmem:v30+s4+$0x0], $0xffff;
	v30 =	vadd.f32 $5.000000000e+03, v52;
	v52 =	vadd.s32 $0x1, v54;
	v41 =	vsub.f32 v41, v27  }
0x45f: {  	v23 =	vld.idx.msk [tilespmem:v23+s4+$0x0], $0xffff;
	v44 =	vmul.f32 v51, v5;
	v20 =	vadd.f32 $7.629394530e-03, v20;
	v28 =	vsub.f32 v28, v62  }
0x460: {  	v35 =	vld.idx.msk [tilespmem:v35+s4+$0x0], $0xffff;
	v29 =	vadd.f32 $7.629394530e-03, v29;
	v22 =	vsub.f32 v22, v38;
	(erf) = vrcp.f32 v41  }
0x461: {  	v25 =	vld.idx.msk [tilespmem:v25+s4+$0x0], $0xffff;
	v48 =	vmul.f32 v55, v5;
	v20 =	vadd.f32 $5.000000000e+03, v20;
	(erf) = vrcp.f32 v28  }
0x462: {  	v49 =	vmul.f32 v56, v5;
	v29 =	vadd.f32 $5.000000000e+03, v29;
	v28 =	vld.idx.msk [tilespmem:v54+s4+$0x0], $0xffff;
	(erf) = vrcp.f32 v22  }
0x463: {  	v21 =	vsub.f32 v21, v48;
	v20 =	vmul.f32 v20, v5;
	v22 =	vld.idx.msk [tilespmem:v52+s4+$0x0], $0xffff  }
0x464: {  	v37 =	vld.idx.msk [tilespmem:v37+s4+$0x0], $0xffff;
	v43 =	vmul.f32 v58, v5;
	v29 =	vmul.f32 v29, v5;
	v54 =	vsub.f32 v44, v49  }
0x465: {  	v36 =	vld.idx.msk [tilespmem:v36+s4+$0x0], $0xffff;
	v30 =	vmul.f32 v30, v5;
	v20 =	vsub.f32 v20, v24;
	(erf) = vrcp.f32 v21  }
0x466: {  	v21 =	vsub.f32 v29, v43;
	(erf) = vrcp.f32 v54  }
0x467: {  	v29 =	vsub.f32 v30, v33;
	v30 =	vsub.f32 v35, v26;
	(erf) = vrcp.f32 v20  }
0x468: {  	v19 =	vld.idx.msk [tilespmem:v19+s4+$0x0], $0xffff;
	v11 =	vsub.f32 v11, v33;
	(erf) = vrcp.f32 v21;
	v22 =	vsub.f32 v22, v28  }
0x469: {  	v32 =	vld.idx.msk [tilespmem:v32+s4+$0x0], $0xffff;
	v55 =	vsub.f32 v37, v25;
	v8 =	vsub.f32 v8, v48;
	(erf) = vrcp.f32 v29;
	v56 =	vpop (erf)  }
0x46a: {  	v31 =	vld.idx.msk [tilespmem:v31+s4+$0x0], $0xffff;
	v18 =	vsub.f32 v18, v27;
	v20 =	vsub.f32 v36, v23;
	v22 =	vmul.f32 v22, v56;
	v27 =	vpop (erf)  }
0x46b: {  	v9 =	vsub.f32 v9, v49;
	v53 =	vld.idx.msk [tilespmem:v60+s4+$0x0], $0xffff;
	v12 =	vsub.f32 v12, v38;
	v27 =	vmul.f32 v30, v27;
	v30 =	vpop (erf)  }
0x46c: {  	v7 =	vsub.f32 v7, v43;
	v20 =	vmul.f32 v20, v30;
	v18 =	vmul.f32 v22, v18  }
0x46d: {  	v13 =	vsub.f32 v13, v62;
	v19 =	vsub.f32 v19, v16  }
0x46e: {  	v10 =	vsub.f32 v10, v24;
	v21 =	vsub.f32 v32, v15;
	v22 =	vpop (erf);
	v12 =	vmul.f32 v20, v12  }
0x46f: {  	s30 =	simm.s32 $0xE0;
	v31 =	vsub.f32 v31, v14;
	v13 =	vmul.f32 v27, v13;
	v22 =	vmul.f32 v55, v22;
	v24 =	vpop (erf)  }
0x470: {  	s31 =	scvt.s32.f32 s30;
	v29 =	vsub.f32 v53, v17;
	v24 =	vmul.f32 v21, v24;
	v21 =	vadd.f32 v18, v28;
	v18 =	vpop (erf)  }
0x471: {  	s21 =	simm.s32 $0x90;
	s23 =	simm.s32 $0xB0;
	s20 =	simm.s32 $0x80;
	v20 =	vadd.f32 v13, v26;
	v8 =	vmul.f32 v22, v8;
	v13 =	vmul.f32 v19, v18;
	v18 =	vpop (erf)  }
0x472: {  	s22 =	simm.s32 $0xA0;
	s24 =	scvt.s32.f32 s23;
	s18 =	scvt.s32.f32 s20;
	v27 =	vadd.f32 s31, v4;
	v22 =	vadd.f32 v12, v23;
	v19 =	vmul.f32 v24, v9;
	v12 =	vpop (erf)  }
0x473: {  	s25 =	simm.s32 $0xC0;
	s19 =	scvt.s32.f32 s21;
	s20 =	scvt.s32.f32 s22;
	v9 =	vmul.f32 v29, v18;
	v12 =	vmul.f32 v31, v12;
	v23 =	vadd.f32 v8, v25  }
0x474: {  	s26 =	simm.s32 $0xD0;
	s28 =	scvt.s32.f32 s25;
	v8 =	vadd.f32 s18, v4;
	v18 =	vmul.f32 v13, v10;
	v10 =	vadd.f32 s24, v4  }
0x475: {  	s29 =	scvt.s32.f32 s26;
	v24 =	vmul.f32 v9, v7;
	v7 =	vadd.f32 s19, v4;
	v9 =	vadd.f32 s20, v4  }
0x476: {  	v25 =	vmul.f32 v12, v11;
	v8 =	vmul.f32 $7.629394530e-03, v8;
	v12 =	vadd.f32 s28, v4  }
0x477: {  	v26 =	vadd.f32 s29, v4;
	v7 =	vmul.f32 $7.629394530e-03, v7;
	v9 =	vmul.f32 $7.629394530e-03, v9  }
0x478: {  	v11 =	vadd.f32 $5.000000000e+03, v8;
	v8 =	vmul.f32 $7.629394530e-03, v10;
	v10 =	vmul.f32 $7.629394530e-03, v12  }
0x479: {  	v13 =	vadd.f32 $5.000000000e+03, v7;
	v12 =	vadd.f32 $5.000000000e+03, v9;
	v7 =	vmul.f32 $7.629394530e-03, v26  }
0x47a: {  	v26 =	vmul.f32 $7.629394530e-03, v27;
	v8 =	vadd.f32 $5.000000000e+03, v8;
	v9 =	vadd.f32 $5.000000000e+03, v10  }
0x47b: {  	v27 =	vmul.f32 v11, v6;
	v28 =	vmul.f32 v13, v6;
	v10 =	vadd.f32 $5.000000000e+03, v7  }
0x47c: {  	v29 =	vmul.f32 v12, v6;
	v7 =	vadd.f32 $5.000000000e+03, v26;
	v30 =	vmul.f32 v8, v6  }
0x47d: {  	v26 =	vadd.f32 $-6.512640000e+05, v27;
	v27 =	vmul.f32 v9, v6;
	v31 =	vmul.f32 v10, v6  }
0x47e: {  	v28 =	vadd.f32 $-6.512640000e+05, v28;
	v29 =	vadd.f32 $-6.512640000e+05, v29;
	v57 =	vmul.f32 v7, v6  }
0x47f: {  	v26 =	vtrunc.f32 v26;
	v30 =	vadd.f32 $-6.512640000e+05, v30;
	v27 =	vadd.f32 $-6.512640000e+05, v27  }
0x480: {  	v26 =	vcvt.f32.s32 v26;
	v28 =	vtrunc.f32 v28;
	v31 =	vadd.f32 $-6.512640000e+05, v31  }
0x481: {  	v29 =	vtrunc.f32 v29;
	v32 =	vadd.f32 $-6.512640000e+05, v57;
	v30 =	vtrunc.f32 v30  }
0x482: {  	v33 =	vadd.f32 v19, v15;
	v15 =	vtrunc.f32 v27;
	v28 =	vcvt.f32.s32 v28  }
0x483: {  	v27 =	vadd.f32 v18, v16;
	v19 =	vtrunc.f32 v31;
	v16 =	vtrunc.f32 v32  }
0x484: {  	v32 =	vadd.f32 v24, v17;
	v24 =	vcvt.f32.s32 v29;
	v29 =	vcvt.f32.s32 v30  }
0x485: {  	v30 =	vadd.f32 v25, v14;
	v25 =	vcvt.f32.s32 v15;
	v34 =	vadd.s32 $0xFFFFF001, v26  }
0x486: {  	v35 =	vadd.s32 $0xFFFFEFFF, v26;
	v26 =	vadd.s32 $0xFFFFF000, v26;
	v31 =	vcvt.f32.s32 v19  }
0x487: {  	v36 =	vcvt.f32.s32 v16;
	v18 =	vadd.s32 $0xFFFFF001, v28;
	v19 =	vcvt.s32.f32 v26  }
0x488: {  	v37 =	vadd.s32 $0xFFFFF000, v28;
	v28 =	vadd.s32 $0xFFFFEFFF, v28;
	v14 =	vadd.s32 $0xFFFFF001, v24  }
0x489: {  	v16 =	vadd.s32 $0xFFFFF001, v29;
	v17 =	vadd.s32 $0xFFFFF001, v25;
	v38 =	vadd.s32 $0xFFFFF000, v24  }
0x48a: {  	v58 =	vcvt.s32.f32 v37;
	v40 =	vadd.s32 $0xFFFFF000, v29;
	v42 =	vadd.s32 $0xFFFFF000, v25  }
0x48b: {  	v56 =	vadd.s32 $0xFFFFEFFF, v24;
	v29 =	vadd.s32 $0xFFFFEFFF, v29;
	v52 =	vadd.s32 $0xFFFFEFFF, v25  }
0x48c: {  	v15 =	vadd.s32 $0xFFFFF001, v31;
	v59 =	vcvt.s32.f32 v38;
	v60 =	vcvt.s32.f32 v40  }
0x48d: {  	v61 =	vmul.f32 $7.629394530e-03, v19;
	v45 =	vadd.s32 $0xFFFFF000, v31;
	v62 =	vcvt.s32.f32 v42  }
0x48e: {  	v47 =	vadd.s32 $0xFFFFF000, v36;
	v19 =	vadd.s32 $0xFFFFF001, v36;
	v63 =	vcvt.s32.f32 v45  }
0x48f: {  	v36 =	vadd.s32 $0xFFFFEFFF, v36;
	v54 =	vcvt.s32.f32 v47;
	v39 =	vmul.f32 $7.629394530e-03, v58  }
0x490: {  	v55 =	vadd.f32 $5.000000000e+03, v61;
	v41 =	vmul.f32 $7.629394530e-03, v59;
	v43 =	vmul.f32 $7.629394530e-03, v60  }
0x491: {  	v46 =	vmul.f32 $7.629394530e-03, v62;
	v44 =	vadd.f32 $7.629394530e-03, v61;
	v60 =	vadd.s32 $0xFFFFEFFF, v31  }
0x492: {  	v57 =	vadd.f32 $5.000000000e+03, v39;
	v48 =	vmul.f32 $7.629394530e-03, v63;
	v39 =	vadd.f32 $7.629394530e-03, v39  }
0x493: {  	v49 =	vmul.f32 $7.629394530e-03, v54;
	v58 =	vadd.f32 $5.000000000e+03, v46;
	v25 =	vadd.f32 $7.629394530e-03, v41  }
0x494: {  	v24 =	vmul.f32 v55, v5;
	v59 =	vadd.f32 $7.629394530e-03, v43;
	v31 =	vadd.f32 $7.629394530e-03, v46  }
0x495: {  	v44 =	vadd.f32 $5.000000000e+03, v44;
	v50 =	vmul.f32 v57, v5;
	v61 =	vadd.f32 $7.629394530e-03, v48  }
0x496: {  	v62 =	vadd.f32 $7.629394530e-03, v49;
	v39 =	vadd.f32 $5.000000000e+03, v39;
	vm1 =	vlt.f32 v24, v11  }
0x497: {  	v24 =	vadd.f32 $5.000000000e+03, v41;
	v63 =	vmul.f32 v58, v5;
	v25 =	vadd.f32 $5.000000000e+03, v25  }
0x498: {  	s18 =	simm.s32 $0x86C0;
	v41 =	vadd.f32 $5.000000000e+03, v59;
	v31 =	vadd.f32 $5.000000000e+03, v31;
	v44 =	vmul.f32 v44, v5  }
0x499: {  	[tilespmem:s18+$0x30] =	vst v21;
	v35 =	vsel vm1, v26, v35;
	v26 =	vadd.f32 $5.000000000e+03, v43;
	vm2 =	vlt.f32 v50, v13  }
0x49a: {  	[tilespmem:s18+$0xFFFFFFD0] =	vst v20;
	v46 =	vadd.f32 $5.000000000e+03, v61;
	v20 =	vmul.f32 v39, v5;
	v24 =	vmul.f32 v24, v5  }
0x49b: {  	[tilespmem:s18+$0xFFFFFFE0] =	vst v22;
	vm12 =	vlt.f32 v63, v9;
	v21 =	vmul.f32 v25, v5;
	v26 =	vmul.f32 v26, v5  }
0x49c: {  	[tilespmem:s18+$0xFFFFFFF0] =	vst v23;
	v22 =	vmul.f32 v41, v5;
	v23 =	vmul.f32 v31, v5;
	vm1 =	vlt.f32 v24, v12  }
0x49d: {  	v24 =	vadd.f32 $5.000000000e+03, v48;
	vm3 =	vlt.f32 v26, v8;
	v26 =	vadd.f32 $5.000000000e+03, v49  }
0x49e: {  	vm15 =	vlt.f32 v44, v11;
	v25 =	vsel vm2, v37, v28;
	v48 =	vadd.f32 $5.000000000e+03, v62  }
0x49f: {  	[tilespmem:s18+$0x10] =	vst v27;
	v28 =	vsel vm12, v42, v52;
	v24 =	vmul.f32 v24, v5;
	v26 =	vmul.f32 v26, v5  }
0x4a0: {  	[tilespmem:s18+$0x20] =	vst v32;
	v32 =	vsel vm15, v34, v35;
	v31 =	vmul.f32 v48, v5;
	v27 =	vsel vm3, v40, v29  }
0x4a1: {  	[tilespmem:s18+$0x0] =	vst v33;
	vm13 =	vlt.f32 v24, v10;
	v24 =	vmul.f32 v46, v5;
	vm14 =	vlt.f32 v26, v7  }
0x4a2: {  	s20 =	simm.s32 $0xF0;
	s19 =	simm.s32 $0x100;
	[tilespmem:s18+$0xFFFFFFC0] =	vst v30;
	v26 =	vsel vm1, v38, v56;
	v29 =	vsel vm13, v45, v60;
	v30 =	vsel vm14, v47, v36  }
.LBB2_8:
0x4a3: {  	p0 =	slt.u32 s19, $0x7F80;
	vm1 =	vlt.f32 v20, v13;
	vm2 =	vlt.f32 v21, v12;
	vm3 =	vlt.f32 v22, v8;
	s20 =	scvt.s32.f32 s20  }
0x4a4: {  	vm4 =	vlt.f32 v23, v9;
	vm5 =	vlt.f32 v24, v10;
	vm6 =	vlt.f32 v31, v7  }
0x4a5: {  	v20 =	vadd.s32 $0xFFFE8680, v32;
	v18 =	vsel vm1, v18, v25;
	v21 =	vadd.f32 s20, v4  }
0x4a6: {  	v14 =	vsel vm2, v14, v26;
	v16 =	vsel vm3, v16, v27;
	v17 =	vsel vm4, v17, v28  }
0x4a7: {  	v15 =	vsel vm5, v15, v29;
	v19 =	vsel vm6, v19, v30;
	v21 =	vmul.f32 $7.629394530e-03, v21  }
0x4a8: {  	vm1 =	vgt.s32 v20, $0x0;
	v18 =	vadd.s32 $0xFFFE8680, v18;
	v22 =	vadd.s32 $0xFFFE8680, v14  }
0x4a9: {  	v16 =	vadd.s32 $0xFFFE8680, v16;
	v17 =	vadd.s32 $0xFFFE8680, v17;
	v14 =	vadd.f32 $5.000000000e+03, v21  }
0x4aa: {  	v20 =	vnsel vm1, $0x0, v20;
	v15 =	vadd.s32 $0xFFFE8680, v15;
	v19 =	vadd.s32 $0xFFFE8680, v19  }
0x4ab: {  	vm1 =	vgt.s32 v18, $0x0;
	vm2 =	vgt.s32 v22, $0x0;
	v21 =	vmul.f32 v14, v6  }
0x4ac: {  	vm3 =	vgt.s32 v16, $0x0;
	vm4 =	vgt.s32 v17, $0x0;
	vm5 =	vgt.s32 v15, $0x0  }
0x4ad: {  	v20 =	vmin.u32 v20, $0x867E;
	vm6 =	vgt.s32 v19, $0x0;
	v21 =	vadd.f32 $-6.512640000e+05, v21  }
0x4ae: {  	v18 =	vnsel vm1, $0x0, v18;
	v22 =	vnsel vm2, $0x0, v22;
	v16 =	vnsel vm3, $0x0, v16  }
0x4af: {  	v17 =	vnsel vm4, $0x0, v17;
	v15 =	vnsel vm5, $0x0, v15;
	v21 =	vtrunc.f32 v21  }
0x4b0: {  	v23 =	vadd.s32 $0x1, v20;
	v19 =	vnsel vm6, $0x0, v19;
	v21 =	vcvt.f32.s32 v21  }
0x4b1: {  	v24 =	vadd.s32 $0x17980, v20;
	v18 =	vmin.u32 v18, $0x867E;
	v22 =	vmin.u32 v22, $0x867E  }
0x4b2: {  	v16 =	vmin.u32 v16, $0x867E;
	v17 =	vmin.u32 v17, $0x867E;
	v25 =	vadd.s32 $0xFFFFF000, v21  }
0x4b3: {  	v26 =	vmin.u32 v15, $0x867E;
	v27 =	vmin.u32 v19, $0x867E;
	v15 =	vcvt.s32.f32 v25  }
0x4b4: {  	v28 =	vadd.s32 $0x1, v18;
	v29 =	vadd.s32 $0x1, v22;
	v30 =	vadd.s32 $0x1, v16  }
0x4b5: {  	v19 =	vcvt.s32.f32 v24;
	v24 =	vadd.s32 $0x1, v17;
	v15 =	vmul.f32 $7.629394530e-03, v15  }
0x4b6: {  	v31 =	vadd.s32 $0x17980, v18;
	v32 =	vadd.s32 $0x17980, v22;
	v33 =	vadd.s32 $0x17980, v16  }
0x4b7: {  	v34 =	vadd.s32 $0x17980, v17;
	v35 =	vadd.s32 $0x17980, v26;
	v36 =	vadd.f32 $7.629394530e-03, v15  }
0x4b8: {  	v31 =	vcvt.s32.f32 v31;
	v32 =	vcvt.s32.f32 v32;
	v15 =	vadd.f32 $5.000000000e+03, v15  }
0x4b9: {  	v33 =	vcvt.s32.f32 v33;
	v34 =	vcvt.s32.f32 v34;
	v36 =	vadd.f32 $5.000000000e+03, v36  }
0x4ba: {  	v37 =	vadd.s32 $0x17980, v27;
	v35 =	vcvt.s32.f32 v35;
	v15 =	vmul.f32 v15, v5  }
0x4bb: {  	v38 =	vadd.s32 $0x1, v26;
	v37 =	vcvt.s32.f32 v37;
	v36 =	vmul.f32 v36, v5  }
0x4bc: {  	v19 =	vmul.f32 $7.629394530e-03, v19;
	vm1 =	vlt.f32 v15, v14;
	v15 =	vadd.s32 $0xFFFFEFFF, v21  }
0x4bd: {  	v21 =	vadd.s32 $0xFFFFF001, v21;
	v15 =	vsel vm1, v25, v15;
	vm2 =	vlt.f32 v36, v14  }
0x4be: {  	v25 =	vmul.f32 $7.629394530e-03, v31;
	v31 =	vmul.f32 $7.629394530e-03, v32;
	v15 =	vsel vm2, v21, v15  }
0x4bf: {  	v32 =	vmul.f32 $7.629394530e-03, v34;
	v21 =	vmul.f32 $7.629394530e-03, v33;
	v15 =	vadd.s32 $0xFFFE8680, v15  }
0x4c0: {  	v34 =	vmul.f32 $7.629394530e-03, v37;
	v33 =	vmul.f32 $7.629394530e-03, v35;
	vm1 =	vgt.s32 v15, $0x0  }
0x4c1: {  	v36 =	vadd.f32 $7.629394530e-03, v19;
	v35 =	vadd.f32 $5.000000000e+03, v19;
	v15 =	vnsel vm1, $0x0, v15  }
0x4c2: {  	v37 =	vadd.f32 $5.000000000e+03, v25;
	v39 =	vadd.f32 $5.000000000e+03, v31;
	v40 =	vmin.u32 v15, $0x867E  }
0x4c3: {  	v41 =	vadd.f32 $5.000000000e+03, v32;
	v15 =	vld.idx.msk [tilespmem:v20+s4+$0x0], $0xffff;
	v20 =	vadd.f32 $5.000000000e+03, v21;
	v19 =	vadd.s32 $0x17980, v40  }
0x4c4: {  	v43 =	vadd.f32 $5.000000000e+03, v34;
	v42 =	vadd.f32 $5.000000000e+03, v33;
	v23 =	vld.idx.msk [tilespmem:v23+s4+$0x0], $0xffff;
	v19 =	vcvt.s32.f32 v19  }
0x4c5: {  	v45 =	vadd.s32 $0x1, v27;
	v25 =	vadd.f32 $7.629394530e-03, v25;
	v31 =	vadd.f32 $7.629394530e-03, v31;
	v44 =	vld.idx.msk [tilespmem:v18+s4+$0x0], $0xffff  }
0x4c6: {  	v32 =	vadd.f32 $7.629394530e-03, v32;
	v21 =	vadd.f32 $7.629394530e-03, v21;
	v22 =	vld.idx.msk [tilespmem:v22+s4+$0x0], $0xffff;
	v46 =	vmul.f32 $7.629394530e-03, v19  }
0x4c7: {  	v34 =	vadd.f32 $7.629394530e-03, v34;
	v35 =	vmul.f32 v35, v5;
	v33 =	vadd.f32 $7.629394530e-03, v33;
	v19 =	vld.idx.msk [tilespmem:v16+s4+$0x0], $0xffff  }
0x4c8: {  	v37 =	vmul.f32 v37, v5;
	v39 =	vmul.f32 v39, v5;
	v18 =	vld.idx.msk [tilespmem:v17+s4+$0x0], $0xffff;
	v47 =	vadd.f32 $7.629394530e-03, v46  }
0x4c9: {  	v36 =	vadd.f32 $5.000000000e+03, v36;
	v41 =	vmul.f32 v41, v5;
	v20 =	vmul.f32 v20, v5;
	v17 =	vld.idx.msk [tilespmem:v26+s4+$0x0], $0xffff  }
0x4ca: {  	v26 =	vmul.f32 v42, v5;
	v16 =	vld.idx.msk [tilespmem:v27+s4+$0x0], $0xffff;
	v27 =	vadd.f32 $5.000000000e+03, v46;
	v42 =	vadd.f32 $5.000000000e+03, v47  }
0x4cb: {  	v25 =	vadd.f32 $5.000000000e+03, v25;
	v31 =	vadd.f32 $5.000000000e+03, v31;
	v43 =	vmul.f32 v43, v5;
	v28 =	vld.idx.msk [tilespmem:v28+s4+$0x0], $0xffff  }
0x4cc: {  	v21 =	vadd.f32 $5.000000000e+03, v21;
	v29 =	vld.idx.msk [tilespmem:v29+s4+$0x0], $0xffff;
	v27 =	vmul.f32 v27, v5;
	v42 =	vmul.f32 v42, v5  }
0x4cd: {  	v32 =	vadd.f32 $5.000000000e+03, v32;
	v25 =	vmul.f32 v25, v5;
	v46 =	vadd.s32 $0x1, v40;
	v30 =	vld.idx.msk [tilespmem:v30+s4+$0x0], $0xffff  }
0x4ce: {  	v31 =	vmul.f32 v31, v5;
	v33 =	vadd.f32 $5.000000000e+03, v33;
	v24 =	vld.idx.msk [tilespmem:v24+s4+$0x0], $0xffff;
	v42 =	vsub.f32 v42, v27  }
0x4cf: {  	v34 =	vadd.f32 $5.000000000e+03, v34;
	v25 =	vsub.f32 v25, v37;
	v21 =	vmul.f32 v21, v5;
	v38 =	vld.idx.msk [tilespmem:v38+s4+$0x0], $0xffff  }
0x4d0: {  	v32 =	vmul.f32 v32, v5;
	v31 =	vsub.f32 v31, v39;
	v45 =	vld.idx.msk [tilespmem:v45+s4+$0x0], $0xffff;
	(erf) = vrcp.f32 v42  }
0x4d1: {  	v33 =	vmul.f32 v33, v5;
	v21 =	vsub.f32 v21, v20;
	v40 =	vld.idx.msk [tilespmem:v40+s4+$0x0], $0xffff;
	(erf) = vrcp.f32 v25  }
0x4d2: {  	v25 =	vsub.f32 v32, v41;
	v32 =	vmul.f32 v34, v5;
	v34 =	vld.idx.msk [tilespmem:v46+s4+$0x0], $0xffff;
	(erf) = vrcp.f32 v31  }
0x4d3: {  	v33 =	vsub.f32 v33, v26;
	v31 =	vmul.f32 v36, v5;
	(erf) = vrcp.f32 v21  }
0x4d4: {  	v21 =	vsub.f32 v23, v15;
	v23 =	vsub.f32 v32, v43;
	(erf) = vrcp.f32 v25  }
0x4d5: {  	v28 =	vsub.f32 v28, v44;
	v25 =	vsub.f32 v31, v35;
	(erf) = vrcp.f32 v33  }
0x4d6: {  	v29 =	vsub.f32 v29, v22;
	v30 =	vsub.f32 v30, v19;
	(erf) = vrcp.f32 v23  }
0x4d7: {  	v23 =	vsub.f32 v24, v18;
	v24 =	vsub.f32 v38, v17;
	(erf) = vrcp.f32 v25  }
0x4d8: {  	v25 =	vsub.f32 v45, v16;
	v31 =	vsub.f32 v34, v40  }
0x4d9: {  	v11 =	vsub.f32 v11, v35;
	v13 =	vsub.f32 v13, v37;
	v32 =	vpop (erf)  }
0x4da: {  	v12 =	vsub.f32 v12, v39;
	v14 =	vsub.f32 v14, v27;
	v31 =	vmul.f32 v31, v32;
	v27 =	vpop (erf)  }
0x4db: {  	v9 =	vsub.f32 v9, v41;
	v8 =	vsub.f32 v8, v20;
	v28 =	vmul.f32 v28, v27;
	v20 =	vpop (erf)  }
0x4dc: {  	v10 =	vsub.f32 v10, v26;
	v20 =	vmul.f32 v29, v20;
	v14 =	vmul.f32 v31, v14;
	v26 =	vpop (erf)  }
0x4dd: {  	v7 =	vsub.f32 v7, v43;
	v13 =	vmul.f32 v28, v13;
	v26 =	vmul.f32 v30, v26;
	v27 =	vpop (erf)  }
0x4de: {  	v12 =	vmul.f32 v20, v12;
	v20 =	vmul.f32 v23, v27;
	v27 =	vadd.f32 v14, v40;
	v23 =	vpop (erf)  }
0x4df: {  	s18 =	sadd.s32 $0x80, s18;
	v13 =	vadd.f32 v13, v44;
	v8 =	vmul.f32 v26, v8;
	v23 =	vmul.f32 v24, v23;
	v24 =	vpop (erf)  }
0x4e0: {  	s21 =	sadd.s32 $0x10, s19;
	s20 =	scvt.s32.f32 s19;
	v12 =	vadd.f32 v12, v22;
	v9 =	vmul.f32 v20, v9;
	v20 =	vmul.f32 v25, v24;
	[tilespmem:s18+$0x30] =	vst v27;
	v14 =	vpop (erf)  }
0x4e1: {  	s22 =	sadd.s32 $0x20, s19;
	s21 =	scvt.s32.f32 s21;
	v14 =	vmul.f32 v21, v14;
	[tilespmem:s18+$0xFFFFFFD0] =	vst v13;
	v8 =	vadd.f32 v8, v19;
	v10 =	vmul.f32 v23, v10  }
0x4e2: {  	v13 =	vadd.f32 s20, v4;
	s20 =	scvt.s32.f32 s22;
	s22 =	sadd.s32 $0x30, s19;
	[tilespmem:s18+$0xFFFFFFE0] =	vst v12;
	v9 =	vadd.f32 v9, v18;
	v7 =	vmul.f32 v20, v7  }
0x4e3: {  	s23 =	sadd.s32 $0x50, s19;
	v12 =	vadd.f32 s21, v4;
	s21 =	scvt.s32.f32 s22;
	s22 =	sadd.s32 $0x40, s19;
	v11 =	vmul.f32 v14, v11;
	[tilespmem:s18+$0xFFFFFFF0] =	vst v8;
	v8 =	vadd.f32 v10, v17  }
0x4e4: {  	v10 =	vadd.f32 s20, v4;
	s20 =	scvt.s32.f32 s22;
	s22 =	scvt.s32.f32 s23;
	s23 =	sadd.s32 $0x60, s19;
	[tilespmem:s18+$0x0] =	vst v9;
	v7 =	vadd.f32 v7, v16  }
0x4e5: {  	v9 =	vadd.f32 s21, v4;
	s21 =	scvt.s32.f32 s23;
	v11 =	vadd.f32 v11, v15;
	[tilespmem:s18+$0x10] =	vst v8  }
0x4e6: {  	v8 =	vmul.f32 $7.629394530e-03, v13;
	v13 =	vadd.f32 s20, v4;
	v14 =	vadd.f32 s22, v4;
	[tilespmem:s18+$0x20] =	vst v7  }
0x4e7: {  	v10 =	vmul.f32 $7.629394530e-03, v10;
	v7 =	vmul.f32 $7.629394530e-03, v12;
	v15 =	vadd.f32 s21, v4;
	[tilespmem:s18+$0xFFFFFFC0] =	vst v11  }
0x4e8: {  	v11 =	vadd.f32 $5.000000000e+03, v8;
	v8 =	vmul.f32 $7.629394530e-03, v9;
	v9 =	vmul.f32 $7.629394530e-03, v13  }
0x4e9: {  	v12 =	vadd.f32 $5.000000000e+03, v10;
	v13 =	vadd.f32 $5.000000000e+03, v7;
	v7 =	vmul.f32 $7.629394530e-03, v14  }
0x4ea: {  	v14 =	vmul.f32 $7.629394530e-03, v15;
	v8 =	vadd.f32 $5.000000000e+03, v8;
	v9 =	vadd.f32 $5.000000000e+03, v9  }
0x4eb: {  	v15 =	vmul.f32 v11, v6;
	v16 =	vmul.f32 v13, v6;
	v10 =	vadd.f32 $5.000000000e+03, v7  }
0x4ec: {  	v17 =	vmul.f32 v12, v6;
	v7 =	vadd.f32 $5.000000000e+03, v14;
	v18 =	vmul.f32 v8, v6  }
0x4ed: {  	v14 =	vadd.f32 $-6.512640000e+05, v15;
	v15 =	vmul.f32 v9, v6;
	v19 =	vmul.f32 v10, v6  }
0x4ee: {  	v17 =	vadd.f32 $-6.512640000e+05, v17;
	v16 =	vadd.f32 $-6.512640000e+05, v16;
	v20 =	vmul.f32 v7, v6  }
0x4ef: {  	v14 =	vtrunc.f32 v14;
	v18 =	vadd.f32 $-6.512640000e+05, v18;
	v15 =	vadd.f32 $-6.512640000e+05, v15  }
0x4f0: {  	v14 =	vcvt.f32.s32 v14;
	v16 =	vtrunc.f32 v16;
	v19 =	vadd.f32 $-6.512640000e+05, v19  }
0x4f1: {  	v17 =	vtrunc.f32 v17;
	v20 =	vadd.f32 $-6.512640000e+05, v20;
	v18 =	vtrunc.f32 v18  }
0x4f2: {  	v15 =	vtrunc.f32 v15;
	v19 =	vtrunc.f32 v19  }
0x4f3: {  	v21 =	vcvt.f32.s32 v16;
	v16 =	vtrunc.f32 v20  }
0x4f4: {  	v20 =	vcvt.f32.s32 v17;
	v22 =	vcvt.f32.s32 v18  }
0x4f5: {  	v23 =	vcvt.f32.s32 v15;
	v24 =	vcvt.f32.s32 v19  }
0x4f6: {  	v29 =	vadd.s32 $0xFFFFF001, v14;
	v25 =	vadd.s32 $0xFFFFEFFF, v14;
	v26 =	vcvt.f32.s32 v16  }
0x4f7: {  	v27 =	vadd.s32 $0xFFFFF000, v14;
	v18 =	vadd.s32 $0xFFFFF001, v21;
	v14 =	vadd.s32 $0xFFFFF001, v20  }
0x4f8: {  	v16 =	vadd.s32 $0xFFFFF001, v22;
	v17 =	vadd.s32 $0xFFFFF001, v23;
	v15 =	vadd.s32 $0xFFFFF001, v24  }
0x4f9: {  	v19 =	vcvt.s32.f32 v27;
	v28 =	vadd.s32 $0xFFFFF000, v21;
	v30 =	vadd.s32 $0xFFFFF000, v20  }
0x4fa: {  	v31 =	vcvt.s32.f32 v28;
	v32 =	vadd.s32 $0xFFFFF000, v22;
	v33 =	vadd.s32 $0xFFFFF000, v23  }
0x4fb: {  	v34 =	vcvt.s32.f32 v30;
	v35 =	vcvt.s32.f32 v32;
	v36 =	vadd.s32 $0xFFFFF000, v24  }
0x4fc: {  	v37 =	vcvt.s32.f32 v33;
	v39 =	vadd.s32 $0xFFFFF000, v26;
	v38 =	vcvt.s32.f32 v36  }
0x4fd: {  	v40 =	vmul.f32 $7.629394530e-03, v19;
	v19 =	vadd.s32 $0xFFFFF001, v26;
	v41 =	vcvt.s32.f32 v39  }
0x4fe: {  	v42 =	vadd.s32 $0xFFFFEFFF, v21;
	v31 =	vmul.f32 $7.629394530e-03, v31;
	v21 =	vmul.f32 $7.629394530e-03, v34  }
0x4ff: {  	v34 =	vadd.s32 $0xFFFFEFFF, v20;
	v20 =	vmul.f32 $7.629394530e-03, v35;
	v35 =	vmul.f32 $7.629394530e-03, v37  }
0x500: {  	v37 =	vadd.f32 $5.000000000e+03, v40;
	v40 =	vadd.f32 $7.629394530e-03, v40;
	v38 =	vmul.f32 $7.629394530e-03, v38  }
0x501: {  	v43 =	vadd.f32 $5.000000000e+03, v31;
	v41 =	vmul.f32 $7.629394530e-03, v41;
	v44 =	vadd.f32 $5.000000000e+03, v21  }
0x502: {  	v46 =	vadd.s32 $0xFFFFEFFF, v22;
	v45 =	vadd.f32 $5.000000000e+03, v20;
	v22 =	vadd.f32 $5.000000000e+03, v35  }
0x503: {  	v47 =	vadd.s32 $0xFFFFEFFF, v23;
	v23 =	vadd.f32 $5.000000000e+03, v38;
	v48 =	vadd.f32 $5.000000000e+03, v41  }
0x504: {  	v49 =	vadd.s32 $0xFFFFEFFF, v24;
	v31 =	vadd.f32 $7.629394530e-03, v31;
	v21 =	vadd.f32 $7.629394530e-03, v21  }
0x505: {  	v20 =	vadd.f32 $7.629394530e-03, v20;
	v24 =	vadd.f32 $7.629394530e-03, v35;
	v35 =	vadd.s32 $0xFFFFEFFF, v26  }
0x506: {  	v26 =	vmul.f32 v37, v5;
	v37 =	vadd.f32 $7.629394530e-03, v38;
	v38 =	vadd.f32 $7.629394530e-03, v41  }
0x507: {  	v40 =	vadd.f32 $5.000000000e+03, v40;
	v41 =	vmul.f32 v43, v5;
	v43 =	vmul.f32 v44, v5  }
0x508: {  	v31 =	vadd.f32 $5.000000000e+03, v31;
	v44 =	vmul.f32 v45, v5;
	v22 =	vmul.f32 v22, v5  }
0x509: {  	v21 =	vadd.f32 $5.000000000e+03, v21;
	v45 =	vadd.f32 $5.000000000e+03, v20;
	v23 =	vmul.f32 v23, v5  }
0x50a: {  	v24 =	vadd.f32 $5.000000000e+03, v24;
	v37 =	vadd.f32 $5.000000000e+03, v37;
	v48 =	vmul.f32 v48, v5  }
0x50b: {  	vm1 =	vlt.f32 v26, v11;
	v26 =	vmul.f32 v40, v5;
	v38 =	vadd.f32 $5.000000000e+03, v38  }
0x50c: {  	v40 =	vsel vm1, v27, v25;
	vm1 =	vlt.f32 v41, v13;
	vm2 =	vlt.f32 v43, v12  }
0x50d: {  	v20 =	vmul.f32 v31, v5;
	vm3 =	vlt.f32 v44, v8;
	vm4 =	vlt.f32 v22, v9  }
.Ltmp3:
0x50e: {  	v21 =	vmul.f32 v21, v5;
	v22 =	vmul.f32 v45, v5;
	vm5 =	vlt.f32 v23, v10;
	(pc) =	sbr.rel @p0 .LBB2_8-.Ltmp3, $4  }
0x50f: {  	v23 =	vmul.f32 v24, v5;
	v24 =	vmul.f32 v37, v5;
	vm6 =	vlt.f32 v48, v7  }
0x510: {  	vm7 =	vlt.f32 v26, v11;
	v25 =	vsel vm1, v28, v42;
	v31 =	vmul.f32 v38, v5  }
0x511: {  	v26 =	vsel vm2, v30, v34;
	v27 =	vsel vm3, v32, v46;
	v28 =	vsel vm4, v33, v47  }
0x512: {  	s20 =	sadd.s32 $0x70, s19;
	s19 =	sadd.s32 $0x80, s19;
	v32 =	vsel vm7, v29, v40;
	v29 =	vsel vm5, v36, v49;
	v30 =	vsel vm6, v39, v35  }
0x513: {  	s19 =	scvt.s32.f32 s20;
	_ =	sdelay $0x1  }
0x514: {  	vm1 =	vlt.f32 v20, v13;
	v44 =	vadd.f32 s19, v4  }
0x515: {  	vm2 =	vlt.f32 v21, v12;
	vm3 =	vlt.f32 v22, v8;
	vm4 =	vlt.f32 v23, v9  }
0x516: {  	vm5 =	vlt.f32 v24, v10;
	vm6 =	vlt.f32 v31, v7;
	v21 =	vmul.f32 $7.629394530e-03, v44  }
0x517: {  	v43 =	vadd.s32 $0xFFFE8680, v32;
	v18 =	vsel vm1, v18, v25;
	v14 =	vsel vm2, v14, v26  }
0x518: {  	v16 =	vsel vm3, v16, v27;
	v45 =	vadd.s32 $0xFFFE8680, v14;
	v14 =	vadd.f32 $5.000000000e+03, v21  }
0x519: {  	v17 =	vsel vm4, v17, v28;
	v15 =	vsel vm5, v15, v29;
	v19 =	vsel vm6, v19, v30  }
0x51a: {  	vm1 =	vgt.s32 v43, $0x0;
	v18 =	vadd.s32 $0xFFFE8680, v18;
	v6 =	vmul.f32 v14, v6  }
0x51b: {  	v16 =	vadd.s32 $0xFFFE8680, v16;
	v17 =	vadd.s32 $0xFFFE8680, v17;
	v20 =	vnsel vm1, $0x0, v43  }
0x51c: {  	v15 =	vadd.s32 $0xFFFE8680, v15;
	v19 =	vadd.s32 $0xFFFE8680, v19;
	v6 =	vadd.f32 $-6.512640000e+05, v6  }
0x51d: {  	vm1 =	vgt.s32 v18, $0x0;
	vm2 =	vgt.s32 v45, $0x0;
	vm3 =	vgt.s32 v16, $0x0  }
0x51e: {  	vm13 =	vgt.s32 v17, $0x0;
	vm14 =	vgt.s32 v15, $0x0;
	v6 =	vtrunc.f32 v6  }
0x51f: {  	v20 =	vmin.u32 v20, $0x867E;
	vm15 =	vgt.s32 v19, $0x0;
	v6 =	vcvt.f32.s32 v6  }
0x520: {  	v18 =	vnsel vm1, $0x0, v18;
	v46 =	vnsel vm2, $0x0, v45;
	v16 =	vnsel vm3, $0x0, v16  }
0x521: {  	v17 =	vnsel vm13, $0x0, v17;
	v15 =	vnsel vm14, $0x0, v15;
	v59 =	vadd.s32 $0xFFFFF000, v6  }
0x522: {  	v47 =	vadd.s32 $0x1, v20;
	v19 =	vnsel vm15, $0x0, v19;
	v60 =	vcvt.s32.f32 v59  }
0x523: {  	v58 =	vadd.s32 $0x17980, v20;
	v18 =	vmin.u32 v18, $0x867E;
	v16 =	vmin.u32 v16, $0x867E  }
0x524: {  	v17 =	vmin.u32 v17, $0x867E;
	v15 =	vmin.u32 v15, $0x867E;
	v25 =	vmul.f32 $7.629394530e-03, v60  }
0x525: {  	v19 =	vmin.u32 v19, $0x867E;
	v23 =	vcvt.s32.f32 v58;
	v21 =	vmin.u32 v46, $0x867E  }
0x526: {  	v26 =	vadd.s32 $0x1, v18;
	v62 =	vadd.s32 $0x1, v16;
	v35 =	vadd.f32 $7.629394530e-03, v25  }
0x527: {  	v63 =	vadd.s32 $0x1, v17;
	v48 =	vadd.s32 $0x17980, v18;
	v25 =	vadd.f32 $5.000000000e+03, v25  }
0x528: {  	v50 =	vadd.s32 $0x17980, v16;
	v33 =	vadd.s32 $0x17980, v17;
	v35 =	vadd.f32 $5.000000000e+03, v35  }
0x529: {  	v34 =	vadd.s32 $0x17980, v15;
	v36 =	vadd.s32 $0x17980, v19;
	v25 =	vmul.f32 v25, v5  }
0x52a: {  	v37 =	vadd.s32 $0x1, v15;
	v61 =	vadd.s32 $0x1, v21;
	v35 =	vmul.f32 v35, v5  }
0x52b: {  	v49 =	vadd.s32 $0x17980, v21;
	v51 =	vadd.s32 $0xFFFFEFFF, v6;
	vm1 =	vlt.f32 v25, v14  }
0x52c: {  	v6 =	vadd.s32 $0xFFFFF001, v6;
	v24 =	vsel vm1, v59, v51;
	vm2 =	vlt.f32 v35, v14  }
0x52d: {  	v30 =	vcvt.s32.f32 v48;
	v32 =	vcvt.s32.f32 v50;
	v6 =	vsel vm2, v6, v24  }
0x52e: {  	v33 =	vcvt.s32.f32 v33;
	v34 =	vcvt.s32.f32 v34;
	v6 =	vadd.s32 $0xFFFE8680, v6  }
0x52f: {  	v36 =	vcvt.s32.f32 v36;
	v23 =	vmul.f32 $7.629394530e-03, v23;
	vm1 =	vgt.s32 v6, $0x0  }
0x530: {  	v31 =	vcvt.s32.f32 v49;
	v54 =	vmul.f32 $7.629394530e-03, v32;
	v6 =	vnsel vm1, $0x0, v6  }
0x531: {  	v55 =	vmul.f32 $7.629394530e-03, v33;
	v56 =	vmul.f32 $7.629394530e-03, v34;
	v6 =	vmin.u32 v6, $0x867E  }
0x532: {  	v57 =	vmul.f32 $7.629394530e-03, v36;
	v58 =	vadd.f32 $5.000000000e+03, v23;
	v40 =	vadd.s32 $0x17980, v6  }
0x533: {  	v23 =	vadd.f32 $7.629394530e-03, v23;
	v38 =	vadd.f32 $5.000000000e+03, v54;
	v40 =	vcvt.s32.f32 v40  }
0x534: {  	v53 =	vmul.f32 $7.629394530e-03, v31;
	v39 =	vadd.f32 $5.000000000e+03, v55;
	v41 =	vadd.f32 $5.000000000e+03, v56  }
0x535: {  	v42 =	vadd.f32 $5.000000000e+03, v57;
	v31 =	vadd.f32 $7.629394530e-03, v55;
	v40 =	vmul.f32 $7.629394530e-03, v40  }
0x536: {  	v52 =	vmul.f32 $7.629394530e-03, v30;
	v32 =	vadd.f32 $7.629394530e-03, v56;
	v33 =	vadd.f32 $7.629394530e-03, v57  }
0x537: {  	v34 =	vmul.f32 v58, v5;
	v23 =	vadd.f32 $5.000000000e+03, v23;
	v44 =	vadd.f32 $7.629394530e-03, v40  }
0x538: {  	v30 =	vadd.f32 $7.629394530e-03, v53;
	v38 =	vmul.f32 v38, v5;
	v39 =	vmul.f32 v39, v5  }
0x539: {  	v41 =	vmul.f32 v41, v5;
	v40 =	vadd.f32 $5.000000000e+03, v40;
	v44 =	vadd.f32 $5.000000000e+03, v44  }
0x53a: {  	v20 =	vld.idx.msk [tilespmem:v20+s4+$0x0], $0xffff;
	v42 =	vmul.f32 v42, v5;
	v30 =	vadd.f32 $5.000000000e+03, v30;
	v25 =	vadd.f32 $7.629394530e-03, v52  }
0x53b: {  	v22 =	vld.idx.msk [tilespmem:v47+s4+$0x0], $0xffff;
	v59 =	vadd.f32 $5.000000000e+03, v52;
	v40 =	vmul.f32 v40, v5;
	v44 =	vmul.f32 v44, v5  }
0x53c: {  	v18 =	vld.idx.msk [tilespmem:v18+s4+$0x0], $0xffff;
	v30 =	vmul.f32 v30, v5;
	v25 =	vadd.f32 $5.000000000e+03, v25;
	v24 =	vadd.f32 $7.629394530e-03, v54  }
0x53d: {  	v16 =	vld.idx.msk [tilespmem:v16+s4+$0x0], $0xffff;
	v60 =	vadd.f32 $5.000000000e+03, v53;
	v45 =	vadd.s32 $0x1, v6;
	v44 =	vsub.f32 v44, v40  }
0x53e: {  	v17 =	vld.idx.msk [tilespmem:v17+s4+$0x0], $0xffff;
	v35 =	vmul.f32 v59, v5;
	v25 =	vmul.f32 v25, v5;
	v24 =	vadd.f32 $5.000000000e+03, v24  }
0x53f: {  	v28 =	vld.idx.msk [tilespmem:v62+s4+$0x0], $0xffff;
	v31 =	vadd.f32 $5.000000000e+03, v31;
	v36 =	vmul.f32 v60, v5;
	(erf) = vrcp.f32 v44  }
0x540: {  	v29 =	vld.idx.msk [tilespmem:v63+s4+$0x0], $0xffff;
	v32 =	vadd.f32 $5.000000000e+03, v32;
	v25 =	vsub.f32 v25, v35;
	v24 =	vmul.f32 v24, v5  }
0x541: {  	v33 =	vadd.f32 $5.000000000e+03, v33;
	v31 =	vmul.f32 v31, v5;
	v30 =	vsub.f32 v30, v36;
	v6 =	vld.idx.msk [tilespmem:v6+s4+$0x0], $0xffff  }
0x542: {  	v32 =	vmul.f32 v32, v5;
	v24 =	vsub.f32 v24, v38;
	v63 =	vld.idx.msk [tilespmem:v45+s4+$0x0], $0xffff;
	(erf) = vrcp.f32 v25  }
0x543: {  	v27 =	vld.idx.msk [tilespmem:v61+s4+$0x0], $0xffff;
	v62 =	vmul.f32 v33, v5;
	v61 =	vsub.f32 v31, v39;
	(erf) = vrcp.f32 v30  }
0x544: {  	v15 =	vld.idx.msk [tilespmem:v15+s4+$0x0], $0xffff;
	v32 =	vsub.f32 v32, v41;
	v5 =	vmul.f32 v23, v5;
	(erf) = vrcp.f32 v24  }
0x545: {  	v43 =	vadd.s32 $0x1, v19;
	v26 =	vld.idx.msk [tilespmem:v26+s4+$0x0], $0xffff;
	v33 =	vsub.f32 v62, v42;
	(erf) = vrcp.f32 v61  }
0x546: {  	v21 =	vld.idx.msk [tilespmem:v21+s4+$0x0], $0xffff;
	v11 =	vsub.f32 v11, v34;
	v5 =	vsub.f32 v5, v34;
	(erf) = vrcp.f32 v32  }
0x547: {  	v37 =	vld.idx.msk [tilespmem:v37+s4+$0x0], $0xffff;
	v22 =	vsub.f32 v22, v20;
	v49 =	vsub.f32 v63, v6;
	(erf) = vrcp.f32 v33  }
0x548: {  	v55 =	vsub.f32 v9, v39;
	v57 =	vsub.f32 v10, v41;
	(erf) = vrcp.f32 v5;
	v51 =	vpop (erf)  }
0x549: {  	v19 =	vld.idx.msk [tilespmem:v19+s4+$0x0], $0xffff;
	v46 =	vsub.f32 v28, v16;
	v14 =	vsub.f32 v14, v40;
	v28 =	vmul.f32 v49, v51  }
0x54a: {  	v43 =	vld.idx.msk [tilespmem:v43+s4+$0x0], $0xffff;
	v7 =	vsub.f32 v7, v42;
	v44 =	vsub.f32 v26, v18  }
0x54b: {  	v47 =	vsub.f32 v29, v17;
	v45 =	vsub.f32 v27, v21;
	v53 =	vpop (erf);
	v14 =	vmul.f32 v28, v14  }
0x54c: {  	v48 =	vsub.f32 v37, v15;
	v50 =	vsub.f32 v13, v35;
	v25 =	vmul.f32 v44, v53;
	v56 =	vpop (erf)  }
0x54d: {  	v52 =	vsub.f32 v12, v36;
	v23 =	vmul.f32 v45, v56;
	v58 =	vpop (erf);
	v6 =	vadd.f32 v14, v6  }
0x54e: {  	v54 =	vsub.f32 v8, v38;
	v13 =	vmul.f32 v25, v50;
	v59 =	vmul.f32 v46, v58;
	v60 =	vpop (erf)  }
0x54f: {  	v5 =	vsub.f32 v43, v19;
	v12 =	vmul.f32 v23, v52;
	v61 =	vmul.f32 v47, v60;
	v62 =	vpop (erf)  }
0x550: {  	s18 =	sadd.s32 $0x80, s18;
	v13 =	vadd.f32 v13, v18;
	v8 =	vmul.f32 v59, v54;
	v14 =	vmul.f32 v48, v62;
	v63 =	vpop (erf)  }
0x551: {  	v12 =	vadd.f32 v12, v21;
	v9 =	vmul.f32 v61, v55;
	v5 =	vmul.f32 v5, v63;
	[tilespmem:s18+$0x30] =	vst v6;
	v6 =	vpop (erf)  }
0x552: {  	[tilespmem:s18+$0xFFFFFFD0] =	vst v13;
	v8 =	vadd.f32 v8, v16;
	v10 =	vmul.f32 v14, v57;
	v6 =	vmul.f32 v22, v6  }
0x553: {  	[tilespmem:s18+$0xFFFFFFE0] =	vst v12;
	v9 =	vadd.f32 v9, v17;
	v5 =	vmul.f32 v5, v7  }
0x554: {  	[tilespmem:s18+$0xFFFFFFF0] =	vst v8;
	v7 =	vadd.f32 v10, v15;
	v6 =	vmul.f32 v6, v11  }
0x555: {  	[tilespmem:s18+$0x0] =	vst v9;
	v5 =	vadd.f32 v5, v19  }
0x556: {  	s17 =	sadd.s32 $0x1, s17;
	[tilespmem:s18+$0x10] =	vst v7;
	v6 =	vadd.f32 v6, v20  }
0x557: {  	p0 =	sne.s32 s17, s14;
	[tilespmem:s18+$0x20] =	vst v5  }
.Ltmp4:
0x558: {  	[tilespmem:s18+$0xFFFFFFC0] =	vst v6;
	(pc) =	sbr.rel @p0 .LBB2_1-.Ltmp4, $4  }
0x559: {  	[hbm4b:s11+s4] =	stream.linear.scatter [tilespmem:s13], [sflag:$0x1], $0x8000, $0x38;
	[tilespmem:$0x10700] =	vst v63  }
0x55a: {  	_ =	swait.ge [sflag:s15], $0x8000  }
0x55b: {  	[sflag:s15] =	ssyncset.done $0x0  }
0x55c: {  	[sflag:s15] =	ssyncadd.s32 $0xFFFF8000  }
0x55d: {  	_ =	sfence.sel $0x180000  }
0x55e: {  	[bflag:$0x0] =	sbarrier.arrive $0xFFFF  }
0x55f: {  	p0 =	sne.s32 s0, $0x0;
	_ =	strace $0x90000047  }
0x560: {  	s0 =	sadd.s32 @!p0 $0x100000, s3;
	[bflag:$0x2] =	sbarrier.arrive $0xFFFF  }
0x561: {  	[sflag:s0] =	ssyncadd.tile.s32 @!p0 $0x1;
	_ =	shalt  }
.Lfunc_end2:
_tile_overlayer_lowered:
.L_overlay_start_2:
0x562: {  	(tag) =	ssettag $0x2  }
0x563: {  	s0 =	rddreg [dreg:$0x0];
	s2 =	stileid.u32  }
0x564: {  	s1 =	rddreg [dreg:$0x1];
	p0 =	sne.s32 s2, $0x0  }
0x565: {  	s3 =	rddreg [dreg:$0x2];
	[bflag:$0x3] =	sbarrier.arrive $0xFFFF;
	s2 =	simm.s32 @!p0 $0x1C01  }
0x566: {  	[timem:s3], [sflag:s2] =	dma.local @!p0 [hbm:s0], s1  }
0x567: {  	s0 =	simm.s32 @!p0 $0x1  }
0x568: {  	_ =	swait.ge @!p0 [sflag:s0], s1  }
0x569: {  	s1 =	ssub.s32 @!p0 $0x0, s1;
	[sflag:s0] =	ssyncset.done @!p0 $0x0  }
0x56a: {  	[sflag:s0] =	ssyncadd.s32 @!p0 s1  }
0x56b: {  	[bflag:$0x3] =	sbarrier.arrive $0xFFFF  }
0x56c: {  	_ =	shalt  }

// kernel: kernel.9.cloned.1.call-start
scs
__scs_entry_jumppad:
0x0: {  	(pc) =	sbr.rel $0x88, $3  }
0x1: {  	(tag) =	ssettag $0x0;
	lr =	simm.s32 $0x1  }
0x2: {  	[smem:$0x3F9B] =	sst lr;
	_ =	strace $0xD0000000  }
0x3: {  	_ = 	snop  }
0x4: {  	_ = 	snop  }
0x5: {  	_ = 	snop  }
0x6: {  	_ = 	snop  }
0x7: {  	_ = 	snop  }
__scs_overlays_trampoline_lowered:
0x8: {  	[smem:$0x3FAA] =	sst s0  }
0x9: {  	[smem:$0x3FAB] =	sst s1  }
0xa: {  	[smem:$0x3FAC] =	sst s2  }
0xb: {  	[smem:$0x3FAD] =	sst s3  }
0xc: {  	[smem:$0x3FAE] =	sst s4  }
0xd: {  	[smem:$0x3FAF] =	sst s5  }
0xe: {  	[smem:$0x3FB0] =	sst s6  }
0xf: {  	[smem:$0x3FB1] =	sst s7  }
0x10: {  	[smem:$0x3FB2] =	sst s8  }
0x11: {  	[smem:$0x3FB3] =	sst s9;
	s0 =	simm.s32 @!p0 $0x0  }
0x12: {  	s1 =	sld [smem:$0x3F99];
	s0 =	simm.s32 @p0 $0x1  }
0x13: {  	[smem:$0x3FB4] =	sst s0;
	s0 =	simm.s32 @!p1 $0x0  }
0x14: {  	s2 =	sld [smem:$0x3F98];
	s0 =	simm.s32 @p1 $0x1  }
0x15: {  	[smem:$0x3FB5] =	sst s0;
	s0 =	simm.s32 @!p2 $0x0  }
0x16: {  	s3 =	sld [smem:$0x3FDB];
	s0 =	simm.s32 @p2 $0x1  }
0x17: {  	s4 =	simm.s32 $0x1BF5;
	[smem:$0x3FB7] =	sst s0  }
0x18: {  	s0 =	sld [smem:$0x3F9A];
	_ =	swait.ge [sflag:s4], $0x0  }
0x19: {  	s7 =	sld [smem:$0x3F9B]  }
0x1a: {  	s8 =	sadd.s32 $0xFFFFE003, lr  }
0x1b: {  	s9 =	sadd.s32 $0xFFFFFEF7, lr;
	s5 =	simm.s32 $0xFFFFFFFF;
	p2 =	slt.u32 s8, $0xFFFFF086  }
0x1c: {  	p1 =	slt.u32 s9, $0xF7A;
	s5 =	simm.s32 @!p2 $0x0  }
0x1d: {  	s5 =	simm.s32 @p1 $0x1;
	p0 =	seq.s32 s7, s2  }
0x1e: {  	s7 =	smul.u32 @!p0 $0xF7A, s2;
	p2 =	seq.s32 @!p0 s5, $0x0  }
0x1f: {  	s9 =	smul.u32 $0xF7A, s1;
	s8 =	simm.s32 @!p0 $0x1BF5;
	p2 =	por !p2, p0  }
0x20: {  	[sflag:s8] =	ssyncset.s32 @!p0 $0xFFFFF086;
	s6 =	sadd.s32 @!p0 s3, s7;
	s7 =	simm.s32 @!p0 $0x108  }
0x21: {  	s3 =	sadd.s32 s3, s9;
	s6 =	sadd.s32 @!p0 $0x88, s6;
	s7 =	simm.s32 @p2 $0x1082  }
0x22: {  	[simem:s7], [sflag:s8] =	dma.local @!p0 [hbm:s6], $0xF7A  }
0x23: {  	s9 =	sor.u32 $0xD0000000, s2;
	s6 =	simm.s32 $0x108;
	_ =	swait.ge @!p0 [sflag:s8], $0x0  }
0x24: {  	s3 =	sadd.s32 $0x88, s3;
	s6 =	simm.s32 @!p1 $0x1082;
	[sflag:s4] =	ssyncset.s32 $0xFFFFF086  }
0x25: {  	[simem:s6], [sflag:s4] =	dma.local [hbm:s3], $0xF7A  }
0x26: {  	[smem:$0x3F9B] =	sst s1;
	(tag) =	ssettag s2;
	_ =	strace s9  }
0x27: {  	s1 =	sld [smem:$0x3FAB]  }
0x28: {  	s2 =	sld [smem:$0x3FAC]  }
0x29: {  	s4 =	sld [smem:$0x3FAE]  }
0x2a: {  	p0 =	seq.s32 s5, $0x0;
	s5 =	sld [smem:$0x3FAF]  }
0x2b: {  	s6 =	sld [smem:$0x3FB0]  }
0x2c: {  	s7 =	sld [smem:$0x3FB1]  }
0x2d: {  	s3 =	simm.s32 $0x108;
	s8 =	sld [smem:$0x3FB2]  }
0x2e: {  	s3 =	simm.s32 @!p0 $0x1082;
	s9 =	sld [smem:$0x3FB3]  }
0x2f: {  	lr =	sadd.s32 s0, s3;
	s0 =	sld [smem:$0x3FAA]  }
0x30: {  	s3 =	sld [smem:$0x3FAD]  }
0x31: {  	[smem:$0x3FB6] =	sst s10  }
0x32: {  	s10 =	sld [smem:$0x3FB4];
	_ =	sdelay $0x3  }
0x33: {  	p0 =	seq.s32 s10, $0x1;
	s10 =	sld [smem:$0x3FB6];
	_ =	sdelay $0x3  }
0x34: {  	[smem:$0x3FB6] =	sst s10  }
0x35: {  	s10 =	sld [smem:$0x3FB5];
	_ =	sdelay $0x3  }
0x36: {  	p1 =	seq.s32 s10, $0x1;
	s10 =	sld [smem:$0x3FB6];
	_ =	sdelay $0x3  }
0x37: {  	[smem:$0x3FB6] =	sst s10  }
0x38: {  	s10 =	sld [smem:$0x3FB7]  }
0x39: {  	_ = 	snop;
	(pc) =	sbr.ind lr, $3  }
0x3a: {  	_ = 	snop  }
0x3b: {  	_ = 	snop  }
0x3c: {  	p2 =	seq.s32 s10, $0x1;
	s10 =	sld [smem:$0x3FB6]  }
0x3d: {  	_ =	shalt  }
0x3e: {  	_ =	shalt  }
0x3f: {  	_ =	shalt  }
0x40: {  	_ =	shalt  }
0x41: {  	_ =	shalt  }
0x42: {  	_ =	shalt  }
0x43: {  	_ =	shalt  }
0x44: {  	_ =	shalt  }
0x45: {  	_ =	shalt  }
0x46: {  	_ =	shalt  }
0x47: {  	_ =	shalt  }
0x48: {  	_ =	shalt  }
0x49: {  	_ =	shalt  }
0x4a: {  	_ =	shalt  }
0x4b: {  	_ =	shalt  }
0x4c: {  	_ =	shalt  }
0x4d: {  	_ =	shalt  }
0x4e: {  	_ =	shalt  }
0x4f: {  	_ =	shalt  }
0x50: {  	_ =	shalt  }
0x51: {  	_ =	shalt  }
0x52: {  	_ =	shalt  }
0x53: {  	_ =	shalt  }
0x54: {  	_ =	shalt  }
0x55: {  	_ =	shalt  }
0x56: {  	_ =	shalt  }
0x57: {  	_ =	shalt  }
0x58: {  	_ =	shalt  }
0x59: {  	_ =	shalt  }
0x5a: {  	_ =	shalt  }
0x5b: {  	_ =	shalt  }
0x5c: {  	_ =	shalt  }
0x5d: {  	_ =	shalt  }
0x5e: {  	_ =	shalt  }
0x5f: {  	_ =	shalt  }
0x60: {  	_ =	shalt  }
0x61: {  	_ =	shalt  }
0x62: {  	_ =	shalt  }
0x63: {  	_ =	shalt  }
0x64: {  	_ =	shalt  }
0x65: {  	_ =	shalt  }
0x66: {  	_ =	shalt  }
0x67: {  	_ =	shalt  }
0x68: {  	_ =	shalt  }
0x69: {  	_ =	shalt  }
0x6a: {  	_ =	shalt  }
0x6b: {  	_ =	shalt  }
0x6c: {  	_ =	shalt  }
0x6d: {  	_ =	shalt  }
0x6e: {  	_ =	shalt  }
0x6f: {  	_ =	shalt  }
0x70: {  	_ =	shalt  }
0x71: {  	_ =	shalt  }
0x72: {  	_ =	shalt  }
0x73: {  	_ =	shalt  }
0x74: {  	_ =	shalt  }
0x75: {  	_ =	shalt  }
0x76: {  	_ =	shalt  }
0x77: {  	_ =	shalt  }
0x78: {  	_ =	shalt  }
0x79: {  	_ =	shalt  }
0x7a: {  	_ =	shalt  }
0x7b: {  	_ =	shalt  }
0x7c: {  	_ =	shalt  }
0x7d: {  	_ =	shalt  }
0x7e: {  	_ =	shalt  }
0x7f: {  	_ =	shalt  }
0x80: {  	_ =	shalt  }
0x81: {  	_ =	shalt  }
0x82: {  	_ =	shalt  }
0x83: {  	_ =	shalt  }
0x84: {  	_ =	shalt  }
0x85: {  	_ =	shalt  }
0x86: {  	_ =	shalt  }
0x87: {  	_ =	shalt  }
.Lfunc_end0:
.L_simem_size_0:
called_computation.1_lowered:
.L_overlay_start_0:
0x88: {  	s2 =	sld [smem:$0x3FD9]  }
0x89: {  	s3 =	sld [smem:$0x3FFE];
	_ =	sdelay $0x1  }
0x8a: {  	s1 =	srdreg.scid  }
0x8b: {  	s0 =	sand.u32 $0x1, s1  }
0x8c: {  	s16 =	sshll.u32 s0, $0xA;
	s2 =	sadd.s32 s3, s2  }
0x8d: {  	s2 =	sadd.s32 s2, s16  }
0x8e: {  	[smem:$0x3FC2] =	sst s2  }
0x8f: {  	_ = 	snop  }
0x90: {  	(tm) =	ssettm $0x1  }
0x91: {  	s17 =	sld [smem:$0x3FFB];
	_ =	sdelay $0x3  }
0x92: {  	_ =	strace s17  }
0x93: {  	s2 =	sld [smem:$0x3FFC];
	_ =	sdelay $0x3  }
0x94: {  	_ =	strace s2  }
0x95: {  	s2 =	sld [smem:$0x3FFD];
	_ =	sdelay $0x3  }
0x96: {  	_ =	strace s2  }
0x97: {  	_ =	strace $0x8FFFFFFF  }
0x98: {  	s18 =	sld [smem:$0x3FDB];
	_ =	sdelay $0x1  }
0x99: {  	s19 =	simm.s32 $_scs_section_size  }
0x9a: {  	s4 =	simm.s32 $_size__tile_overlayer_lowered;
	s5 =	simm.s32 $_tile_overlayer_lowered  }
0x9b: {  	s22 =	simm.s32 $0x1BFF;
	s21 =	sshll.u32 s5, $0x1;
	s2 =	sadd.s32 s19, s18  }
0x9c: {  	s6 =	simm.s32 $0x0;
	s20 =	sshll.u32 s4, $0x1;
	s4 =	sadd.s32 s21, s2  }
0x9d: {  	[timem:s6], [sflag:s22] =	dma.local [hbm:s4], s20  }
0x9e: {  	_ =	swait.ge [sflag:s22], s20  }
0x9f: {  	s3 =	ssub.s32 $0x0, s20;
	[sflag:s22] =	ssyncset.done $0x0  }
0xa0: {  	[sflag:s22] =	ssyncadd.s32 s3;
	_ =	sdelay $0x1  }
0xa1: {  	s23 =	simm.s32 $0x1B8B  }
0xa2: {  	_ =	swait.ge [sflag:s23], $0x1  }
0xa3: {  	[sflag:s23] =	ssyncset.done $0x0  }
0xa4: {  	s25 =	simm.s32 $0x1B8E;
	s24 =	sld [smem:$0x3FFE];
	[sflag:s23] =	ssyncadd.s32 $0xFFFFFFFF  }
0xa5: {  	s26 =	simm.s32 $execute0_lowered;
	[smem:$0x3FD2] =	sst s25  }
0xa6: {  	s4 =	sshll.u32 s26, $0x1;
	_ =	strace $0x80000049;
	[dreg:$0x1] =	wrdreg $0xFFFFFFFF  }
0xa7: {  	s28 =	simm.s32 $_size_execute0_lowered;
	s2 =	sadd.s32 s2, s4;
	[dreg:$0x0] =	wrdreg $0x0  }
0xa8: {  	s4 =	sshll.u32 s28, $0x1;
	[dreg:$0x2] =	wrdreg s2  }
0xa9: {  	[dreg:$0x3] =	wrdreg s4  }
0xaa: {  	[dreg:$0x4] =	wrdreg $0xC0  }
0xab: {  	_ =	task [dreg:s6], $0x5FFFF  }
0xac: {  	[dreg:$0x1] =	wrdreg $0xFFFFFFFF  }
0xad: {  	[dreg:$0x0] =	wrdreg $0x60  }
0xae: {  	[dreg:$0x2] =	wrdreg s24  }
0xaf: {  	[dreg:$0x3] =	wrdreg $0x9  }
0xb0: {  	_ =	task.clear_ibuf [dreg:s6], $0x4FFFF;
	_ =	strace $0x90000049  }
0xb1: {  	s29 =	simm.s32 $0x9;
	_ =	strace $0x8000004B  }
0xb2: {  	_ =	swait.ge [sflag:s29], $0x1  }
0xb3: {  	[sflag:s29] =	ssyncadd.s32 $0xFFFFFFFF  }
0xb4: {  	_ =	strace $0x9000004B  }
0xb5: {  	_ =	sfence  }
0xb6: {  	s30 =	sld [smem:$0x0];
	_ =	sdelay $0x2  }
0xb7: {  	s31 =	sshll.u32 s1, $0xD;
	s1 =	sshrl.u32 s1, $0x2  }
0xb8: {  	s3 =	sand.u32 $0x4000, s31;
	s1 =	sadd.s32 s1, s30  }
0xb9: {  	s0 =	sor.u32 s3, s0;
	s1 =	sshll.u32 s1, $0x11  }
0xba: {  	s0 =	sor.u32 s1, s0  }
0xbb: {  	s0 =	sadd.s32 $0x8F2B, s0  }
0xbc: {  	[sflag:s0] =	ssyncadd.remote.s32 $0x1  }
0xbd: {  	_ =	sfence.sel $0xFFFF  }
0xbe: {  	[dreg:$0x0] =	wrdreg $0xFFFFFFFF;
	(pc) =	sbr.abs _section_cstart, $3  }
0xbf: {  	[dreg:$0x1] =	wrdreg $0xFFFFFFFF  }
0xc0: {  	_ =	task.clear_ibuf [dreg:s6], $0x2FFFF;
	_ =	strace $0x9FFFFFFF  }
0xc1: {  	(tm) =	ssettm $0x7FFFFFFF  }
tec
execute0_lowered:
.L_overlay_start_1:
0x0: {  	(tag) =	ssettag $0x1  }
0x1: {  	s3 =	rddreg [dreg:$0x0]  }
0x2: {  	s0 =	rddreg [dreg:$0x1]  }
0x3: {  	s4 =	srdreg.scid;
	s1 =	stileid.u32;
	s2 =	simm.s32 $0x0  }
0x4: {  	s12 =	simm.s32 $0x1;
	s13 =	simm.s32 $0xA000;
	s14 =	simm.s32 $0xA080  }
0x5: {  	s4 =	sand.u32 $0x1, s4;
	s5 =	sshll.u32 s1, $0x1;
	[smem:$0x7FF] =	sst s2  }
0x6: {  	s15 =	simm.s32 $0x0;
	s5 =	sor.u32 s4, s5;
	_ =	strace $0x8000004A  }
0x7: {  	s30 =	ssub.s32 $0x2, s4;
	s6 =	sshll.u32 s5, $0xE;
	s29 =	sshll.u32 s5, $0x9  }
0x8: {  	s5 =	sshll.u32 s5, $0x1;
	s8 =	sadd.s32 s6, s3;
	s7 =	sadd.s32 s29, s3  }
0x9: {  	s10 =	sadd.s32 s5, s3;
	s3 =	sadd.s32 $0x106C00, s7;
	s4 =	sadd.s32 $0x10AC0F, s8  }
0xa: {  	s31 =	sshrl.u32 s30, $0x1;
	s5 =	sadd.s32 $0x10BC07, s8;
	s6 =	sadd.s32 $0x10CBFF, s8  }
0xb: {  	s11 =	ssub.s32 s30, s31;
	s7 =	sadd.s32 $0x102C00, s7;
	s8 =	sadd.s32 $0x10DBF7, s8  }
0xc: {  	v0 =	vlaneseq.u32;
	s9 =	sadd.s32 $0x2C00, s10;
	s10 =	sadd.s32 $0x2E00, s10;
	s11 =	smax.u32 s11, $0x1  }
.LBB2_1:
0xd: {  	v1 =	vor.u32 s2, v0  }
0xe: {  	v1 =	vcvt.s32.f32 v1;
	_ =	sdelay $0x1  }
0xf: {  	v1 =	vmul.f32 $2.436523440e-01, v1;
	_ =	sdelay $0x1  }
0x10: {  	v6 =	vadd.f32 $5.001000000e+03, v1;
	_ =	sdelay $0x1  }
0x11: {  	v1 =	vadd.f32 $-5.000000000e+03, v6;
	_ =	sdelay $0x1  }
0x12: {  	v1 =	vmul.f32 $1.310720060e+02, v1;
	_ =	sdelay $0x1  }
0x13: {  	v1 =	vadd.f32 $4.096000000e+03, v1;
	_ =	sdelay $0x1  }
0x14: {  	v1 =	vtrunc.f32 v1  }
0x15: {  	s16 =	simm.s32 $0x10;
	v1 =	vcvt.f32.s32 v1  }
0x16: {  	v2 =	vor.u32 s16, v0  }
0x17: {  	v2 =	vcvt.s32.f32 v2;
	v3 =	vadd.s32 $0xFFFFF000, v1  }
0x18: {  	v4 =	vcvt.s32.f32 v3  }
0x19: {  	v2 =	vmul.f32 $2.436523440e-01, v2  }
0x1a: {  	v4 =	vmul.f32 $7.629394530e-03, v4  }
0x1b: {  	v10 =	vadd.f32 $5.001000000e+03, v2  }
0x1c: {  	v2 =	vadd.f32 $7.629394530e-03, v4  }
0x1d: {  	s17 =	simm.s32 $0x8000;
	v5 =	vadd.f32 $-5.000000000e+03, v10;
	v4 =	vadd.f32 $5.000000000e+03, v4  }
0x1e: {  	[tilespmem:s17], [sflag:$0x1] =	stream.linear.gather [hbm4b:s7+s2], $0x1000, $0x38;
	v2 =	vadd.f32 $5.000000000e+03, v2;
	[tilespmem:$0xA100] =	vst v63  }
0x1f: {  	_ =	swait.ge [sflag:s12], $0x1000;
	v7 =	vadd.s32 $0xFFFFEFFF, v1;
	vm0 =	vlt.f32 v4, v6;
	v4 =	vmul.f32 $1.310720060e+02, v5  }
0x20: {  	[sflag:s12] =	ssyncset.done $0x0;
	v1 =	vadd.s32 $0xFFFFF001, v1;
	v3 =	vsel vm0, v3, v7;
	vm11 =	vlt.f32 v2, v6  }
0x21: {  	s16 =	simm.s32 $0x9000;
	[sflag:s12] =	ssyncadd.s32 $0xFFFFF000;
	v2 =	vadd.f32 $4.096000000e+03, v4;
	v1 =	vsel vm11, v1, v3  }
0x22: {  	[tilespmem:s16], [sflag:$0x1] =	stream.linear.gather [hbm4b:s3+s2], $0x1000, $0x38;
	vm0 =	vgt.s32 v1, $0x0;
	[tilespmem:$0xA100] =	vst v63  }
0x23: {  	_ =	swait.ge [sflag:s12], $0x1000;
	v2 =	vtrunc.f32 v2;
	v1 =	vnsel vm0, $0x0, v1  }
0x24: {  	s26 =	simm.s32 $0x20;
	[sflag:s12] =	ssyncset.done $0x0;
	v7 =	vcvt.f32.s32 v2;
	v1 =	vmin.u32 v1, $0x1FFFE  }
0x25: {  	[sflag:s12] =	ssyncadd.s32 $0xFFFFF000;
	v2 =	vor.u32 s26, v0;
	v4 =	vcvt.s32.f32 v1  }
0x26: {  	[tilespmem:s2], [sflag:$0x1] =	stream.linear.gather [hbm4b:s4+s2], $0x8000, $0x38;
	v2 =	vcvt.s32.f32 v2;
	v9 =	vadd.s32 $0xFFFFF000, v7;
	[tilespmem:$0xA100] =	vst v63  }
0x27: {  	_ =	swait.ge [sflag:s12], $0x8000;
	v5 =	vcvt.s32.f32 v9;
	v8 =	vmul.f32 $7.629394530e-03, v4  }
0x28: {  	[sflag:s12] =	ssyncset.done $0x0;
	v2 =	vmul.f32 $2.436523440e-01, v2  }
0x29: {  	[sflag:s12] =	ssyncadd.s32 $0xFFFF8000;
	v5 =	vmul.f32 $7.629394530e-03, v5;
	v12 =	vadd.f32 $5.000000000e+03, v8  }
0x2a: {  	v3 =	vld [tilespmem:s17+$0x0];
	v1 =	vmax.u32 v1, $0x78;
	v13 =	vadd.f32 $7.629394530e-03, v8;
	v8 =	vadd.f32 $5.001000000e+03, v2  }
0x2b: {  	s28 =	simm.s32 $0x8010;
	v1 =	vmin.u32 v1, $0x8076;
	v4 =	vimm.f32 $0.0e+00;
	v14 =	vadd.f32 $5.000000000e+03, v5  }
0x2c: {  	v15 =	vadd.s32 $0xFFFFFF88, v1;
	v2 =	vadd.f32 $7.629394530e-03, v5;
	v5 =	vld [tilespmem:s28+$0x0];
	v16 =	vadd.f32 $-5.000000000e+03, v8  }
0x2d: {  	s29 =	simm.s32 $0x8020;
	v17 =	vadd.s32 $0xFFFFFF89, v1;
	v1 =	vadd.s32 $0xFFFFEFFF, v7;
	v13 =	vadd.f32 $5.000000000e+03, v13  }
0x2e: {  	v18 =	vadd.f32 $5.000000000e+03, v2;
	v2 =	vld [tilespmem:s29+$0x0];
	vm12 =	vlt.f32 v14, v10;
	v14 =	vmul.f32 $1.310720060e+02, v16  }
0x2f: {  	s30 =	simm.s32 $0x8030;
	v7 =	vadd.s32 $0xFFFFF001, v7;
	v11 =	vadd.f32 v3, v4;
	v13 =	vsub.f32 v13, v12  }
0x30: {  	v9 =	vsel vm12, v9, v1;
	v1 =	vld [tilespmem:s30+$0x0];
	vm13 =	vlt.f32 v18, v10;
	v14 =	vadd.f32 $4.096000000e+03, v14  }
0x31: {  	v7 =	vsel vm13, v7, v9;
	(erf) = vrcp.f32 v13;
	v9 =	vadd.f32 v5, v11  }
0x32: {  	vm0 =	vgt.s32 v7, $0x0  }
0x33: {  	v11 =	vld.idx.msk [tilespmem:v15+s2+$0x0], $0xffff;
	v14 =	vtrunc.f32 v14;
	v7 =	vnsel vm0, $0x0, v7;
	v9 =	vadd.f32 v2, v9  }
0x34: {  	s31 =	simm.s32 $0x30;
	v6 =	vsub.f32 v6, v12;
	v13 =	vld.idx.msk [tilespmem:v17+s2+$0x0], $0xffff;
	v14 =	vcvt.f32.s32 v14;
	v7 =	vmin.u32 v7, $0x1FFFE  }
0x35: {  	v12 =	vor.u32 s31, v0;
	v15 =	vcvt.s32.f32 v7;
	v16 =	vadd.f32 v1, v9  }
0x36: {  	v9 =	vcvt.s32.f32 v12;
	v7 =	vmax.u32 v7, $0x78;
	v12 =	vadd.s32 $0xFFFFF000, v14  }
0x37: {  	v7 =	vmin.u32 v7, $0x8076;
	v17 =	vcvt.s32.f32 v12  }
0x38: {  	v15 =	vmul.f32 $7.629394530e-03, v15;
	v9 =	vmul.f32 $2.436523440e-01, v9  }
0x39: {  	v13 =	vsub.f32 v13, v11;
	v18 =	vadd.s32 $0xFFFFFF88, v7;
	v17 =	vmul.f32 $7.629394530e-03, v17  }
0x3a: {  	v20 =	vadd.s32 $0xFFFFFF89, v7;
	v19 =	vadd.f32 $5.000000000e+03, v15;
	v9 =	vadd.f32 $5.001000000e+03, v9;
	v7 =	vpop (erf)  }
0x3b: {  	v21 =	vadd.f32 $5.000000000e+03, v17;
	v17 =	vadd.f32 $7.629394530e-03, v17;
	v13 =	vmul.f32 v13, v7  }
0x3c: {  	v22 =	vld [tilespmem:s16+$0x0];
	s17 =	simm.s32 $0x8040;
	v24 =	vadd.s32 $0xFFFFEFFF, v14;
	v15 =	vadd.f32 $7.629394530e-03, v15;
	v23 =	vadd.f32 $-5.000000000e+03, v9  }
0x3d: {  	v14 =	vadd.s32 $0xFFFFF001, v14;
	v7 =	vld [tilespmem:s17+$0x0];
	v17 =	vadd.f32 $5.000000000e+03, v17;
	v6 =	vmul.f32 v13, v6  }
0x3e: {  	v15 =	vadd.f32 $5.000000000e+03, v15;
	vm14 =	vlt.f32 v21, v8;
	v13 =	vmul.f32 $1.310720060e+02, v23  }
0x3f: {  	v12 =	vsel vm14, v12, v24;
	vm15 =	vlt.f32 v17, v8;
	v6 =	vadd.f32 v6, v11  }
0x40: {  	v15 =	vsub.f32 v15, v19;
	v13 =	vadd.f32 $4.096000000e+03, v13;
	v12 =	vsel vm15, v14, v12  }
0x41: {  	v11 =	vsub.f32 v10, v19;
	vm0 =	vgt.s32 v12, $0x0;
	v10 =	vsub.f32 v6, v22  }
0x42: {  	(erf) = vrcp.f32 v15;
	v6 =	vadd.f32 v7, v16;
	v16 =	vld.idx.msk [tilespmem:v20+s2+$0x0], $0xffff;
	v12 =	vnsel vm0, $0x0, v12  }
0x43: {  	s18 =	simm.s32 $0x40;
	v13 =	vtrunc.f32 v13;
	v14 =	vmin.u32 v12, $0x1FFFE;
	v12 =	vmul.f32 v10, v10;
	v10 =	vld.idx.msk [tilespmem:v18+s2+$0x0], $0xffff  }
0x44: {  	v15 =	vor.u32 s18, v0;
	v13 =	vcvt.f32.s32 v13  }
0x45: {  	v18 =	vcvt.s32.f32 v15;
	v19 =	vmax.u32 v14, $0x78  }
0x46: {  	s18 =	simm.s32 $0x50;
	v17 =	vcvt.s32.f32 v14;
	v14 =	vadd.s32 $0xFFFFF000, v13;
	v15 =	vmin.u32 v19, $0x8076  }
.LBB2_2:
0x47: {  	p0 =	sne.s32 s18, $0x3F0  }
0x48: {  	v19 =	vcvt.s32.f32 v14;
	v17 =	vmul.f32 $7.629394530e-03, v17;
	v16 =	vsub.f32 v16, v10;
	s16 =	sadd.s32 $0x10, s16;
	s19 =	smov.u32 s18;
	s18 =	sadd.s32 $0x10, s18  }
0x49: {  	v20 =	vadd.s32 $0xFFFFFF88, v15;
	v12 =	vmul.f32 v12, v3;
	v3 =	vmovc v5;
	v5 =	vmovc v2;
	v18 =	vmul.f32 $2.436523440e-01, v18  }
0x4a: {  	v2 =	vmovc v1;
	v1 =	vmovc v7;
	v19 =	vmul.f32 $7.629394530e-03, v19;
	v21 =	vadd.f32 $5.000000000e+03, v17;
	v17 =	vadd.f32 $7.629394530e-03, v17  }
0x4b: {  	v15 =	vadd.s32 $0xFFFFFF89, v15;
	v4 =	vadd.f32 v12, v4;
	v18 =	vadd.f32 $5.001000000e+03, v18;
	v7 =	vpop (erf)  }
0x4c: {  	v12 =	vadd.f32 $5.000000000e+03, v19;
	v19 =	vadd.f32 $7.629394530e-03, v19;
	v16 =	vmul.f32 v16, v7;
	v22 =	vld [tilespmem:s16+$0x0]  }
0x4d: {  	s17 =	sadd.s32 $0x10, s17;
	v24 =	vadd.s32 $0xFFFFEFFF, v13;
	v17 =	vadd.f32 $5.000000000e+03, v17;
	v23 =	vadd.f32 $-5.000000000e+03, v18  }
0x4e: {  	v7 =	vld [tilespmem:s17+$0x0];
	v19 =	vadd.f32 $5.000000000e+03, v19;
	vm0 =	vlt.f32 v12, v9;
	v11 =	vmul.f32 v16, v11  }
0x4f: {  	v17 =	vsub.f32 v17, v21;
	v12 =	vmul.f32 $1.310720060e+02, v23;
	v14 =	vsel vm0, v14, v24  }
0x50: {  	v13 =	vadd.s32 $0xFFFFF001, v13;
	vm0 =	vlt.f32 v19, v9;
	v19 =	vadd.f32 v11, v10;
	v10 =	vld.idx.msk [tilespmem:v20+s2+$0x0], $0xffff  }
0x51: {  	v12 =	vadd.f32 $4.096000000e+03, v12;
	v13 =	vsel vm0, v13, v14;
	v16 =	vld.idx.msk [tilespmem:v15+s2+$0x0], $0xffff;
	(erf) = vrcp.f32 v17  }
.Ltmp0:
0x52: {  	v11 =	vsub.f32 v8, v21;
	v8 =	vmovc v9;
	v9 =	vmovc v18;
	vm0 =	vgt.s32 v13, $0x0;
	v14 =	vsub.f32 v19, v22;
	(pc) =	sbr.rel @p0 .LBB2_2-.Ltmp0, $4  }
0x53: {  	v6 =	vadd.f32 v7, v6;
	v12 =	vtrunc.f32 v12;
	v15 =	vnsel vm0, $0x0, v13  }
0x54: {  	v13 =	vcvt.f32.s32 v12;
	v15 =	vmin.u32 v15, $0x1FFFE;
	v12 =	vmul.f32 v14, v14  }
0x55: {  	v14 =	vor.u32 s19, v0;
	v19 =	vmax.u32 v15, $0x78;
	v17 =	vcvt.s32.f32 v15  }
0x56: {  	v18 =	vcvt.s32.f32 v14;
	v14 =	vadd.s32 $0xFFFFF000, v13;
	v15 =	vmin.u32 v19, $0x8076  }
0x57: {  	_ = 	snop  }
0x58: {  	v18 =	vmul.f32 $2.436523440e-01, v18;
	_ =	sdelay $0x1  }
0x59: {  	v18 =	vadd.f32 $5.001000000e+03, v18;
	_ =	sdelay $0x1  }
0x5a: {  	v19 =	vadd.f32 $-5.000000000e+03, v18;
	_ =	sdelay $0x1  }
0x5b: {  	v19 =	vmul.f32 $1.310720060e+02, v19;
	_ =	sdelay $0x1  }
0x5c: {  	v20 =	vcvt.s32.f32 v14;
	v19 =	vadd.f32 $4.096000000e+03, v19;
	_ =	sdelay $0x1  }
0x5d: {  	v20 =	vmul.f32 $7.629394530e-03, v20;
	v19 =	vtrunc.f32 v19  }
0x5e: {  	v19 =	vcvt.f32.s32 v19  }
0x5f: {  	v22 =	vadd.f32 $5.000000000e+03, v20;
	v20 =	vadd.f32 $7.629394530e-03, v20  }
0x60: {  	v17 =	vmul.f32 $7.629394530e-03, v17;
	v21 =	vadd.s32 $0xFFFFF000, v19  }
0x61: {  	v16 =	vsub.f32 v16, v10;
	v20 =	vadd.f32 $5.000000000e+03, v20;
	v23 =	vcvt.s32.f32 v21  }
0x62: {  	v24 =	vadd.s32 $0xFFFFEFFF, v13;
	v13 =	vadd.s32 $0xFFFFF001, v13;
	vm0 =	vlt.f32 v22, v9  }
0x63: {  	v14 =	vsel vm0, v14, v24;
	vm7 =	vlt.f32 v20, v9;
	v45 =	vmul.f32 $7.629394530e-03, v23  }
0x64: {  	v46 =	vadd.s32 $0xFFFFFF88, v15;
	v25 =	vadd.f32 $7.629394530e-03, v17;
	v13 =	vsel vm7, v13, v14  }
0x65: {  	v17 =	vadd.f32 $5.000000000e+03, v17;
	vm0 =	vgt.s32 v13, $0x0;
	v20 =	vadd.f32 $7.629394530e-03, v45  }
0x66: {  	v47 =	vadd.f32 $5.000000000e+03, v25;
	v13 =	vnsel vm0, $0x0, v13;
	v14 =	vadd.f32 $5.000000000e+03, v45  }
0x67: {  	v48 =	vadd.s32 $0xFFFFEFFF, v19;
	v19 =	vadd.s32 $0xFFFFF001, v19;
	v20 =	vadd.f32 $5.000000000e+03, v20  }
0x68: {  	v15 =	vadd.s32 $0xFFFFFF89, v15;
	v13 =	vmin.u32 v13, $0x1FFFE;
	vm8 =	vlt.f32 v14, v18  }
0x69: {  	v14 =	vsel vm8, v21, v48;
	vm9 =	vlt.f32 v20, v18;
	v20 =	vsub.f32 v47, v17  }
0x6a: {  	v49 =	vcvt.s32.f32 v13;
	v14 =	vsel vm9, v19, v14;
	v19 =	vpop (erf)  }
0x6b: {  	s17 =	simm.s32 $0x400;
	vm0 =	vgt.s32 v14, $0x0;
	v16 =	vmul.f32 v16, v19;
	(erf) = vrcp.f32 v20  }
0x6c: {  	v19 =	vmul.f32 $7.629394530e-03, v49;
	v20 =	vor.u32 s17, v0;
	v14 =	vnsel vm0, $0x0, v14  }
0x6d: {  	v51 =	vld.idx.msk [tilespmem:v46+s2+$0x0], $0xffff;
	v20 =	vcvt.s32.f32 v20;
	v14 =	vmin.u32 v14, $0x1FFFE  }
0x6e: {  	v15 =	vld.idx.msk [tilespmem:v15+s2+$0x0], $0xffff;
	v16 =	vmul.f32 v16, v11;
	v11 =	vmax.u32 v13, $0x78;
	v13 =	vadd.f32 $7.629394530e-03, v19  }
0x6f: {  	v19 =	vadd.f32 $5.000000000e+03, v19;
	v50 =	vcvt.s32.f32 v14  }
0x70: {  	v11 =	vmin.u32 v11, $0x8076;
	v20 =	vmul.f32 $2.436523440e-01, v20;
	v13 =	vadd.f32 $5.000000000e+03, v13  }
0x71: {  	v8 =	vsub.f32 v8, v17;
	v52 =	vadd.s32 $0xFFFFFF88, v11;
	v21 =	vmul.f32 $7.629394530e-03, v50  }
0x72: {  	v53 =	vadd.s32 $0xFFFFFF89, v11;
	v11 =	vadd.f32 $5.001000000e+03, v20;
	v13 =	vsub.f32 v13, v19  }
0x73: {  	s16 =	sadd.s32 $0x10, s16;
	v15 =	vsub.f32 v15, v51;
	v14 =	vmax.u32 v14, $0x78;
	v54 =	vadd.f32 $7.629394530e-03, v21  }
0x74: {  	v26 =	vld [tilespmem:s16+$0x0];
	v10 =	vadd.f32 v16, v10;
	v56 =	vadd.f32 $-5.000000000e+03, v11;
	(erf) = vrcp.f32 v13  }
0x75: {  	v14 =	vmin.u32 v14, $0x8076;
	v20 =	vadd.f32 $5.000000000e+03, v21;
	v55 =	vadd.f32 $5.000000000e+03, v54  }
0x76: {  	v13 =	vadd.s32 $0xFFFFFF88, v14;
	v14 =	vadd.s32 $0xFFFFFF89, v14;
	v25 =	vmul.f32 $1.310720060e+02, v56;
	v16 =	vpop (erf);
	v17 =	vld.idx.msk [tilespmem:v52+s2+$0x0], $0xffff  }
0x77: {  	v15 =	vmul.f32 v15, v16;
	v16 =	vld.idx.msk [tilespmem:v53+s2+$0x0], $0xffff;
	v21 =	vsub.f32 v55, v20  }
0x78: {  	s16 =	sadd.s32 $0x10, s16;
	v57 =	vadd.f32 $4.096000000e+03, v25  }
0x79: {  	v3 =	vmul.f32 v12, v3;
	v12 =	vld [tilespmem:s16+$0x0];
	v10 =	vsub.f32 v10, v26;
	(erf) = vrcp.f32 v21  }
0x7a: {  	v8 =	vmul.f32 v15, v8;
	v15 =	vtrunc.f32 v57  }
0x7b: {  	s24 =	simm.s32 $0x410;
	v3 =	vadd.f32 v3, v4;
	v10 =	vmul.f32 v10, v10;
	v4 =	vld.idx.msk [tilespmem:v14+s2+$0x0], $0xffff;
	v14 =	vcvt.f32.s32 v15  }
0x7c: {  	v13 =	vld.idx.msk [tilespmem:v13+s2+$0x0], $0xffff;
	v8 =	vadd.f32 v8, v51;
	v15 =	vor.u32 s24, v0;
	v16 =	vsub.f32 v16, v17  }
0x7d: {  	v5 =	vmul.f32 v10, v5;
	v15 =	vcvt.s32.f32 v15;
	v59 =	vpop (erf)  }
0x7e: {  	v58 =	vadd.s32 $0xFFFFF000, v14;
	v8 =	vsub.f32 v8, v12;
	v12 =	vmul.f32 v16, v59  }
0x7f: {  	v10 =	vcvt.s32.f32 v58;
	v15 =	vmul.f32 $2.436523440e-01, v15  }
0x80: {  	s16 =	sadd.s32 $0x10, s16;
	v9 =	vsub.f32 v9, v19;
	v3 =	vadd.f32 v5, v3;
	v8 =	vmul.f32 v8, v8  }
0x81: {  	v4 =	vsub.f32 v4, v13;
	v10 =	vmul.f32 $7.629394530e-03, v10;
	v5 =	vadd.f32 $5.001000000e+03, v15;
	v15 =	vld [tilespmem:s16+$0x0]  }
0x82: {  	v16 =	vsub.f32 v18, v20;
	v9 =	vmul.f32 v12, v9;
	v2 =	vmul.f32 v8, v2;
	v12 =	vpop (erf)  }
0x83: {  	v8 =	vadd.f32 $5.000000000e+03, v10;
	v4 =	vmul.f32 v4, v12;
	v12 =	vadd.f32 $7.629394530e-03, v10  }
0x84: {  	v9 =	vadd.f32 v9, v17;
	v17 =	vadd.s32 $0xFFFFEFFF, v14;
	v10 =	vadd.f32 $-5.000000000e+03, v5  }
0x85: {  	s16 =	sadd.s32 $0x10, s16;
	v3 =	vadd.f32 v2, v3;
	vm10 =	vlt.f32 v8, v11;
	v12 =	vadd.f32 $5.000000000e+03, v12  }
0x86: {  	v9 =	vsub.f32 v9, v15;
	v4 =	vmul.f32 v4, v16;
	v16 =	vld [tilespmem:s16+$0x0];
	v8 =	vmul.f32 $1.310720060e+02, v10  }
0x87: {  	v10 =	vsel vm10, v58, v17;
	vm11 =	vlt.f32 v12, v11;
	v12 =	vadd.s32 $0xFFFFF001, v14  }
0x88: {  	[tilespmem:s2], [sflag:$0x1] =	stream.linear.gather [hbm4b:s5+s2], $0x8000, $0x38;
	v8 =	vadd.f32 $4.096000000e+03, v8;
	v2 =	vadd.f32 v4, v13;
	v4 =	vmul.f32 v9, v9;
	[tilespmem:$0xA100] =	vst v63  }
0x89: {  	_ =	swait.ge [sflag:s12], $0x8000;
	v10 =	vsel vm11, v12, v10  }
0x8a: {  	s26 =	simm.s32 $0x420;
	[sflag:s12] =	ssyncset.done $0x0;
	vm0 =	vgt.s32 v10, $0x0;
	v8 =	vtrunc.f32 v8;
	v1 =	vmul.f32 v4, v1  }
0x8b: {  	s25 =	simm.s32 $0x8400;
	[sflag:s12] =	ssyncadd.s32 $0xFFFF8000;
	v4 =	vor.u32 s26, v0;
	v9 =	vnsel vm0, $0x0, v10;
	v10 =	vsub.f32 v2, v16  }
0x8c: {  	v2 =	vld [tilespmem:s25+$0x0];
	v8 =	vcvt.f32.s32 v8;
	v4 =	vcvt.s32.f32 v4;
	v9 =	vmin.u32 v9, $0x1FFFE  }
0x8d: {  	v15 =	vadd.f32 v1, v3;
	v12 =	vcvt.s32.f32 v9  }
0x8e: {  	v10 =	vmul.f32 v10, v10;
	v13 =	vadd.s32 $0xFFFFF000, v8;
	v1 =	vmul.f32 $2.436523440e-01, v4  }
0x8f: {  	v14 =	vcvt.s32.f32 v13;
	v12 =	vmul.f32 $7.629394530e-03, v12  }
0x90: {  	v10 =	vmul.f32 v10, v7;
	v7 =	vadd.f32 $5.001000000e+03, v1  }
0x91: {  	v6 =	vadd.f32 v2, v6;
	v3 =	vmul.f32 $7.629394530e-03, v14;
	v14 =	vadd.f32 $5.000000000e+03, v12  }
0x92: {  	s28 =	simm.s32 $0x8410;
	v4 =	vmax.u32 v9, $0x8038;
	v9 =	vadd.f32 $7.629394530e-03, v12;
	v17 =	vadd.f32 $-5.000000000e+03, v7  }
0x93: {  	v1 =	vmin.u32 v4, $0x10036;
	v4 =	vld [tilespmem:s28+$0x0];
	v12 =	vadd.f32 $5.000000000e+03, v3;
	v3 =	vadd.f32 $7.629394530e-03, v3  }
0x94: {  	s29 =	simm.s32 $0x8420;
	v16 =	vadd.s32 $0xFFFF7FC8, v1;
	v18 =	vadd.s32 $0xFFFF7FC9, v1;
	v9 =	vadd.f32 $5.000000000e+03, v9  }
0x95: {  	v19 =	vadd.f32 $5.000000000e+03, v3;
	v3 =	vld [tilespmem:s29+$0x0];
	vm12 =	vlt.f32 v12, v5;
	v12 =	vmul.f32 $1.310720060e+02, v17  }
0x96: {  	s30 =	simm.s32 $0x8430;
	v1 =	vadd.s32 $0xFFFFEFFF, v8;
	v8 =	vadd.s32 $0xFFFFF001, v8;
	v9 =	vsub.f32 v9, v14  }
0x97: {  	v13 =	vsel vm12, v13, v1;
	v1 =	vld [tilespmem:s30+$0x0];
	vm13 =	vlt.f32 v19, v5;
	v12 =	vadd.f32 $4.096000000e+03, v12  }
0x98: {  	v6 =	vadd.f32 v4, v6;
	v13 =	vsel vm13, v8, v13  }
0x99: {  	v16 =	vld.idx.msk [tilespmem:v16+s2+$0x0], $0xffff;
	(erf) = vrcp.f32 v9;
	v8 =	vadd.f32 v10, v15;
	v10 =	vtrunc.f32 v12  }
0x9a: {  	s31 =	simm.s32 $0x430;
	v9 =	vld.idx.msk [tilespmem:v18+s2+$0x0], $0xffff;
	vm0 =	vgt.s32 v13, $0x0;
	v6 =	vadd.f32 v3, v6;
	v10 =	vcvt.f32.s32 v10  }
0x9b: {  	v12 =	vnsel vm0, $0x0, v13;
	v13 =	vor.u32 s31, v0  }
0x9c: {  	v15 =	vadd.f32 v1, v6;
	v6 =	vcvt.s32.f32 v13;
	v13 =	vadd.s32 $0xFFFFF000, v10  }
0x9d: {  	v11 =	vsub.f32 v11, v14;
	v12 =	vmin.u32 v12, $0x1FFFE;
	v17 =	vcvt.s32.f32 v13  }
0x9e: {  	v14 =	vcvt.s32.f32 v12;
	v12 =	vmax.u32 v12, $0x8038;
	v6 =	vmul.f32 $2.436523440e-01, v6  }
0x9f: {  	v12 =	vmin.u32 v12, $0x10036;
	v18 =	vsub.f32 v9, v16;
	v17 =	vmul.f32 $7.629394530e-03, v17  }
0xa0: {  	v14 =	vmul.f32 $7.629394530e-03, v14;
	v19 =	vadd.s32 $0xFFFF7FC8, v12;
	v9 =	vadd.f32 $5.001000000e+03, v6  }
0xa1: {  	v60 =	vadd.s32 $0xFFFF7FC9, v12;
	v12 =	vadd.f32 $5.000000000e+03, v17;
	v17 =	vadd.f32 $7.629394530e-03, v17  }
0xa2: {  	v63 =	vadd.s32 $0xFFFFEFFF, v10;
	v20 =	vadd.f32 $5.000000000e+03, v14;
	v14 =	vadd.f32 $7.629394530e-03, v14  }
0xa3: {  	s17 =	simm.s32 $0x8440;
	v10 =	vadd.s32 $0xFFFFF001, v10;
	v6 =	vpop (erf);
	v62 =	vadd.f32 $-5.000000000e+03, v9;
	v17 =	vadd.f32 $5.000000000e+03, v17  }
0xa4: {  	s16 =	simm.s32 $0x9400;
	v14 =	vadd.f32 $5.000000000e+03, v14;
	v18 =	vmul.f32 v18, v6;
	v6 =	vld [tilespmem:s17+$0x0];
	vm14 =	vlt.f32 v12, v7  }
0xa5: {  	v61 =	vld [tilespmem:s16+$0x0];
	v12 =	vmul.f32 $1.310720060e+02, v62;
	v13 =	vsel vm14, v13, v63;
	vm15 =	vlt.f32 v17, v7  }
0xa6: {  	v14 =	vsub.f32 v14, v20;
	v11 =	vmul.f32 v18, v11;
	v10 =	vsel vm15, v10, v13  }
0xa7: {  	v12 =	vadd.f32 $4.096000000e+03, v12;
	vm0 =	vgt.s32 v10, $0x0  }
0xa8: {  	(erf) = vrcp.f32 v14;
	v16 =	vadd.f32 v11, v16;
	v10 =	vnsel vm0, $0x0, v10  }
0xa9: {  	v11 =	vsub.f32 v5, v20;
	v5 =	vadd.f32 v6, v15;
	v15 =	vmin.u32 v10, $0x1FFFE;
	v10 =	vld.idx.msk [tilespmem:v19+s2+$0x0], $0xffff  }
0xaa: {  	v12 =	vtrunc.f32 v12;
	v14 =	vsub.f32 v16, v61;
	v16 =	vld.idx.msk [tilespmem:v60+s2+$0x0], $0xffff  }
0xab: {  	s18 =	simm.s32 $0x440;
	v13 =	vcvt.f32.s32 v12;
	v19 =	vmax.u32 v15, $0x8038  }
0xac: {  	v17 =	vcvt.s32.f32 v15;
	v12 =	vmul.f32 v14, v14;
	v14 =	vor.u32 s18, v0  }
0xad: {  	s18 =	simm.s32 $0x450;
	v15 =	vmin.u32 v19, $0x10036;
	v18 =	vcvt.s32.f32 v14;
	v14 =	vadd.s32 $0xFFFFF000, v13  }
.LBB2_4:
0xae: {  	p0 =	sne.s32 s18, $0x7F0  }
0xaf: {  	v19 =	vcvt.s32.f32 v14;
	v17 =	vmul.f32 $7.629394530e-03, v17;
	v16 =	vsub.f32 v16, v10;
	s16 =	sadd.s32 $0x10, s16;
	s19 =	smov.u32 s18;
	s18 =	sadd.s32 $0x10, s18  }
0xb0: {  	v20 =	vadd.s32 $0xFFFF7FC8, v15;
	v12 =	vmul.f32 v12, v2;
	v2 =	vmovc v4;
	v4 =	vmovc v3;
	v18 =	vmul.f32 $2.436523440e-01, v18  }
0xb1: {  	v3 =	vmovc v1;
	v1 =	vmovc v6;
	v19 =	vmul.f32 $7.629394530e-03, v19;
	v21 =	vadd.f32 $5.000000000e+03, v17;
	v17 =	vadd.f32 $7.629394530e-03, v17  }
0xb2: {  	v15 =	vadd.s32 $0xFFFF7FC9, v15;
	v8 =	vadd.f32 v12, v8;
	v18 =	vadd.f32 $5.001000000e+03, v18;
	v6 =	vpop (erf)  }
0xb3: {  	v12 =	vadd.f32 $5.000000000e+03, v19;
	v19 =	vadd.f32 $7.629394530e-03, v19;
	v16 =	vmul.f32 v16, v6;
	v22 =	vld [tilespmem:s16+$0x0]  }
0xb4: {  	s17 =	sadd.s32 $0x10, s17;
	v24 =	vadd.s32 $0xFFFFEFFF, v13;
	v17 =	vadd.f32 $5.000000000e+03, v17;
	v23 =	vadd.f32 $-5.000000000e+03, v18  }
0xb5: {  	v6 =	vld [tilespmem:s17+$0x0];
	v19 =	vadd.f32 $5.000000000e+03, v19;
	vm0 =	vlt.f32 v12, v9;
	v11 =	vmul.f32 v16, v11  }
0xb6: {  	v17 =	vsub.f32 v17, v21;
	v12 =	vmul.f32 $1.310720060e+02, v23;
	v14 =	vsel vm0, v14, v24  }
0xb7: {  	v13 =	vadd.s32 $0xFFFFF001, v13;
	vm0 =	vlt.f32 v19, v9;
	v19 =	vadd.f32 v11, v10;
	v10 =	vld.idx.msk [tilespmem:v20+s2+$0x0], $0xffff  }
0xb8: {  	v12 =	vadd.f32 $4.096000000e+03, v12;
	v13 =	vsel vm0, v13, v14;
	v16 =	vld.idx.msk [tilespmem:v15+s2+$0x0], $0xffff;
	(erf) = vrcp.f32 v17  }
.Ltmp1:
0xb9: {  	v11 =	vsub.f32 v7, v21;
	v7 =	vmovc v9;
	v9 =	vmovc v18;
	vm0 =	vgt.s32 v13, $0x0;
	v14 =	vsub.f32 v19, v22;
	(pc) =	sbr.rel @p0 .LBB2_4-.Ltmp1, $4  }
0xba: {  	v5 =	vadd.f32 v6, v5;
	v12 =	vtrunc.f32 v12;
	v15 =	vnsel vm0, $0x0, v13  }
0xbb: {  	v13 =	vcvt.f32.s32 v12;
	v15 =	vmin.u32 v15, $0x1FFFE;
	v12 =	vmul.f32 v14, v14  }
0xbc: {  	v14 =	vor.u32 s19, v0;
	v19 =	vmax.u32 v15, $0x8038;
	v17 =	vcvt.s32.f32 v15  }
0xbd: {  	v18 =	vcvt.s32.f32 v14;
	v14 =	vadd.s32 $0xFFFFF000, v13;
	v15 =	vmin.u32 v19, $0x10036  }
0xbe: {  	_ = 	snop  }
0xbf: {  	v18 =	vmul.f32 $2.436523440e-01, v18;
	_ =	sdelay $0x1  }
0xc0: {  	v18 =	vadd.f32 $5.001000000e+03, v18;
	_ =	sdelay $0x1  }
0xc1: {  	v19 =	vadd.f32 $-5.000000000e+03, v18;
	_ =	sdelay $0x1  }
0xc2: {  	v19 =	vmul.f32 $1.310720060e+02, v19;
	_ =	sdelay $0x1  }
0xc3: {  	v20 =	vcvt.s32.f32 v14;
	v19 =	vadd.f32 $4.096000000e+03, v19;
	_ =	sdelay $0x1  }
0xc4: {  	v20 =	vmul.f32 $7.629394530e-03, v20;
	v19 =	vtrunc.f32 v19  }
0xc5: {  	v19 =	vcvt.f32.s32 v19  }
0xc6: {  	v22 =	vadd.f32 $5.000000000e+03, v20;
	v20 =	vadd.f32 $7.629394530e-03, v20  }
0xc7: {  	v17 =	vmul.f32 $7.629394530e-03, v17;
	v21 =	vadd.s32 $0xFFFFF000, v19  }
0xc8: {  	v16 =	vsub.f32 v16, v10;
	v20 =	vadd.f32 $5.000000000e+03, v20;
	v23 =	vcvt.s32.f32 v21  }
0xc9: {  	v24 =	vadd.s32 $0xFFFFEFFF, v13;
	v13 =	vadd.s32 $0xFFFFF001, v13;
	vm0 =	vlt.f32 v22, v9  }
0xca: {  	v14 =	vsel vm0, v14, v24;
	vm7 =	vlt.f32 v20, v9;
	v45 =	vmul.f32 $7.629394530e-03, v23  }
0xcb: {  	v46 =	vadd.s32 $0xFFFF7FC8, v15;
	v25 =	vadd.f32 $7.629394530e-03, v17;
	v13 =	vsel vm7, v13, v14  }
0xcc: {  	v17 =	vadd.f32 $5.000000000e+03, v17;
	vm0 =	vgt.s32 v13, $0x0;
	v20 =	vadd.f32 $7.629394530e-03, v45  }
0xcd: {  	v47 =	vadd.f32 $5.000000000e+03, v25;
	v13 =	vnsel vm0, $0x0, v13;
	v14 =	vadd.f32 $5.000000000e+03, v45  }
0xce: {  	v48 =	vadd.s32 $0xFFFFEFFF, v19;
	v19 =	vadd.s32 $0xFFFFF001, v19;
	v20 =	vadd.f32 $5.000000000e+03, v20  }
0xcf: {  	v15 =	vadd.s32 $0xFFFF7FC9, v15;
	v13 =	vmin.u32 v13, $0x1FFFE;
	vm8 =	vlt.f32 v14, v18  }
0xd0: {  	v14 =	vsel vm8, v21, v48;
	vm9 =	vlt.f32 v20, v18;
	v20 =	vsub.f32 v47, v17  }
0xd1: {  	v49 =	vcvt.s32.f32 v13;
	v14 =	vsel vm9, v19, v14;
	v19 =	vpop (erf)  }
0xd2: {  	s17 =	simm.s32 $0x800;
	vm0 =	vgt.s32 v14, $0x0;
	v16 =	vmul.f32 v16, v19;
	(erf) = vrcp.f32 v20  }
0xd3: {  	v19 =	vmul.f32 $7.629394530e-03, v49;
	v20 =	vor.u32 s17, v0;
	v14 =	vnsel vm0, $0x0, v14  }
0xd4: {  	v51 =	vld.idx.msk [tilespmem:v46+s2+$0x0], $0xffff;
	v20 =	vcvt.s32.f32 v20;
	v14 =	vmin.u32 v14, $0x1FFFE  }
0xd5: {  	v15 =	vld.idx.msk [tilespmem:v15+s2+$0x0], $0xffff;
	v16 =	vmul.f32 v16, v11;
	v11 =	vmax.u32 v13, $0x8038;
	v13 =	vadd.f32 $7.629394530e-03, v19  }
0xd6: {  	v19 =	vadd.f32 $5.000000000e+03, v19;
	v50 =	vcvt.s32.f32 v14  }
0xd7: {  	v11 =	vmin.u32 v11, $0x10036;
	v20 =	vmul.f32 $2.436523440e-01, v20;
	v13 =	vadd.f32 $5.000000000e+03, v13  }
0xd8: {  	v7 =	vsub.f32 v7, v17;
	v52 =	vadd.s32 $0xFFFF7FC8, v11;
	v21 =	vmul.f32 $7.629394530e-03, v50  }
0xd9: {  	v53 =	vadd.s32 $0xFFFF7FC9, v11;
	v11 =	vadd.f32 $5.001000000e+03, v20;
	v13 =	vsub.f32 v13, v19  }
0xda: {  	s16 =	sadd.s32 $0x10, s16;
	v15 =	vsub.f32 v15, v51;
	v14 =	vmax.u32 v14, $0x8038;
	v54 =	vadd.f32 $7.629394530e-03, v21  }
0xdb: {  	v26 =	vld [tilespmem:s16+$0x0];
	v10 =	vadd.f32 v16, v10;
	v56 =	vadd.f32 $-5.000000000e+03, v11;
	(erf) = vrcp.f32 v13  }
0xdc: {  	v14 =	vmin.u32 v14, $0x10036;
	v20 =	vadd.f32 $5.000000000e+03, v21;
	v55 =	vadd.f32 $5.000000000e+03, v54  }
0xdd: {  	v13 =	vadd.s32 $0xFFFF7FC8, v14;
	v14 =	vadd.s32 $0xFFFF7FC9, v14;
	v25 =	vmul.f32 $1.310720060e+02, v56;
	v16 =	vpop (erf);
	v17 =	vld.idx.msk [tilespmem:v52+s2+$0x0], $0xffff  }
0xde: {  	v15 =	vmul.f32 v15, v16;
	v16 =	vld.idx.msk [tilespmem:v53+s2+$0x0], $0xffff;
	v21 =	vsub.f32 v55, v20  }
0xdf: {  	s16 =	sadd.s32 $0x10, s16;
	v57 =	vadd.f32 $4.096000000e+03, v25  }
0xe0: {  	v2 =	vmul.f32 v12, v2;
	v12 =	vld [tilespmem:s16+$0x0];
	v10 =	vsub.f32 v10, v26;
	(erf) = vrcp.f32 v21  }
0xe1: {  	v7 =	vmul.f32 v15, v7;
	v15 =	vtrunc.f32 v57  }
0xe2: {  	s24 =	simm.s32 $0x810;
	v2 =	vadd.f32 v2, v8;
	v10 =	vmul.f32 v10, v10;
	v8 =	vld.idx.msk [tilespmem:v14+s2+$0x0], $0xffff;
	v14 =	vcvt.f32.s32 v15  }
0xe3: {  	v13 =	vld.idx.msk [tilespmem:v13+s2+$0x0], $0xffff;
	v7 =	vadd.f32 v7, v51;
	v15 =	vor.u32 s24, v0;
	v16 =	vsub.f32 v16, v17  }
0xe4: {  	v4 =	vmul.f32 v10, v4;
	v15 =	vcvt.s32.f32 v15;
	v59 =	vpop (erf)  }
0xe5: {  	v58 =	vadd.s32 $0xFFFFF000, v14;
	v7 =	vsub.f32 v7, v12;
	v12 =	vmul.f32 v16, v59  }
0xe6: {  	v10 =	vcvt.s32.f32 v58;
	v15 =	vmul.f32 $2.436523440e-01, v15  }
0xe7: {  	s16 =	sadd.s32 $0x10, s16;
	v9 =	vsub.f32 v9, v19;
	v2 =	vadd.f32 v4, v2;
	v7 =	vmul.f32 v7, v7  }
0xe8: {  	v4 =	vsub.f32 v8, v13;
	v8 =	vmul.f32 $7.629394530e-03, v10;
	v10 =	vadd.f32 $5.001000000e+03, v15;
	v15 =	vld [tilespmem:s16+$0x0]  }
0xe9: {  	v16 =	vsub.f32 v18, v20;
	v9 =	vmul.f32 v12, v9;
	v3 =	vmul.f32 v7, v3;
	v12 =	vpop (erf)  }
0xea: {  	v7 =	vadd.f32 $5.000000000e+03, v8;
	v4 =	vmul.f32 v4, v12;
	v12 =	vadd.f32 $7.629394530e-03, v8  }
0xeb: {  	v9 =	vadd.f32 v9, v17;
	v17 =	vadd.s32 $0xFFFFEFFF, v14;
	v8 =	vadd.f32 $-5.000000000e+03, v10  }
0xec: {  	v3 =	vadd.f32 v3, v2;
	vm10 =	vlt.f32 v7, v11;
	v12 =	vadd.f32 $5.000000000e+03, v12  }
0xed: {  	v9 =	vsub.f32 v9, v15;
	v4 =	vmul.f32 v4, v16;
	v7 =	vmul.f32 $1.310720060e+02, v8  }
0xee: {  	s16 =	sadd.s32 $0x10, s16;
	v8 =	vsel vm10, v58, v17;
	vm11 =	vlt.f32 v12, v11;
	v12 =	vadd.s32 $0xFFFFF001, v14  }
0xef: {  	v16 =	vld [tilespmem:s16+$0x0];
	v7 =	vadd.f32 $4.096000000e+03, v7;
	v2 =	vadd.f32 v4, v13;
	v4 =	vmul.f32 v9, v9  }
0xf0: {  	[tilespmem:s2], [sflag:$0x1] =	stream.linear.gather [hbm4b:s6+s2], $0x8000, $0x38;
	v8 =	vsel vm11, v12, v8;
	[tilespmem:$0xA100] =	vst v63  }
0xf1: {  	s26 =	simm.s32 $0x820;
	_ =	swait.ge [sflag:s12], $0x8000;
	vm0 =	vgt.s32 v8, $0x0;
	v7 =	vtrunc.f32 v7;
	v1 =	vmul.f32 v4, v1  }
0xf2: {  	[sflag:s12] =	ssyncset.done $0x0;
	v4 =	vor.u32 s26, v0;
	v8 =	vnsel vm0, $0x0, v8;
	v12 =	vcvt.f32.s32 v7  }
0xf3: {  	s25 =	simm.s32 $0x8800;
	[sflag:s12] =	ssyncadd.s32 $0xFFFF8000;
	v4 =	vcvt.s32.f32 v4;
	v7 =	vmin.u32 v8, $0x1FFFE  }
0xf4: {  	v9 =	vsub.f32 v2, v16;
	v2 =	vld [tilespmem:s25+$0x0];
	v8 =	vcvt.s32.f32 v7;
	v13 =	vadd.s32 $0xFFFFF000, v12  }
0xf5: {  	v15 =	vadd.f32 v1, v3;
	v1 =	vmul.f32 $2.436523440e-01, v4;
	v14 =	vcvt.s32.f32 v13  }
0xf6: {  	v9 =	vmul.f32 v9, v9;
	v8 =	vmul.f32 $7.629394530e-03, v8  }
0xf7: {  	v4 =	vmax.u32 v7, $0xFFF8;
	v7 =	vadd.f32 $5.001000000e+03, v1;
	v3 =	vmul.f32 $7.629394530e-03, v14  }
0xf8: {  	v6 =	vmul.f32 v9, v6;
	v9 =	vadd.f32 $5.000000000e+03, v8;
	v8 =	vadd.f32 $7.629394530e-03, v8  }
0xf9: {  	v1 =	vmin.u32 v4, $0x17FF6;
	v5 =	vadd.f32 v2, v5;
	v14 =	vadd.f32 $5.000000000e+03, v3  }
0xfa: {  	s28 =	simm.s32 $0x8810;
	v16 =	vadd.s32 $0xFFFF0008, v1;
	v3 =	vadd.f32 $7.629394530e-03, v3;
	v8 =	vadd.f32 $5.000000000e+03, v8  }
0xfb: {  	v4 =	vld [tilespmem:s28+$0x0];
	v18 =	vadd.s32 $0xFFFF0009, v1;
	v1 =	vadd.s32 $0xFFFFEFFF, v12;
	v17 =	vadd.f32 $-5.000000000e+03, v7  }
0xfc: {  	v12 =	vadd.s32 $0xFFFFF001, v12;
	v19 =	vadd.f32 $5.000000000e+03, v3;
	v8 =	vsub.f32 v8, v9  }
0xfd: {  	s29 =	simm.s32 $0x8820;
	v11 =	vsub.f32 v11, v9;
	vm12 =	vlt.f32 v14, v10;
	v14 =	vmul.f32 $1.310720060e+02, v17  }
0xfe: {  	s30 =	simm.s32 $0x8830;
	s31 =	simm.s32 $0x830;
	v3 =	vld [tilespmem:s29+$0x0];
	v13 =	vsel vm12, v13, v1;
	vm13 =	vlt.f32 v19, v10;
	(erf) = vrcp.f32 v8  }
0xff: {  	v1 =	vld [tilespmem:s30+$0x0];
	v9 =	vor.u32 s31, v0;
	v14 =	vadd.f32 $4.096000000e+03, v14;
	v12 =	vsel vm13, v12, v13  }
0x100: {  	v5 =	vadd.f32 v4, v5;
	v9 =	vcvt.s32.f32 v9;
	v13 =	vld.idx.msk [tilespmem:v16+s2+$0x0], $0xffff;
	vm0 =	vgt.s32 v12, $0x0  }
0x101: {  	v8 =	vadd.f32 v6, v15;
	v6 =	vld.idx.msk [tilespmem:v18+s2+$0x0], $0xffff;
	v14 =	vtrunc.f32 v14;
	v12 =	vnsel vm0, $0x0, v12  }
0x102: {  	v9 =	vmul.f32 $2.436523440e-01, v9;
	v14 =	vcvt.f32.s32 v14;
	v12 =	vmin.u32 v12, $0x1FFFE  }
0x103: {  	v5 =	vadd.f32 v3, v5;
	v15 =	vcvt.s32.f32 v12;
	v12 =	vmax.u32 v12, $0xFFF8  }
0x104: {  	v9 =	vadd.f32 $5.001000000e+03, v9;
	v16 =	vadd.s32 $0xFFFFF000, v14;
	v12 =	vmin.u32 v12, $0x17FF6  }
0x105: {  	v5 =	vadd.f32 v1, v5;
	v17 =	vcvt.s32.f32 v16  }
0x106: {  	v6 =	vsub.f32 v6, v13;
	v62 =	vadd.f32 $-5.000000000e+03, v9;
	v15 =	vmul.f32 $7.629394530e-03, v15  }
0x107: {  	v18 =	vadd.s32 $0xFFFF0008, v12;
	v20 =	vadd.s32 $0xFFFF0009, v12;
	v17 =	vmul.f32 $7.629394530e-03, v17;
	v12 =	vpop (erf)  }
0x108: {  	s16 =	simm.s32 $0x9800;
	v19 =	vadd.f32 $5.000000000e+03, v15;
	v15 =	vadd.f32 $7.629394530e-03, v15;
	v12 =	vmul.f32 v6, v12  }
0x109: {  	v61 =	vld [tilespmem:s16+$0x0];
	v60 =	vadd.f32 $5.000000000e+03, v17;
	v17 =	vadd.f32 $7.629394530e-03, v17  }
0x10a: {  	v63 =	vadd.s32 $0xFFFFEFFF, v14;
	v15 =	vadd.f32 $5.000000000e+03, v15;
	v11 =	vmul.f32 v12, v11  }
0x10b: {  	v17 =	vadd.f32 $5.000000000e+03, v17;
	vm14 =	vlt.f32 v60, v7;
	v12 =	vmul.f32 $1.310720060e+02, v62  }
0x10c: {  	s17 =	simm.s32 $0x8840;
	v14 =	vadd.s32 $0xFFFFF001, v14;
	v16 =	vsel vm14, v16, v63;
	v13 =	vadd.f32 v11, v13  }
0x10d: {  	v6 =	vld [tilespmem:s17+$0x0];
	v15 =	vsub.f32 v15, v19;
	vm15 =	vlt.f32 v17, v7;
	v12 =	vadd.f32 $4.096000000e+03, v12  }
0x10e: {  	v14 =	vsel vm15, v14, v16;
	v11 =	vsub.f32 v10, v19;
	v10 =	vsub.f32 v13, v61  }
0x10f: {  	(erf) = vrcp.f32 v15;
	v16 =	vld.idx.msk [tilespmem:v20+s2+$0x0], $0xffff;
	vm0 =	vgt.s32 v14, $0x0;
	v12 =	vtrunc.f32 v12  }
0x110: {  	s18 =	simm.s32 $0x840;
	v14 =	vnsel vm0, $0x0, v14;
	v13 =	vcvt.f32.s32 v12;
	v12 =	vmul.f32 v10, v10;
	v10 =	vld.idx.msk [tilespmem:v18+s2+$0x0], $0xffff  }
0x111: {  	v15 =	vor.u32 s18, v0;
	v14 =	vmin.u32 v14, $0x1FFFE  }
0x112: {  	v5 =	vadd.f32 v6, v5;
	v19 =	vmax.u32 v14, $0xFFF8;
	v17 =	vcvt.s32.f32 v14  }
0x113: {  	s18 =	simm.s32 $0x850;
	v18 =	vcvt.s32.f32 v15;
	v14 =	vadd.s32 $0xFFFFF000, v13;
	v15 =	vmin.u32 v19, $0x17FF6  }
.LBB2_6:
0x114: {  	p0 =	sne.s32 s18, $0xBF0  }
0x115: {  	v19 =	vcvt.s32.f32 v14;
	v17 =	vmul.f32 $7.629394530e-03, v17;
	v16 =	vsub.f32 v16, v10;
	s16 =	sadd.s32 $0x10, s16;
	s19 =	smov.u32 s18;
	s18 =	sadd.s32 $0x10, s18  }
0x116: {  	v20 =	vadd.s32 $0xFFFF0008, v15;
	v12 =	vmul.f32 v12, v2;
	v2 =	vmovc v4;
	v4 =	vmovc v3;
	v18 =	vmul.f32 $2.436523440e-01, v18  }
0x117: {  	v3 =	vmovc v1;
	v1 =	vmovc v6;
	v19 =	vmul.f32 $7.629394530e-03, v19;
	v21 =	vadd.f32 $5.000000000e+03, v17;
	v17 =	vadd.f32 $7.629394530e-03, v17  }
0x118: {  	v15 =	vadd.s32 $0xFFFF0009, v15;
	v8 =	vadd.f32 v12, v8;
	v18 =	vadd.f32 $5.001000000e+03, v18;
	v6 =	vpop (erf)  }
0x119: {  	v12 =	vadd.f32 $5.000000000e+03, v19;
	v19 =	vadd.f32 $7.629394530e-03, v19;
	v16 =	vmul.f32 v16, v6;
	v22 =	vld [tilespmem:s16+$0x0]  }
0x11a: {  	s17 =	sadd.s32 $0x10, s17;
	v24 =	vadd.s32 $0xFFFFEFFF, v13;
	v17 =	vadd.f32 $5.000000000e+03, v17;
	v23 =	vadd.f32 $-5.000000000e+03, v18  }
0x11b: {  	v6 =	vld [tilespmem:s17+$0x0];
	v19 =	vadd.f32 $5.000000000e+03, v19;
	vm0 =	vlt.f32 v12, v9;
	v11 =	vmul.f32 v16, v11  }
0x11c: {  	v17 =	vsub.f32 v17, v21;
	v12 =	vmul.f32 $1.310720060e+02, v23;
	v14 =	vsel vm0, v14, v24  }
0x11d: {  	v13 =	vadd.s32 $0xFFFFF001, v13;
	vm0 =	vlt.f32 v19, v9;
	v19 =	vadd.f32 v11, v10;
	v10 =	vld.idx.msk [tilespmem:v20+s2+$0x0], $0xffff  }
0x11e: {  	v12 =	vadd.f32 $4.096000000e+03, v12;
	v13 =	vsel vm0, v13, v14;
	v16 =	vld.idx.msk [tilespmem:v15+s2+$0x0], $0xffff;
	(erf) = vrcp.f32 v17  }
.Ltmp2:
0x11f: {  	v11 =	vsub.f32 v7, v21;
	v7 =	vmovc v9;
	v9 =	vmovc v18;
	vm0 =	vgt.s32 v13, $0x0;
	v14 =	vsub.f32 v19, v22;
	(pc) =	sbr.rel @p0 .LBB2_6-.Ltmp2, $4  }
0x120: {  	v5 =	vadd.f32 v6, v5;
	v12 =	vtrunc.f32 v12;
	v15 =	vnsel vm0, $0x0, v13  }
0x121: {  	v13 =	vcvt.f32.s32 v12;
	v15 =	vmin.u32 v15, $0x1FFFE;
	v12 =	vmul.f32 v14, v14  }
0x122: {  	v14 =	vor.u32 s19, v0;
	v19 =	vmax.u32 v15, $0xFFF8;
	v17 =	vcvt.s32.f32 v15  }
0x123: {  	v18 =	vcvt.s32.f32 v14;
	v14 =	vadd.s32 $0xFFFFF000, v13;
	v15 =	vmin.u32 v19, $0x17FF6  }
0x124: {  	_ = 	snop  }
0x125: {  	v18 =	vmul.f32 $2.436523440e-01, v18;
	_ =	sdelay $0x1  }
0x126: {  	v18 =	vadd.f32 $5.001000000e+03, v18;
	_ =	sdelay $0x1  }
0x127: {  	v19 =	vadd.f32 $-5.000000000e+03, v18;
	_ =	sdelay $0x1  }
0x128: {  	v19 =	vmul.f32 $1.310720060e+02, v19;
	_ =	sdelay $0x1  }
0x129: {  	v20 =	vcvt.s32.f32 v14;
	v19 =	vadd.f32 $4.096000000e+03, v19;
	_ =	sdelay $0x1  }
0x12a: {  	v20 =	vmul.f32 $7.629394530e-03, v20;
	v19 =	vtrunc.f32 v19  }
0x12b: {  	v19 =	vcvt.f32.s32 v19  }
0x12c: {  	v22 =	vadd.f32 $5.000000000e+03, v20;
	v20 =	vadd.f32 $7.629394530e-03, v20  }
0x12d: {  	v17 =	vmul.f32 $7.629394530e-03, v17;
	v21 =	vadd.s32 $0xFFFFF000, v19  }
0x12e: {  	v16 =	vsub.f32 v16, v10;
	v20 =	vadd.f32 $5.000000000e+03, v20;
	v23 =	vcvt.s32.f32 v21  }
0x12f: {  	v24 =	vadd.s32 $0xFFFFEFFF, v13;
	v13 =	vadd.s32 $0xFFFFF001, v13;
	vm0 =	vlt.f32 v22, v9  }
0x130: {  	v14 =	vsel vm0, v14, v24;
	vm7 =	vlt.f32 v20, v9;
	v45 =	vmul.f32 $7.629394530e-03, v23  }
0x131: {  	v46 =	vadd.s32 $0xFFFF0008, v15;
	v25 =	vadd.f32 $7.629394530e-03, v17;
	v13 =	vsel vm7, v13, v14  }
0x132: {  	v17 =	vadd.f32 $5.000000000e+03, v17;
	vm0 =	vgt.s32 v13, $0x0;
	v20 =	vadd.f32 $7.629394530e-03, v45  }
0x133: {  	v47 =	vadd.f32 $5.000000000e+03, v25;
	v13 =	vnsel vm0, $0x0, v13;
	v14 =	vadd.f32 $5.000000000e+03, v45  }
0x134: {  	v48 =	vadd.s32 $0xFFFFEFFF, v19;
	v19 =	vadd.s32 $0xFFFFF001, v19;
	v20 =	vadd.f32 $5.000000000e+03, v20  }
0x135: {  	v15 =	vadd.s32 $0xFFFF0009, v15;
	v13 =	vmin.u32 v13, $0x1FFFE;
	vm8 =	vlt.f32 v14, v18  }
0x136: {  	v14 =	vsel vm8, v21, v48;
	vm9 =	vlt.f32 v20, v18;
	v20 =	vsub.f32 v47, v17  }
0x137: {  	v49 =	vcvt.s32.f32 v13;
	v14 =	vsel vm9, v19, v14;
	v19 =	vpop (erf)  }
0x138: {  	s17 =	simm.s32 $0xC00;
	vm0 =	vgt.s32 v14, $0x0;
	v16 =	vmul.f32 v16, v19;
	(erf) = vrcp.f32 v20  }
0x139: {  	v19 =	vmul.f32 $7.629394530e-03, v49;
	v20 =	vor.u32 s17, v0;
	v14 =	vnsel vm0, $0x0, v14  }
0x13a: {  	v51 =	vld.idx.msk [tilespmem:v46+s2+$0x0], $0xffff;
	v20 =	vcvt.s32.f32 v20;
	v14 =	vmin.u32 v14, $0x1FFFE  }
0x13b: {  	v15 =	vld.idx.msk [tilespmem:v15+s2+$0x0], $0xffff;
	v16 =	vmul.f32 v16, v11;
	v11 =	vmax.u32 v13, $0xFFF8;
	v13 =	vadd.f32 $7.629394530e-03, v19  }
0x13c: {  	v19 =	vadd.f32 $5.000000000e+03, v19;
	v50 =	vcvt.s32.f32 v14  }
0x13d: {  	v11 =	vmin.u32 v11, $0x17FF6;
	v20 =	vmul.f32 $2.436523440e-01, v20;
	v13 =	vadd.f32 $5.000000000e+03, v13  }
0x13e: {  	v7 =	vsub.f32 v7, v17;
	v52 =	vadd.s32 $0xFFFF0008, v11;
	v21 =	vmul.f32 $7.629394530e-03, v50  }
0x13f: {  	v53 =	vadd.s32 $0xFFFF0009, v11;
	v11 =	vadd.f32 $5.001000000e+03, v20;
	v13 =	vsub.f32 v13, v19  }
0x140: {  	s16 =	sadd.s32 $0x10, s16;
	v15 =	vsub.f32 v15, v51;
	v14 =	vmax.u32 v14, $0xFFF8;
	v54 =	vadd.f32 $7.629394530e-03, v21  }
0x141: {  	v26 =	vld [tilespmem:s16+$0x0];
	v14 =	vmin.u32 v14, $0x17FF6;
	v56 =	vadd.f32 $-5.000000000e+03, v11;
	(erf) = vrcp.f32 v13  }
0x142: {  	v20 =	vadd.f32 $5.000000000e+03, v21;
	v13 =	vadd.s32 $0xFFFF0008, v14;
	v55 =	vadd.f32 $5.000000000e+03, v54  }
0x143: {  	v10 =	vadd.f32 v16, v10;
	v14 =	vadd.s32 $0xFFFF0009, v14;
	v25 =	vmul.f32 $1.310720060e+02, v56;
	v16 =	vpop (erf);
	v17 =	vld.idx.msk [tilespmem:v52+s2+$0x0], $0xffff  }
0x144: {  	v15 =	vmul.f32 v15, v16;
	v16 =	vld.idx.msk [tilespmem:v53+s2+$0x0], $0xffff;
	v21 =	vsub.f32 v55, v20  }
0x145: {  	s16 =	sadd.s32 $0x10, s16;
	v57 =	vadd.f32 $4.096000000e+03, v25  }
0x146: {  	v2 =	vmul.f32 v12, v2;
	v12 =	vld [tilespmem:s16+$0x0];
	v10 =	vsub.f32 v10, v26;
	(erf) = vrcp.f32 v21  }
0x147: {  	v7 =	vmul.f32 v15, v7;
	v13 =	vld.idx.msk [tilespmem:v13+s2+$0x0], $0xffff;
	v15 =	vtrunc.f32 v57  }
0x148: {  	s24 =	simm.s32 $0xC10;
	v2 =	vadd.f32 v2, v8;
	v10 =	vmul.f32 v10, v10;
	v8 =	vld.idx.msk [tilespmem:v14+s2+$0x0], $0xffff;
	v14 =	vcvt.f32.s32 v15  }
0x149: {  	v7 =	vadd.f32 v7, v51;
	v15 =	vor.u32 s24, v0;
	v16 =	vsub.f32 v16, v17  }
0x14a: {  	v4 =	vmul.f32 v10, v4;
	v15 =	vcvt.s32.f32 v15;
	v59 =	vpop (erf)  }
0x14b: {  	v58 =	vadd.s32 $0xFFFFF000, v14;
	v7 =	vsub.f32 v7, v12;
	v12 =	vmul.f32 v16, v59  }
0x14c: {  	v9 =	vsub.f32 v9, v19;
	v10 =	vcvt.s32.f32 v58;
	v15 =	vmul.f32 $2.436523440e-01, v15  }
0x14d: {  	v2 =	vadd.f32 v4, v2;
	v4 =	vsub.f32 v8, v13  }
0x14e: {  	s16 =	sadd.s32 $0x10, s16;
	v8 =	vmul.f32 $7.629394530e-03, v10;
	v10 =	vmul.f32 v7, v7;
	v7 =	vadd.f32 $5.001000000e+03, v15  }
0x14f: {  	v16 =	vsub.f32 v18, v20;
	v15 =	vld [tilespmem:s16+$0x0];
	v9 =	vmul.f32 v12, v9;
	v12 =	vpop (erf)  }
0x150: {  	v3 =	vmul.f32 v10, v3;
	v10 =	vadd.f32 $-5.000000000e+03, v7;
	v4 =	vmul.f32 v4, v12  }
0x151: {  	v12 =	vadd.f32 $7.629394530e-03, v8;
	v8 =	vadd.f32 $5.000000000e+03, v8  }
0x152: {  	s16 =	sadd.s32 $0x10, s16;
	v9 =	vadd.f32 v9, v17;
	v17 =	vadd.s32 $0xFFFFEFFF, v14;
	v4 =	vmul.f32 v4, v16  }
0x153: {  	v12 =	vadd.f32 $5.000000000e+03, v12;
	v16 =	vld [tilespmem:s16+$0x0];
	vm10 =	vlt.f32 v8, v11;
	v8 =	vmul.f32 $1.310720060e+02, v10  }
0x154: {  	v9 =	vsub.f32 v9, v15;
	[tilespmem:s2], [sflag:$0x1] =	stream.linear.gather [hbm4b:s8+s2], $0x8000, $0x38;
	v10 =	vsel vm10, v58, v17;
	[tilespmem:$0xA100] =	vst v63  }
0x155: {  	_ =	swait.ge [sflag:s12], $0x8000;
	vm11 =	vlt.f32 v12, v11;
	v12 =	vadd.s32 $0xFFFFF001, v14;
	v8 =	vadd.f32 $4.096000000e+03, v8  }
0x156: {  	v3 =	vadd.f32 v3, v2;
	v2 =	vadd.f32 v4, v13;
	[sflag:s12] =	ssyncset.done $0x0;
	v10 =	vsel vm11, v12, v10  }
0x157: {  	s25 =	simm.s32 $0x8C00;
	v4 =	vmul.f32 v9, v9;
	[sflag:s12] =	ssyncadd.s32 $0xFFFF8000;
	vm0 =	vgt.s32 v10, $0x0;
	v8 =	vtrunc.f32 v8  }
0x158: {  	s26 =	simm.s32 $0xC20;
	v9 =	vnsel vm0, $0x0, v10;
	v10 =	vsub.f32 v2, v16;
	v2 =	vld [tilespmem:s25+$0x0];
	v8 =	vcvt.f32.s32 v8  }
0x159: {  	v1 =	vmul.f32 v4, v1;
	v4 =	vor.u32 s26, v0;
	v9 =	vmin.u32 v9, $0x1FFFE  }
0x15a: {  	v4 =	vcvt.s32.f32 v4;
	v12 =	vcvt.s32.f32 v9;
	v13 =	vadd.s32 $0xFFFFF000, v8  }
0x15b: {  	v10 =	vmul.f32 v10, v10;
	v14 =	vcvt.s32.f32 v13  }
0x15c: {  	v15 =	vadd.f32 v1, v3;
	v1 =	vmul.f32 $2.436523440e-01, v4;
	v12 =	vmul.f32 $7.629394530e-03, v12  }
0x15d: {  	v6 =	vmul.f32 v10, v6;
	v10 =	vadd.f32 v2, v5;
	v3 =	vmul.f32 $7.629394530e-03, v14  }
0x15e: {  	v5 =	vadd.f32 $5.001000000e+03, v1;
	v14 =	vadd.f32 $5.000000000e+03, v12  }
0x15f: {  	s28 =	simm.s32 $0x8C10;
	v4 =	vmax.u32 v9, $0x17FB8;
	v9 =	vadd.f32 $7.629394530e-03, v12;
	v12 =	vadd.f32 $5.000000000e+03, v3  }
0x160: {  	v4 =	vmin.u32 v4, $0x1FFB6;
	v1 =	vld [tilespmem:s28+$0x0];
	v3 =	vadd.f32 $7.629394530e-03, v3;
	v17 =	vadd.f32 $-5.000000000e+03, v5  }
0x161: {  	s29 =	simm.s32 $0x8C20;
	v16 =	vadd.s32 $0xFFFE8048, v4;
	v18 =	vadd.s32 $0xFFFE8049, v4;
	v9 =	vadd.f32 $5.000000000e+03, v9  }
0x162: {  	v19 =	vadd.f32 $5.000000000e+03, v3;
	v3 =	vld [tilespmem:s29+$0x0];
	vm12 =	vlt.f32 v12, v7;
	v12 =	vmul.f32 $1.310720060e+02, v17  }
0x163: {  	s30 =	simm.s32 $0x8C30;
	v4 =	vadd.s32 $0xFFFFEFFF, v8;
	v8 =	vadd.s32 $0xFFFFF001, v8;
	v9 =	vsub.f32 v9, v14  }
0x164: {  	v13 =	vsel vm12, v13, v4;
	v4 =	vld [tilespmem:s30+$0x0];
	vm13 =	vlt.f32 v19, v7;
	v12 =	vadd.f32 $4.096000000e+03, v12  }
0x165: {  	v8 =	vsel vm13, v8, v13;
	(erf) = vrcp.f32 v9;
	v9 =	vadd.f32 v1, v10  }
0x166: {  	v6 =	vadd.f32 v6, v15;
	vm0 =	vgt.s32 v8, $0x0  }
0x167: {  	v10 =	vld.idx.msk [tilespmem:v16+s2+$0x0], $0xffff;
	v12 =	vtrunc.f32 v12;
	v8 =	vnsel vm0, $0x0, v8;
	v9 =	vadd.f32 v3, v9  }
0x168: {  	s31 =	simm.s32 $0xC30;
	v11 =	vsub.f32 v11, v14;
	v13 =	vld.idx.msk [tilespmem:v18+s2+$0x0], $0xffff;
	v12 =	vcvt.f32.s32 v12;
	v8 =	vmin.u32 v8, $0x1FFFE  }
0x169: {  	v14 =	vor.u32 s31, v0;
	v15 =	vcvt.s32.f32 v8;
	v16 =	vadd.f32 v4, v9  }
0x16a: {  	v9 =	vcvt.s32.f32 v14;
	v14 =	vadd.s32 $0xFFFFF000, v12;
	v8 =	vmax.u32 v8, $0x17FB8  }
0x16b: {  	v17 =	vcvt.s32.f32 v14;
	v8 =	vmin.u32 v8, $0x1FFB6  }
0x16c: {  	v15 =	vmul.f32 $7.629394530e-03, v15;
	v9 =	vmul.f32 $2.436523440e-01, v9  }
0x16d: {  	v13 =	vsub.f32 v13, v10;
	v18 =	vadd.s32 $0xFFFE8048, v8;
	v17 =	vmul.f32 $7.629394530e-03, v17  }
0x16e: {  	v20 =	vadd.s32 $0xFFFE8049, v8;
	v19 =	vadd.f32 $5.000000000e+03, v15;
	v9 =	vadd.f32 $5.001000000e+03, v9;
	v8 =	vpop (erf)  }
0x16f: {  	s16 =	simm.s32 $0x9C00;
	v60 =	vadd.f32 $5.000000000e+03, v17;
	v17 =	vadd.f32 $7.629394530e-03, v17;
	v13 =	vmul.f32 v13, v8  }
0x170: {  	v61 =	vld [tilespmem:s16+$0x0];
	v63 =	vadd.s32 $0xFFFFEFFF, v12;
	v15 =	vadd.f32 $7.629394530e-03, v15;
	v62 =	vadd.f32 $-5.000000000e+03, v9  }
0x171: {  	v12 =	vadd.s32 $0xFFFFF001, v12;
	v17 =	vadd.f32 $5.000000000e+03, v17;
	v11 =	vmul.f32 v13, v11  }
0x172: {  	v15 =	vadd.f32 $5.000000000e+03, v15;
	vm14 =	vlt.f32 v60, v5;
	v13 =	vmul.f32 $1.310720060e+02, v62  }
0x173: {  	v14 =	vsel vm14, v14, v63;
	vm15 =	vlt.f32 v17, v5;
	v10 =	vadd.f32 v11, v10  }
0x174: {  	s17 =	simm.s32 $0x8C40;
	v15 =	vsub.f32 v15, v19;
	v13 =	vadd.f32 $4.096000000e+03, v13;
	v12 =	vsel vm15, v12, v14  }
0x175: {  	v8 =	vld [tilespmem:s17+$0x0];
	vm0 =	vgt.s32 v12, $0x0;
	v10 =	vsub.f32 v10, v61  }
0x176: {  	(erf) = vrcp.f32 v15;
	v13 =	vtrunc.f32 v13;
	v12 =	vnsel vm0, $0x0, v12  }
0x177: {  	v14 =	vcvt.f32.s32 v13;
	v13 =	vmin.u32 v12, $0x1FFFE;
	v12 =	vmul.f32 v10, v10;
	v10 =	vld.idx.msk [tilespmem:v18+s2+$0x0], $0xffff  }
0x178: {  	v11 =	vsub.f32 v7, v19;
	v19 =	vmax.u32 v13, $0x17FB8;
	v17 =	vcvt.s32.f32 v13;
	v13 =	vld.idx.msk [tilespmem:v20+s2+$0x0], $0xffff  }
0x179: {  	s18 =	simm.s32 $0xC40  }
0x17a: {  	v15 =	vor.u32 s18, v0;
	v7 =	vadd.f32 v8, v16  }
0x17b: {  	s18 =	simm.s32 $0xC50;
	v18 =	vcvt.s32.f32 v15;
	v16 =	vadd.s32 $0xFFFFF000, v14;
	v15 =	vmin.u32 v19, $0x1FFB6  }
.LBB2_8:
0x17c: {  	p0 =	sne.s32 s18, $0xFF0  }
0x17d: {  	v19 =	vcvt.s32.f32 v16;
	v17 =	vmul.f32 $7.629394530e-03, v17;
	v13 =	vsub.f32 v13, v10;
	s16 =	sadd.s32 $0x10, s16;
	s19 =	smov.u32 s18;
	s18 =	sadd.s32 $0x10, s18  }
0x17e: {  	v20 =	vadd.s32 $0xFFFE8048, v15;
	v12 =	vmul.f32 v12, v2;
	v2 =	vmovc v1;
	v1 =	vmovc v3;
	v18 =	vmul.f32 $2.436523440e-01, v18  }
0x17f: {  	v3 =	vmovc v4;
	v4 =	vmovc v8;
	v19 =	vmul.f32 $7.629394530e-03, v19;
	v21 =	vadd.f32 $5.000000000e+03, v17;
	v17 =	vadd.f32 $7.629394530e-03, v17  }
0x180: {  	v15 =	vadd.s32 $0xFFFE8049, v15;
	v6 =	vadd.f32 v12, v6;
	v18 =	vadd.f32 $5.001000000e+03, v18;
	v8 =	vpop (erf)  }
0x181: {  	v12 =	vadd.f32 $5.000000000e+03, v19;
	v19 =	vadd.f32 $7.629394530e-03, v19;
	v13 =	vmul.f32 v13, v8;
	v22 =	vld [tilespmem:s16+$0x0]  }
0x182: {  	s17 =	sadd.s32 $0x10, s17;
	v24 =	vadd.s32 $0xFFFFEFFF, v14;
	v17 =	vadd.f32 $5.000000000e+03, v17;
	v23 =	vadd.f32 $-5.000000000e+03, v18  }
0x183: {  	v8 =	vld [tilespmem:s17+$0x0];
	v19 =	vadd.f32 $5.000000000e+03, v19;
	vm0 =	vlt.f32 v12, v9;
	v11 =	vmul.f32 v13, v11  }
0x184: {  	v12 =	vmul.f32 $1.310720060e+02, v23;
	v13 =	vsel vm0, v16, v24;
	v16 =	vsub.f32 v17, v21  }
0x185: {  	v14 =	vadd.s32 $0xFFFFF001, v14;
	vm0 =	vlt.f32 v19, v9;
	v17 =	vadd.f32 v11, v10;
	v10 =	vld.idx.msk [tilespmem:v20+s2+$0x0], $0xffff  }
0x186: {  	v12 =	vadd.f32 $4.096000000e+03, v12;
	v14 =	vsel vm0, v14, v13;
	v13 =	vld.idx.msk [tilespmem:v15+s2+$0x0], $0xffff;
	(erf) = vrcp.f32 v16  }
.Ltmp3:
0x187: {  	v11 =	vsub.f32 v5, v21;
	v5 =	vmovc v9;
	v9 =	vmovc v18;
	vm0 =	vgt.s32 v14, $0x0;
	v15 =	vsub.f32 v17, v22;
	(pc) =	sbr.rel @p0 .LBB2_8-.Ltmp3, $4  }
0x188: {  	v7 =	vadd.f32 v8, v7;
	v12 =	vtrunc.f32 v12;
	v16 =	vnsel vm0, $0x0, v14  }
0x189: {  	v14 =	vcvt.f32.s32 v12;
	v16 =	vmin.u32 v16, $0x1FFFE;
	v12 =	vmul.f32 v15, v15  }
0x18a: {  	v15 =	vor.u32 s19, v0;
	v19 =	vmax.u32 v16, $0x17FB8;
	v17 =	vcvt.s32.f32 v16  }
0x18b: {  	v18 =	vcvt.s32.f32 v15;
	v16 =	vadd.s32 $0xFFFFF000, v14;
	v15 =	vmin.u32 v19, $0x1FFB6  }
0x18c: {  	_ = 	snop  }
0x18d: {  	v18 =	vmul.f32 $2.436523440e-01, v18;
	_ =	sdelay $0x1  }
0x18e: {  	v18 =	vadd.f32 $5.001000000e+03, v18;
	_ =	sdelay $0x1  }
0x18f: {  	v19 =	vadd.f32 $-5.000000000e+03, v18;
	_ =	sdelay $0x1  }
0x190: {  	v19 =	vmul.f32 $1.310720060e+02, v19;
	_ =	sdelay $0x1  }
0x191: {  	v19 =	vadd.f32 $4.096000000e+03, v19;
	_ =	sdelay $0x1  }
0x192: {  	v20 =	vcvt.s32.f32 v16;
	v19 =	vtrunc.f32 v19  }
0x193: {  	v19 =	vcvt.f32.s32 v19  }
0x194: {  	v20 =	vmul.f32 $7.629394530e-03, v20  }
0x195: {  	v21 =	vadd.s32 $0xFFFFF000, v19  }
0x196: {  	v22 =	vadd.f32 $5.000000000e+03, v20;
	v20 =	vadd.f32 $7.629394530e-03, v20;
	v23 =	vcvt.s32.f32 v21;
	_ =	sdelay $0x1  }
0x197: {  	v20 =	vadd.f32 $5.000000000e+03, v20;
	v30 =	vmul.f32 $7.629394530e-03, v23  }
0x198: {  	v24 =	vadd.s32 $0xFFFFEFFF, v14;
	v32 =	vadd.s32 $0xFFFFF001, v14;
	vm0 =	vlt.f32 v22, v9  }
0x199: {  	v31 =	vsel vm0, v16, v24;
	vm13 =	vlt.f32 v20, v9;
	v33 =	vadd.f32 $7.629394530e-03, v30  }
0x19a: {  	v14 =	vsel vm13, v32, v31;
	v34 =	vadd.f32 $5.000000000e+03, v30  }
0x19b: {  	vm0 =	vgt.s32 v14, $0x0;
	v20 =	vadd.f32 $5.000000000e+03, v33  }
0x19c: {  	v14 =	vnsel vm0, $0x0, v14;
	v35 =	vadd.s32 $0xFFFFEFFF, v19;
	vm14 =	vlt.f32 v34, v18  }
0x19d: {  	v19 =	vadd.s32 $0xFFFFF001, v19;
	v16 =	vsel vm14, v21, v35;
	vm15 =	vlt.f32 v20, v18  }
0x19e: {  	v17 =	vmul.f32 $7.629394530e-03, v17;
	v14 =	vmin.u32 v14, $0x1FFFE;
	v16 =	vsel vm15, v19, v16  }
0x19f: {  	v36 =	vcvt.s32.f32 v14;
	vm0 =	vgt.s32 v16, $0x0  }
0x1a0: {  	v37 =	vadd.f32 $7.629394530e-03, v17;
	v16 =	vnsel vm0, $0x0, v16  }
0x1a1: {  	v19 =	vmul.f32 $7.629394530e-03, v36;
	v16 =	vmin.u32 v16, $0x1FFFE  }
0x1a2: {  	v17 =	vadd.f32 $5.000000000e+03, v17;
	v20 =	vadd.f32 $5.000000000e+03, v37;
	v38 =	vcvt.s32.f32 v16  }
0x1a3: {  	v39 =	vadd.s32 $0xFFFE8048, v15;
	v40 =	vadd.s32 $0xFFFE8049, v15;
	v41 =	vadd.f32 $7.629394530e-03, v19  }
0x1a4: {  	v14 =	vmax.u32 v14, $0x17FB8;
	v20 =	vsub.f32 v20, v17;
	v21 =	vmul.f32 $7.629394530e-03, v38  }
0x1a5: {  	v14 =	vmin.u32 v14, $0x1FFB6;
	v19 =	vadd.f32 $5.000000000e+03, v19;
	v23 =	vadd.f32 $5.000000000e+03, v41  }
0x1a6: {  	v42 =	vadd.s32 $0xFFFE8048, v14;
	v14 =	vadd.s32 $0xFFFE8049, v14;
	v43 =	vadd.f32 $7.629394530e-03, v21  }
0x1a7: {  	(erf) = vrcp.f32 v20;
	v16 =	vmax.u32 v16, $0x17FB8;
	v23 =	vsub.f32 v23, v19  }
0x1a8: {  	v16 =	vmin.u32 v16, $0x1FFB6;
	v21 =	vadd.f32 $5.000000000e+03, v21;
	v24 =	vadd.f32 $5.000000000e+03, v43  }
0x1a9: {  	v25 =	vadd.s32 $0xFFFE8048, v16  }
0x1aa: {  	v15 =	vld.idx.msk [tilespmem:v40+s2+$0x0], $0xffff;
	v16 =	vadd.s32 $0xFFFE8049, v16;
	(erf) = vrcp.f32 v23;
	v44 =	vsub.f32 v24, v21  }
0x1ab: {  	v22 =	vld.idx.msk [tilespmem:v39+s2+$0x0], $0xffff  }
0x1ac: {  	v14 =	vld.idx.msk [tilespmem:v14+s2+$0x0], $0xffff;
	(erf) = vrcp.f32 v44  }
0x1ad: {  	v13 =	vsub.f32 v13, v10;
	v20 =	vld.idx.msk [tilespmem:v42+s2+$0x0], $0xffff  }
0x1ae: {  	v45 =	vpop (erf);
	v46 =	vld.idx.msk [tilespmem:v25+s2+$0x0], $0xffff  }
0x1af: {  	s16 =	sadd.s32 $0x10, s16;
	v13 =	vmul.f32 v13, v45;
	v16 =	vld.idx.msk [tilespmem:v16+s2+$0x0], $0xffff  }
0x1b0: {  	v48 =	vld [tilespmem:s16+$0x0];
	v15 =	vsub.f32 v15, v22  }
0x1b1: {  	v11 =	vmul.f32 v13, v11;
	v47 =	vpop (erf)  }
0x1b2: {  	s16 =	sadd.s32 $0x10, s16;
	v5 =	vsub.f32 v5, v17;
	v14 =	vsub.f32 v14, v20;
	v49 =	vmul.f32 v15, v47  }
0x1b3: {  	v52 =	vld [tilespmem:s16+$0x0];
	v51 =	vadd.f32 v11, v10;
	v53 =	vsub.f32 v9, v19;
	v50 =	vpop (erf)  }
0x1b4: {  	s16 =	sadd.s32 $0x10, s16;
	v5 =	vmul.f32 v49, v5;
	v55 =	vsub.f32 v16, v46;
	v54 =	vmul.f32 v14, v50  }
0x1b5: {  	v56 =	vld [tilespmem:s16+$0x0];
	v10 =	vsub.f32 v51, v48;
	v58 =	vsub.f32 v18, v21;
	v57 =	vpop (erf)  }
0x1b6: {  	s16 =	sadd.s32 $0x10, s16;
	v5 =	vadd.f32 v5, v22;
	v9 =	vmul.f32 v54, v53;
	v14 =	vmul.f32 v55, v57  }
0x1b7: {  	v2 =	vmul.f32 v12, v2;
	v59 =	vld [tilespmem:s16+$0x0];
	v10 =	vmul.f32 v10, v10  }
0x1b8: {  	v5 =	vsub.f32 v5, v52;
	v9 =	vadd.f32 v9, v20;
	v60 =	vmul.f32 v14, v58  }
0x1b9: {  	v2 =	vadd.f32 v2, v6;
	v1 =	vmul.f32 v10, v1  }
0x1ba: {  	v5 =	vmul.f32 v5, v5;
	v61 =	vsub.f32 v9, v56;
	v62 =	vadd.f32 v60, v46  }
0x1bb: {  	v1 =	vadd.f32 v1, v2  }
0x1bc: {  	v2 =	vmul.f32 v5, v3;
	v3 =	vmul.f32 v61, v61;
	v63 =	vsub.f32 v62, v59;
	_ =	sdelay $0x1  }
0x1bd: {  	v1 =	vadd.f32 v2, v1;
	v2 =	vmul.f32 v3, v4;
	v3 =	vmul.f32 v63, v63;
	_ =	sdelay $0x1  }
0x1be: {  	v1 =	vadd.f32 v2, v1;
	v2 =	vmul.f32 v3, v8;
	_ =	sdelay $0x1  }
0x1bf: {  	v1 =	vadd.f32 v2, v1  }
0x1c0: {  	[tilespmem:$0xA080] =	vst v7  }
0x1c1: {  	[tilespmem:$0xA000] =	vst v1  }
0x1c2: {  	[hbm4b:s9+s2] =	stream.linear.scatter [tilespmem:s13], [sflag:$0x1], $0x10, $0x38;
	[tilespmem:$0xA100] =	vst v63  }
0x1c3: {  	s15 =	sadd.s32 $0x1, s15;
	_ =	swait.ge [sflag:s12], $0x10  }
0x1c4: {  	p0 =	sne.s32 s15, s11;
	[sflag:s12] =	ssyncset.done $0x0  }
.Ltmp4:
0x1c5: {  	[sflag:s12] =	ssyncadd.s32 $0xFFFFFFF0;
	(pc) =	sbr.rel @p0 .LBB2_1-.Ltmp4, $4  }
0x1c6: {  	[hbm4b:s10+s2] =	stream.linear.scatter [tilespmem:s14], [sflag:$0x1], $0x10, $0x38;
	[tilespmem:$0xA100] =	vst v63  }
0x1c7: {  	_ =	swait.ge [sflag:s12], $0x10  }
0x1c8: {  	[sflag:s12] =	ssyncset.done $0x0  }
0x1c9: {  	[sflag:s12] =	ssyncadd.s32 $0xFFFFFFF0  }
0x1ca: {  	_ =	sfence.sel $0x180000  }
0x1cb: {  	[bflag:$0x0] =	sbarrier.arrive $0xFFFF  }
0x1cc: {  	p0 =	sne.s32 s1, $0x0;
	_ =	strace $0x9000004A  }
0x1cd: {  	s0 =	sadd.s32 @!p0 $0x100000, s0;
	[bflag:$0x2] =	sbarrier.arrive $0xFFFF  }
0x1ce: {  	[sflag:s0] =	ssyncadd.tile.s32 @!p0 $0x1;
	_ =	shalt  }
.Lfunc_end2:
_tile_overlayer_lowered:
.L_overlay_start_2:
0x1cf: {  	(tag) =	ssettag $0x2  }
0x1d0: {  	s0 =	rddreg [dreg:$0x0];
	s2 =	stileid.u32  }
0x1d1: {  	s1 =	rddreg [dreg:$0x1];
	p0 =	sne.s32 s2, $0x0  }
0x1d2: {  	s3 =	rddreg [dreg:$0x2];
	[bflag:$0x3] =	sbarrier.arrive $0xFFFF;
	s2 =	simm.s32 @!p0 $0x1C01  }
0x1d3: {  	[timem:s3], [sflag:s2] =	dma.local @!p0 [hbm:s0], s1  }
0x1d4: {  	s0 =	simm.s32 @!p0 $0x1  }
0x1d5: {  	_ =	swait.ge @!p0 [sflag:s0], s1  }
0x1d6: {  	s1 =	ssub.s32 @!p0 $0x0, s1;
	[sflag:s0] =	ssyncset.done @!p0 $0x0  }
0x1d7: {  	[sflag:s0] =	ssyncadd.s32 @!p0 s1  }
0x1d8: {  	[bflag:$0x3] =	sbarrier.arrive $0xFFFF  }
0x1d9: {  	_ =	shalt  }

</sc_bundles>
